<compile_context>
chip_gen: v7x
topology: tpu7x:2x2x1
jax: 0.10.2.dev20260603
libtpu: 0.0.44.dev20260713+nightly
codegen_flags: <defaults>
</compile_context>

<pallas_src>
import jax
import jax.numpy as jnp
from jax import lax
from jax.experimental import pallas as pl
from jax.experimental.pallas import tpu as pltpu
from jax.experimental.pallas import tpu_sc as plsc

NC = 2
NS = 16
SB = 64
CH = 128

_SC_MESH = plsc.VectorSubcoreMesh(core_axis_name="c", subcore_axis_name="s")


def _node_pad(n):
    return -(-n // (NS * SB)) * (NS * SB)


def _sc_segsum(x, src2, dst2):
    N, D = x.shape
    E = src2.shape[1]
    NP = _node_pad(N)
    rps = NP // NS
    nsb = rps // SB
    grid = E // CH
    zf = jnp.zeros((SB, D), jnp.float32)

    def body(x_hbm, src_hbm, dst_hbm, zf_hbm, sum_hbm, rows_v, stf_v, acc_sh):
        c = lax.axis_index("c")
        s = lax.axis_index("s")
        row0 = s * rps

        pltpu.sync_copy(zf_hbm, stf_v)

        @pl.loop(0, nsb)
        def _(j):
            pltpu.sync_copy(stf_v, acc_sh.at[pl.ds(row0 + j * SB, SB)])

        plsc.subcore_barrier()

        def chunk(src_blk, dst_blk):
            pltpu.sync_copy(x_hbm.at[src_blk.at[0]], rows_v)
            pltpu.sync_copy(rows_v, acc_sh.at[dst_blk.at[0]], add=True)

        pltpu.emit_pipeline(
            chunk,
            grid=(grid,),
            in_specs=[pl.BlockSpec((1, CH), lambda i: (0, i)),
                      pl.BlockSpec((1, CH), lambda i: (0, i))],
            out_specs=[],
            core_axis_name=("c", "s"),
            dimension_semantics=(pltpu.PARALLEL,),
        )(src_hbm, dst_hbm)

        plsc.subcore_barrier()

        @pl.loop(0, nsb)
        def _(j):
            r = row0 + j * SB
            pltpu.sync_copy(acc_sh.at[pl.ds(r, SB)], stf_v)
            pltpu.sync_copy(stf_v, sum_hbm.at[c, pl.ds(r, SB)])

    kern = pl.kernel(
        body,
        out_type=jax.ShapeDtypeStruct((NC, NP, D), jnp.float32),
        mesh=_SC_MESH,
        scratch_types=[pltpu.VMEM((CH, D), jnp.float32),
                       pltpu.VMEM((SB, D), jnp.float32),
                       pltpu.VMEM_SHARED((NP, D), jnp.float32)])
    return kern(x, src2, dst2, zf)


def _sc_counts(dst2, N, D):
    E = dst2.shape[1]
    NP = _node_pad(N)
    rps = NP // NS
    nsb = rps // SB
    grid = E // CH
    zc = jnp.zeros((SB, D), jnp.float32)
    on = jnp.ones((CH, D), jnp.float32)

    def body(dst_hbm, zc_hbm, on_hbm, cnt_hbm, stc_v, ones_v, cnt_sh):
        c = lax.axis_index("c")
        s = lax.axis_index("s")
        row0 = s * rps

        pltpu.sync_copy(zc_hbm, stc_v)
        pltpu.sync_copy(on_hbm, ones_v)

        @pl.loop(0, nsb)
        def _(j):
            pltpu.sync_copy(stc_v, cnt_sh.at[pl.ds(row0 + j * SB, SB)])

        plsc.subcore_barrier()

        def chunk(dst_blk):
            pltpu.sync_copy(ones_v, cnt_sh.at[dst_blk.at[0]], add=True)

        pltpu.emit_pipeline(
            chunk,
            grid=(grid,),
            in_specs=[pl.BlockSpec((1, CH), lambda i: (0, i))],
            out_specs=[],
            core_axis_name=("c", "s"),
            dimension_semantics=(pltpu.PARALLEL,),
        )(dst_hbm)

        plsc.subcore_barrier()

        @pl.loop(0, nsb)
        def _(j):
            r = row0 + j * SB
            pltpu.sync_copy(cnt_sh.at[pl.ds(r, SB)], stc_v)
            pltpu.sync_copy(stc_v, cnt_hbm.at[c, pl.ds(r, SB)])

    kern = pl.kernel(
        body,
        out_type=jax.ShapeDtypeStruct((NC, NP, D), jnp.float32),
        mesh=_SC_MESH,
        scratch_types=[pltpu.VMEM((SB, D), jnp.float32),
                       pltpu.VMEM((CH, D), jnp.float32),
                       pltpu.VMEM_SHARED((NP, D), jnp.float32)])
    return kern(dst2, zc, on)


_ROWS = 1000


def _tc_layer1(sum_pair, cnt_pair, x, WlT, bl, WrT):
    N, D = x.shape
    H = WlT.shape[1]
    R = _ROWS

    def body(sum_ref, cnt_ref, x_ref, wl_ref, bl_ref, wr_ref, o_ref):
        ssum = sum_ref[0] + sum_ref[1]
        cnt = cnt_ref[0][:, 0:1] + cnt_ref[1][:, 0:1]
        mean = ssum / jnp.maximum(cnt, 1.0)
        h = (jnp.dot(mean, wl_ref[...], preferred_element_type=jnp.float32)
             + bl_ref[...]
             + jnp.dot(x_ref[...], wr_ref[...], preferred_element_type=jnp.float32))
        o_ref[...] = jnp.maximum(h, 0.0)

    return pl.pallas_call(
        body,
        grid=(N // R,),
        in_specs=[pl.BlockSpec((NC, R, D), lambda i: (0, i, 0)),
                  pl.BlockSpec((NC, R, D), lambda i: (0, i, 0)),
                  pl.BlockSpec((R, D), lambda i: (i, 0)),
                  pl.BlockSpec((D, H), lambda i: (0, 0)),
                  pl.BlockSpec((1, H), lambda i: (0, 0)),
                  pl.BlockSpec((D, H), lambda i: (0, 0))],
        out_specs=pl.BlockSpec((R, H), lambda i: (i, 0)),
        out_shape=jax.ShapeDtypeStruct((N, H), jnp.float32),
    )(sum_pair, cnt_pair, x, WlT, bl.reshape(1, H), WrT)


def _tc_layer2_heads(sum_pair, cnt_pair, h, WlT, bl, WrT, WaT, ba, WcT, bc):
    N, H = h.shape
    R = _ROWS
    G = N // R

    def body(sum_ref, cnt_ref, h_ref, wl_ref, bl_ref, wr_ref,
             wa_ref, ba_ref, wc_ref, bc_ref,
             actor_ref, csum_ref, critic_ref):
        i = pl.program_id(0)
        ssum = sum_ref[0] + sum_ref[1]
        cnt = cnt_ref[0][:, 0:1] + cnt_ref[1][:, 0:1]
        mean = ssum / jnp.maximum(cnt, 1.0)
        h2 = jnp.maximum(
            jnp.dot(mean, wl_ref[...], preferred_element_type=jnp.float32)
            + bl_ref[...]
            + jnp.dot(h_ref[...], wr_ref[...], preferred_element_type=jnp.float32),
            0.0)
        actor_ref[...] = (jnp.dot(h2, wa_ref[...],
                                  preferred_element_type=jnp.float32)
                          + ba_ref[...])
        part = jnp.sum(h2, axis=0, keepdims=True)

        @pl.when(i == 0)
        def _():
            csum_ref[...] = part

        @pl.when(i > 0)
        def _():
            csum_ref[...] = csum_ref[...] + part

        @pl.when(i == G - 1)
        def _():
            critic_ref[...] = (jnp.dot(csum_ref[...] / N, wc_ref[...],
                                       preferred_element_type=jnp.float32)
                               + bc_ref[...])

    return pl.pallas_call(
        body,
        grid=(G,),
        in_specs=[pl.BlockSpec((NC, R, H), lambda i: (0, i, 0)),
                  pl.BlockSpec((NC, R, H), lambda i: (0, i, 0)),
                  pl.BlockSpec((R, H), lambda i: (i, 0)),
                  pl.BlockSpec((H, H), lambda i: (0, 0)),
                  pl.BlockSpec((1, H), lambda i: (0, 0)),
                  pl.BlockSpec((H, H), lambda i: (0, 0)),
                  pl.BlockSpec((H, 1), lambda i: (0, 0)),
                  pl.BlockSpec((1, 1), lambda i: (0, 0)),
                  pl.BlockSpec((H, 1), lambda i: (0, 0)),
                  pl.BlockSpec((1, 1), lambda i: (0, 0))],
        out_specs=[pl.BlockSpec((R, 1), lambda i: (i, 0)),
                   pl.BlockSpec((1, H), lambda i: (0, 0)),
                   pl.BlockSpec((1, 1), lambda i: (0, 0))],
        out_shape=[jax.ShapeDtypeStruct((N, 1), jnp.float32),
                   jax.ShapeDtypeStruct((1, H), jnp.float32),
                   jax.ShapeDtypeStruct((1, 1), jnp.float32)],
    )(sum_pair, cnt_pair, h, WlT, bl.reshape(1, H), WrT,
      WaT, ba.reshape(1, 1), WcT, bc.reshape(1, 1))


def kernel(x, edge_index, Wl1, bl1, Wr1, Wl2, bl2, Wr2, Wa, ba, Wc, bc):
    src2 = edge_index[0:1]
    dst2 = edge_index[1:2]
    cnt = _sc_counts(dst2, x.shape[0], x.shape[1])
    sum1 = _sc_segsum(x, src2, dst2)
    h = _tc_layer1(sum1, cnt, x, Wl1.T, bl1, Wr1.T)
    sum2 = _sc_segsum(h, src2, dst2)
    actor, _, critic = _tc_layer2_heads(sum2, cnt, h, Wl2.T, bl2, Wr2.T,
                                        Wa.T, ba, Wc.T, bc)
    return actor[:, 0], critic[0, 0]

# --- scband reference (transcript-rebuilt; emitter-appended) ---
"""Pipeline reference for scband-actor-critic-sage-78030965834147 (READ-ONLY COPY).

The authoritative reference and input builder live on the scoring server;
editing this copy changes nothing except your own understanding.
"""

import jax, jax.numpy as jnp
import numpy as np

N = 10000
E = 320000
D = 128
H = 128


def setup_inputs(seed: int = 0) -> dict:
    key = jax.random.key(seed)
    ks = jax.random.split(key, 12)
    x = jax.random.normal(ks[0], (N, D), dtype=jnp.float32)
    edge_index = jax.random.randint(ks[1], (2, E), 0, N, dtype=jnp.int32)
    s_d = 1.0 / np.sqrt(D)
    s_h = 1.0 / np.sqrt(H)
    # conv1: lin_l (with bias, applied to aggregated neighbors), lin_r (no bias, root)
    Wl1 = jax.random.uniform(ks[2], (H, D), jnp.float32, -s_d, s_d)
    bl1 = jax.random.uniform(ks[3], (H,), jnp.float32, -s_d, s_d)
    Wr1 = jax.random.uniform(ks[4], (H, D), jnp.float32, -s_d, s_d)
    # conv2
    Wl2 = jax.random.uniform(ks[5], (H, H), jnp.float32, -s_h, s_h)
    bl2 = jax.random.uniform(ks[6], (H,), jnp.float32, -s_h, s_h)
    Wr2 = jax.random.uniform(ks[7], (H, H), jnp.float32, -s_h, s_h)
    # heads
    Wa = jax.random.uniform(ks[8], (1, H), jnp.float32, -s_h, s_h)
    ba = jax.random.uniform(ks[9], (1,), jnp.float32, -s_h, s_h)
    Wc = jax.random.uniform(ks[10], (1, H), jnp.float32, -s_h, s_h)
    bc = jax.random.uniform(ks[11], (1,), jnp.float32, -s_h, s_h)
    return {"x": x, "edge_index": edge_index, "Wl1": Wl1, "bl1": bl1, "Wr1": Wr1,
            "Wl2": Wl2, "bl2": bl2, "Wr2": Wr2, "Wa": Wa, "ba": ba, "Wc": Wc, "bc": bc}


def _sage_conv(x, edge_index, Wl, bl, Wr):
    src = edge_index[0]
    dst = edge_index[1]
    msg = jnp.take(x, src, axis=0)  # gather source-node features per edge
    summed = jax.ops.segment_sum(msg, dst, num_segments=N)
    cnt = jax.ops.segment_sum(jnp.ones((edge_index.shape[1],), x.dtype), dst, num_segments=N)
    mean_aggr = summed / jnp.clip(cnt, 1.0)[:, None]
    return mean_aggr @ Wl.T + bl + x @ Wr.T


def reference(x, edge_index, Wl1, bl1, Wr1, Wl2, bl2, Wr2, Wa, ba, Wc, bc):
    h = jax.nn.relu(_sage_conv(x, edge_index, Wl1, bl1, Wr1))
    # dropout is identity in eval mode
    h = jax.nn.relu(_sage_conv(h, edge_index, Wl2, bl2, Wr2))
    actor = (h @ Wa.T + ba).squeeze(-1)
    critic = (jnp.mean(h, axis=0) @ Wc.T + bc).squeeze()
    return (actor, critic)

if __name__ == "__main__":
    import jax
    _d = setup_inputs()
    print(jax.jit(kernel)(*tuple(_d.values())))

</pallas_src>

<mosaic_0001>
#map = affine_map<(d0, d1) -> (0, 0)>
#map1 = affine_map<(d0, d1) -> (0, 0, 0)>
module attributes {stable_mosaic.version = 14 : i64} {
  func.func @body(%arg0: i32, %arg1: i32, %arg2: memref<10000x128xf32, #tpu.memory_space<hbm>>, %arg3: memref<1x320000xi32, #tpu.memory_space<hbm>>, %arg4: memref<1x320000xi32, #tpu.memory_space<hbm>>, %arg5: memref<64x128xf32, #tpu.memory_space<hbm>>, %arg6: memref<2x10240x128xf32, #tpu.memory_space<hbm>>, %arg7: memref<128x128xf32, #tpu.memory_space<vmem>>, %arg8: memref<64x128xf32, #tpu.memory_space<vmem>>, %arg9: memref<10240x128xf32, #tpu.memory_space<vmem_shared>>) attributes {dimension_semantics = [#tpu.dimension_semantics<core_parallel>, #tpu.dimension_semantics<subcore_parallel>], iteration_bounds = array<i64: 2, 16>, scalar_prefetch = 0 : i64, scratch_operands = 3 : i64, tpu.core_type = #tpu.core_type<sc_vector_subcore>, window_params = [{transform_indices = #map}, {transform_indices = #map}, {transform_indices = #map}, {transform_indices = #map}, {transform_indices = #map1}]} {
    %mul3A = arith.constant 640 : i32
    %mul3A_0 = arith.muli %arg1, %mul3A : i32
    "tpu.region"() ({
      %run_scoped3A = tpu.sem_alloc : memref<!tpu.dma_semaphore, #tpu.memory_space<semaphore_mem>>
      tpu.enqueue_dma source(%arg5 : memref<64x128xf32, #tpu.memory_space<hbm>>) target(%arg8 : memref<64x128xf32, #tpu.memory_space<vmem>>) target_semaphore(%run_scoped3A : memref<!tpu.dma_semaphore, #tpu.memory_space<semaphore_mem>>)
      tpu.wait_dma2 semaphore(%run_scoped3A : memref<!tpu.dma_semaphore, #tpu.memory_space<semaphore_mem>>) src(%arg5 : memref<64x128xf32, #tpu.memory_space<hbm>>) dst(%arg8 : memref<64x128xf32, #tpu.memory_space<vmem>>)
      tpu.yield
    }) : () -> ()
    %scan3A = arith.constant 0 : i32
    %scan3A_1 = arith.constant 10 : i32
    %scan3A_2 = arith.addi %scan3A, %scan3A_1 : i32
    %scan3A_3 = arith.constant 1 : i32
    scf.for %scan3A_29 = %scan3A to %scan3A_2 step %scan3A_3  : i32 {
      %mul3A_30 = arith.constant 1 : i32
      %mul3A_31 = arith.muli %scan3A_29, %mul3A_30 : i32
      %add3A_32 = arith.constant 0 : i32
      %add3A_33 = arith.addi %add3A_32, %mul3A_31 : i32
      %mul3A_34 = arith.constant 64 : i32
      %mul3A_35 = arith.muli %add3A_33, %mul3A_34 : i32
      %add3A_36 = arith.addi %mul3A_0, %mul3A_35 : i32
      "tpu.region"() ({
        %run_scoped3A = tpu.sem_alloc : memref<!tpu.dma_semaphore, #tpu.memory_space<semaphore_mem>>
        %dma_start3A = arith.constant 0 : i32
        %dma_start3A_37 = tpu.memref_slice %arg9[%add3A_36, %dma_start3A] : memref<10240x128xf32, #tpu.memory_space<vmem_shared>> -> memref<64x128xf32, #tpu.memory_space<vmem_shared>>
        %dma_start3A_38 = arith.constant 0 : i32
        %dma_start3A_39 = tpu.memref_slice %arg9[%add3A_36, %dma_start3A_38] : memref<10240x128xf32, #tpu.memory_space<vmem_shared>> -> memref<64x128xf32, #tpu.memory_space<vmem_shared>>
        tpu.enqueue_dma source(%arg8 : memref<64x128xf32, #tpu.memory_space<vmem>>) target(%dma_start3A_39 : memref<64x128xf32, #tpu.memory_space<vmem_shared>>) target_semaphore(%run_scoped3A : memref<!tpu.dma_semaphore, #tpu.memory_space<semaphore_mem>>)
        %dma_wait3A = arith.constant 0 : i32
        %dma_wait3A_40 = tpu.memref_slice %arg9[%add3A_36, %dma_wait3A] : memref<10240x128xf32, #tpu.memory_space<vmem_shared>> -> memref<64x128xf32, #tpu.memory_space<vmem_shared>>
        %dma_wait3A_41 = arith.constant 0 : i32
        %dma_wait3A_42 = tpu.memref_slice %arg9[%add3A_36, %dma_wait3A_41] : memref<10240x128xf32, #tpu.memory_space<vmem_shared>> -> memref<64x128xf32, #tpu.memory_space<vmem_shared>>
        tpu.wait_dma2 semaphore(%run_scoped3A : memref<!tpu.dma_semaphore, #tpu.memory_space<semaphore_mem>>) src(%arg8 : memref<64x128xf32, #tpu.memory_space<vmem>>) dst(%dma_wait3A_42 : memref<64x128xf32, #tpu.memory_space<vmem_shared>>)
        tpu.yield
      }) : () -> ()
    }
    %scan3A_4 = arith.constant 10 : i32
    %barrier3A = arith.constant 0 : index
    tpu.barrier barrier_id(%barrier3A)
    %mul3A_5 = arith.constant 1 : i32
    %mul3A_6 = arith.muli %arg1, %mul3A_5 : i32
    %add3A = arith.constant 0 : i32
    %add3A_7 = arith.addi %add3A, %mul3A_6 : i32
    %mul3A_8 = arith.constant 16 : i32
    %mul3A_9 = arith.muli %arg0, %mul3A_8 : i32
    %add3A_10 = arith.addi %add3A_7, %mul3A_9 : i32
    %lt3A = arith.constant 4 : i32
    %lt3A_11 = arith.cmpi slt, %add3A_10, %lt3A : i32
    %jit3A = arith.constant 79 : i32
    %jit3A_12 = arith.constant 78 : i32
    %select_n3A = arith.select %lt3A_11, %jit3A, %jit3A_12 : i32
    %lt3A_13 = arith.constant 4 : i32
    %lt3A_14 = arith.cmpi slt, %add3A_10, %lt3A_13 : i32
    %mul3A_15 = arith.muli %add3A_10, %select_n3A : i32
    %mul3A_16 = arith.constant 78 : i32
    %mul3A_17 = arith.muli %add3A_10, %mul3A_16 : i32
    %add3A_18 = arith.constant 4 : i32
    %add3A_19 = arith.addi %mul3A_17, %add3A_18 : i32
    %select_n3A_20 = arith.select %lt3A_14, %mul3A_15, %add3A_19 : i32
    %mul3A_21 = arith.constant 1 : i32
    %mul3A_22 = arith.muli %mul3A_21, %select_n3A : i32
    "tpu.region"() ({
      %run_scoped3A = memref.alloca() : memref<2x1x128xi32, #tpu.memory_space<vmem>>
      %run_scoped3A_29 = tpu.sem_alloc : memref<2x!tpu.dma_semaphore, #tpu.memory_space<semaphore_mem>>
      %run_scoped3A_30 = memref.alloca() : memref<2x1x128xi32, #tpu.memory_space<vmem>>
      %run_scoped3A_31 = tpu.sem_alloc : memref<2x!tpu.dma_semaphore, #tpu.memory_space<semaphore_mem>>
      %gt3A = arith.constant 0 : i32
      %gt3A_32 = arith.cmpi sgt, %mul3A_22, %gt3A : i32
      %convert_element_type3A = arith.extui %gt3A_32 : i1 to i32
      %cond3A = arith.constant 0 : i32
      %cond3A_33 = arith.cmpi ne, %convert_element_type3A, %cond3A : i32
      scf.if %cond3A_33 {
        %mul3A_34 = arith.constant 1 : i32
        %mul3A_35 = arith.muli %mul3A_34, %select_n3A : i32
        %sub3A = arith.constant 1 : i32
        %sub3A_36 = arith.subi %mul3A_35, %sub3A : i32
        %eq3A = arith.constant 0 : i32
        %eq3A_37 = arith.cmpi eq, %sub3A_36, %eq3A : i32
        %add3A_38 = arith.constant 0 : i32
        %add3A_39 = arith.addi %add3A_38, %select_n3A_20 : i32
        %select_n3A_40 = arith.constant true
        %select_n3A_41 = arith.constant 0 : i32
        %select_n3A_42 = arith.constant -1 : i32
        %select_n3A_43 = arith.select %select_n3A_40, %select_n3A_42, %select_n3A_41 : i32
        %eq3A_44 = arith.constant -1 : i32
        %eq3A_45 = arith.cmpi eq, %select_n3A_43, %eq3A_44 : i32
        %sub3A_46 = arith.constant 1 : i32
        %sub3A_47 = arith.subi %select_n3A, %sub3A_46 : i32
        %select_n3A_48 = arith.select %eq3A_45, %sub3A_47, %select_n3A_43 : i32
        %add3A_49 = arith.addi %select_n3A_48, %select_n3A_20 : i32
        %select_n3A_50 = arith.constant true
        %select_n3A_51 = arith.constant 0 : i32
        %select_n3A_52 = arith.constant 1 : i32
        %select_n3A_53 = arith.select %select_n3A_50, %select_n3A_52, %select_n3A_51 : i32
        %eq3A_54 = arith.cmpi eq, %select_n3A_53, %select_n3A : i32
        %select_n3A_55 = arith.constant 0 : i32
        %select_n3A_56 = arith.select %eq3A_54, %select_n3A_55, %select_n3A_53 : i32
        %add3A_57 = arith.addi %select_n3A_56, %select_n3A_20 : i32
        %add3A_58 = arith.constant 1 : i32
        %add3A_59 = arith.addi %select_n3A_56, %add3A_58 : i32
        %select_n3A_60 = arith.constant true
        %select_n3A_61 = arith.select %select_n3A_60, %add3A_59, %select_n3A_56 : i32
        %eq3A_62 = arith.cmpi eq, %select_n3A_61, %select_n3A : i32
        %select_n3A_63 = arith.constant 0 : i32
        %select_n3A_64 = arith.select %eq3A_62, %select_n3A_63, %select_n3A_61 : i32
        %add3A_65 = arith.addi %select_n3A_64, %select_n3A_20 : i32
        "tpu.trace_start"() <{level = 10 : i32, message = "ep_initialize_0"}> : () -> ()
        %rem3A = arith.constant 0 : i32
        %rem3A_66 = arith.constant 2 : i32
        %rem3A_67 = arith.remui %rem3A, %rem3A_66 : i32
        %mul3A_68 = arith.constant 128 : i32
        %mul3A_69 = arith.muli %mul3A_68, %add3A_39 : i32
        %dma_start3A = arith.constant 0 : i32
        %dma_start3A_70 = arith.constant 0 : i32
        %dma_start3A_71 = tpu.memref_slice %run_scoped3A[%rem3A_67, %dma_start3A, %dma_start3A_70] : memref<2x1x128xi32, #tpu.memory_space<vmem>> -> memref<1x1x128xi32, #tpu.memory_space<vmem>>
        %dma_start3A_72 = tpu.memref_squeeze %dma_start3A_71 : memref<1x1x128xi32, #tpu.memory_space<vmem>> -> memref<1x128xi32, #tpu.memory_space<vmem>>
        %dma_start3A_73 = arith.constant 0 : i32
        %dma_start3A_74 = tpu.memref_slice %arg3[%dma_start3A_73, %mul3A_69] : memref<1x320000xi32, #tpu.memory_space<hbm>> -> memref<1x128xi32, #tpu.memory_space<hbm>>
        %dma_start3A_75 = tpu.memref_slice %run_scoped3A_29[%rem3A_67] : memref<2x!tpu.dma_semaphore, #tpu.memory_space<semaphore_mem>> -> memref<1x!tpu.dma_semaphore, #tpu.memory_space<semaphore_mem>>
        %dma_start3A_76 = tpu.memref_squeeze %dma_start3A_75 : memref<1x!tpu.dma_semaphore, #tpu.memory_space<semaphore_mem>> -> memref<!tpu.dma_semaphore, #tpu.memory_space<semaphore_mem>>
        %dma_start3A_77 = arith.constant 0 : i32
        %dma_start3A_78 = arith.constant 0 : i32
        %dma_start3A_79 = tpu.memref_slice %run_scoped3A[%rem3A_67, %dma_start3A_77, %dma_start3A_78] : memref<2x1x128xi32, #tpu.memory_space<vmem>> -> memref<1x1x128xi32, #tpu.memory_space<vmem>>
        %dma_start3A_80 = tpu.memref_squeeze %dma_start3A_79 : memref<1x1x128xi32, #tpu.memory_space<vmem>> -> memref<1x128xi32, #tpu.memory_space<vmem>>
        %dma_start3A_81 = arith.constant 0 : i32
        %dma_start3A_82 = tpu.memref_slice %arg3[%dma_start3A_81, %mul3A_69] : memref<1x320000xi32, #tpu.memory_space<hbm>> -> memref<1x128xi32, #tpu.memory_space<hbm>>
        tpu.enqueue_dma source(%dma_start3A_82 : memref<1x128xi32, #tpu.memory_space<hbm>>) target(%dma_start3A_80 : memref<1x128xi32, #tpu.memory_space<vmem>>) target_semaphore(%dma_start3A_76 : memref<!tpu.dma_semaphore, #tpu.memory_space<semaphore_mem>>)
        %add3A_83 = arith.constant 0 : i32
        %add3A_84 = arith.constant 1 : i32
        %add3A_85 = arith.addi %add3A_83, %add3A_84 : i32
        %select_n3A_86 = arith.constant true
        %select_n3A_87 = arith.constant 0 : i32
        %select_n3A_88 = arith.select %select_n3A_86, %add3A_85, %select_n3A_87 : i32
        %rem3A_89 = arith.constant 0 : i32
        %rem3A_90 = arith.constant 2 : i32
        %rem3A_91 = arith.remui %rem3A_89, %rem3A_90 : i32
        %mul3A_92 = arith.constant 128 : i32
        %mul3A_93 = arith.muli %mul3A_92, %add3A_39 : i32
        %dma_start3A_94 = arith.constant 0 : i32
        %dma_start3A_95 = arith.constant 0 : i32
        %dma_start3A_96 = tpu.memref_slice %run_scoped3A_30[%rem3A_91, %dma_start3A_94, %dma_start3A_95] : memref<2x1x128xi32, #tpu.memory_space<vmem>> -> memref<1x1x128xi32, #tpu.memory_space<vmem>>
        %dma_start3A_97 = tpu.memref_squeeze %dma_start3A_96 : memref<1x1x128xi32, #tpu.memory_space<vmem>> -> memref<1x128xi32, #tpu.memory_space<vmem>>
        %dma_start3A_98 = arith.constant 0 : i32
        %dma_start3A_99 = tpu.memref_slice %arg4[%dma_start3A_98, %mul3A_93] : memref<1x320000xi32, #tpu.memory_space<hbm>> -> memref<1x128xi32, #tpu.memory_space<hbm>>
        %dma_start3A_100 = tpu.memref_slice %run_scoped3A_31[%rem3A_91] : memref<2x!tpu.dma_semaphore, #tpu.memory_space<semaphore_mem>> -> memref<1x!tpu.dma_semaphore, #tpu.memory_space<semaphore_mem>>
        %dma_start3A_101 = tpu.memref_squeeze %dma_start3A_100 : memref<1x!tpu.dma_semaphore, #tpu.memory_space<semaphore_mem>> -> memref<!tpu.dma_semaphore, #tpu.memory_space<semaphore_mem>>
        %dma_start3A_102 = arith.constant 0 : i32
        %dma_start3A_103 = arith.constant 0 : i32
        %dma_start3A_104 = tpu.memref_slice %run_scoped3A_30[%rem3A_91, %dma_start3A_102, %dma_start3A_103] : memref<2x1x128xi32, #tpu.memory_space<vmem>> -> memref<1x1x128xi32, #tpu.memory_space<vmem>>
        %dma_start3A_105 = tpu.memref_squeeze %dma_start3A_104 : memref<1x1x128xi32, #tpu.memory_space<vmem>> -> memref<1x128xi32, #tpu.memory_space<vmem>>
        %dma_start3A_106 = arith.constant 0 : i32
        %dma_start3A_107 = tpu.memref_slice %arg4[%dma_start3A_106, %mul3A_93] : memref<1x320000xi32, #tpu.memory_space<hbm>> -> memref<1x128xi32, #tpu.memory_space<hbm>>
        tpu.enqueue_dma source(%dma_start3A_107 : memref<1x128xi32, #tpu.memory_space<hbm>>) target(%dma_start3A_105 : memref<1x128xi32, #tpu.memory_space<vmem>>) target_semaphore(%dma_start3A_101 : memref<!tpu.dma_semaphore, #tpu.memory_space<semaphore_mem>>)
        %add3A_108 = arith.constant 0 : i32
        %add3A_109 = arith.constant 1 : i32
        %add3A_110 = arith.addi %add3A_108, %add3A_109 : i32
        %select_n3A_111 = arith.constant true
        %select_n3A_112 = arith.constant 0 : i32
        %select_n3A_113 = arith.select %select_n3A_111, %add3A_110, %select_n3A_112 : i32
        %while3A = arith.constant 0 : i32
        %while3A_114 = arith.constant 0 : i32
        %while3A_115 = arith.constant 0 : i32
        %while3A_116 = arith.constant 0 : i32
        "tpu.trace_stop"() : () -> ()
        %while3A_117 = arith.subi %mul3A_22, %while3A : i32
        %while3A_118 = arith.addi %while3A, %while3A_117 : i32
        %while3A_119 = arith.constant 1 : i32
        %while3A_120 = arith.divsi %while3A_117, %while3A_119 : i32
        %while3A_121 = arith.muli %while3A_120, %while3A_119 : i32
        %while3A_122 = arith.addi %while3A, %while3A_121 : i32
        %while3A_123 = arith.constant 1 : i32
        %while3A_124:5 = scf.for %while3A_178 = %while3A to %while3A_122 step %while3A_123 iter_args(%while3A_179 = %select_n3A_88, %while3A_180 = %while3A_114, %while3A_181 = %select_n3A_113, %while3A_182 = %while3A_115, %while3A_183 = %while3A_116) -> (i32, i32, i32, i32, i32)  : i32 {
          %mul3A_184 = arith.constant 1 : i32
          %mul3A_185 = arith.muli %mul3A_184, %select_n3A : i32
          %eq3A_186 = arith.constant 0 : i32
          %eq3A_187 = arith.cmpi eq, %while3A_178, %eq3A_186 : i32
          %sub3A_188 = arith.constant 1 : i32
          %sub3A_189 = arith.subi %mul3A_185, %sub3A_188 : i32
          %eq3A_190 = arith.cmpi eq, %while3A_178, %sub3A_189 : i32
          %add3A_191 = arith.addi %while3A_183, %select_n3A_20 : i32
          %sub3A_192 = arith.constant 1 : i32
          %sub3A_193 = arith.subi %while3A_183, %sub3A_192 : i32
          %select_n3A_194 = arith.constant true
          %select_n3A_195 = arith.select %select_n3A_194, %sub3A_193, %while3A_183 : i32
          %eq3A_196 = arith.constant -1 : i32
          %eq3A_197 = arith.cmpi eq, %select_n3A_195, %eq3A_196 : i32
          %sub3A_198 = arith.constant 1 : i32
          %sub3A_199 = arith.subi %select_n3A, %sub3A_198 : i32
          %select_n3A_200 = arith.select %eq3A_197, %sub3A_199, %select_n3A_195 : i32
          %add3A_201 = arith.addi %select_n3A_200, %select_n3A_20 : i32
          %add3A_202 = arith.constant 1 : i32
          %add3A_203 = arith.addi %while3A_183, %add3A_202 : i32
          %select_n3A_204 = arith.constant true
          %select_n3A_205 = arith.select %select_n3A_204, %add3A_203, %while3A_183 : i32
          %eq3A_206 = arith.cmpi eq, %select_n3A_205, %select_n3A : i32
          %select_n3A_207 = arith.constant 0 : i32
          %select_n3A_208 = arith.select %eq3A_206, %select_n3A_207, %select_n3A_205 : i32
          %add3A_209 = arith.addi %select_n3A_208, %select_n3A_20 : i32
          %add3A_210 = arith.constant 1 : i32
          %add3A_211 = arith.addi %select_n3A_208, %add3A_210 : i32
          %select_n3A_212 = arith.constant true
          %select_n3A_213 = arith.select %select_n3A_212, %add3A_211, %select_n3A_208 : i32
          %eq3A_214 = arith.cmpi eq, %select_n3A_213, %select_n3A : i32
          %select_n3A_215 = arith.constant 0 : i32
          %select_n3A_216 = arith.select %eq3A_214, %select_n3A_215, %select_n3A_213 : i32
          %add3A_217 = arith.addi %select_n3A_216, %select_n3A_20 : i32
          %ne3A = arith.cmpi ne, %add3A_191, %add3A_209 : i32
          %or3A = arith.constant false
          %or3A_218 = arith.ori %or3A, %ne3A : i1
          %sub3A_219 = arith.constant 2 : i32
          %sub3A_220 = arith.subi %mul3A_185, %sub3A_219 : i32
          %add3A_221 = arith.constant 1 : i32
          %add3A_222 = arith.addi %sub3A_220, %add3A_221 : i32
          %ge3A = arith.cmpi sge, %while3A_178, %add3A_222 : i32
          %not3A = arith.constant true
          %not3A_223 = arith.xori %ge3A, %not3A : i1
          %and3A = arith.andi %or3A_218, %not3A_223 : i1
          %convert_element_type3A_224 = arith.extui %and3A : i1 to i32
          %cond3A_225 = arith.constant 0 : i32
          %cond3A_226 = arith.cmpi ne, %convert_element_type3A_224, %cond3A_225 : i32
          scf.if %cond3A_226 {
            "tpu.trace_start"() <{level = 10 : i32, message = "ep_copy_in"}> : () -> ()
            %rem3A_332 = arith.constant 2 : i32
            %rem3A_333 = arith.remui %while3A_179, %rem3A_332 : i32
            %mul3A_334 = arith.constant 128 : i32
            %mul3A_335 = arith.muli %mul3A_334, %add3A_209 : i32
            %dma_start3A_336 = arith.constant 0 : i32
            %dma_start3A_337 = arith.constant 0 : i32
            %dma_start3A_338 = tpu.memref_slice %run_scoped3A[%rem3A_333, %dma_start3A_336, %dma_start3A_337] : memref<2x1x128xi32, #tpu.memory_space<vmem>> -> memref<1x1x128xi32, #tpu.memory_space<vmem>>
            %dma_start3A_339 = tpu.memref_squeeze %dma_start3A_338 : memref<1x1x128xi32, #tpu.memory_space<vmem>> -> memref<1x128xi32, #tpu.memory_space<vmem>>
            %dma_start3A_340 = arith.constant 0 : i32
            %dma_start3A_341 = tpu.memref_slice %arg3[%dma_start3A_340, %mul3A_335] : memref<1x320000xi32, #tpu.memory_space<hbm>> -> memref<1x128xi32, #tpu.memory_space<hbm>>
            %dma_start3A_342 = tpu.memref_slice %run_scoped3A_29[%rem3A_333] : memref<2x!tpu.dma_semaphore, #tpu.memory_space<semaphore_mem>> -> memref<1x!tpu.dma_semaphore, #tpu.memory_space<semaphore_mem>>
            %dma_start3A_343 = tpu.memref_squeeze %dma_start3A_342 : memref<1x!tpu.dma_semaphore, #tpu.memory_space<semaphore_mem>> -> memref<!tpu.dma_semaphore, #tpu.memory_space<semaphore_mem>>
            %dma_start3A_344 = arith.constant 0 : i32
            %dma_start3A_345 = arith.constant 0 : i32
            %dma_start3A_346 = tpu.memref_slice %run_scoped3A[%rem3A_333, %dma_start3A_344, %dma_start3A_345] : memref<2x1x128xi32, #tpu.memory_space<vmem>> -> memref<1x1x128xi32, #tpu.memory_space<vmem>>
            %dma_start3A_347 = tpu.memref_squeeze %dma_start3A_346 : memref<1x1x128xi32, #tpu.memory_space<vmem>> -> memref<1x128xi32, #tpu.memory_space<vmem>>
            %dma_start3A_348 = arith.constant 0 : i32
            %dma_start3A_349 = tpu.memref_slice %arg3[%dma_start3A_348, %mul3A_335] : memref<1x320000xi32, #tpu.memory_space<hbm>> -> memref<1x128xi32, #tpu.memory_space<hbm>>
            tpu.enqueue_dma source(%dma_start3A_349 : memref<1x128xi32, #tpu.memory_space<hbm>>) target(%dma_start3A_347 : memref<1x128xi32, #tpu.memory_space<vmem>>) target_semaphore(%dma_start3A_343 : memref<!tpu.dma_semaphore, #tpu.memory_space<semaphore_mem>>)
            "tpu.trace_stop"() : () -> ()
          } else {
          }
          %and3A_227 = arith.constant true
          %and3A_228 = arith.andi %and3A, %and3A_227 : i1
          %add3A_229 = arith.constant 1 : i32
          %add3A_230 = arith.addi %while3A_179, %add3A_229 : i32
          %select_n3A_231 = arith.select %and3A_228, %add3A_230, %while3A_179 : i32
          %ne3A_232 = arith.cmpi ne, %add3A_191, %add3A_209 : i32
          %or3A_233 = arith.constant false
          %or3A_234 = arith.ori %or3A_233, %ne3A_232 : i1
          %sub3A_235 = arith.constant 2 : i32
          %sub3A_236 = arith.subi %mul3A_185, %sub3A_235 : i32
          %add3A_237 = arith.constant 1 : i32
          %add3A_238 = arith.addi %sub3A_236, %add3A_237 : i32
          %ge3A_239 = arith.cmpi sge, %while3A_178, %add3A_238 : i32
          %not3A_240 = arith.constant true
          %not3A_241 = arith.xori %ge3A_239, %not3A_240 : i1
          %and3A_242 = arith.andi %or3A_234, %not3A_241 : i1
          %convert_element_type3A_243 = arith.extui %and3A_242 : i1 to i32
          %cond3A_244 = arith.constant 0 : i32
          %cond3A_245 = arith.cmpi ne, %convert_element_type3A_243, %cond3A_244 : i32
          scf.if %cond3A_245 {
            "tpu.trace_start"() <{level = 10 : i32, message = "ep_copy_in"}> : () -> ()
            %rem3A_332 = arith.constant 2 : i32
            %rem3A_333 = arith.remui %while3A_181, %rem3A_332 : i32
            %mul3A_334 = arith.constant 128 : i32
            %mul3A_335 = arith.muli %mul3A_334, %add3A_209 : i32
            %dma_start3A_336 = arith.constant 0 : i32
            %dma_start3A_337 = arith.constant 0 : i32
            %dma_start3A_338 = tpu.memref_slice %run_scoped3A_30[%rem3A_333, %dma_start3A_336, %dma_start3A_337] : memref<2x1x128xi32, #tpu.memory_space<vmem>> -> memref<1x1x128xi32, #tpu.memory_space<vmem>>
            %dma_start3A_339 = tpu.memref_squeeze %dma_start3A_338 : memref<1x1x128xi32, #tpu.memory_space<vmem>> -> memref<1x128xi32, #tpu.memory_space<vmem>>
            %dma_start3A_340 = arith.constant 0 : i32
            %dma_start3A_341 = tpu.memref_slice %arg4[%dma_start3A_340, %mul3A_335] : memref<1x320000xi32, #tpu.memory_space<hbm>> -> memref<1x128xi32, #tpu.memory_space<hbm>>
            %dma_start3A_342 = tpu.memref_slice %run_scoped3A_31[%rem3A_333] : memref<2x!tpu.dma_semaphore, #tpu.memory_space<semaphore_mem>> -> memref<1x!tpu.dma_semaphore, #tpu.memory_space<semaphore_mem>>
            %dma_start3A_343 = tpu.memref_squeeze %dma_start3A_342 : memref<1x!tpu.dma_semaphore, #tpu.memory_space<semaphore_mem>> -> memref<!tpu.dma_semaphore, #tpu.memory_space<semaphore_mem>>
            %dma_start3A_344 = arith.constant 0 : i32
            %dma_start3A_345 = arith.constant 0 : i32
            %dma_start3A_346 = tpu.memref_slice %run_scoped3A_30[%rem3A_333, %dma_start3A_344, %dma_start3A_345] : memref<2x1x128xi32, #tpu.memory_space<vmem>> -> memref<1x1x128xi32, #tpu.memory_space<vmem>>
            %dma_start3A_347 = tpu.memref_squeeze %dma_start3A_346 : memref<1x1x128xi32, #tpu.memory_space<vmem>> -> memref<1x128xi32, #tpu.memory_space<vmem>>
            %dma_start3A_348 = arith.constant 0 : i32
            %dma_start3A_349 = tpu.memref_slice %arg4[%dma_start3A_348, %mul3A_335] : memref<1x320000xi32, #tpu.memory_space<hbm>> -> memref<1x128xi32, #tpu.memory_space<hbm>>
            tpu.enqueue_dma source(%dma_start3A_349 : memref<1x128xi32, #tpu.memory_space<hbm>>) target(%dma_start3A_347 : memref<1x128xi32, #tpu.memory_space<vmem>>) target_semaphore(%dma_start3A_343 : memref<!tpu.dma_semaphore, #tpu.memory_space<semaphore_mem>>)
            "tpu.trace_stop"() : () -> ()
          } else {
          }
          %and3A_246 = arith.constant true
          %and3A_247 = arith.andi %and3A_242, %and3A_246 : i1
          %add3A_248 = arith.constant 1 : i32
          %add3A_249 = arith.addi %while3A_181, %add3A_248 : i32
          %select_n3A_250 = arith.select %and3A_247, %add3A_249, %while3A_181 : i32
          %ne3A_251 = arith.cmpi ne, %add3A_191, %add3A_201 : i32
          %or3A_252 = arith.constant false
          %or3A_253 = arith.ori %or3A_252, %ne3A_251 : i1
          %or3A_254 = arith.ori %or3A_253, %eq3A_187 : i1
          %convert_element_type3A_255 = arith.extui %or3A_254 : i1 to i32
          %cond3A_256 = arith.constant 0 : i32
          %cond3A_257 = arith.cmpi ne, %convert_element_type3A_255, %cond3A_256 : i32
          scf.if %cond3A_257 {
            "tpu.trace_start"() <{level = 10 : i32, message = "ep_wait_in"}> : () -> ()
            %mul3A_332 = arith.constant 128 : i32
            %mul3A_333 = arith.muli %mul3A_332, %add3A_191 : i32
            %rem3A_334 = arith.constant 2 : i32
            %rem3A_335 = arith.remui %while3A_180, %rem3A_334 : i32
            %dma_wait3A = arith.constant 0 : i32
            %dma_wait3A_336 = arith.constant 0 : i32
            %dma_wait3A_337 = tpu.memref_slice %run_scoped3A[%rem3A_335, %dma_wait3A, %dma_wait3A_336] : memref<2x1x128xi32, #tpu.memory_space<vmem>> -> memref<1x1x128xi32, #tpu.memory_space<vmem>>
            %dma_wait3A_338 = tpu.memref_squeeze %dma_wait3A_337 : memref<1x1x128xi32, #tpu.memory_space<vmem>> -> memref<1x128xi32, #tpu.memory_space<vmem>>
            %dma_wait3A_339 = arith.constant 0 : i32
            %dma_wait3A_340 = tpu.memref_slice %arg3[%dma_wait3A_339, %mul3A_333] : memref<1x320000xi32, #tpu.memory_space<hbm>> -> memref<1x128xi32, #tpu.memory_space<hbm>>
            %dma_wait3A_341 = tpu.memref_slice %run_scoped3A_29[%rem3A_335] : memref<2x!tpu.dma_semaphore, #tpu.memory_space<semaphore_mem>> -> memref<1x!tpu.dma_semaphore, #tpu.memory_space<semaphore_mem>>
            %dma_wait3A_342 = tpu.memref_squeeze %dma_wait3A_341 : memref<1x!tpu.dma_semaphore, #tpu.memory_space<semaphore_mem>> -> memref<!tpu.dma_semaphore, #tpu.memory_space<semaphore_mem>>
            %dma_wait3A_343 = arith.constant 0 : i32
            %dma_wait3A_344 = arith.constant 0 : i32
            %dma_wait3A_345 = tpu.memref_slice %run_scoped3A[%rem3A_335, %dma_wait3A_343, %dma_wait3A_344] : memref<2x1x128xi32, #tpu.memory_space<vmem>> -> memref<1x1x128xi32, #tpu.memory_space<vmem>>
            %dma_wait3A_346 = tpu.memref_squeeze %dma_wait3A_345 : memref<1x1x128xi32, #tpu.memory_space<vmem>> -> memref<1x128xi32, #tpu.memory_space<vmem>>
            %dma_wait3A_347 = arith.constant 0 : i32
            %dma_wait3A_348 = tpu.memref_slice %arg3[%dma_wait3A_347, %mul3A_333] : memref<1x320000xi32, #tpu.memory_space<hbm>> -> memref<1x128xi32, #tpu.memory_space<hbm>>
            tpu.wait_dma2 semaphore(%dma_wait3A_342 : memref<!tpu.dma_semaphore, #tpu.memory_space<semaphore_mem>>) src(%dma_wait3A_348 : memref<1x128xi32, #tpu.memory_space<hbm>>) dst(%dma_wait3A_346 : memref<1x128xi32, #tpu.memory_space<vmem>>)
            "tpu.trace_stop"() : () -> ()
          } else {
          }
          %ne3A_258 = arith.cmpi ne, %add3A_191, %add3A_201 : i32
          %or3A_259 = arith.constant false
          %or3A_260 = arith.ori %or3A_259, %ne3A_258 : i1
          %or3A_261 = arith.ori %or3A_260, %eq3A_187 : i1
          %convert_element_type3A_262 = arith.extui %or3A_261 : i1 to i32
          %cond3A_263 = arith.constant 0 : i32
          %cond3A_264 = arith.cmpi ne, %convert_element_type3A_262, %cond3A_263 : i32
          scf.if %cond3A_264 {
            "tpu.trace_start"() <{level = 10 : i32, message = "ep_wait_in"}> : () -> ()
            %mul3A_332 = arith.constant 128 : i32
            %mul3A_333 = arith.muli %mul3A_332, %add3A_191 : i32
            %rem3A_334 = arith.constant 2 : i32
            %rem3A_335 = arith.remui %while3A_182, %rem3A_334 : i32
            %dma_wait3A = arith.constant 0 : i32
            %dma_wait3A_336 = arith.constant 0 : i32
            %dma_wait3A_337 = tpu.memref_slice %run_scoped3A_30[%rem3A_335, %dma_wait3A, %dma_wait3A_336] : memref<2x1x128xi32, #tpu.memory_space<vmem>> -> memref<1x1x128xi32, #tpu.memory_space<vmem>>
            %dma_wait3A_338 = tpu.memref_squeeze %dma_wait3A_337 : memref<1x1x128xi32, #tpu.memory_space<vmem>> -> memref<1x128xi32, #tpu.memory_space<vmem>>
            %dma_wait3A_339 = arith.constant 0 : i32
            %dma_wait3A_340 = tpu.memref_slice %arg4[%dma_wait3A_339, %mul3A_333] : memref<1x320000xi32, #tpu.memory_space<hbm>> -> memref<1x128xi32, #tpu.memory_space<hbm>>
            %dma_wait3A_341 = tpu.memref_slice %run_scoped3A_31[%rem3A_335] : memref<2x!tpu.dma_semaphore, #tpu.memory_space<semaphore_mem>> -> memref<1x!tpu.dma_semaphore, #tpu.memory_space<semaphore_mem>>
            %dma_wait3A_342 = tpu.memref_squeeze %dma_wait3A_341 : memref<1x!tpu.dma_semaphore, #tpu.memory_space<semaphore_mem>> -> memref<!tpu.dma_semaphore, #tpu.memory_space<semaphore_mem>>
            %dma_wait3A_343 = arith.constant 0 : i32
            %dma_wait3A_344 = arith.constant 0 : i32
            %dma_wait3A_345 = tpu.memref_slice %run_scoped3A_30[%rem3A_335, %dma_wait3A_343, %dma_wait3A_344] : memref<2x1x128xi32, #tpu.memory_space<vmem>> -> memref<1x1x128xi32, #tpu.memory_space<vmem>>
            %dma_wait3A_346 = tpu.memref_squeeze %dma_wait3A_345 : memref<1x1x128xi32, #tpu.memory_space<vmem>> -> memref<1x128xi32, #tpu.memory_space<vmem>>
            %dma_wait3A_347 = arith.constant 0 : i32
            %dma_wait3A_348 = tpu.memref_slice %arg4[%dma_wait3A_347, %mul3A_333] : memref<1x320000xi32, #tpu.memory_space<hbm>> -> memref<1x128xi32, #tpu.memory_space<hbm>>
            tpu.wait_dma2 semaphore(%dma_wait3A_342 : memref<!tpu.dma_semaphore, #tpu.memory_space<semaphore_mem>>) src(%dma_wait3A_348 : memref<1x128xi32, #tpu.memory_space<hbm>>) dst(%dma_wait3A_346 : memref<1x128xi32, #tpu.memory_space<vmem>>)
            "tpu.trace_stop"() : () -> ()
          } else {
          }
          %rem3A_265 = arith.constant 2 : i32
          %rem3A_266 = arith.remui %while3A_180, %rem3A_265 : i32
          %rem3A_267 = arith.constant 2 : i32
          %rem3A_268 = arith.remui %while3A_182, %rem3A_267 : i32
          %run_scoped3A_269 = arith.constant 0 : i32
          "tpu.trace_start"() <{level = 10 : i32, message = "ep_run_kernel"}> : () -> ()
          "tpu.region"() ({
            %run_scoped3A_332 = tpu.sem_alloc : memref<!tpu.dma_semaphore, #tpu.memory_space<semaphore_mem>>
            %dma_start3A_333 = arith.constant 0 : i32
            %dma_start3A_334 = arith.constant 0 : i32
            %dma_start3A_335 = tpu.memref_slice %run_scoped3A[%rem3A_266, %dma_start3A_333, %dma_start3A_334] : memref<2x1x128xi32, #tpu.memory_space<vmem>> -> memref<1x1x128xi32, #tpu.memory_space<vmem>>
            %dma_start3A_336 = tpu.memref_squeeze %dma_start3A_335 : memref<1x1x128xi32, #tpu.memory_space<vmem>> -> memref<1x128xi32, #tpu.memory_space<vmem>>
            %dma_start3A_337 = arith.constant 0 : i32
            %dma_start3A_338 = tpu.memref_slice %dma_start3A_336[%run_scoped3A_269, %dma_start3A_337] : memref<1x128xi32, #tpu.memory_space<vmem>> -> memref<1x128xi32, #tpu.memory_space<vmem>>
            %dma_start3A_339 = tpu.memref_squeeze %dma_start3A_338 : memref<1x128xi32, #tpu.memory_space<vmem>> -> memref<128xi32, #tpu.memory_space<vmem>>
            %dma_start3A_340 = arith.constant 0 : i32
            %dma_start3A_341 = arith.constant 0 : i32
            %dma_start3A_342 = tpu.memref_slice %arg2[%dma_start3A_340, %dma_start3A_341] : memref<10000x128xf32, #tpu.memory_space<hbm>> -> memref<10000x128xf32, #tpu.memory_space<hbm>>
            tpu.enqueue_indirect_dma source(%dma_start3A_342 : memref<10000x128xf32, #tpu.memory_space<hbm>>) target(%arg7 : memref<128x128xf32, #tpu.memory_space<vmem>>) offsets(%dma_start3A_339 : memref<128xi32, #tpu.memory_space<vmem>>) semaphore(%run_scoped3A_332 : memref<!tpu.dma_semaphore, #tpu.memory_space<semaphore_mem>>)
            %dma_wait3A = arith.constant 0 : i32
            %dma_wait3A_343 = arith.constant 0 : i32
            %dma_wait3A_344 = tpu.memref_slice %run_scoped3A[%rem3A_266, %dma_wait3A, %dma_wait3A_343] : memref<2x1x128xi32, #tpu.memory_space<vmem>> -> memref<1x1x128xi32, #tpu.memory_space<vmem>>
            %dma_wait3A_345 = tpu.memref_squeeze %dma_wait3A_344 : memref<1x1x128xi32, #tpu.memory_space<vmem>> -> memref<1x128xi32, #tpu.memory_space<vmem>>
            %dma_wait3A_346 = arith.constant 0 : i32
            %dma_wait3A_347 = tpu.memref_slice %dma_wait3A_345[%run_scoped3A_269, %dma_wait3A_346] : memref<1x128xi32, #tpu.memory_space<vmem>> -> memref<1x128xi32, #tpu.memory_space<vmem>>
            %dma_wait3A_348 = tpu.memref_squeeze %dma_wait3A_347 : memref<1x128xi32, #tpu.memory_space<vmem>> -> memref<128xi32, #tpu.memory_space<vmem>>
            %dma_wait3A_349 = arith.constant 0 : i32
            %dma_wait3A_350 = arith.constant 0 : i32
            %dma_wait3A_351 = tpu.memref_slice %arg2[%dma_wait3A_349, %dma_wait3A_350] : memref<10000x128xf32, #tpu.memory_space<hbm>> -> memref<10000x128xf32, #tpu.memory_space<hbm>>
            tpu.wait_indirect_dma semaphore(%run_scoped3A_332 : memref<!tpu.dma_semaphore, #tpu.memory_space<semaphore_mem>>) src(%dma_wait3A_351 : memref<10000x128xf32, #tpu.memory_space<hbm>>) dst(%arg7 : memref<128x128xf32, #tpu.memory_space<vmem>>)
            tpu.yield
          }) : () -> ()
          %run_scoped3A_270 = arith.constant 0 : i32
          "tpu.region"() ({
            %run_scoped3A_332 = tpu.sem_alloc : memref<!tpu.dma_semaphore, #tpu.memory_space<semaphore_mem>>
            %dma_start3A_333 = arith.constant 0 : i32
            %dma_start3A_334 = arith.constant 0 : i32
            %dma_start3A_335 = tpu.memref_slice %run_scoped3A_30[%rem3A_268, %dma_start3A_333, %dma_start3A_334] : memref<2x1x128xi32, #tpu.memory_space<vmem>> -> memref<1x1x128xi32, #tpu.memory_space<vmem>>
            %dma_start3A_336 = tpu.memref_squeeze %dma_start3A_335 : memref<1x1x128xi32, #tpu.memory_space<vmem>> -> memref<1x128xi32, #tpu.memory_space<vmem>>
            %dma_start3A_337 = arith.constant 0 : i32
            %dma_start3A_338 = tpu.memref_slice %dma_start3A_336[%run_scoped3A_270, %dma_start3A_337] : memref<1x128xi32, #tpu.memory_space<vmem>> -> memref<1x128xi32, #tpu.memory_space<vmem>>
            %dma_start3A_339 = tpu.memref_squeeze %dma_start3A_338 : memref<1x128xi32, #tpu.memory_space<vmem>> -> memref<128xi32, #tpu.memory_space<vmem>>
            %dma_start3A_340 = arith.constant 0 : i32
            %dma_start3A_341 = arith.constant 0 : i32
            %dma_start3A_342 = tpu.memref_slice %arg9[%dma_start3A_340, %dma_start3A_341] : memref<10240x128xf32, #tpu.memory_space<vmem_shared>> -> memref<10240x128xf32, #tpu.memory_space<vmem_shared>>
            tpu.enqueue_indirect_dma source(%arg7 : memref<128x128xf32, #tpu.memory_space<vmem>>) target(%dma_start3A_342 : memref<10240x128xf32, #tpu.memory_space<vmem_shared>>) offsets(%dma_start3A_339 : memref<128xi32, #tpu.memory_space<vmem>>) semaphore(%run_scoped3A_332 : memref<!tpu.dma_semaphore, #tpu.memory_space<semaphore_mem>>) {add = true}
            %dma_wait3A = arith.constant 0 : i32
            %dma_wait3A_343 = arith.constant 0 : i32
            %dma_wait3A_344 = tpu.memref_slice %run_scoped3A_30[%rem3A_268, %dma_wait3A, %dma_wait3A_343] : memref<2x1x128xi32, #tpu.memory_space<vmem>> -> memref<1x1x128xi32, #tpu.memory_space<vmem>>
            %dma_wait3A_345 = tpu.memref_squeeze %dma_wait3A_344 : memref<1x1x128xi32, #tpu.memory_space<vmem>> -> memref<1x128xi32, #tpu.memory_space<vmem>>
            %dma_wait3A_346 = arith.constant 0 : i32
            %dma_wait3A_347 = tpu.memref_slice %dma_wait3A_345[%run_scoped3A_270, %dma_wait3A_346] : memref<1x128xi32, #tpu.memory_space<vmem>> -> memref<1x128xi32, #tpu.memory_space<vmem>>
            %dma_wait3A_348 = tpu.memref_squeeze %dma_wait3A_347 : memref<1x128xi32, #tpu.memory_space<vmem>> -> memref<128xi32, #tpu.memory_space<vmem>>
            %dma_wait3A_349 = arith.constant 0 : i32
            %dma_wait3A_350 = arith.constant 0 : i32
            %dma_wait3A_351 = tpu.memref_slice %arg9[%dma_wait3A_349, %dma_wait3A_350] : memref<10240x128xf32, #tpu.memory_space<vmem_shared>> -> memref<10240x128xf32, #tpu.memory_space<vmem_shared>>
            tpu.wait_indirect_dma semaphore(%run_scoped3A_332 : memref<!tpu.dma_semaphore, #tpu.memory_space<semaphore_mem>>) src(%arg7 : memref<128x128xf32, #tpu.memory_space<vmem>>) dst(%dma_wait3A_351 : memref<10240x128xf32, #tpu.memory_space<vmem_shared>>)
            tpu.yield
          }) : () -> ()
          "tpu.trace_stop"() : () -> ()
          %ne3A_271 = arith.cmpi ne, %add3A_191, %add3A_209 : i32
          %or3A_272 = arith.constant false
          %or3A_273 = arith.ori %or3A_272, %ne3A_271 : i1
          %or3A_274 = arith.ori %or3A_273, %eq3A_190 : i1
          %convert_element_type3A_275 = arith.extui %or3A_274 : i1 to i32
          %cond3A_276 = arith.constant 0 : i32
          %cond3A_277 = arith.cmpi ne, %convert_element_type3A_275, %cond3A_276 : i32
          scf.if %cond3A_277 {
          } else {
          }
          %and3A_278 = arith.constant false
          %and3A_279 = arith.andi %or3A_274, %and3A_278 : i1
          %ne3A_280 = arith.cmpi ne, %add3A_191, %add3A_209 : i32
          %or3A_281 = arith.constant false
          %or3A_282 = arith.ori %or3A_281, %ne3A_280 : i1
          %or3A_283 = arith.ori %or3A_282, %eq3A_190 : i1
          %convert_element_type3A_284 = arith.extui %or3A_283 : i1 to i32
          %cond3A_285 = arith.constant 0 : i32
          %cond3A_286 = arith.cmpi ne, %convert_element_type3A_284, %cond3A_285 : i32
          scf.if %cond3A_286 {
          } else {
          }
          %and3A_287 = arith.constant false
          %and3A_288 = arith.andi %or3A_283, %and3A_287 : i1
          %ne3A_289 = arith.cmpi ne, %add3A_191, %add3A_201 : i32
          %or3A_290 = arith.constant false
          %or3A_291 = arith.ori %or3A_290, %ne3A_289 : i1
          %not3A_292 = arith.constant true
          %not3A_293 = arith.xori %eq3A_187, %not3A_292 : i1
          %and3A_294 = arith.andi %or3A_291, %not3A_293 : i1
          %convert_element_type3A_295 = arith.extui %and3A_294 : i1 to i32
          %cond3A_296 = arith.constant 0 : i32
          %cond3A_297 = arith.cmpi ne, %convert_element_type3A_295, %cond3A_296 : i32
          scf.if %cond3A_297 {
          } else {
          }
          %and3A_298 = arith.constant false
          %and3A_299 = arith.andi %and3A_294, %and3A_298 : i1
          %ne3A_300 = arith.cmpi ne, %add3A_191, %add3A_201 : i32
          %or3A_301 = arith.constant false
          %or3A_302 = arith.ori %or3A_301, %ne3A_300 : i1
          %not3A_303 = arith.constant true
          %not3A_304 = arith.xori %eq3A_187, %not3A_303 : i1
          %and3A_305 = arith.andi %or3A_302, %not3A_304 : i1
          %convert_element_type3A_306 = arith.extui %and3A_305 : i1 to i32
          %cond3A_307 = arith.constant 0 : i32
          %cond3A_308 = arith.cmpi ne, %convert_element_type3A_306, %cond3A_307 : i32
          scf.if %cond3A_308 {
          } else {
          }
          %and3A_309 = arith.constant false
          %and3A_310 = arith.andi %and3A_305, %and3A_309 : i1
          %ne3A_311 = arith.cmpi ne, %add3A_191, %add3A_209 : i32
          %or3A_312 = arith.constant false
          %or3A_313 = arith.ori %or3A_312, %ne3A_311 : i1
          %or3A_314 = arith.ori %or3A_313, %eq3A_190 : i1
          %add3A_315 = arith.constant 1 : i32
          %add3A_316 = arith.addi %while3A_180, %add3A_315 : i32
          %select_n3A_317 = arith.select %or3A_314, %add3A_316, %while3A_180 : i32
          %ne3A_318 = arith.cmpi ne, %add3A_191, %add3A_209 : i32
          %or3A_319 = arith.constant false
          %or3A_320 = arith.ori %or3A_319, %ne3A_318 : i1
          %or3A_321 = arith.ori %or3A_320, %eq3A_190 : i1
          %add3A_322 = arith.constant 1 : i32
          %add3A_323 = arith.addi %while3A_182, %add3A_322 : i32
          %select_n3A_324 = arith.select %or3A_321, %add3A_323, %while3A_182 : i32
          %add3A_325 = arith.constant 1 : i32
          %add3A_326 = arith.addi %while3A_183, %add3A_325 : i32
          %select_n3A_327 = arith.constant true
          %select_n3A_328 = arith.select %select_n3A_327, %add3A_326, %while3A_183 : i32
          %eq3A_329 = arith.cmpi eq, %select_n3A_328, %select_n3A : i32
          %select_n3A_330 = arith.constant 0 : i32
          %select_n3A_331 = arith.select %eq3A_329, %select_n3A_330, %select_n3A_328 : i32
          scf.yield %select_n3A_231, %select_n3A_317, %select_n3A_250, %select_n3A_324, %select_n3A_331 : i32, i32, i32, i32, i32
        }
        %while3A_125 = arith.constant 1 : i32
        %while3A_126:5 = scf.for %while3A_178 = %while3A_122 to %while3A_118 step %while3A_125 iter_args(%while3A_179 = %while3A_124#0, %while3A_180 = %while3A_124#1, %while3A_181 = %while3A_124#2, %while3A_182 = %while3A_124#3, %while3A_183 = %while3A_124#4) -> (i32, i32, i32, i32, i32)  : i32 {
          %mul3A_184 = arith.constant 1 : i32
          %mul3A_185 = arith.muli %mul3A_184, %select_n3A : i32
          %eq3A_186 = arith.constant 0 : i32
          %eq3A_187 = arith.cmpi eq, %while3A_178, %eq3A_186 : i32
          %sub3A_188 = arith.constant 1 : i32
          %sub3A_189 = arith.subi %mul3A_185, %sub3A_188 : i32
          %eq3A_190 = arith.cmpi eq, %while3A_178, %sub3A_189 : i32
          %add3A_191 = arith.addi %while3A_183, %select_n3A_20 : i32
          %sub3A_192 = arith.constant 1 : i32
          %sub3A_193 = arith.subi %while3A_183, %sub3A_192 : i32
          %select_n3A_194 = arith.constant true
          %select_n3A_195 = arith.select %select_n3A_194, %sub3A_193, %while3A_183 : i32
          %eq3A_196 = arith.constant -1 : i32
          %eq3A_197 = arith.cmpi eq, %select_n3A_195, %eq3A_196 : i32
          %sub3A_198 = arith.constant 1 : i32
          %sub3A_199 = arith.subi %select_n3A, %sub3A_198 : i32
          %select_n3A_200 = arith.select %eq3A_197, %sub3A_199, %select_n3A_195 : i32
          %add3A_201 = arith.addi %select_n3A_200, %select_n3A_20 : i32
          %add3A_202 = arith.constant 1 : i32
          %add3A_203 = arith.addi %while3A_183, %add3A_202 : i32
          %select_n3A_204 = arith.constant true
          %select_n3A_205 = arith.select %select_n3A_204, %add3A_203, %while3A_183 : i32
          %eq3A_206 = arith.cmpi eq, %select_n3A_205, %select_n3A : i32
          %select_n3A_207 = arith.constant 0 : i32
          %select_n3A_208 = arith.select %eq3A_206, %select_n3A_207, %select_n3A_205 : i32
          %add3A_209 = arith.addi %select_n3A_208, %select_n3A_20 : i32
          %add3A_210 = arith.constant 1 : i32
          %add3A_211 = arith.addi %select_n3A_208, %add3A_210 : i32
          %select_n3A_212 = arith.constant true
          %select_n3A_213 = arith.select %select_n3A_212, %add3A_211, %select_n3A_208 : i32
          %eq3A_214 = arith.cmpi eq, %select_n3A_213, %select_n3A : i32
          %select_n3A_215 = arith.constant 0 : i32
          %select_n3A_216 = arith.select %eq3A_214, %select_n3A_215, %select_n3A_213 : i32
          %add3A_217 = arith.addi %select_n3A_216, %select_n3A_20 : i32
          %ne3A = arith.cmpi ne, %add3A_191, %add3A_209 : i32
          %or3A = arith.constant false
          %or3A_218 = arith.ori %or3A, %ne3A : i1
          %sub3A_219 = arith.constant 2 : i32
          %sub3A_220 = arith.subi %mul3A_185, %sub3A_219 : i32
          %add3A_221 = arith.constant 1 : i32
          %add3A_222 = arith.addi %sub3A_220, %add3A_221 : i32
          %ge3A = arith.cmpi sge, %while3A_178, %add3A_222 : i32
          %not3A = arith.constant true
          %not3A_223 = arith.xori %ge3A, %not3A : i1
          %and3A = arith.andi %or3A_218, %not3A_223 : i1
          %convert_element_type3A_224 = arith.extui %and3A : i1 to i32
          %cond3A_225 = arith.constant 0 : i32
          %cond3A_226 = arith.cmpi ne, %convert_element_type3A_224, %cond3A_225 : i32
          scf.if %cond3A_226 {
            "tpu.trace_start"() <{level = 10 : i32, message = "ep_copy_in"}> : () -> ()
            %rem3A_332 = arith.constant 2 : i32
            %rem3A_333 = arith.remui %while3A_179, %rem3A_332 : i32
            %mul3A_334 = arith.constant 128 : i32
            %mul3A_335 = arith.muli %mul3A_334, %add3A_209 : i32
            %dma_start3A_336 = arith.constant 0 : i32
            %dma_start3A_337 = arith.constant 0 : i32
            %dma_start3A_338 = tpu.memref_slice %run_scoped3A[%rem3A_333, %dma_start3A_336, %dma_start3A_337] : memref<2x1x128xi32, #tpu.memory_space<vmem>> -> memref<1x1x128xi32, #tpu.memory_space<vmem>>
            %dma_start3A_339 = tpu.memref_squeeze %dma_start3A_338 : memref<1x1x128xi32, #tpu.memory_space<vmem>> -> memref<1x128xi32, #tpu.memory_space<vmem>>
            %dma_start3A_340 = arith.constant 0 : i32
            %dma_start3A_341 = tpu.memref_slice %arg3[%dma_start3A_340, %mul3A_335] : memref<1x320000xi32, #tpu.memory_space<hbm>> -> memref<1x128xi32, #tpu.memory_space<hbm>>
            %dma_start3A_342 = tpu.memref_slice %run_scoped3A_29[%rem3A_333] : memref<2x!tpu.dma_semaphore, #tpu.memory_space<semaphore_mem>> -> memref<1x!tpu.dma_semaphore, #tpu.memory_space<semaphore_mem>>
            %dma_start3A_343 = tpu.memref_squeeze %dma_start3A_342 : memref<1x!tpu.dma_semaphore, #tpu.memory_space<semaphore_mem>> -> memref<!tpu.dma_semaphore, #tpu.memory_space<semaphore_mem>>
            %dma_start3A_344 = arith.constant 0 : i32
            %dma_start3A_345 = arith.constant 0 : i32
            %dma_start3A_346 = tpu.memref_slice %run_scoped3A[%rem3A_333, %dma_start3A_344, %dma_start3A_345] : memref<2x1x128xi32, #tpu.memory_space<vmem>> -> memref<1x1x128xi32, #tpu.memory_space<vmem>>
            %dma_start3A_347 = tpu.memref_squeeze %dma_start3A_346 : memref<1x1x128xi32, #tpu.memory_space<vmem>> -> memref<1x128xi32, #tpu.memory_space<vmem>>
            %dma_start3A_348 = arith.constant 0 : i32
            %dma_start3A_349 = tpu.memref_slice %arg3[%dma_start3A_348, %mul3A_335] : memref<1x320000xi32, #tpu.memory_space<hbm>> -> memref<1x128xi32, #tpu.memory_space<hbm>>
            tpu.enqueue_dma source(%dma_start3A_349 : memref<1x128xi32, #tpu.memory_space<hbm>>) target(%dma_start3A_347 : memref<1x128xi32, #tpu.memory_space<vmem>>) target_semaphore(%dma_start3A_343 : memref<!tpu.dma_semaphore, #tpu.memory_space<semaphore_mem>>)
            "tpu.trace_stop"() : () -> ()
          } else {
          }
          %and3A_227 = arith.constant true
          %and3A_228 = arith.andi %and3A, %and3A_227 : i1
          %add3A_229 = arith.constant 1 : i32
          %add3A_230 = arith.addi %while3A_179, %add3A_229 : i32
          %select_n3A_231 = arith.select %and3A_228, %add3A_230, %while3A_179 : i32
          %ne3A_232 = arith.cmpi ne, %add3A_191, %add3A_209 : i32
          %or3A_233 = arith.constant false
          %or3A_234 = arith.ori %or3A_233, %ne3A_232 : i1
          %sub3A_235 = arith.constant 2 : i32
          %sub3A_236 = arith.subi %mul3A_185, %sub3A_235 : i32
          %add3A_237 = arith.constant 1 : i32
          %add3A_238 = arith.addi %sub3A_236, %add3A_237 : i32
          %ge3A_239 = arith.cmpi sge, %while3A_178, %add3A_238 : i32
          %not3A_240 = arith.constant true
          %not3A_241 = arith.xori %ge3A_239, %not3A_240 : i1
          %and3A_242 = arith.andi %or3A_234, %not3A_241 : i1
          %convert_element_type3A_243 = arith.extui %and3A_242 : i1 to i32
          %cond3A_244 = arith.constant 0 : i32
          %cond3A_245 = arith.cmpi ne, %convert_element_type3A_243, %cond3A_244 : i32
          scf.if %cond3A_245 {
            "tpu.trace_start"() <{level = 10 : i32, message = "ep_copy_in"}> : () -> ()
            %rem3A_332 = arith.constant 2 : i32
            %rem3A_333 = arith.remui %while3A_181, %rem3A_332 : i32
            %mul3A_334 = arith.constant 128 : i32
            %mul3A_335 = arith.muli %mul3A_334, %add3A_209 : i32
            %dma_start3A_336 = arith.constant 0 : i32
            %dma_start3A_337 = arith.constant 0 : i32
            %dma_start3A_338 = tpu.memref_slice %run_scoped3A_30[%rem3A_333, %dma_start3A_336, %dma_start3A_337] : memref<2x1x128xi32, #tpu.memory_space<vmem>> -> memref<1x1x128xi32, #tpu.memory_space<vmem>>
            %dma_start3A_339 = tpu.memref_squeeze %dma_start3A_338 : memref<1x1x128xi32, #tpu.memory_space<vmem>> -> memref<1x128xi32, #tpu.memory_space<vmem>>
            %dma_start3A_340 = arith.constant 0 : i32
            %dma_start3A_341 = tpu.memref_slice %arg4[%dma_start3A_340, %mul3A_335] : memref<1x320000xi32, #tpu.memory_space<hbm>> -> memref<1x128xi32, #tpu.memory_space<hbm>>
            %dma_start3A_342 = tpu.memref_slice %run_scoped3A_31[%rem3A_333] : memref<2x!tpu.dma_semaphore, #tpu.memory_space<semaphore_mem>> -> memref<1x!tpu.dma_semaphore, #tpu.memory_space<semaphore_mem>>
            %dma_start3A_343 = tpu.memref_squeeze %dma_start3A_342 : memref<1x!tpu.dma_semaphore, #tpu.memory_space<semaphore_mem>> -> memref<!tpu.dma_semaphore, #tpu.memory_space<semaphore_mem>>
            %dma_start3A_344 = arith.constant 0 : i32
            %dma_start3A_345 = arith.constant 0 : i32
            %dma_start3A_346 = tpu.memref_slice %run_scoped3A_30[%rem3A_333, %dma_start3A_344, %dma_start3A_345] : memref<2x1x128xi32, #tpu.memory_space<vmem>> -> memref<1x1x128xi32, #tpu.memory_space<vmem>>
            %dma_start3A_347 = tpu.memref_squeeze %dma_start3A_346 : memref<1x1x128xi32, #tpu.memory_space<vmem>> -> memref<1x128xi32, #tpu.memory_space<vmem>>
            %dma_start3A_348 = arith.constant 0 : i32
            %dma_start3A_349 = tpu.memref_slice %arg4[%dma_start3A_348, %mul3A_335] : memref<1x320000xi32, #tpu.memory_space<hbm>> -> memref<1x128xi32, #tpu.memory_space<hbm>>
            tpu.enqueue_dma source(%dma_start3A_349 : memref<1x128xi32, #tpu.memory_space<hbm>>) target(%dma_start3A_347 : memref<1x128xi32, #tpu.memory_space<vmem>>) target_semaphore(%dma_start3A_343 : memref<!tpu.dma_semaphore, #tpu.memory_space<semaphore_mem>>)
            "tpu.trace_stop"() : () -> ()
          } else {
          }
          %and3A_246 = arith.constant true
          %and3A_247 = arith.andi %and3A_242, %and3A_246 : i1
          %add3A_248 = arith.constant 1 : i32
          %add3A_249 = arith.addi %while3A_181, %add3A_248 : i32
          %select_n3A_250 = arith.select %and3A_247, %add3A_249, %while3A_181 : i32
          %ne3A_251 = arith.cmpi ne, %add3A_191, %add3A_201 : i32
          %or3A_252 = arith.constant false
          %or3A_253 = arith.ori %or3A_252, %ne3A_251 : i1
          %or3A_254 = arith.ori %or3A_253, %eq3A_187 : i1
          %convert_element_type3A_255 = arith.extui %or3A_254 : i1 to i32
          %cond3A_256 = arith.constant 0 : i32
          %cond3A_257 = arith.cmpi ne, %convert_element_type3A_255, %cond3A_256 : i32
          scf.if %cond3A_257 {
            "tpu.trace_start"() <{level = 10 : i32, message = "ep_wait_in"}> : () -> ()
            %mul3A_332 = arith.constant 128 : i32
            %mul3A_333 = arith.muli %mul3A_332, %add3A_191 : i32
            %rem3A_334 = arith.constant 2 : i32
            %rem3A_335 = arith.remui %while3A_180, %rem3A_334 : i32
            %dma_wait3A = arith.constant 0 : i32
            %dma_wait3A_336 = arith.constant 0 : i32
            %dma_wait3A_337 = tpu.memref_slice %run_scoped3A[%rem3A_335, %dma_wait3A, %dma_wait3A_336] : memref<2x1x128xi32, #tpu.memory_space<vmem>> -> memref<1x1x128xi32, #tpu.memory_space<vmem>>
            %dma_wait3A_338 = tpu.memref_squeeze %dma_wait3A_337 : memref<1x1x128xi32, #tpu.memory_space<vmem>> -> memref<1x128xi32, #tpu.memory_space<vmem>>
            %dma_wait3A_339 = arith.constant 0 : i32
            %dma_wait3A_340 = tpu.memref_slice %arg3[%dma_wait3A_339, %mul3A_333] : memref<1x320000xi32, #tpu.memory_space<hbm>> -> memref<1x128xi32, #tpu.memory_space<hbm>>
            %dma_wait3A_341 = tpu.memref_slice %run_scoped3A_29[%rem3A_335] : memref<2x!tpu.dma_semaphore, #tpu.memory_space<semaphore_mem>> -> memref<1x!tpu.dma_semaphore, #tpu.memory_space<semaphore_mem>>
            %dma_wait3A_342 = tpu.memref_squeeze %dma_wait3A_341 : memref<1x!tpu.dma_semaphore, #tpu.memory_space<semaphore_mem>> -> memref<!tpu.dma_semaphore, #tpu.memory_space<semaphore_mem>>
            %dma_wait3A_343 = arith.constant 0 : i32
            %dma_wait3A_344 = arith.constant 0 : i32
            %dma_wait3A_345 = tpu.memref_slice %run_scoped3A[%rem3A_335, %dma_wait3A_343, %dma_wait3A_344] : memref<2x1x128xi32, #tpu.memory_space<vmem>> -> memref<1x1x128xi32, #tpu.memory_space<vmem>>
            %dma_wait3A_346 = tpu.memref_squeeze %dma_wait3A_345 : memref<1x1x128xi32, #tpu.memory_space<vmem>> -> memref<1x128xi32, #tpu.memory_space<vmem>>
            %dma_wait3A_347 = arith.constant 0 : i32
            %dma_wait3A_348 = tpu.memref_slice %arg3[%dma_wait3A_347, %mul3A_333] : memref<1x320000xi32, #tpu.memory_space<hbm>> -> memref<1x128xi32, #tpu.memory_space<hbm>>
            tpu.wait_dma2 semaphore(%dma_wait3A_342 : memref<!tpu.dma_semaphore, #tpu.memory_space<semaphore_mem>>) src(%dma_wait3A_348 : memref<1x128xi32, #tpu.memory_space<hbm>>) dst(%dma_wait3A_346 : memref<1x128xi32, #tpu.memory_space<vmem>>)
            "tpu.trace_stop"() : () -> ()
          } else {
          }
          %ne3A_258 = arith.cmpi ne, %add3A_191, %add3A_201 : i32
          %or3A_259 = arith.constant false
          %or3A_260 = arith.ori %or3A_259, %ne3A_258 : i1
          %or3A_261 = arith.ori %or3A_260, %eq3A_187 : i1
          %convert_element_type3A_262 = arith.extui %or3A_261 : i1 to i32
          %cond3A_263 = arith.constant 0 : i32
          %cond3A_264 = arith.cmpi ne, %convert_element_type3A_262, %cond3A_263 : i32
          scf.if %cond3A_264 {
            "tpu.trace_start"() <{level = 10 : i32, message = "ep_wait_in"}> : () -> ()
            %mul3A_332 = arith.constant 128 : i32
            %mul3A_333 = arith.muli %mul3A_332, %add3A_191 : i32
            %rem3A_334 = arith.constant 2 : i32
            %rem3A_335 = arith.remui %while3A_182, %rem3A_334 : i32
            %dma_wait3A = arith.constant 0 : i32
            %dma_wait3A_336 = arith.constant 0 : i32
            %dma_wait3A_337 = tpu.memref_slice %run_scoped3A_30[%rem3A_335, %dma_wait3A, %dma_wait3A_336] : memref<2x1x128xi32, #tpu.memory_space<vmem>> -> memref<1x1x128xi32, #tpu.memory_space<vmem>>
            %dma_wait3A_338 = tpu.memref_squeeze %dma_wait3A_337 : memref<1x1x128xi32, #tpu.memory_space<vmem>> -> memref<1x128xi32, #tpu.memory_space<vmem>>
            %dma_wait3A_339 = arith.constant 0 : i32
            %dma_wait3A_340 = tpu.memref_slice %arg4[%dma_wait3A_339, %mul3A_333] : memref<1x320000xi32, #tpu.memory_space<hbm>> -> memref<1x128xi32, #tpu.memory_space<hbm>>
            %dma_wait3A_341 = tpu.memref_slice %run_scoped3A_31[%rem3A_335] : memref<2x!tpu.dma_semaphore, #tpu.memory_space<semaphore_mem>> -> memref<1x!tpu.dma_semaphore, #tpu.memory_space<semaphore_mem>>
            %dma_wait3A_342 = tpu.memref_squeeze %dma_wait3A_341 : memref<1x!tpu.dma_semaphore, #tpu.memory_space<semaphore_mem>> -> memref<!tpu.dma_semaphore, #tpu.memory_space<semaphore_mem>>
            %dma_wait3A_343 = arith.constant 0 : i32
            %dma_wait3A_344 = arith.constant 0 : i32
            %dma_wait3A_345 = tpu.memref_slice %run_scoped3A_30[%rem3A_335, %dma_wait3A_343, %dma_wait3A_344] : memref<2x1x128xi32, #tpu.memory_space<vmem>> -> memref<1x1x128xi32, #tpu.memory_space<vmem>>
            %dma_wait3A_346 = tpu.memref_squeeze %dma_wait3A_345 : memref<1x1x128xi32, #tpu.memory_space<vmem>> -> memref<1x128xi32, #tpu.memory_space<vmem>>
            %dma_wait3A_347 = arith.constant 0 : i32
            %dma_wait3A_348 = tpu.memref_slice %arg4[%dma_wait3A_347, %mul3A_333] : memref<1x320000xi32, #tpu.memory_space<hbm>> -> memref<1x128xi32, #tpu.memory_space<hbm>>
            tpu.wait_dma2 semaphore(%dma_wait3A_342 : memref<!tpu.dma_semaphore, #tpu.memory_space<semaphore_mem>>) src(%dma_wait3A_348 : memref<1x128xi32, #tpu.memory_space<hbm>>) dst(%dma_wait3A_346 : memref<1x128xi32, #tpu.memory_space<vmem>>)
            "tpu.trace_stop"() : () -> ()
          } else {
          }
          %rem3A_265 = arith.constant 2 : i32
          %rem3A_266 = arith.remui %while3A_180, %rem3A_265 : i32
          %rem3A_267 = arith.constant 2 : i32
          %rem3A_268 = arith.remui %while3A_182, %rem3A_267 : i32
          %run_scoped3A_269 = arith.constant 0 : i32
          "tpu.trace_start"() <{level = 10 : i32, message = "ep_run_kernel"}> : () -> ()
          "tpu.region"() ({
            %run_scoped3A_332 = tpu.sem_alloc : memref<!tpu.dma_semaphore, #tpu.memory_space<semaphore_mem>>
            %dma_start3A_333 = arith.constant 0 : i32
            %dma_start3A_334 = arith.constant 0 : i32
            %dma_start3A_335 = tpu.memref_slice %run_scoped3A[%rem3A_266, %dma_start3A_333, %dma_start3A_334] : memref<2x1x128xi32, #tpu.memory_space<vmem>> -> memref<1x1x128xi32, #tpu.memory_space<vmem>>
            %dma_start3A_336 = tpu.memref_squeeze %dma_start3A_335 : memref<1x1x128xi32, #tpu.memory_space<vmem>> -> memref<1x128xi32, #tpu.memory_space<vmem>>
            %dma_start3A_337 = arith.constant 0 : i32
            %dma_start3A_338 = tpu.memref_slice %dma_start3A_336[%run_scoped3A_269, %dma_start3A_337] : memref<1x128xi32, #tpu.memory_space<vmem>> -> memref<1x128xi32, #tpu.memory_space<vmem>>
            %dma_start3A_339 = tpu.memref_squeeze %dma_start3A_338 : memref<1x128xi32, #tpu.memory_space<vmem>> -> memref<128xi32, #tpu.memory_space<vmem>>
            %dma_start3A_340 = arith.constant 0 : i32
            %dma_start3A_341 = arith.constant 0 : i32
            %dma_start3A_342 = tpu.memref_slice %arg2[%dma_start3A_340, %dma_start3A_341] : memref<10000x128xf32, #tpu.memory_space<hbm>> -> memref<10000x128xf32, #tpu.memory_space<hbm>>
            tpu.enqueue_indirect_dma source(%dma_start3A_342 : memref<10000x128xf32, #tpu.memory_space<hbm>>) target(%arg7 : memref<128x128xf32, #tpu.memory_space<vmem>>) offsets(%dma_start3A_339 : memref<128xi32, #tpu.memory_space<vmem>>) semaphore(%run_scoped3A_332 : memref<!tpu.dma_semaphore, #tpu.memory_space<semaphore_mem>>)
            %dma_wait3A = arith.constant 0 : i32
            %dma_wait3A_343 = arith.constant 0 : i32
            %dma_wait3A_344 = tpu.memref_slice %run_scoped3A[%rem3A_266, %dma_wait3A, %dma_wait3A_343] : memref<2x1x128xi32, #tpu.memory_space<vmem>> -> memref<1x1x128xi32, #tpu.memory_space<vmem>>
            %dma_wait3A_345 = tpu.memref_squeeze %dma_wait3A_344 : memref<1x1x128xi32, #tpu.memory_space<vmem>> -> memref<1x128xi32, #tpu.memory_space<vmem>>
            %dma_wait3A_346 = arith.constant 0 : i32
            %dma_wait3A_347 = tpu.memref_slice %dma_wait3A_345[%run_scoped3A_269, %dma_wait3A_346] : memref<1x128xi32, #tpu.memory_space<vmem>> -> memref<1x128xi32, #tpu.memory_space<vmem>>
            %dma_wait3A_348 = tpu.memref_squeeze %dma_wait3A_347 : memref<1x128xi32, #tpu.memory_space<vmem>> -> memref<128xi32, #tpu.memory_space<vmem>>
            %dma_wait3A_349 = arith.constant 0 : i32
            %dma_wait3A_350 = arith.constant 0 : i32
            %dma_wait3A_351 = tpu.memref_slice %arg2[%dma_wait3A_349, %dma_wait3A_350] : memref<10000x128xf32, #tpu.memory_space<hbm>> -> memref<10000x128xf32, #tpu.memory_space<hbm>>
            tpu.wait_indirect_dma semaphore(%run_scoped3A_332 : memref<!tpu.dma_semaphore, #tpu.memory_space<semaphore_mem>>) src(%dma_wait3A_351 : memref<10000x128xf32, #tpu.memory_space<hbm>>) dst(%arg7 : memref<128x128xf32, #tpu.memory_space<vmem>>)
            tpu.yield
          }) : () -> ()
          %run_scoped3A_270 = arith.constant 0 : i32
          "tpu.region"() ({
            %run_scoped3A_332 = tpu.sem_alloc : memref<!tpu.dma_semaphore, #tpu.memory_space<semaphore_mem>>
            %dma_start3A_333 = arith.constant 0 : i32
            %dma_start3A_334 = arith.constant 0 : i32
            %dma_start3A_335 = tpu.memref_slice %run_scoped3A_30[%rem3A_268, %dma_start3A_333, %dma_start3A_334] : memref<2x1x128xi32, #tpu.memory_space<vmem>> -> memref<1x1x128xi32, #tpu.memory_space<vmem>>
            %dma_start3A_336 = tpu.memref_squeeze %dma_start3A_335 : memref<1x1x128xi32, #tpu.memory_space<vmem>> -> memref<1x128xi32, #tpu.memory_space<vmem>>
            %dma_start3A_337 = arith.constant 0 : i32
            %dma_start3A_338 = tpu.memref_slice %dma_start3A_336[%run_scoped3A_270, %dma_start3A_337] : memref<1x128xi32, #tpu.memory_space<vmem>> -> memref<1x128xi32, #tpu.memory_space<vmem>>
            %dma_start3A_339 = tpu.memref_squeeze %dma_start3A_338 : memref<1x128xi32, #tpu.memory_space<vmem>> -> memref<128xi32, #tpu.memory_space<vmem>>
            %dma_start3A_340 = arith.constant 0 : i32
            %dma_start3A_341 = arith.constant 0 : i32
            %dma_start3A_342 = tpu.memref_slice %arg9[%dma_start3A_340, %dma_start3A_341] : memref<10240x128xf32, #tpu.memory_space<vmem_shared>> -> memref<10240x128xf32, #tpu.memory_space<vmem_shared>>
            tpu.enqueue_indirect_dma source(%arg7 : memref<128x128xf32, #tpu.memory_space<vmem>>) target(%dma_start3A_342 : memref<10240x128xf32, #tpu.memory_space<vmem_shared>>) offsets(%dma_start3A_339 : memref<128xi32, #tpu.memory_space<vmem>>) semaphore(%run_scoped3A_332 : memref<!tpu.dma_semaphore, #tpu.memory_space<semaphore_mem>>) {add = true}
            %dma_wait3A = arith.constant 0 : i32
            %dma_wait3A_343 = arith.constant 0 : i32
            %dma_wait3A_344 = tpu.memref_slice %run_scoped3A_30[%rem3A_268, %dma_wait3A, %dma_wait3A_343] : memref<2x1x128xi32, #tpu.memory_space<vmem>> -> memref<1x1x128xi32, #tpu.memory_space<vmem>>
            %dma_wait3A_345 = tpu.memref_squeeze %dma_wait3A_344 : memref<1x1x128xi32, #tpu.memory_space<vmem>> -> memref<1x128xi32, #tpu.memory_space<vmem>>
            %dma_wait3A_346 = arith.constant 0 : i32
            %dma_wait3A_347 = tpu.memref_slice %dma_wait3A_345[%run_scoped3A_270, %dma_wait3A_346] : memref<1x128xi32, #tpu.memory_space<vmem>> -> memref<1x128xi32, #tpu.memory_space<vmem>>
            %dma_wait3A_348 = tpu.memref_squeeze %dma_wait3A_347 : memref<1x128xi32, #tpu.memory_space<vmem>> -> memref<128xi32, #tpu.memory_space<vmem>>
            %dma_wait3A_349 = arith.constant 0 : i32
            %dma_wait3A_350 = arith.constant 0 : i32
            %dma_wait3A_351 = tpu.memref_slice %arg9[%dma_wait3A_349, %dma_wait3A_350] : memref<10240x128xf32, #tpu.memory_space<vmem_shared>> -> memref<10240x128xf32, #tpu.memory_space<vmem_shared>>
            tpu.wait_indirect_dma semaphore(%run_scoped3A_332 : memref<!tpu.dma_semaphore, #tpu.memory_space<semaphore_mem>>) src(%arg7 : memref<128x128xf32, #tpu.memory_space<vmem>>) dst(%dma_wait3A_351 : memref<10240x128xf32, #tpu.memory_space<vmem_shared>>)
            tpu.yield
          }) : () -> ()
          "tpu.trace_stop"() : () -> ()
          %ne3A_271 = arith.cmpi ne, %add3A_191, %add3A_209 : i32
          %or3A_272 = arith.constant false
          %or3A_273 = arith.ori %or3A_272, %ne3A_271 : i1
          %or3A_274 = arith.ori %or3A_273, %eq3A_190 : i1
          %convert_element_type3A_275 = arith.extui %or3A_274 : i1 to i32
          %cond3A_276 = arith.constant 0 : i32
          %cond3A_277 = arith.cmpi ne, %convert_element_type3A_275, %cond3A_276 : i32
          scf.if %cond3A_277 {
          } else {
          }
          %and3A_278 = arith.constant false
          %and3A_279 = arith.andi %or3A_274, %and3A_278 : i1
          %ne3A_280 = arith.cmpi ne, %add3A_191, %add3A_209 : i32
          %or3A_281 = arith.constant false
          %or3A_282 = arith.ori %or3A_281, %ne3A_280 : i1
          %or3A_283 = arith.ori %or3A_282, %eq3A_190 : i1
          %convert_element_type3A_284 = arith.extui %or3A_283 : i1 to i32
          %cond3A_285 = arith.constant 0 : i32
          %cond3A_286 = arith.cmpi ne, %convert_element_type3A_284, %cond3A_285 : i32
          scf.if %cond3A_286 {
          } else {
          }
          %and3A_287 = arith.constant false
          %and3A_288 = arith.andi %or3A_283, %and3A_287 : i1
          %ne3A_289 = arith.cmpi ne, %add3A_191, %add3A_201 : i32
          %or3A_290 = arith.constant false
          %or3A_291 = arith.ori %or3A_290, %ne3A_289 : i1
          %not3A_292 = arith.constant true
          %not3A_293 = arith.xori %eq3A_187, %not3A_292 : i1
          %and3A_294 = arith.andi %or3A_291, %not3A_293 : i1
          %convert_element_type3A_295 = arith.extui %and3A_294 : i1 to i32
          %cond3A_296 = arith.constant 0 : i32
          %cond3A_297 = arith.cmpi ne, %convert_element_type3A_295, %cond3A_296 : i32
          scf.if %cond3A_297 {
          } else {
          }
          %and3A_298 = arith.constant false
          %and3A_299 = arith.andi %and3A_294, %and3A_298 : i1
          %ne3A_300 = arith.cmpi ne, %add3A_191, %add3A_201 : i32
          %or3A_301 = arith.constant false
          %or3A_302 = arith.ori %or3A_301, %ne3A_300 : i1
          %not3A_303 = arith.constant true
          %not3A_304 = arith.xori %eq3A_187, %not3A_303 : i1
          %and3A_305 = arith.andi %or3A_302, %not3A_304 : i1
          %convert_element_type3A_306 = arith.extui %and3A_305 : i1 to i32
          %cond3A_307 = arith.constant 0 : i32
          %cond3A_308 = arith.cmpi ne, %convert_element_type3A_306, %cond3A_307 : i32
          scf.if %cond3A_308 {
          } else {
          }
          %and3A_309 = arith.constant false
          %and3A_310 = arith.andi %and3A_305, %and3A_309 : i1
          %ne3A_311 = arith.cmpi ne, %add3A_191, %add3A_209 : i32
          %or3A_312 = arith.constant false
          %or3A_313 = arith.ori %or3A_312, %ne3A_311 : i1
          %or3A_314 = arith.ori %or3A_313, %eq3A_190 : i1
          %add3A_315 = arith.constant 1 : i32
          %add3A_316 = arith.addi %while3A_180, %add3A_315 : i32
          %select_n3A_317 = arith.select %or3A_314, %add3A_316, %while3A_180 : i32
          %ne3A_318 = arith.cmpi ne, %add3A_191, %add3A_209 : i32
          %or3A_319 = arith.constant false
          %or3A_320 = arith.ori %or3A_319, %ne3A_318 : i1
          %or3A_321 = arith.ori %or3A_320, %eq3A_190 : i1
          %add3A_322 = arith.constant 1 : i32
          %add3A_323 = arith.addi %while3A_182, %add3A_322 : i32
          %select_n3A_324 = arith.select %or3A_321, %add3A_323, %while3A_182 : i32
          %add3A_325 = arith.constant 1 : i32
          %add3A_326 = arith.addi %while3A_183, %add3A_325 : i32
          %select_n3A_327 = arith.constant true
          %select_n3A_328 = arith.select %select_n3A_327, %add3A_326, %while3A_183 : i32
          %eq3A_329 = arith.cmpi eq, %select_n3A_328, %select_n3A : i32
          %select_n3A_330 = arith.constant 0 : i32
          %select_n3A_331 = arith.select %eq3A_329, %select_n3A_330, %select_n3A_328 : i32
          scf.yield %select_n3A_231, %select_n3A_317, %select_n3A_250, %select_n3A_324, %select_n3A_331 : i32, i32, i32, i32, i32
        }
        %sub3A_127 = arith.constant 1 : i32
        %sub3A_128 = arith.subi %while3A_126#4, %sub3A_127 : i32
        %select_n3A_129 = arith.constant true
        %select_n3A_130 = arith.select %select_n3A_129, %sub3A_128, %while3A_126#4 : i32
        %eq3A_131 = arith.constant -1 : i32
        %eq3A_132 = arith.cmpi eq, %select_n3A_130, %eq3A_131 : i32
        %sub3A_133 = arith.constant 1 : i32
        %sub3A_134 = arith.subi %select_n3A, %sub3A_133 : i32
        %select_n3A_135 = arith.select %eq3A_132, %sub3A_134, %select_n3A_130 : i32
        %sub3A_136 = arith.constant 1 : i32
        %sub3A_137 = arith.subi %mul3A_22, %sub3A_136 : i32
        %mul3A_138 = arith.constant 1 : i32
        %mul3A_139 = arith.muli %mul3A_138, %select_n3A : i32
        %eq3A_140 = arith.constant 0 : i32
        %eq3A_141 = arith.cmpi eq, %sub3A_137, %eq3A_140 : i32
        %sub3A_142 = arith.constant 1 : i32
        %sub3A_143 = arith.subi %mul3A_139, %sub3A_142 : i32
        %eq3A_144 = arith.cmpi eq, %sub3A_137, %sub3A_143 : i32
        %add3A_145 = arith.addi %select_n3A_135, %select_n3A_20 : i32
        %sub3A_146 = arith.constant 1 : i32
        %sub3A_147 = arith.subi %select_n3A_135, %sub3A_146 : i32
        %select_n3A_148 = arith.constant true
        %select_n3A_149 = arith.select %select_n3A_148, %sub3A_147, %select_n3A_135 : i32
        %eq3A_150 = arith.constant -1 : i32
        %eq3A_151 = arith.cmpi eq, %select_n3A_149, %eq3A_150 : i32
        %sub3A_152 = arith.constant 1 : i32
        %sub3A_153 = arith.subi %select_n3A, %sub3A_152 : i32
        %select_n3A_154 = arith.select %eq3A_151, %sub3A_153, %select_n3A_149 : i32
        %add3A_155 = arith.addi %select_n3A_154, %select_n3A_20 : i32
        %add3A_156 = arith.constant 1 : i32
        %add3A_157 = arith.addi %select_n3A_135, %add3A_156 : i32
        %select_n3A_158 = arith.constant true
        %select_n3A_159 = arith.select %select_n3A_158, %add3A_157, %select_n3A_135 : i32
        %eq3A_160 = arith.cmpi eq, %select_n3A_159, %select_n3A : i32
        %select_n3A_161 = arith.constant 0 : i32
        %select_n3A_162 = arith.select %eq3A_160, %select_n3A_161, %select_n3A_159 : i32
        %add3A_163 = arith.addi %select_n3A_162, %select_n3A_20 : i32
        %add3A_164 = arith.constant 1 : i32
        %add3A_165 = arith.addi %select_n3A_162, %add3A_164 : i32
        %select_n3A_166 = arith.constant true
        %select_n3A_167 = arith.select %select_n3A_166, %add3A_165, %select_n3A_162 : i32
        %eq3A_168 = arith.cmpi eq, %select_n3A_167, %select_n3A : i32
        %select_n3A_169 = arith.constant 0 : i32
        %select_n3A_170 = arith.select %eq3A_168, %select_n3A_169, %select_n3A_167 : i32
        %add3A_171 = arith.addi %select_n3A_170, %select_n3A_20 : i32
        %convert_element_type3A_172 = arith.extui %eq3A_144 : i1 to i32
        %cond3A_173 = arith.constant 0 : i32
        %cond3A_174 = arith.cmpi ne, %convert_element_type3A_172, %cond3A_173 : i32
        scf.if %cond3A_174 {
        } else {
        }
        %convert_element_type3A_175 = arith.extui %eq3A_144 : i1 to i32
        %cond3A_176 = arith.constant 0 : i32
        %cond3A_177 = arith.cmpi ne, %convert_element_type3A_175, %cond3A_176 : i32
        scf.if %cond3A_177 {
        } else {
        }
      } else {
      }
      tpu.yield
    }) : () -> ()
    %barrier3A_23 = arith.constant 0 : index
    tpu.barrier barrier_id(%barrier3A_23)
    %scan3A_24 = arith.constant 0 : i32
    %scan3A_25 = arith.constant 10 : i32
    %scan3A_26 = arith.addi %scan3A_24, %scan3A_25 : i32
    %scan3A_27 = arith.constant 1 : i32
    scf.for %scan3A_29 = %scan3A_24 to %scan3A_26 step %scan3A_27  : i32 {
      %mul3A_30 = arith.constant 1 : i32
      %mul3A_31 = arith.muli %scan3A_29, %mul3A_30 : i32
      %add3A_32 = arith.constant 0 : i32
      %add3A_33 = arith.addi %add3A_32, %mul3A_31 : i32
      %mul3A_34 = arith.constant 64 : i32
      %mul3A_35 = arith.muli %add3A_33, %mul3A_34 : i32
      %add3A_36 = arith.addi %mul3A_0, %mul3A_35 : i32
      "tpu.region"() ({
        %run_scoped3A = tpu.sem_alloc : memref<!tpu.dma_semaphore, #tpu.memory_space<semaphore_mem>>
        %dma_start3A = arith.constant 0 : i32
        %dma_start3A_37 = tpu.memref_slice %arg9[%add3A_36, %dma_start3A] : memref<10240x128xf32, #tpu.memory_space<vmem_shared>> -> memref<64x128xf32, #tpu.memory_space<vmem_shared>>
        %dma_start3A_38 = arith.constant 0 : i32
        %dma_start3A_39 = tpu.memref_slice %arg9[%add3A_36, %dma_start3A_38] : memref<10240x128xf32, #tpu.memory_space<vmem_shared>> -> memref<64x128xf32, #tpu.memory_space<vmem_shared>>
        tpu.enqueue_dma source(%dma_start3A_39 : memref<64x128xf32, #tpu.memory_space<vmem_shared>>) target(%arg8 : memref<64x128xf32, #tpu.memory_space<vmem>>) target_semaphore(%run_scoped3A : memref<!tpu.dma_semaphore, #tpu.memory_space<semaphore_mem>>)
        %dma_wait3A = arith.constant 0 : i32
        %dma_wait3A_40 = tpu.memref_slice %arg9[%add3A_36, %dma_wait3A] : memref<10240x128xf32, #tpu.memory_space<vmem_shared>> -> memref<64x128xf32, #tpu.memory_space<vmem_shared>>
        %dma_wait3A_41 = arith.constant 0 : i32
        %dma_wait3A_42 = tpu.memref_slice %arg9[%add3A_36, %dma_wait3A_41] : memref<10240x128xf32, #tpu.memory_space<vmem_shared>> -> memref<64x128xf32, #tpu.memory_space<vmem_shared>>
        tpu.wait_dma2 semaphore(%run_scoped3A : memref<!tpu.dma_semaphore, #tpu.memory_space<semaphore_mem>>) src(%dma_wait3A_42 : memref<64x128xf32, #tpu.memory_space<vmem_shared>>) dst(%arg8 : memref<64x128xf32, #tpu.memory_space<vmem>>)
        tpu.yield
      }) : () -> ()
      "tpu.region"() ({
        %run_scoped3A = tpu.sem_alloc : memref<!tpu.dma_semaphore, #tpu.memory_space<semaphore_mem>>
        %dma_start3A = arith.constant 0 : i32
        %dma_start3A_37 = tpu.memref_slice %arg6[%arg0, %add3A_36, %dma_start3A] : memref<2x10240x128xf32, #tpu.memory_space<hbm>> -> memref<1x64x128xf32, #tpu.memory_space<hbm>>
        %dma_start3A_38 = tpu.memref_squeeze %dma_start3A_37 : memref<1x64x128xf32, #tpu.memory_space<hbm>> -> memref<64x128xf32, #tpu.memory_space<hbm>>
        %dma_start3A_39 = arith.constant 0 : i32
        %dma_start3A_40 = tpu.memref_slice %arg6[%arg0, %add3A_36, %dma_start3A_39] : memref<2x10240x128xf32, #tpu.memory_space<hbm>> -> memref<1x64x128xf32, #tpu.memory_space<hbm>>
        %dma_start3A_41 = tpu.memref_squeeze %dma_start3A_40 : memref<1x64x128xf32, #tpu.memory_space<hbm>> -> memref<64x128xf32, #tpu.memory_space<hbm>>
        tpu.enqueue_dma source(%arg8 : memref<64x128xf32, #tpu.memory_space<vmem>>) target(%dma_start3A_41 : memref<64x128xf32, #tpu.memory_space<hbm>>) target_semaphore(%run_scoped3A : memref<!tpu.dma_semaphore, #tpu.memory_space<semaphore_mem>>)
        %dma_wait3A = arith.constant 0 : i32
        %dma_wait3A_42 = tpu.memref_slice %arg6[%arg0, %add3A_36, %dma_wait3A] : memref<2x10240x128xf32, #tpu.memory_space<hbm>> -> memref<1x64x128xf32, #tpu.memory_space<hbm>>
        %dma_wait3A_43 = tpu.memref_squeeze %dma_wait3A_42 : memref<1x64x128xf32, #tpu.memory_space<hbm>> -> memref<64x128xf32, #tpu.memory_space<hbm>>
        %dma_wait3A_44 = arith.constant 0 : i32
        %dma_wait3A_45 = tpu.memref_slice %arg6[%arg0, %add3A_36, %dma_wait3A_44] : memref<2x10240x128xf32, #tpu.memory_space<hbm>> -> memref<1x64x128xf32, #tpu.memory_space<hbm>>
        %dma_wait3A_46 = tpu.memref_squeeze %dma_wait3A_45 : memref<1x64x128xf32, #tpu.memory_space<hbm>> -> memref<64x128xf32, #tpu.memory_space<hbm>>
        tpu.wait_dma2 semaphore(%run_scoped3A : memref<!tpu.dma_semaphore, #tpu.memory_space<semaphore_mem>>) src(%arg8 : memref<64x128xf32, #tpu.memory_space<vmem>>) dst(%dma_wait3A_46 : memref<64x128xf32, #tpu.memory_space<hbm>>)
        tpu.yield
      }) : () -> ()
    }
    %scan3A_28 = arith.constant 10 : i32
    return
  }
}

#map = affine_map<(d0, d1) -> (0, 0)>
#map1 = affine_map<(d0, d1) -> (0, 0, 0)>
module attributes {stable_mosaic.version = 14 : i64} {
  func.func @body(%arg0: i32, %arg1: i32, %arg2: memref<10000x128xf32, #tpu.memory_space<hbm>>, %arg3: memref<1x320000xi32, #tpu.memory_space<hbm>>, %arg4: memref<1x320000xi32, #tpu.memory_space<hbm>>, %arg5: memref<64x128xf32, #tpu.memory_space<hbm>>, %arg6: memref<2x10240x128xf32, #tpu.memory_space<hbm>>, %arg7: memref<128x128xf32, #tpu.memory_space<vmem>>, %arg8: memref<64x128xf32, #tpu.memory_space<vmem>>, %arg9: memref<10240x128xf32, #tpu.memory_space<vmem_shared>>) attributes {dimension_semantics = [#tpu.dimension_semantics<core_parallel>, #tpu.dimension_semantics<subcore_parallel>], iteration_bounds = array<i64: 2, 16>, scalar_prefetch = 0 : i64, scratch_operands = 3 : i64, tpu.core_type = #tpu.core_type<sc_vector_subcore>, window_params = [{transform_indices = #map}, {transform_indices = #map}, {transform_indices = #map}, {transform_indices = #map}, {transform_indices = #map1}]} {
    %mul3A = arith.constant 640 : i32
    %mul3A_0 = arith.muli %arg1, %mul3A : i32
    "tpu.region"() ({
      %run_scoped3A = tpu.sem_alloc : memref<!tpu.dma_semaphore, #tpu.memory_space<semaphore_mem>>
      tpu.enqueue_dma source(%arg5 : memref<64x128xf32, #tpu.memory_space<hbm>>) target(%arg8 : memref<64x128xf32, #tpu.memory_space<vmem>>) target_semaphore(%run_scoped3A : memref<!tpu.dma_semaphore, #tpu.memory_space<semaphore_mem>>)
      tpu.wait_dma2 semaphore(%run_scoped3A : memref<!tpu.dma_semaphore, #tpu.memory_space<semaphore_mem>>) src(%arg5 : memref<64x128xf32, #tpu.memory_space<hbm>>) dst(%arg8 : memref<64x128xf32, #tpu.memory_space<vmem>>)
      tpu.yield
    }) : () -> ()
    %scan3A = arith.constant 0 : i32
    %scan3A_1 = arith.constant 10 : i32
    %scan3A_2 = arith.addi %scan3A, %scan3A_1 : i32
    %scan3A_3 = arith.constant 1 : i32
    scf.for %scan3A_29 = %scan3A to %scan3A_2 step %scan3A_3  : i32 {
      %mul3A_30 = arith.constant 1 : i32
      %mul3A_31 = arith.muli %scan3A_29, %mul3A_30 : i32
      %add3A_32 = arith.constant 0 : i32
      %add3A_33 = arith.addi %add3A_32, %mul3A_31 : i32
      %mul3A_34 = arith.constant 64 : i32
      %mul3A_35 = arith.muli %add3A_33, %mul3A_34 : i32
      %add3A_36 = arith.addi %mul3A_0, %mul3A_35 : i32
      "tpu.region"() ({
        %run_scoped3A = tpu.sem_alloc : memref<!tpu.dma_semaphore, #tpu.memory_space<semaphore_mem>>
        %dma_start3A = arith.constant 0 : i32
        %dma_start3A_37 = tpu.memref_slice %arg9[%add3A_36, %dma_start3A] : memref<10240x128xf32, #tpu.memory_space<vmem_shared>> -> memref<64x128xf32, #tpu.memory_space<vmem_shared>>
        %dma_start3A_38 = arith.constant 0 : i32
        %dma_start3A_39 = tpu.memref_slice %arg9[%add3A_36, %dma_start3A_38] : memref<10240x128xf32, #tpu.memory_space<vmem_shared>> -> memref<64x128xf32, #tpu.memory_space<vmem_shared>>
        tpu.enqueue_dma source(%arg8 : memref<64x128xf32, #tpu.memory_space<vmem>>) target(%dma_start3A_39 : memref<64x128xf32, #tpu.memory_space<vmem_shared>>) target_semaphore(%run_scoped3A : memref<!tpu.dma_semaphore, #tpu.memory_space<semaphore_mem>>)
        %dma_wait3A = arith.constant 0 : i32
        %dma_wait3A_40 = tpu.memref_slice %arg9[%add3A_36, %dma_wait3A] : memref<10240x128xf32, #tpu.memory_space<vmem_shared>> -> memref<64x128xf32, #tpu.memory_space<vmem_shared>>
        %dma_wait3A_41 = arith.constant 0 : i32
        %dma_wait3A_42 = tpu.memref_slice %arg9[%add3A_36, %dma_wait3A_41] : memref<10240x128xf32, #tpu.memory_space<vmem_shared>> -> memref<64x128xf32, #tpu.memory_space<vmem_shared>>
        tpu.wait_dma2 semaphore(%run_scoped3A : memref<!tpu.dma_semaphore, #tpu.memory_space<semaphore_mem>>) src(%arg8 : memref<64x128xf32, #tpu.memory_space<vmem>>) dst(%dma_wait3A_42 : memref<64x128xf32, #tpu.memory_space<vmem_shared>>)
        tpu.yield
      }) : () -> ()
    }
    %scan3A_4 = arith.constant 10 : i32
    %barrier3A = arith.constant 0 : index
    tpu.barrier barrier_id(%barrier3A)
    %mul3A_5 = arith.constant 1 : i32
    %mul3A_6 = arith.muli %arg1, %mul3A_5 : i32
    %add3A = arith.constant 0 : i32
    %add3A_7 = arith.addi %add3A, %mul3A_6 : i32
    %mul3A_8 = arith.constant 16 : i32
    %mul3A_9 = arith.muli %arg0, %mul3A_8 : i32
    %add3A_10 = arith.addi %add3A_7, %mul3A_9 : i32
    %lt3A = arith.constant 4 : i32
    %lt3A_11 = arith.cmpi slt, %add3A_10, %lt3A : i32
    %jit3A = arith.constant 79 : i32
    %jit3A_12 = arith.constant 78 : i32
    %select_n3A = arith.select %lt3A_11, %jit3A, %jit3A_12 : i32
    %lt3A_13 = arith.constant 4 : i32
    %lt3A_14 = arith.cmpi slt, %add3A_10, %lt3A_13 : i32
    %mul3A_15 = arith.muli %add3A_10, %select_n3A : i32
    %mul3A_16 = arith.constant 78 : i32
    %mul3A_17 = arith.muli %add3A_10, %mul3A_16 : i32
    %add3A_18 = arith.constant 4 : i32
    %add3A_19 = arith.addi %mul3A_17, %add3A_18 : i32
    %select_n3A_20 = arith.select %lt3A_14, %mul3A_15, %add3A_19 : i32
    %mul3A_21 = arith.constant 1 : i32
    %mul3A_22 = arith.muli %mul3A_21, %select_n3A : i32
    "tpu.region"() ({
      %run_scoped3A = memref.alloca() : memref<2x1x128xi32, #tpu.memory_space<vmem>>
      %run_scoped3A_29 = tpu.sem_alloc : memref<2x!tpu.dma_semaphore, #tpu.memory_space<semaphore_mem>>
      %run_scoped3A_30 = memref.alloca() : memref<2x1x128xi32, #tpu.memory_space<vmem>>
      %run_scoped3A_31 = tpu.sem_alloc : memref<2x!tpu.dma_semaphore, #tpu.memory_space<semaphore_mem>>
      %gt3A = arith.constant 0 : i32
      %gt3A_32 = arith.cmpi sgt, %mul3A_22, %gt3A : i32
      %convert_element_type3A = arith.extui %gt3A_32 : i1 to i32
      %cond3A = arith.constant 0 : i32
      %cond3A_33 = arith.cmpi ne, %convert_element_type3A, %cond3A : i32
      scf.if %cond3A_33 {
        %mul3A_34 = arith.constant 1 : i32
        %mul3A_35 = arith.muli %mul3A_34, %select_n3A : i32
        %sub3A = arith.constant 1 : i32
        %sub3A_36 = arith.subi %mul3A_35, %sub3A : i32
        %eq3A = arith.constant 0 : i32
        %eq3A_37 = arith.cmpi eq, %sub3A_36, %eq3A : i32
        %add3A_38 = arith.constant 0 : i32
        %add3A_39 = arith.addi %add3A_38, %select_n3A_20 : i32
        %select_n3A_40 = arith.constant true
        %select_n3A_41 = arith.constant 0 : i32
        %select_n3A_42 = arith.constant -1 : i32
        %select_n3A_43 = arith.select %select_n3A_40, %select_n3A_42, %select_n3A_41 : i32
        %eq3A_44 = arith.constant -1 : i32
        %eq3A_45 = arith.cmpi eq, %select_n3A_43, %eq3A_44 : i32
        %sub3A_46 = arith.constant 1 : i32
        %sub3A_47 = arith.subi %select_n3A, %sub3A_46 : i32
        %select_n3A_48 = arith.select %eq3A_45, %sub3A_47, %select_n3A_43 : i32
        %add3A_49 = arith.addi %select_n3A_48, %select_n3A_20 : i32
        %select_n3A_50 = arith.constant true
        %select_n3A_51 = arith.constant 0 : i32
        %select_n3A_52 = arith.constant 1 : i32
        %select_n3A_53 = arith.select %select_n3A_50, %select_n3A_52, %select_n3A_51 : i32
        %eq3A_54 = arith.cmpi eq, %select_n3A_53, %select_n3A : i32
        %select_n3A_55 = arith.constant 0 : i32
        %select_n3A_56 = arith.select %eq3A_54, %select_n3A_55, %select_n3A_53 : i32
        %add3A_57 = arith.addi %select_n3A_56, %select_n3A_20 : i32
        %add3A_58 = arith.constant 1 : i32
        %add3A_59 = arith.addi %select_n3A_56, %add3A_58 : i32
        %select_n3A_60 = arith.constant true
        %select_n3A_61 = arith.select %select_n3A_60, %add3A_59, %select_n3A_56 : i32
        %eq3A_62 = arith.cmpi eq, %select_n3A_61, %select_n3A : i32
        %select_n3A_63 = arith.constant 0 : i32
        %select_n3A_64 = arith.select %eq3A_62, %select_n3A_63, %select_n3A_61 : i32
        %add3A_65 = arith.addi %select_n3A_64, %select_n3A_20 : i32
        "tpu.trace_start"() <{level = 10 : i32, message = "ep_initialize_0"}> : () -> ()
        %rem3A = arith.constant 0 : i32
        %rem3A_66 = arith.constant 2 : i32
        %rem3A_67 = arith.remui %rem3A, %rem3A_66 : i32
        %mul3A_68 = arith.constant 128 : i32
        %mul3A_69 = arith.muli %mul3A_68, %add3A_39 : i32
        %dma_start3A = arith.constant 0 : i32
        %dma_start3A_70 = arith.constant 0 : i32
        %dma_start3A_71 = tpu.memref_slice %run_scoped3A[%rem3A_67, %dma_start3A, %dma_start3A_70] : memref<2x1x128xi32, #tpu.memory_space<vmem>> -> memref<1x1x128xi32, #tpu.memory_space<vmem>>
        %dma_start3A_72 = tpu.memref_squeeze %dma_start3A_71 : memref<1x1x128xi32, #tpu.memory_space<vmem>> -> memref<1x128xi32, #tpu.memory_space<vmem>>
        %dma_start3A_73 = arith.constant 0 : i32
        %dma_start3A_74 = tpu.memref_slice %arg3[%dma_start3A_73, %mul3A_69] : memref<1x320000xi32, #tpu.memory_space<hbm>> -> memref<1x128xi32, #tpu.memory_space<hbm>>
        %dma_start3A_75 = tpu.memref_slice %run_scoped3A_29[%rem3A_67] : memref<2x!tpu.dma_semaphore, #tpu.memory_space<semaphore_mem>> -> memref<1x!tpu.dma_semaphore, #tpu.memory_space<semaphore_mem>>
        %dma_start3A_76 = tpu.memref_squeeze %dma_start3A_75 : memref<1x!tpu.dma_semaphore, #tpu.memory_space<semaphore_mem>> -> memref<!tpu.dma_semaphore, #tpu.memory_space<semaphore_mem>>
        %dma_start3A_77 = arith.constant 0 : i32
        %dma_start3A_78 = arith.constant 0 : i32
        %dma_start3A_79 = tpu.memref_slice %run_scoped3A[%rem3A_67, %dma_start3A_77, %dma_start3A_78] : memref<2x1x128xi32, #tpu.memory_space<vmem>> -> memref<1x1x128xi32, #tpu.memory_space<vmem>>
        %dma_start3A_80 = tpu.memref_squeeze %dma_start3A_79 : memref<1x1x128xi32, #tpu.memory_space<vmem>> -> memref<1x128xi32, #tpu.memory_space<vmem>>
        %dma_start3A_81 = arith.constant 0 : i32
        %dma_start3A_82 = tpu.memref_slice %arg3[%dma_start3A_81, %mul3A_69] : memref<1x320000xi32, #tpu.memory_space<hbm>> -> memref<1x128xi32, #tpu.memory_space<hbm>>
        tpu.enqueue_dma source(%dma_start3A_82 : memref<1x128xi32, #tpu.memory_space<hbm>>) target(%dma_start3A_80 : memref<1x128xi32, #tpu.memory_space<vmem>>) target_semaphore(%dma_start3A_76 : memref<!tpu.dma_semaphore, #tpu.memory_space<semaphore_mem>>)
        %add3A_83 = arith.constant 0 : i32
        %add3A_84 = arith.constant 1 : i32
        %add3A_85 = arith.addi %add3A_83, %add3A_84 : i32
        %select_n3A_86 = arith.constant true
        %select_n3A_87 = arith.constant 0 : i32
        %select_n3A_88 = arith.select %select_n3A_86, %add3A_85, %select_n3A_87 : i32
        %rem3A_89 = arith.constant 0 : i32
        %rem3A_90 = arith.constant 2 : i32
        %rem3A_91 = arith.remui %rem3A_89, %rem3A_90 : i32
        %mul3A_92 = arith.constant 128 : i32
        %mul3A_93 = arith.muli %mul3A_92, %add3A_39 : i32
        %dma_start3A_94 = arith.constant 0 : i32
        %dma_start3A_95 = arith.constant 0 : i32
        %dma_start3A_96 = tpu.memref_slice %run_scoped3A_30[%rem3A_91, %dma_start3A_94, %dma_start3A_95] : memref<2x1x128xi32, #tpu.memory_space<vmem>> -> memref<1x1x128xi32, #tpu.memory_space<vmem>>
        %dma_start3A_97 = tpu.memref_squeeze %dma_start3A_96 : memref<1x1x128xi32, #tpu.memory_space<vmem>> -> memref<1x128xi32, #tpu.memory_space<vmem>>
        %dma_start3A_98 = arith.constant 0 : i32
        %dma_start3A_99 = tpu.memref_slice %arg4[%dma_start3A_98, %mul3A_93] : memref<1x320000xi32, #tpu.memory_space<hbm>> -> memref<1x128xi32, #tpu.memory_space<hbm>>
        %dma_start3A_100 = tpu.memref_slice %run_scoped3A_31[%rem3A_91] : memref<2x!tpu.dma_semaphore, #tpu.memory_space<semaphore_mem>> -> memref<1x!tpu.dma_semaphore, #tpu.memory_space<semaphore_mem>>
        %dma_start3A_101 = tpu.memref_squeeze %dma_start3A_100 : memref<1x!tpu.dma_semaphore, #tpu.memory_space<semaphore_mem>> -> memref<!tpu.dma_semaphore, #tpu.memory_space<semaphore_mem>>
        %dma_start3A_102 = arith.constant 0 : i32
        %dma_start3A_103 = arith.constant 0 : i32
        %dma_start3A_104 = tpu.memref_slice %run_scoped3A_30[%rem3A_91, %dma_start3A_102, %dma_start3A_103] : memref<2x1x128xi32, #tpu.memory_space<vmem>> -> memref<1x1x128xi32, #tpu.memory_space<vmem>>
        %dma_start3A_105 = tpu.memref_squeeze %dma_start3A_104 : memref<1x1x128xi32, #tpu.memory_space<vmem>> -> memref<1x128xi32, #tpu.memory_space<vmem>>
        %dma_start3A_106 = arith.constant 0 : i32
        %dma_start3A_107 = tpu.memref_slice %arg4[%dma_start3A_106, %mul3A_93] : memref<1x320000xi32, #tpu.memory_space<hbm>> -> memref<1x128xi32, #tpu.memory_space<hbm>>
        tpu.enqueue_dma source(%dma_start3A_107 : memref<1x128xi32, #tpu.memory_space<hbm>>) target(%dma_start3A_105 : memref<1x128xi32, #tpu.memory_space<vmem>>) target_semaphore(%dma_start3A_101 : memref<!tpu.dma_semaphore, #tpu.memory_space<semaphore_mem>>)
        %add3A_108 = arith.constant 0 : i32
        %add3A_109 = arith.constant 1 : i32
        %add3A_110 = arith.addi %add3A_108, %add3A_109 : i32
        %select_n3A_111 = arith.constant true
        %select_n3A_112 = arith.constant 0 : i32
        %select_n3A_113 = arith.select %select_n3A_111, %add3A_110, %select_n3A_112 : i32
        %while3A = arith.constant 0 : i32
        %while3A_114 = arith.constant 0 : i32
        %while3A_115 = arith.constant 0 : i32
        %while3A_116 = arith.constant 0 : i32
        "tpu.trace_stop"() : () -> ()
        %while3A_117 = arith.subi %mul3A_22, %while3A : i32
        %while3A_118 = arith.addi %while3A, %while3A_117 : i32
        %while3A_119 = arith.constant 1 : i32
        %while3A_120 = arith.divsi %while3A_117, %while3A_119 : i32
        %while3A_121 = arith.muli %while3A_120, %while3A_119 : i32
        %while3A_122 = arith.addi %while3A, %while3A_121 : i32
        %while3A_123 = arith.constant 1 : i32
        %while3A_124:5 = scf.for %while3A_178 = %while3A to %while3A_122 step %while3A_123 iter_args(%while3A_179 = %select_n3A_88, %while3A_180 = %while3A_114, %while3A_181 = %select_n3A_113, %while3A_182 = %while3A_115, %while3A_183 = %while3A_116) -> (i32, i32, i32, i32, i32)  : i32 {
          %mul3A_184 = arith.constant 1 : i32
          %mul3A_185 = arith.muli %mul3A_184, %select_n3A : i32
          %eq3A_186 = arith.constant 0 : i32
          %eq3A_187 = arith.cmpi eq, %while3A_178, %eq3A_186 : i32
          %sub3A_188 = arith.constant 1 : i32
          %sub3A_189 = arith.subi %mul3A_185, %sub3A_188 : i32
          %eq3A_190 = arith.cmpi eq, %while3A_178, %sub3A_189 : i32
          %add3A_191 = arith.addi %while3A_183, %select_n3A_20 : i32
          %sub3A_192 = arith.constant 1 : i32
          %sub3A_193 = arith.subi %while3A_183, %sub3A_192 : i32
          %select_n3A_194 = arith.constant true
          %select_n3A_195 = arith.select %select_n3A_194, %sub3A_193, %while3A_183 : i32
          %eq3A_196 = arith.constant -1 : i32
          %eq3A_197 = arith.cmpi eq, %select_n3A_195, %eq3A_196 : i32
          %sub3A_198 = arith.constant 1 : i32
          %sub3A_199 = arith.subi %select_n3A, %sub3A_198 : i32
          %select_n3A_200 = arith.select %eq3A_197, %sub3A_199, %select_n3A_195 : i32
          %add3A_201 = arith.addi %select_n3A_200, %select_n3A_20 : i32
          %add3A_202 = arith.constant 1 : i32
          %add3A_203 = arith.addi %while3A_183, %add3A_202 : i32
          %select_n3A_204 = arith.constant true
          %select_n3A_205 = arith.select %select_n3A_204, %add3A_203, %while3A_183 : i32
          %eq3A_206 = arith.cmpi eq, %select_n3A_205, %select_n3A : i32
          %select_n3A_207 = arith.constant 0 : i32
          %select_n3A_208 = arith.select %eq3A_206, %select_n3A_207, %select_n3A_205 : i32
          %add3A_209 = arith.addi %select_n3A_208, %select_n3A_20 : i32
          %add3A_210 = arith.constant 1 : i32
          %add3A_211 = arith.addi %select_n3A_208, %add3A_210 : i32
          %select_n3A_212 = arith.constant true
          %select_n3A_213 = arith.select %select_n3A_212, %add3A_211, %select_n3A_208 : i32
          %eq3A_214 = arith.cmpi eq, %select_n3A_213, %select_n3A : i32
          %select_n3A_215 = arith.constant 0 : i32
          %select_n3A_216 = arith.select %eq3A_214, %select_n3A_215, %select_n3A_213 : i32
          %add3A_217 = arith.addi %select_n3A_216, %select_n3A_20 : i32
          %ne3A = arith.cmpi ne, %add3A_191, %add3A_209 : i32
          %or3A = arith.constant false
          %or3A_218 = arith.ori %or3A, %ne3A : i1
          %sub3A_219 = arith.constant 2 : i32
          %sub3A_220 = arith.subi %mul3A_185, %sub3A_219 : i32
          %add3A_221 = arith.constant 1 : i32
          %add3A_222 = arith.addi %sub3A_220, %add3A_221 : i32
          %ge3A = arith.cmpi sge, %while3A_178, %add3A_222 : i32
          %not3A = arith.constant true
          %not3A_223 = arith.xori %ge3A, %not3A : i1
          %and3A = arith.andi %or3A_218, %not3A_223 : i1
          %convert_element_type3A_224 = arith.extui %and3A : i1 to i32
          %cond3A_225 = arith.constant 0 : i32
          %cond3A_226 = arith.cmpi ne, %convert_element_type3A_224, %cond3A_225 : i32
          scf.if %cond3A_226 {
            "tpu.trace_start"() <{level = 10 : i32, message = "ep_copy_in"}> : () -> ()
            %rem3A_332 = arith.constant 2 : i32
            %rem3A_333 = arith.remui %while3A_179, %rem3A_332 : i32
            %mul3A_334 = arith.constant 128 : i32
            %mul3A_335 = arith.muli %mul3A_334, %add3A_209 : i32
            %dma_start3A_336 = arith.constant 0 : i32
            %dma_start3A_337 = arith.constant 0 : i32
            %dma_start3A_338 = tpu.memref_slice %run_scoped3A[%rem3A_333, %dma_start3A_336, %dma_start3A_337] : memref<2x1x128xi32, #tpu.memory_space<vmem>> -> memref<1x1x128xi32, #tpu.memory_space<vmem>>
            %dma_start3A_339 = tpu.memref_squeeze %dma_start3A_338 : memref<1x1x128xi32, #tpu.memory_space<vmem>> -> memref<1x128xi32, #tpu.memory_space<vmem>>
            %dma_start3A_340 = arith.constant 0 : i32
            %dma_start3A_341 = tpu.memref_slice %arg3[%dma_start3A_340, %mul3A_335] : memref<1x320000xi32, #tpu.memory_space<hbm>> -> memref<1x128xi32, #tpu.memory_space<hbm>>
            %dma_start3A_342 = tpu.memref_slice %run_scoped3A_29[%rem3A_333] : memref<2x!tpu.dma_semaphore, #tpu.memory_space<semaphore_mem>> -> memref<1x!tpu.dma_semaphore, #tpu.memory_space<semaphore_mem>>
            %dma_start3A_343 = tpu.memref_squeeze %dma_start3A_342 : memref<1x!tpu.dma_semaphore, #tpu.memory_space<semaphore_mem>> -> memref<!tpu.dma_semaphore, #tpu.memory_space<semaphore_mem>>
            %dma_start3A_344 = arith.constant 0 : i32
            %dma_start3A_345 = arith.constant 0 : i32
            %dma_start3A_346 = tpu.memref_slice %run_scoped3A[%rem3A_333, %dma_start3A_344, %dma_start3A_345] : memref<2x1x128xi32, #tpu.memory_space<vmem>> -> memref<1x1x128xi32, #tpu.memory_space<vmem>>
            %dma_start3A_347 = tpu.memref_squeeze %dma_start3A_346 : memref<1x1x128xi32, #tpu.memory_space<vmem>> -> memref<1x128xi32, #tpu.memory_space<vmem>>
            %dma_start3A_348 = arith.constant 0 : i32
            %dma_start3A_349 = tpu.memref_slice %arg3[%dma_start3A_348, %mul3A_335] : memref<1x320000xi32, #tpu.memory_space<hbm>> -> memref<1x128xi32, #tpu.memory_space<hbm>>
            tpu.enqueue_dma source(%dma_start3A_349 : memref<1x128xi32, #tpu.memory_space<hbm>>) target(%dma_start3A_347 : memref<1x128xi32, #tpu.memory_space<vmem>>) target_semaphore(%dma_start3A_343 : memref<!tpu.dma_semaphore, #tpu.memory_space<semaphore_mem>>)
            "tpu.trace_stop"() : () -> ()
          } else {
          }
          %and3A_227 = arith.constant true
          %and3A_228 = arith.andi %and3A, %and3A_227 : i1
          %add3A_229 = arith.constant 1 : i32
          %add3A_230 = arith.addi %while3A_179, %add3A_229 : i32
          %select_n3A_231 = arith.select %and3A_228, %add3A_230, %while3A_179 : i32
          %ne3A_232 = arith.cmpi ne, %add3A_191, %add3A_209 : i32
          %or3A_233 = arith.constant false
          %or3A_234 = arith.ori %or3A_233, %ne3A_232 : i1
          %sub3A_235 = arith.constant 2 : i32
          %sub3A_236 = arith.subi %mul3A_185, %sub3A_235 : i32
          %add3A_237 = arith.constant 1 : i32
          %add3A_238 = arith.addi %sub3A_236, %add3A_237 : i32
          %ge3A_239 = arith.cmpi sge, %while3A_178, %add3A_238 : i32
          %not3A_240 = arith.constant true
          %not3A_241 = arith.xori %ge3A_239, %not3A_240 : i1
          %and3A_242 = arith.andi %or3A_234, %not3A_241 : i1
          %convert_element_type3A_243 = arith.extui %and3A_242 : i1 to i32
          %cond3A_244 = arith.constant 0 : i32
          %cond3A_245 = arith.cmpi ne, %convert_element_type3A_243, %cond3A_244 : i32
          scf.if %cond3A_245 {
            "tpu.trace_start"() <{level = 10 : i32, message = "ep_copy_in"}> : () -> ()
            %rem3A_332 = arith.constant 2 : i32
            %rem3A_333 = arith.remui %while3A_181, %rem3A_332 : i32
            %mul3A_334 = arith.constant 128 : i32
            %mul3A_335 = arith.muli %mul3A_334, %add3A_209 : i32
            %dma_start3A_336 = arith.constant 0 : i32
            %dma_start3A_337 = arith.constant 0 : i32
            %dma_start3A_338 = tpu.memref_slice %run_scoped3A_30[%rem3A_333, %dma_start3A_336, %dma_start3A_337] : memref<2x1x128xi32, #tpu.memory_space<vmem>> -> memref<1x1x128xi32, #tpu.memory_space<vmem>>
            %dma_start3A_339 = tpu.memref_squeeze %dma_start3A_338 : memref<1x1x128xi32, #tpu.memory_space<vmem>> -> memref<1x128xi32, #tpu.memory_space<vmem>>
            %dma_start3A_340 = arith.constant 0 : i32
            %dma_start3A_341 = tpu.memref_slice %arg4[%dma_start3A_340, %mul3A_335] : memref<1x320000xi32, #tpu.memory_space<hbm>> -> memref<1x128xi32, #tpu.memory_space<hbm>>
            %dma_start3A_342 = tpu.memref_slice %run_scoped3A_31[%rem3A_333] : memref<2x!tpu.dma_semaphore, #tpu.memory_space<semaphore_mem>> -> memref<1x!tpu.dma_semaphore, #tpu.memory_space<semaphore_mem>>
            %dma_start3A_343 = tpu.memref_squeeze %dma_start3A_342 : memref<1x!tpu.dma_semaphore, #tpu.memory_space<semaphore_mem>> -> memref<!tpu.dma_semaphore, #tpu.memory_space<semaphore_mem>>
            %dma_start3A_344 = arith.constant 0 : i32
            %dma_start3A_345 = arith.constant 0 : i32
            %dma_start3A_346 = tpu.memref_slice %run_scoped3A_30[%rem3A_333, %dma_start3A_344, %dma_start3A_345] : memref<2x1x128xi32, #tpu.memory_space<vmem>> -> memref<1x1x128xi32, #tpu.memory_space<vmem>>
            %dma_start3A_347 = tpu.memref_squeeze %dma_start3A_346 : memref<1x1x128xi32, #tpu.memory_space<vmem>> -> memref<1x128xi32, #tpu.memory_space<vmem>>
            %dma_start3A_348 = arith.constant 0 : i32
            %dma_start3A_349 = tpu.memref_slice %arg4[%dma_start3A_348, %mul3A_335] : memref<1x320000xi32, #tpu.memory_space<hbm>> -> memref<1x128xi32, #tpu.memory_space<hbm>>
            tpu.enqueue_dma source(%dma_start3A_349 : memref<1x128xi32, #tpu.memory_space<hbm>>) target(%dma_start3A_347 : memref<1x128xi32, #tpu.memory_space<vmem>>) target_semaphore(%dma_start3A_343 : memref<!tpu.dma_semaphore, #tpu.memory_space<semaphore_mem>>)
            "tpu.trace_stop"() : () -> ()
          } else {
          }
          %and3A_246 = arith.constant true
          %and3A_247 = arith.andi %and3A_242, %and3A_246 : i1
          %add3A_248 = arith.constant 1 : i32
          %add3A_249 = arith.addi %while3A_181, %add3A_248 : i32
          %select_n3A_250 = arith.select %and3A_247, %add3A_249, %while3A_181 : i32
          %ne3A_251 = arith.cmpi ne, %add3A_191, %add3A_201 : i32
          %or3A_252 = arith.constant false
          %or3A_253 = arith.ori %or3A_252, %ne3A_251 : i1
          %or3A_254 = arith.ori %or3A_253, %eq3A_187 : i1
          %convert_element_type3A_255 = arith.extui %or3A_254 : i1 to i32
          %cond3A_256 = arith.constant 0 : i32
          %cond3A_257 = arith.cmpi ne, %convert_element_type3A_255, %cond3A_256 : i32
          scf.if %cond3A_257 {
            "tpu.trace_start"() <{level = 10 : i32, message = "ep_wait_in"}> : () -> ()
            %mul3A_332 = arith.constant 128 : i32
            %mul3A_333 = arith.muli %mul3A_332, %add3A_191 : i32
            %rem3A_334 = arith.constant 2 : i32
            %rem3A_335 = arith.remui %while3A_180, %rem3A_334 : i32
            %dma_wait3A = arith.constant 0 : i32
            %dma_wait3A_336 = arith.constant 0 : i32
            %dma_wait3A_337 = tpu.memref_slice %run_scoped3A[%rem3A_335, %dma_wait3A, %dma_wait3A_336] : memref<2x1x128xi32, #tpu.memory_space<vmem>> -> memref<1x1x128xi32, #tpu.memory_space<vmem>>
            %dma_wait3A_338 = tpu.memref_squeeze %dma_wait3A_337 : memref<1x1x128xi32, #tpu.memory_space<vmem>> -> memref<1x128xi32, #tpu.memory_space<vmem>>
            %dma_wait3A_339 = arith.constant 0 : i32
            %dma_wait3A_340 = tpu.memref_slice %arg3[%dma_wait3A_339, %mul3A_333] : memref<1x320000xi32, #tpu.memory_space<hbm>> -> memref<1x128xi32, #tpu.memory_space<hbm>>
            %dma_wait3A_341 = tpu.memref_slice %run_scoped3A_29[%rem3A_335] : memref<2x!tpu.dma_semaphore, #tpu.memory_space<semaphore_mem>> -> memref<1x!tpu.dma_semaphore, #tpu.memory_space<semaphore_mem>>
            %dma_wait3A_342 = tpu.memref_squeeze %dma_wait3A_341 : memref<1x!tpu.dma_semaphore, #tpu.memory_space<semaphore_mem>> -> memref<!tpu.dma_semaphore, #tpu.memory_space<semaphore_mem>>
            %dma_wait3A_343 = arith.constant 0 : i32
            %dma_wait3A_344 = arith.constant 0 : i32
            %dma_wait3A_345 = tpu.memref_slice %run_scoped3A[%rem3A_335, %dma_wait3A_343, %dma_wait3A_344] : memref<2x1x128xi32, #tpu.memory_space<vmem>> -> memref<1x1x128xi32, #tpu.memory_space<vmem>>
            %dma_wait3A_346 = tpu.memref_squeeze %dma_wait3A_345 : memref<1x1x128xi32, #tpu.memory_space<vmem>> -> memref<1x128xi32, #tpu.memory_space<vmem>>
            %dma_wait3A_347 = arith.constant 0 : i32
            %dma_wait3A_348 = tpu.memref_slice %arg3[%dma_wait3A_347, %mul3A_333] : memref<1x320000xi32, #tpu.memory_space<hbm>> -> memref<1x128xi32, #tpu.memory_space<hbm>>
            tpu.wait_dma2 semaphore(%dma_wait3A_342 : memref<!tpu.dma_semaphore, #tpu.memory_space<semaphore_mem>>) src(%dma_wait3A_348 : memref<1x128xi32, #tpu.memory_space<hbm>>) dst(%dma_wait3A_346 : memref<1x128xi32, #tpu.memory_space<vmem>>)
            "tpu.trace_stop"() : () -> ()
          } else {
          }
          %ne3A_258 = arith.cmpi ne, %add3A_191, %add3A_201 : i32
          %or3A_259 = arith.constant false
          %or3A_260 = arith.ori %or3A_259, %ne3A_258 : i1
          %or3A_261 = arith.ori %or3A_260, %eq3A_187 : i1
          %convert_element_type3A_262 = arith.extui %or3A_261 : i1 to i32
          %cond3A_263 = arith.constant 0 : i32
          %cond3A_264 = arith.cmpi ne, %convert_element_type3A_262, %cond3A_263 : i32
          scf.if %cond3A_264 {
            "tpu.trace_start"() <{level = 10 : i32, message = "ep_wait_in"}> : () -> ()
            %mul3A_332 = arith.constant 128 : i32
            %mul3A_333 = arith.muli %mul3A_332, %add3A_191 : i32
            %rem3A_334 = arith.constant 2 : i32
            %rem3A_335 = arith.remui %while3A_182, %rem3A_334 : i32
            %dma_wait3A = arith.constant 0 : i32
            %dma_wait3A_336 = arith.constant 0 : i32
            %dma_wait3A_337 = tpu.memref_slice %run_scoped3A_30[%rem3A_335, %dma_wait3A, %dma_wait3A_336] : memref<2x1x128xi32, #tpu.memory_space<vmem>> -> memref<1x1x128xi32, #tpu.memory_space<vmem>>
            %dma_wait3A_338 = tpu.memref_squeeze %dma_wait3A_337 : memref<1x1x128xi32, #tpu.memory_space<vmem>> -> memref<1x128xi32, #tpu.memory_space<vmem>>
            %dma_wait3A_339 = arith.constant 0 : i32
            %dma_wait3A_340 = tpu.memref_slice %arg4[%dma_wait3A_339, %mul3A_333] : memref<1x320000xi32, #tpu.memory_space<hbm>> -> memref<1x128xi32, #tpu.memory_space<hbm>>
            %dma_wait3A_341 = tpu.memref_slice %run_scoped3A_31[%rem3A_335] : memref<2x!tpu.dma_semaphore, #tpu.memory_space<semaphore_mem>> -> memref<1x!tpu.dma_semaphore, #tpu.memory_space<semaphore_mem>>
            %dma_wait3A_342 = tpu.memref_squeeze %dma_wait3A_341 : memref<1x!tpu.dma_semaphore, #tpu.memory_space<semaphore_mem>> -> memref<!tpu.dma_semaphore, #tpu.memory_space<semaphore_mem>>
            %dma_wait3A_343 = arith.constant 0 : i32
            %dma_wait3A_344 = arith.constant 0 : i32
            %dma_wait3A_345 = tpu.memref_slice %run_scoped3A_30[%rem3A_335, %dma_wait3A_343, %dma_wait3A_344] : memref<2x1x128xi32, #tpu.memory_space<vmem>> -> memref<1x1x128xi32, #tpu.memory_space<vmem>>
            %dma_wait3A_346 = tpu.memref_squeeze %dma_wait3A_345 : memref<1x1x128xi32, #tpu.memory_space<vmem>> -> memref<1x128xi32, #tpu.memory_space<vmem>>
            %dma_wait3A_347 = arith.constant 0 : i32
            %dma_wait3A_348 = tpu.memref_slice %arg4[%dma_wait3A_347, %mul3A_333] : memref<1x320000xi32, #tpu.memory_space<hbm>> -> memref<1x128xi32, #tpu.memory_space<hbm>>
            tpu.wait_dma2 semaphore(%dma_wait3A_342 : memref<!tpu.dma_semaphore, #tpu.memory_space<semaphore_mem>>) src(%dma_wait3A_348 : memref<1x128xi32, #tpu.memory_space<hbm>>) dst(%dma_wait3A_346 : memref<1x128xi32, #tpu.memory_space<vmem>>)
            "tpu.trace_stop"() : () -> ()
          } else {
          }
          %rem3A_265 = arith.constant 2 : i32
          %rem3A_266 = arith.remui %while3A_180, %rem3A_265 : i32
          %rem3A_267 = arith.constant 2 : i32
          %rem3A_268 = arith.remui %while3A_182, %rem3A_267 : i32
          %run_scoped3A_269 = arith.constant 0 : i32
          "tpu.trace_start"() <{level = 10 : i32, message = "ep_run_kernel"}> : () -> ()
          "tpu.region"() ({
            %run_scoped3A_332 = tpu.sem_alloc : memref<!tpu.dma_semaphore, #tpu.memory_space<semaphore_mem>>
            %dma_start3A_333 = arith.constant 0 : i32
            %dma_start3A_334 = arith.constant 0 : i32
            %dma_start3A_335 = tpu.memref_slice %run_scoped3A[%rem3A_266, %dma_start3A_333, %dma_start3A_334] : memref<2x1x128xi32, #tpu.memory_space<vmem>> -> memref<1x1x128xi32, #tpu.memory_space<vmem>>
            %dma_start3A_336 = tpu.memref_squeeze %dma_start3A_335 : memref<1x1x128xi32, #tpu.memory_space<vmem>> -> memref<1x128xi32, #tpu.memory_space<vmem>>
            %dma_start3A_337 = arith.constant 0 : i32
            %dma_start3A_338 = tpu.memref_slice %dma_start3A_336[%run_scoped3A_269, %dma_start3A_337] : memref<1x128xi32, #tpu.memory_space<vmem>> -> memref<1x128xi32, #tpu.memory_space<vmem>>
            %dma_start3A_339 = tpu.memref_squeeze %dma_start3A_338 : memref<1x128xi32, #tpu.memory_space<vmem>> -> memref<128xi32, #tpu.memory_space<vmem>>
            %dma_start3A_340 = arith.constant 0 : i32
            %dma_start3A_341 = arith.constant 0 : i32
            %dma_start3A_342 = tpu.memref_slice %arg2[%dma_start3A_340, %dma_start3A_341] : memref<10000x128xf32, #tpu.memory_space<hbm>> -> memref<10000x128xf32, #tpu.memory_space<hbm>>
            tpu.enqueue_indirect_dma source(%dma_start3A_342 : memref<10000x128xf32, #tpu.memory_space<hbm>>) target(%arg7 : memref<128x128xf32, #tpu.memory_space<vmem>>) offsets(%dma_start3A_339 : memref<128xi32, #tpu.memory_space<vmem>>) semaphore(%run_scoped3A_332 : memref<!tpu.dma_semaphore, #tpu.memory_space<semaphore_mem>>)
            %dma_wait3A = arith.constant 0 : i32
            %dma_wait3A_343 = arith.constant 0 : i32
            %dma_wait3A_344 = tpu.memref_slice %run_scoped3A[%rem3A_266, %dma_wait3A, %dma_wait3A_343] : memref<2x1x128xi32, #tpu.memory_space<vmem>> -> memref<1x1x128xi32, #tpu.memory_space<vmem>>
            %dma_wait3A_345 = tpu.memref_squeeze %dma_wait3A_344 : memref<1x1x128xi32, #tpu.memory_space<vmem>> -> memref<1x128xi32, #tpu.memory_space<vmem>>
            %dma_wait3A_346 = arith.constant 0 : i32
            %dma_wait3A_347 = tpu.memref_slice %dma_wait3A_345[%run_scoped3A_269, %dma_wait3A_346] : memref<1x128xi32, #tpu.memory_space<vmem>> -> memref<1x128xi32, #tpu.memory_space<vmem>>
            %dma_wait3A_348 = tpu.memref_squeeze %dma_wait3A_347 : memref<1x128xi32, #tpu.memory_space<vmem>> -> memref<128xi32, #tpu.memory_space<vmem>>
            %dma_wait3A_349 = arith.constant 0 : i32
            %dma_wait3A_350 = arith.constant 0 : i32
            %dma_wait3A_351 = tpu.memref_slice %arg2[%dma_wait3A_349, %dma_wait3A_350] : memref<10000x128xf32, #tpu.memory_space<hbm>> -> memref<10000x128xf32, #tpu.memory_space<hbm>>
            tpu.wait_indirect_dma semaphore(%run_scoped3A_332 : memref<!tpu.dma_semaphore, #tpu.memory_space<semaphore_mem>>) src(%dma_wait3A_351 : memref<10000x128xf32, #tpu.memory_space<hbm>>) dst(%arg7 : memref<128x128xf32, #tpu.memory_space<vmem>>)
            tpu.yield
          }) : () -> ()
          %run_scoped3A_270 = arith.constant 0 : i32
          "tpu.region"() ({
            %run_scoped3A_332 = tpu.sem_alloc : memref<!tpu.dma_semaphore, #tpu.memory_space<semaphore_mem>>
            %dma_start3A_333 = arith.constant 0 : i32
            %dma_start3A_334 = arith.constant 0 : i32
            %dma_start3A_335 = tpu.memref_slice %run_scoped3A_30[%rem3A_268, %dma_start3A_333, %dma_start3A_334] : memref<2x1x128xi32, #tpu.memory_space<vmem>> -> memref<1x1x128xi32, #tpu.memory_space<vmem>>
            %dma_start3A_336 = tpu.memref_squeeze %dma_start3A_335 : memref<1x1x128xi32, #tpu.memory_space<vmem>> -> memref<1x128xi32, #tpu.memory_space<vmem>>
            %dma_start3A_337 = arith.constant 0 : i32
            %dma_start3A_338 = tpu.memref_slice %dma_start3A_336[%run_scoped3A_270, %dma_start3A_337] : memref<1x128xi32, #tpu.memory_space<vmem>> -> memref<1x128xi32, #tpu.memory_space<vmem>>
            %dma_start3A_339 = tpu.memref_squeeze %dma_start3A_338 : memref<1x128xi32, #tpu.memory_space<vmem>> -> memref<128xi32, #tpu.memory_space<vmem>>
            %dma_start3A_340 = arith.constant 0 : i32
            %dma_start3A_341 = arith.constant 0 : i32
            %dma_start3A_342 = tpu.memref_slice %arg9[%dma_start3A_340, %dma_start3A_341] : memref<10240x128xf32, #tpu.memory_space<vmem_shared>> -> memref<10240x128xf32, #tpu.memory_space<vmem_shared>>
            tpu.enqueue_indirect_dma source(%arg7 : memref<128x128xf32, #tpu.memory_space<vmem>>) target(%dma_start3A_342 : memref<10240x128xf32, #tpu.memory_space<vmem_shared>>) offsets(%dma_start3A_339 : memref<128xi32, #tpu.memory_space<vmem>>) semaphore(%run_scoped3A_332 : memref<!tpu.dma_semaphore, #tpu.memory_space<semaphore_mem>>) {add = true}
            %dma_wait3A = arith.constant 0 : i32
            %dma_wait3A_343 = arith.constant 0 : i32
            %dma_wait3A_344 = tpu.memref_slice %run_scoped3A_30[%rem3A_268, %dma_wait3A, %dma_wait3A_343] : memref<2x1x128xi32, #tpu.memory_space<vmem>> -> memref<1x1x128xi32, #tpu.memory_space<vmem>>
            %dma_wait3A_345 = tpu.memref_squeeze %dma_wait3A_344 : memref<1x1x128xi32, #tpu.memory_space<vmem>> -> memref<1x128xi32, #tpu.memory_space<vmem>>
            %dma_wait3A_346 = arith.constant 0 : i32
            %dma_wait3A_347 = tpu.memref_slice %dma_wait3A_345[%run_scoped3A_270, %dma_wait3A_346] : memref<1x128xi32, #tpu.memory_space<vmem>> -> memref<1x128xi32, #tpu.memory_space<vmem>>
            %dma_wait3A_348 = tpu.memref_squeeze %dma_wait3A_347 : memref<1x128xi32, #tpu.memory_space<vmem>> -> memref<128xi32, #tpu.memory_space<vmem>>
            %dma_wait3A_349 = arith.constant 0 : i32
            %dma_wait3A_350 = arith.constant 0 : i32
            %dma_wait3A_351 = tpu.memref_slice %arg9[%dma_wait3A_349, %dma_wait3A_350] : memref<10240x128xf32, #tpu.memory_space<vmem_shared>> -> memref<10240x128xf32, #tpu.memory_space<vmem_shared>>
            tpu.wait_indirect_dma semaphore(%run_scoped3A_332 : memref<!tpu.dma_semaphore, #tpu.memory_space<semaphore_mem>>) src(%arg7 : memref<128x128xf32, #tpu.memory_space<vmem>>) dst(%dma_wait3A_351 : memref<10240x128xf32, #tpu.memory_space<vmem_shared>>)
            tpu.yield
          }) : () -> ()
          "tpu.trace_stop"() : () -> ()
          %ne3A_271 = arith.cmpi ne, %add3A_191, %add3A_209 : i32
          %or3A_272 = arith.constant false
          %or3A_273 = arith.ori %or3A_272, %ne3A_271 : i1
          %or3A_274 = arith.ori %or3A_273, %eq3A_190 : i1
          %convert_element_type3A_275 = arith.extui %or3A_274 : i1 to i32
          %cond3A_276 = arith.constant 0 : i32
          %cond3A_277 = arith.cmpi ne, %convert_element_type3A_275, %cond3A_276 : i32
          scf.if %cond3A_277 {
          } else {
          }
          %and3A_278 = arith.constant false
          %and3A_279 = arith.andi %or3A_274, %and3A_278 : i1
          %ne3A_280 = arith.cmpi ne, %add3A_191, %add3A_209 : i32
          %or3A_281 = arith.constant false
          %or3A_282 = arith.ori %or3A_281, %ne3A_280 : i1
          %or3A_283 = arith.ori %or3A_282, %eq3A_190 : i1
          %convert_element_type3A_284 = arith.extui %or3A_283 : i1 to i32
          %cond3A_285 = arith.constant 0 : i32
          %cond3A_286 = arith.cmpi ne, %convert_element_type3A_284, %cond3A_285 : i32
          scf.if %cond3A_286 {
          } else {
          }
          %and3A_287 = arith.constant false
          %and3A_288 = arith.andi %or3A_283, %and3A_287 : i1
          %ne3A_289 = arith.cmpi ne, %add3A_191, %add3A_201 : i32
          %or3A_290 = arith.constant false
          %or3A_291 = arith.ori %or3A_290, %ne3A_289 : i1
          %not3A_292 = arith.constant true
          %not3A_293 = arith.xori %eq3A_187, %not3A_292 : i1
          %and3A_294 = arith.andi %or3A_291, %not3A_293 : i1
          %convert_element_type3A_295 = arith.extui %and3A_294 : i1 to i32
          %cond3A_296 = arith.constant 0 : i32
          %cond3A_297 = arith.cmpi ne, %convert_element_type3A_295, %cond3A_296 : i32
          scf.if %cond3A_297 {
          } else {
          }
          %and3A_298 = arith.constant false
          %and3A_299 = arith.andi %and3A_294, %and3A_298 : i1
          %ne3A_300 = arith.cmpi ne, %add3A_191, %add3A_201 : i32
          %or3A_301 = arith.constant false
          %or3A_302 = arith.ori %or3A_301, %ne3A_300 : i1
          %not3A_303 = arith.constant true
          %not3A_304 = arith.xori %eq3A_187, %not3A_303 : i1
          %and3A_305 = arith.andi %or3A_302, %not3A_304 : i1
          %convert_element_type3A_306 = arith.extui %and3A_305 : i1 to i32
          %cond3A_307 = arith.constant 0 : i32
          %cond3A_308 = arith.cmpi ne, %convert_element_type3A_306, %cond3A_307 : i32
          scf.if %cond3A_308 {
          } else {
          }
          %and3A_309 = arith.constant false
          %and3A_310 = arith.andi %and3A_305, %and3A_309 : i1
          %ne3A_311 = arith.cmpi ne, %add3A_191, %add3A_209 : i32
          %or3A_312 = arith.constant false
          %or3A_313 = arith.ori %or3A_312, %ne3A_311 : i1
          %or3A_314 = arith.ori %or3A_313, %eq3A_190 : i1
          %add3A_315 = arith.constant 1 : i32
          %add3A_316 = arith.addi %while3A_180, %add3A_315 : i32
          %select_n3A_317 = arith.select %or3A_314, %add3A_316, %while3A_180 : i32
          %ne3A_318 = arith.cmpi ne, %add3A_191, %add3A_209 : i32
          %or3A_319 = arith.constant false
          %or3A_320 = arith.ori %or3A_319, %ne3A_318 : i1
          %or3A_321 = arith.ori %or3A_320, %eq3A_190 : i1
          %add3A_322 = arith.constant 1 : i32
          %add3A_323 = arith.addi %while3A_182, %add3A_322 : i32
          %select_n3A_324 = arith.select %or3A_321, %add3A_323, %while3A_182 : i32
          %add3A_325 = arith.constant 1 : i32
          %add3A_326 = arith.addi %while3A_183, %add3A_325 : i32
          %select_n3A_327 = arith.constant true
          %select_n3A_328 = arith.select %select_n3A_327, %add3A_326, %while3A_183 : i32
          %eq3A_329 = arith.cmpi eq, %select_n3A_328, %select_n3A : i32
          %select_n3A_330 = arith.constant 0 : i32
          %select_n3A_331 = arith.select %eq3A_329, %select_n3A_330, %select_n3A_328 : i32
          scf.yield %select_n3A_231, %select_n3A_317, %select_n3A_250, %select_n3A_324, %select_n3A_331 : i32, i32, i32, i32, i32
        }
        %while3A_125 = arith.constant 1 : i32
        %while3A_126:5 = scf.for %while3A_178 = %while3A_122 to %while3A_118 step %while3A_125 iter_args(%while3A_179 = %while3A_124#0, %while3A_180 = %while3A_124#1, %while3A_181 = %while3A_124#2, %while3A_182 = %while3A_124#3, %while3A_183 = %while3A_124#4) -> (i32, i32, i32, i32, i32)  : i32 {
          %mul3A_184 = arith.constant 1 : i32
          %mul3A_185 = arith.muli %mul3A_184, %select_n3A : i32
          %eq3A_186 = arith.constant 0 : i32
          %eq3A_187 = arith.cmpi eq, %while3A_178, %eq3A_186 : i32
          %sub3A_188 = arith.constant 1 : i32
          %sub3A_189 = arith.subi %mul3A_185, %sub3A_188 : i32
          %eq3A_190 = arith.cmpi eq, %while3A_178, %sub3A_189 : i32
          %add3A_191 = arith.addi %while3A_183, %select_n3A_20 : i32
          %sub3A_192 = arith.constant 1 : i32
          %sub3A_193 = arith.subi %while3A_183, %sub3A_192 : i32
          %select_n3A_194 = arith.constant true
          %select_n3A_195 = arith.select %select_n3A_194, %sub3A_193, %while3A_183 : i32
          %eq3A_196 = arith.constant -1 : i32
          %eq3A_197 = arith.cmpi eq, %select_n3A_195, %eq3A_196 : i32
          %sub3A_198 = arith.constant 1 : i32
          %sub3A_199 = arith.subi %select_n3A, %sub3A_198 : i32
          %select_n3A_200 = arith.select %eq3A_197, %sub3A_199, %select_n3A_195 : i32
          %add3A_201 = arith.addi %select_n3A_200, %select_n3A_20 : i32
          %add3A_202 = arith.constant 1 : i32
          %add3A_203 = arith.addi %while3A_183, %add3A_202 : i32
          %select_n3A_204 = arith.constant true
          %select_n3A_205 = arith.select %select_n3A_204, %add3A_203, %while3A_183 : i32
          %eq3A_206 = arith.cmpi eq, %select_n3A_205, %select_n3A : i32
          %select_n3A_207 = arith.constant 0 : i32
          %select_n3A_208 = arith.select %eq3A_206, %select_n3A_207, %select_n3A_205 : i32
          %add3A_209 = arith.addi %select_n3A_208, %select_n3A_20 : i32
          %add3A_210 = arith.constant 1 : i32
          %add3A_211 = arith.addi %select_n3A_208, %add3A_210 : i32
          %select_n3A_212 = arith.constant true
          %select_n3A_213 = arith.select %select_n3A_212, %add3A_211, %select_n3A_208 : i32
          %eq3A_214 = arith.cmpi eq, %select_n3A_213, %select_n3A : i32
          %select_n3A_215 = arith.constant 0 : i32
          %select_n3A_216 = arith.select %eq3A_214, %select_n3A_215, %select_n3A_213 : i32
          %add3A_217 = arith.addi %select_n3A_216, %select_n3A_20 : i32
          %ne3A = arith.cmpi ne, %add3A_191, %add3A_209 : i32
          %or3A = arith.constant false
          %or3A_218 = arith.ori %or3A, %ne3A : i1
          %sub3A_219 = arith.constant 2 : i32
          %sub3A_220 = arith.subi %mul3A_185, %sub3A_219 : i32
          %add3A_221 = arith.constant 1 : i32
          %add3A_222 = arith.addi %sub3A_220, %add3A_221 : i32
          %ge3A = arith.cmpi sge, %while3A_178, %add3A_222 : i32
          %not3A = arith.constant true
          %not3A_223 = arith.xori %ge3A, %not3A : i1
          %and3A = arith.andi %or3A_218, %not3A_223 : i1
          %convert_element_type3A_224 = arith.extui %and3A : i1 to i32
          %cond3A_225 = arith.constant 0 : i32
          %cond3A_226 = arith.cmpi ne, %convert_element_type3A_224, %cond3A_225 : i32
          scf.if %cond3A_226 {
            "tpu.trace_start"() <{level = 10 : i32, message = "ep_copy_in"}> : () -> ()
            %rem3A_332 = arith.constant 2 : i32
            %rem3A_333 = arith.remui %while3A_179, %rem3A_332 : i32
            %mul3A_334 = arith.constant 128 : i32
            %mul3A_335 = arith.muli %mul3A_334, %add3A_209 : i32
            %dma_start3A_336 = arith.constant 0 : i32
            %dma_start3A_337 = arith.constant 0 : i32
            %dma_start3A_338 = tpu.memref_slice %run_scoped3A[%rem3A_333, %dma_start3A_336, %dma_start3A_337] : memref<2x1x128xi32, #tpu.memory_space<vmem>> -> memref<1x1x128xi32, #tpu.memory_space<vmem>>
            %dma_start3A_339 = tpu.memref_squeeze %dma_start3A_338 : memref<1x1x128xi32, #tpu.memory_space<vmem>> -> memref<1x128xi32, #tpu.memory_space<vmem>>
            %dma_start3A_340 = arith.constant 0 : i32
            %dma_start3A_341 = tpu.memref_slice %arg3[%dma_start3A_340, %mul3A_335] : memref<1x320000xi32, #tpu.memory_space<hbm>> -> memref<1x128xi32, #tpu.memory_space<hbm>>
            %dma_start3A_342 = tpu.memref_slice %run_scoped3A_29[%rem3A_333] : memref<2x!tpu.dma_semaphore, #tpu.memory_space<semaphore_mem>> -> memref<1x!tpu.dma_semaphore, #tpu.memory_space<semaphore_mem>>
            %dma_start3A_343 = tpu.memref_squeeze %dma_start3A_342 : memref<1x!tpu.dma_semaphore, #tpu.memory_space<semaphore_mem>> -> memref<!tpu.dma_semaphore, #tpu.memory_space<semaphore_mem>>
            %dma_start3A_344 = arith.constant 0 : i32
            %dma_start3A_345 = arith.constant 0 : i32
            %dma_start3A_346 = tpu.memref_slice %run_scoped3A[%rem3A_333, %dma_start3A_344, %dma_start3A_345] : memref<2x1x128xi32, #tpu.memory_space<vmem>> -> memref<1x1x128xi32, #tpu.memory_space<vmem>>
            %dma_start3A_347 = tpu.memref_squeeze %dma_start3A_346 : memref<1x1x128xi32, #tpu.memory_space<vmem>> -> memref<1x128xi32, #tpu.memory_space<vmem>>
            %dma_start3A_348 = arith.constant 0 : i32
            %dma_start3A_349 = tpu.memref_slice %arg3[%dma_start3A_348, %mul3A_335] : memref<1x320000xi32, #tpu.memory_space<hbm>> -> memref<1x128xi32, #tpu.memory_space<hbm>>
            tpu.enqueue_dma source(%dma_start3A_349 : memref<1x128xi32, #tpu.memory_space<hbm>>) target(%dma_start3A_347 : memref<1x128xi32, #tpu.memory_space<vmem>>) target_semaphore(%dma_start3A_343 : memref<!tpu.dma_semaphore, #tpu.memory_space<semaphore_mem>>)
            "tpu.trace_stop"() : () -> ()
          } else {
          }
          %and3A_227 = arith.constant true
          %and3A_228 = arith.andi %and3A, %and3A_227 : i1
          %add3A_229 = arith.constant 1 : i32
          %add3A_230 = arith.addi %while3A_179, %add3A_229 : i32
          %select_n3A_231 = arith.select %and3A_228, %add3A_230, %while3A_179 : i32
          %ne3A_232 = arith.cmpi ne, %add3A_191, %add3A_209 : i32
          %or3A_233 = arith.constant false
          %or3A_234 = arith.ori %or3A_233, %ne3A_232 : i1
          %sub3A_235 = arith.constant 2 : i32
          %sub3A_236 = arith.subi %mul3A_185, %sub3A_235 : i32
          %add3A_237 = arith.constant 1 : i32
          %add3A_238 = arith.addi %sub3A_236, %add3A_237 : i32
          %ge3A_239 = arith.cmpi sge, %while3A_178, %add3A_238 : i32
          %not3A_240 = arith.constant true
          %not3A_241 = arith.xori %ge3A_239, %not3A_240 : i1
          %and3A_242 = arith.andi %or3A_234, %not3A_241 : i1
          %convert_element_type3A_243 = arith.extui %and3A_242 : i1 to i32
          %cond3A_244 = arith.constant 0 : i32
          %cond3A_245 = arith.cmpi ne, %convert_element_type3A_243, %cond3A_244 : i32
          scf.if %cond3A_245 {
            "tpu.trace_start"() <{level = 10 : i32, message = "ep_copy_in"}> : () -> ()
            %rem3A_332 = arith.constant 2 : i32
            %rem3A_333 = arith.remui %while3A_181, %rem3A_332 : i32
            %mul3A_334 = arith.constant 128 : i32
            %mul3A_335 = arith.muli %mul3A_334, %add3A_209 : i32
            %dma_start3A_336 = arith.constant 0 : i32
            %dma_start3A_337 = arith.constant 0 : i32
            %dma_start3A_338 = tpu.memref_slice %run_scoped3A_30[%rem3A_333, %dma_start3A_336, %dma_start3A_337] : memref<2x1x128xi32, #tpu.memory_space<vmem>> -> memref<1x1x128xi32, #tpu.memory_space<vmem>>
            %dma_start3A_339 = tpu.memref_squeeze %dma_start3A_338 : memref<1x1x128xi32, #tpu.memory_space<vmem>> -> memref<1x128xi32, #tpu.memory_space<vmem>>
            %dma_start3A_340 = arith.constant 0 : i32
            %dma_start3A_341 = tpu.memref_slice %arg4[%dma_start3A_340, %mul3A_335] : memref<1x320000xi32, #tpu.memory_space<hbm>> -> memref<1x128xi32, #tpu.memory_space<hbm>>
            %dma_start3A_342 = tpu.memref_slice %run_scoped3A_31[%rem3A_333] : memref<2x!tpu.dma_semaphore, #tpu.memory_space<semaphore_mem>> -> memref<1x!tpu.dma_semaphore, #tpu.memory_space<semaphore_mem>>
            %dma_start3A_343 = tpu.memref_squeeze %dma_start3A_342 : memref<1x!tpu.dma_semaphore, #tpu.memory_space<semaphore_mem>> -> memref<!tpu.dma_semaphore, #tpu.memory_space<semaphore_mem>>
            %dma_start3A_344 = arith.constant 0 : i32
            %dma_start3A_345 = arith.constant 0 : i32
            %dma_start3A_346 = tpu.memref_slice %run_scoped3A_30[%rem3A_333, %dma_start3A_344, %dma_start3A_345] : memref<2x1x128xi32, #tpu.memory_space<vmem>> -> memref<1x1x128xi32, #tpu.memory_space<vmem>>
            %dma_start3A_347 = tpu.memref_squeeze %dma_start3A_346 : memref<1x1x128xi32, #tpu.memory_space<vmem>> -> memref<1x128xi32, #tpu.memory_space<vmem>>
            %dma_start3A_348 = arith.constant 0 : i32
            %dma_start3A_349 = tpu.memref_slice %arg4[%dma_start3A_348, %mul3A_335] : memref<1x320000xi32, #tpu.memory_space<hbm>> -> memref<1x128xi32, #tpu.memory_space<hbm>>
            tpu.enqueue_dma source(%dma_start3A_349 : memref<1x128xi32, #tpu.memory_space<hbm>>) target(%dma_start3A_347 : memref<1x128xi32, #tpu.memory_space<vmem>>) target_semaphore(%dma_start3A_343 : memref<!tpu.dma_semaphore, #tpu.memory_space<semaphore_mem>>)
            "tpu.trace_stop"() : () -> ()
          } else {
          }
          %and3A_246 = arith.constant true
          %and3A_247 = arith.andi %and3A_242, %and3A_246 : i1
          %add3A_248 = arith.constant 1 : i32
          %add3A_249 = arith.addi %while3A_181, %add3A_248 : i32
          %select_n3A_250 = arith.select %and3A_247, %add3A_249, %while3A_181 : i32
          %ne3A_251 = arith.cmpi ne, %add3A_191, %add3A_201 : i32
          %or3A_252 = arith.constant false
          %or3A_253 = arith.ori %or3A_252, %ne3A_251 : i1
          %or3A_254 = arith.ori %or3A_253, %eq3A_187 : i1
          %convert_element_type3A_255 = arith.extui %or3A_254 : i1 to i32
          %cond3A_256 = arith.constant 0 : i32
          %cond3A_257 = arith.cmpi ne, %convert_element_type3A_255, %cond3A_256 : i32
          scf.if %cond3A_257 {
            "tpu.trace_start"() <{level = 10 : i32, message = "ep_wait_in"}> : () -> ()
            %mul3A_332 = arith.constant 128 : i32
            %mul3A_333 = arith.muli %mul3A_332, %add3A_191 : i32
            %rem3A_334 = arith.constant 2 : i32
            %rem3A_335 = arith.remui %while3A_180, %rem3A_334 : i32
            %dma_wait3A = arith.constant 0 : i32
            %dma_wait3A_336 = arith.constant 0 : i32
            %dma_wait3A_337 = tpu.memref_slice %run_scoped3A[%rem3A_335, %dma_wait3A, %dma_wait3A_336] : memref<2x1x128xi32, #tpu.memory_space<vmem>> -> memref<1x1x128xi32, #tpu.memory_space<vmem>>
            %dma_wait3A_338 = tpu.memref_squeeze %dma_wait3A_337 : memref<1x1x128xi32, #tpu.memory_space<vmem>> -> memref<1x128xi32, #tpu.memory_space<vmem>>
            %dma_wait3A_339 = arith.constant 0 : i32
            %dma_wait3A_340 = tpu.memref_slice %arg3[%dma_wait3A_339, %mul3A_333] : memref<1x320000xi32, #tpu.memory_space<hbm>> -> memref<1x128xi32, #tpu.memory_space<hbm>>
            %dma_wait3A_341 = tpu.memref_slice %run_scoped3A_29[%rem3A_335] : memref<2x!tpu.dma_semaphore, #tpu.memory_space<semaphore_mem>> -> memref<1x!tpu.dma_semaphore, #tpu.memory_space<semaphore_mem>>
            %dma_wait3A_342 = tpu.memref_squeeze %dma_wait3A_341 : memref<1x!tpu.dma_semaphore, #tpu.memory_space<semaphore_mem>> -> memref<!tpu.dma_semaphore, #tpu.memory_space<semaphore_mem>>
            %dma_wait3A_343 = arith.constant 0 : i32
            %dma_wait3A_344 = arith.constant 0 : i32
            %dma_wait3A_345 = tpu.memref_slice %run_scoped3A[%rem3A_335, %dma_wait3A_343, %dma_wait3A_344] : memref<2x1x128xi32, #tpu.memory_space<vmem>> -> memref<1x1x128xi32, #tpu.memory_space<vmem>>
            %dma_wait3A_346 = tpu.memref_squeeze %dma_wait3A_345 : memref<1x1x128xi32, #tpu.memory_space<vmem>> -> memref<1x128xi32, #tpu.memory_space<vmem>>
            %dma_wait3A_347 = arith.constant 0 : i32
            %dma_wait3A_348 = tpu.memref_slice %arg3[%dma_wait3A_347, %mul3A_333] : memref<1x320000xi32, #tpu.memory_space<hbm>> -> memref<1x128xi32, #tpu.memory_space<hbm>>
            tpu.wait_dma2 semaphore(%dma_wait3A_342 : memref<!tpu.dma_semaphore, #tpu.memory_space<semaphore_mem>>) src(%dma_wait3A_348 : memref<1x128xi32, #tpu.memory_space<hbm>>) dst(%dma_wait3A_346 : memref<1x128xi32, #tpu.memory_space<vmem>>)
            "tpu.trace_stop"() : () -> ()
          } else {
          }
          %ne3A_258 = arith.cmpi ne, %add3A_191, %add3A_201 : i32
          %or3A_259 = arith.constant false
          %or3A_260 = arith.ori %or3A_259, %ne3A_258 : i1
          %or3A_261 = arith.ori %or3A_260, %eq3A_187 : i1
          %convert_element_type3A_262 = arith.extui %or3A_261 : i1 to i32
          %cond3A_263 = arith.constant 0 : i32
          %cond3A_264 = arith.cmpi ne, %convert_element_type3A_262, %cond3A_263 : i32
          scf.if %cond3A_264 {
            "tpu.trace_start"() <{level = 10 : i32, message = "ep_wait_in"}> : () -> ()
            %mul3A_332 = arith.constant 128 : i32
            %mul3A_333 = arith.muli %mul3A_332, %add3A_191 : i32
            %rem3A_334 = arith.constant 2 : i32
            %rem3A_335 = arith.remui %while3A_182, %rem3A_334 : i32
            %dma_wait3A = arith.constant 0 : i32
            %dma_wait3A_336 = arith.constant 0 : i32
            %dma_wait3A_337 = tpu.memref_slice %run_scoped3A_30[%rem3A_335, %dma_wait3A, %dma_wait3A_336] : memref<2x1x128xi32, #tpu.memory_space<vmem>> -> memref<1x1x128xi32, #tpu.memory_space<vmem>>
            %dma_wait3A_338 = tpu.memref_squeeze %dma_wait3A_337 : memref<1x1x128xi32, #tpu.memory_space<vmem>> -> memref<1x128xi32, #tpu.memory_space<vmem>>
            %dma_wait3A_339 = arith.constant 0 : i32
            %dma_wait3A_340 = tpu.memref_slice %arg4[%dma_wait3A_339, %mul3A_333] : memref<1x320000xi32, #tpu.memory_space<hbm>> -> memref<1x128xi32, #tpu.memory_space<hbm>>
            %dma_wait3A_341 = tpu.memref_slice %run_scoped3A_31[%rem3A_335] : memref<2x!tpu.dma_semaphore, #tpu.memory_space<semaphore_mem>> -> memref<1x!tpu.dma_semaphore, #tpu.memory_space<semaphore_mem>>
            %dma_wait3A_342 = tpu.memref_squeeze %dma_wait3A_341 : memref<1x!tpu.dma_semaphore, #tpu.memory_space<semaphore_mem>> -> memref<!tpu.dma_semaphore, #tpu.memory_space<semaphore_mem>>
            %dma_wait3A_343 = arith.constant 0 : i32
            %dma_wait3A_344 = arith.constant 0 : i32
            %dma_wait3A_345 = tpu.memref_slice %run_scoped3A_30[%rem3A_335, %dma_wait3A_343, %dma_wait3A_344] : memref<2x1x128xi32, #tpu.memory_space<vmem>> -> memref<1x1x128xi32, #tpu.memory_space<vmem>>
            %dma_wait3A_346 = tpu.memref_squeeze %dma_wait3A_345 : memref<1x1x128xi32, #tpu.memory_space<vmem>> -> memref<1x128xi32, #tpu.memory_space<vmem>>
            %dma_wait3A_347 = arith.constant 0 : i32
            %dma_wait3A_348 = tpu.memref_slice %arg4[%dma_wait3A_347, %mul3A_333] : memref<1x320000xi32, #tpu.memory_space<hbm>> -> memref<1x128xi32, #tpu.memory_space<hbm>>
            tpu.wait_dma2 semaphore(%dma_wait3A_342 : memref<!tpu.dma_semaphore, #tpu.memory_space<semaphore_mem>>) src(%dma_wait3A_348 : memref<1x128xi32, #tpu.memory_space<hbm>>) dst(%dma_wait3A_346 : memref<1x128xi32, #tpu.memory_space<vmem>>)
            "tpu.trace_stop"() : () -> ()
          } else {
          }
          %rem3A_265 = arith.constant 2 : i32
          %rem3A_266 = arith.remui %while3A_180, %rem3A_265 : i32
          %rem3A_267 = arith.constant 2 : i32
          %rem3A_268 = arith.remui %while3A_182, %rem3A_267 : i32
          %run_scoped3A_269 = arith.constant 0 : i32
          "tpu.trace_start"() <{level = 10 : i32, message = "ep_run_kernel"}> : () -> ()
          "tpu.region"() ({
            %run_scoped3A_332 = tpu.sem_alloc : memref<!tpu.dma_semaphore, #tpu.memory_space<semaphore_mem>>
            %dma_start3A_333 = arith.constant 0 : i32
            %dma_start3A_334 = arith.constant 0 : i32
            %dma_start3A_335 = tpu.memref_slice %run_scoped3A[%rem3A_266, %dma_start3A_333, %dma_start3A_334] : memref<2x1x128xi32, #tpu.memory_space<vmem>> -> memref<1x1x128xi32, #tpu.memory_space<vmem>>
            %dma_start3A_336 = tpu.memref_squeeze %dma_start3A_335 : memref<1x1x128xi32, #tpu.memory_space<vmem>> -> memref<1x128xi32, #tpu.memory_space<vmem>>
            %dma_start3A_337 = arith.constant 0 : i32
            %dma_start3A_338 = tpu.memref_slice %dma_start3A_336[%run_scoped3A_269, %dma_start3A_337] : memref<1x128xi32, #tpu.memory_space<vmem>> -> memref<1x128xi32, #tpu.memory_space<vmem>>
            %dma_start3A_339 = tpu.memref_squeeze %dma_start3A_338 : memref<1x128xi32, #tpu.memory_space<vmem>> -> memref<128xi32, #tpu.memory_space<vmem>>
            %dma_start3A_340 = arith.constant 0 : i32
            %dma_start3A_341 = arith.constant 0 : i32
            %dma_start3A_342 = tpu.memref_slice %arg2[%dma_start3A_340, %dma_start3A_341] : memref<10000x128xf32, #tpu.memory_space<hbm>> -> memref<10000x128xf32, #tpu.memory_space<hbm>>
            tpu.enqueue_indirect_dma source(%dma_start3A_342 : memref<10000x128xf32, #tpu.memory_space<hbm>>) target(%arg7 : memref<128x128xf32, #tpu.memory_space<vmem>>) offsets(%dma_start3A_339 : memref<128xi32, #tpu.memory_space<vmem>>) semaphore(%run_scoped3A_332 : memref<!tpu.dma_semaphore, #tpu.memory_space<semaphore_mem>>)
            %dma_wait3A = arith.constant 0 : i32
            %dma_wait3A_343 = arith.constant 0 : i32
            %dma_wait3A_344 = tpu.memref_slice %run_scoped3A[%rem3A_266, %dma_wait3A, %dma_wait3A_343] : memref<2x1x128xi32, #tpu.memory_space<vmem>> -> memref<1x1x128xi32, #tpu.memory_space<vmem>>
            %dma_wait3A_345 = tpu.memref_squeeze %dma_wait3A_344 : memref<1x1x128xi32, #tpu.memory_space<vmem>> -> memref<1x128xi32, #tpu.memory_space<vmem>>
            %dma_wait3A_346 = arith.constant 0 : i32
            %dma_wait3A_347 = tpu.memref_slice %dma_wait3A_345[%run_scoped3A_269, %dma_wait3A_346] : memref<1x128xi32, #tpu.memory_space<vmem>> -> memref<1x128xi32, #tpu.memory_space<vmem>>
            %dma_wait3A_348 = tpu.memref_squeeze %dma_wait3A_347 : memref<1x128xi32, #tpu.memory_space<vmem>> -> memref<128xi32, #tpu.memory_space<vmem>>
            %dma_wait3A_349 = arith.constant 0 : i32
            %dma_wait3A_350 = arith.constant 0 : i32
            %dma_wait3A_351 = tpu.memref_slice %arg2[%dma_wait3A_349, %dma_wait3A_350] : memref<10000x128xf32, #tpu.memory_space<hbm>> -> memref<10000x128xf32, #tpu.memory_space<hbm>>
            tpu.wait_indirect_dma semaphore(%run_scoped3A_332 : memref<!tpu.dma_semaphore, #tpu.memory_space<semaphore_mem>>) src(%dma_wait3A_351 : memref<10000x128xf32, #tpu.memory_space<hbm>>) dst(%arg7 : memref<128x128xf32, #tpu.memory_space<vmem>>)
            tpu.yield
          }) : () -> ()
          %run_scoped3A_270 = arith.constant 0 : i32
          "tpu.region"() ({
            %run_scoped3A_332 = tpu.sem_alloc : memref<!tpu.dma_semaphore, #tpu.memory_space<semaphore_mem>>
            %dma_start3A_333 = arith.constant 0 : i32
            %dma_start3A_334 = arith.constant 0 : i32
            %dma_start3A_335 = tpu.memref_slice %run_scoped3A_30[%rem3A_268, %dma_start3A_333, %dma_start3A_334] : memref<2x1x128xi32, #tpu.memory_space<vmem>> -> memref<1x1x128xi32, #tpu.memory_space<vmem>>
            %dma_start3A_336 = tpu.memref_squeeze %dma_start3A_335 : memref<1x1x128xi32, #tpu.memory_space<vmem>> -> memref<1x128xi32, #tpu.memory_space<vmem>>
            %dma_start3A_337 = arith.constant 0 : i32
            %dma_start3A_338 = tpu.memref_slice %dma_start3A_336[%run_scoped3A_270, %dma_start3A_337] : memref<1x128xi32, #tpu.memory_space<vmem>> -> memref<1x128xi32, #tpu.memory_space<vmem>>
            %dma_start3A_339 = tpu.memref_squeeze %dma_start3A_338 : memref<1x128xi32, #tpu.memory_space<vmem>> -> memref<128xi32, #tpu.memory_space<vmem>>
            %dma_start3A_340 = arith.constant 0 : i32
            %dma_start3A_341 = arith.constant 0 : i32
            %dma_start3A_342 = tpu.memref_slice %arg9[%dma_start3A_340, %dma_start3A_341] : memref<10240x128xf32, #tpu.memory_space<vmem_shared>> -> memref<10240x128xf32, #tpu.memory_space<vmem_shared>>
            tpu.enqueue_indirect_dma source(%arg7 : memref<128x128xf32, #tpu.memory_space<vmem>>) target(%dma_start3A_342 : memref<10240x128xf32, #tpu.memory_space<vmem_shared>>) offsets(%dma_start3A_339 : memref<128xi32, #tpu.memory_space<vmem>>) semaphore(%run_scoped3A_332 : memref<!tpu.dma_semaphore, #tpu.memory_space<semaphore_mem>>) {add = true}
            %dma_wait3A = arith.constant 0 : i32
            %dma_wait3A_343 = arith.constant 0 : i32
            %dma_wait3A_344 = tpu.memref_slice %run_scoped3A_30[%rem3A_268, %dma_wait3A, %dma_wait3A_343] : memref<2x1x128xi32, #tpu.memory_space<vmem>> -> memref<1x1x128xi32, #tpu.memory_space<vmem>>
            %dma_wait3A_345 = tpu.memref_squeeze %dma_wait3A_344 : memref<1x1x128xi32, #tpu.memory_space<vmem>> -> memref<1x128xi32, #tpu.memory_space<vmem>>
            %dma_wait3A_346 = arith.constant 0 : i32
            %dma_wait3A_347 = tpu.memref_slice %dma_wait3A_345[%run_scoped3A_270, %dma_wait3A_346] : memref<1x128xi32, #tpu.memory_space<vmem>> -> memref<1x128xi32, #tpu.memory_space<vmem>>
            %dma_wait3A_348 = tpu.memref_squeeze %dma_wait3A_347 : memref<1x128xi32, #tpu.memory_space<vmem>> -> memref<128xi32, #tpu.memory_space<vmem>>
            %dma_wait3A_349 = arith.constant 0 : i32
            %dma_wait3A_350 = arith.constant 0 : i32
            %dma_wait3A_351 = tpu.memref_slice %arg9[%dma_wait3A_349, %dma_wait3A_350] : memref<10240x128xf32, #tpu.memory_space<vmem_shared>> -> memref<10240x128xf32, #tpu.memory_space<vmem_shared>>
            tpu.wait_indirect_dma semaphore(%run_scoped3A_332 : memref<!tpu.dma_semaphore, #tpu.memory_space<semaphore_mem>>) src(%arg7 : memref<128x128xf32, #tpu.memory_space<vmem>>) dst(%dma_wait3A_351 : memref<10240x128xf32, #tpu.memory_space<vmem_shared>>)
            tpu.yield
          }) : () -> ()
          "tpu.trace_stop"() : () -> ()
          %ne3A_271 = arith.cmpi ne, %add3A_191, %add3A_209 : i32
          %or3A_272 = arith.constant false
          %or3A_273 = arith.ori %or3A_272, %ne3A_271 : i1
          %or3A_274 = arith.ori %or3A_273, %eq3A_190 : i1
          %convert_element_type3A_275 = arith.extui %or3A_274 : i1 to i32
          %cond3A_276 = arith.constant 0 : i32
          %cond3A_277 = arith.cmpi ne, %convert_element_type3A_275, %cond3A_276 : i32
          scf.if %cond3A_277 {
          } else {
          }
          %and3A_278 = arith.constant false
          %and3A_279 = arith.andi %or3A_274, %and3A_278 : i1
          %ne3A_280 = arith.cmpi ne, %add3A_191, %add3A_209 : i32
          %or3A_281 = arith.constant false
          %or3A_282 = arith.ori %or3A_281, %ne3A_280 : i1
          %or3A_283 = arith.ori %or3A_282, %eq3A_190 : i1
          %convert_element_type3A_284 = arith.extui %or3A_283 : i1 to i32
          %cond3A_285 = arith.constant 0 : i32
          %cond3A_286 = arith.cmpi ne, %convert_element_type3A_284, %cond3A_285 : i32
          scf.if %cond3A_286 {
          } else {
          }
          %and3A_287 = arith.constant false
          %and3A_288 = arith.andi %or3A_283, %and3A_287 : i1
          %ne3A_289 = arith.cmpi ne, %add3A_191, %add3A_201 : i32
          %or3A_290 = arith.constant false
          %or3A_291 = arith.ori %or3A_290, %ne3A_289 : i1
          %not3A_292 = arith.constant true
          %not3A_293 = arith.xori %eq3A_187, %not3A_292 : i1
          %and3A_294 = arith.andi %or3A_291, %not3A_293 : i1
          %convert_element_type3A_295 = arith.extui %and3A_294 : i1 to i32
          %cond3A_296 = arith.constant 0 : i32
          %cond3A_297 = arith.cmpi ne, %convert_element_type3A_295, %cond3A_296 : i32
          scf.if %cond3A_297 {
          } else {
          }
          %and3A_298 = arith.constant false
          %and3A_299 = arith.andi %and3A_294, %and3A_298 : i1
          %ne3A_300 = arith.cmpi ne, %add3A_191, %add3A_201 : i32
          %or3A_301 = arith.constant false
          %or3A_302 = arith.ori %or3A_301, %ne3A_300 : i1
          %not3A_303 = arith.constant true
          %not3A_304 = arith.xori %eq3A_187, %not3A_303 : i1
          %and3A_305 = arith.andi %or3A_302, %not3A_304 : i1
          %convert_element_type3A_306 = arith.extui %and3A_305 : i1 to i32
          %cond3A_307 = arith.constant 0 : i32
          %cond3A_308 = arith.cmpi ne, %convert_element_type3A_306, %cond3A_307 : i32
          scf.if %cond3A_308 {
          } else {
          }
          %and3A_309 = arith.constant false
          %and3A_310 = arith.andi %and3A_305, %and3A_309 : i1
          %ne3A_311 = arith.cmpi ne, %add3A_191, %add3A_209 : i32
          %or3A_312 = arith.constant false
          %or3A_313 = arith.ori %or3A_312, %ne3A_311 : i1
          %or3A_314 = arith.ori %or3A_313, %eq3A_190 : i1
          %add3A_315 = arith.constant 1 : i32
          %add3A_316 = arith.addi %while3A_180, %add3A_315 : i32
          %select_n3A_317 = arith.select %or3A_314, %add3A_316, %while3A_180 : i32
          %ne3A_318 = arith.cmpi ne, %add3A_191, %add3A_209 : i32
          %or3A_319 = arith.constant false
          %or3A_320 = arith.ori %or3A_319, %ne3A_318 : i1
          %or3A_321 = arith.ori %or3A_320, %eq3A_190 : i1
          %add3A_322 = arith.constant 1 : i32
          %add3A_323 = arith.addi %while3A_182, %add3A_322 : i32
          %select_n3A_324 = arith.select %or3A_321, %add3A_323, %while3A_182 : i32
          %add3A_325 = arith.constant 1 : i32
          %add3A_326 = arith.addi %while3A_183, %add3A_325 : i32
          %select_n3A_327 = arith.constant true
          %select_n3A_328 = arith.select %select_n3A_327, %add3A_326, %while3A_183 : i32
          %eq3A_329 = arith.cmpi eq, %select_n3A_328, %select_n3A : i32
          %select_n3A_330 = arith.constant 0 : i32
          %select_n3A_331 = arith.select %eq3A_329, %select_n3A_330, %select_n3A_328 : i32
          scf.yield %select_n3A_231, %select_n3A_317, %select_n3A_250, %select_n3A_324, %select_n3A_331 : i32, i32, i32, i32, i32
        }
        %sub3A_127 = arith.constant 1 : i32
        %sub3A_128 = arith.subi %while3A_126#4, %sub3A_127 : i32
        %select_n3A_129 = arith.constant true
        %select_n3A_130 = arith.select %select_n3A_129, %sub3A_128, %while3A_126#4 : i32
        %eq3A_131 = arith.constant -1 : i32
        %eq3A_132 = arith.cmpi eq, %select_n3A_130, %eq3A_131 : i32
        %sub3A_133 = arith.constant 1 : i32
        %sub3A_134 = arith.subi %select_n3A, %sub3A_133 : i32
        %select_n3A_135 = arith.select %eq3A_132, %sub3A_134, %select_n3A_130 : i32
        %sub3A_136 = arith.constant 1 : i32
        %sub3A_137 = arith.subi %mul3A_22, %sub3A_136 : i32
        %mul3A_138 = arith.constant 1 : i32
        %mul3A_139 = arith.muli %mul3A_138, %select_n3A : i32
        %eq3A_140 = arith.constant 0 : i32
        %eq3A_141 = arith.cmpi eq, %sub3A_137, %eq3A_140 : i32
        %sub3A_142 = arith.constant 1 : i32
        %sub3A_143 = arith.subi %mul3A_139, %sub3A_142 : i32
        %eq3A_144 = arith.cmpi eq, %sub3A_137, %sub3A_143 : i32
        %add3A_145 = arith.addi %select_n3A_135, %select_n3A_20 : i32
        %sub3A_146 = arith.constant 1 : i32
        %sub3A_147 = arith.subi %select_n3A_135, %sub3A_146 : i32
        %select_n3A_148 = arith.constant true
        %select_n3A_149 = arith.select %select_n3A_148, %sub3A_147, %select_n3A_135 : i32
        %eq3A_150 = arith.constant -1 : i32
        %eq3A_151 = arith.cmpi eq, %select_n3A_149, %eq3A_150 : i32
        %sub3A_152 = arith.constant 1 : i32
        %sub3A_153 = arith.subi %select_n3A, %sub3A_152 : i32
        %select_n3A_154 = arith.select %eq3A_151, %sub3A_153, %select_n3A_149 : i32
        %add3A_155 = arith.addi %select_n3A_154, %select_n3A_20 : i32
        %add3A_156 = arith.constant 1 : i32
        %add3A_157 = arith.addi %select_n3A_135, %add3A_156 : i32
        %select_n3A_158 = arith.constant true
        %select_n3A_159 = arith.select %select_n3A_158, %add3A_157, %select_n3A_135 : i32
        %eq3A_160 = arith.cmpi eq, %select_n3A_159, %select_n3A : i32
        %select_n3A_161 = arith.constant 0 : i32
        %select_n3A_162 = arith.select %eq3A_160, %select_n3A_161, %select_n3A_159 : i32
        %add3A_163 = arith.addi %select_n3A_162, %select_n3A_20 : i32
        %add3A_164 = arith.constant 1 : i32
        %add3A_165 = arith.addi %select_n3A_162, %add3A_164 : i32
        %select_n3A_166 = arith.constant true
        %select_n3A_167 = arith.select %select_n3A_166, %add3A_165, %select_n3A_162 : i32
        %eq3A_168 = arith.cmpi eq, %select_n3A_167, %select_n3A : i32
        %select_n3A_169 = arith.constant 0 : i32
        %select_n3A_170 = arith.select %eq3A_168, %select_n3A_169, %select_n3A_167 : i32
        %add3A_171 = arith.addi %select_n3A_170, %select_n3A_20 : i32
        %convert_element_type3A_172 = arith.extui %eq3A_144 : i1 to i32
        %cond3A_173 = arith.constant 0 : i32
        %cond3A_174 = arith.cmpi ne, %convert_element_type3A_172, %cond3A_173 : i32
        scf.if %cond3A_174 {
        } else {
        }
        %convert_element_type3A_175 = arith.extui %eq3A_144 : i1 to i32
        %cond3A_176 = arith.constant 0 : i32
        %cond3A_177 = arith.cmpi ne, %convert_element_type3A_175, %cond3A_176 : i32
        scf.if %cond3A_177 {
        } else {
        }
      } else {
      }
      tpu.yield
    }) : () -> ()
    %barrier3A_23 = arith.constant 0 : index
    tpu.barrier barrier_id(%barrier3A_23)
    %scan3A_24 = arith.constant 0 : i32
    %scan3A_25 = arith.constant 10 : i32
    %scan3A_26 = arith.addi %scan3A_24, %scan3A_25 : i32
    %scan3A_27 = arith.constant 1 : i32
    scf.for %scan3A_29 = %scan3A_24 to %scan3A_26 step %scan3A_27  : i32 {
      %mul3A_30 = arith.constant 1 : i32
      %mul3A_31 = arith.muli %scan3A_29, %mul3A_30 : i32
      %add3A_32 = arith.constant 0 : i32
      %add3A_33 = arith.addi %add3A_32, %mul3A_31 : i32
      %mul3A_34 = arith.constant 64 : i32
      %mul3A_35 = arith.muli %add3A_33, %mul3A_34 : i32
      %add3A_36 = arith.addi %mul3A_0, %mul3A_35 : i32
      "tpu.region"() ({
        %run_scoped3A = tpu.sem_alloc : memref<!tpu.dma_semaphore, #tpu.memory_space<semaphore_mem>>
        %dma_start3A = arith.constant 0 : i32
        %dma_start3A_37 = tpu.memref_slice %arg9[%add3A_36, %dma_start3A] : memref<10240x128xf32, #tpu.memory_space<vmem_shared>> -> memref<64x128xf32, #tpu.memory_space<vmem_shared>>
        %dma_start3A_38 = arith.constant 0 : i32
        %dma_start3A_39 = tpu.memref_slice %arg9[%add3A_36, %dma_start3A_38] : memref<10240x128xf32, #tpu.memory_space<vmem_shared>> -> memref<64x128xf32, #tpu.memory_space<vmem_shared>>
        tpu.enqueue_dma source(%dma_start3A_39 : memref<64x128xf32, #tpu.memory_space<vmem_shared>>) target(%arg8 : memref<64x128xf32, #tpu.memory_space<vmem>>) target_semaphore(%run_scoped3A : memref<!tpu.dma_semaphore, #tpu.memory_space<semaphore_mem>>)
        %dma_wait3A = arith.constant 0 : i32
        %dma_wait3A_40 = tpu.memref_slice %arg9[%add3A_36, %dma_wait3A] : memref<10240x128xf32, #tpu.memory_space<vmem_shared>> -> memref<64x128xf32, #tpu.memory_space<vmem_shared>>
        %dma_wait3A_41 = arith.constant 0 : i32
        %dma_wait3A_42 = tpu.memref_slice %arg9[%add3A_36, %dma_wait3A_41] : memref<10240x128xf32, #tpu.memory_space<vmem_shared>> -> memref<64x128xf32, #tpu.memory_space<vmem_shared>>
        tpu.wait_dma2 semaphore(%run_scoped3A : memref<!tpu.dma_semaphore, #tpu.memory_space<semaphore_mem>>) src(%dma_wait3A_42 : memref<64x128xf32, #tpu.memory_space<vmem_shared>>) dst(%arg8 : memref<64x128xf32, #tpu.memory_space<vmem>>)
        tpu.yield
      }) : () -> ()
      "tpu.region"() ({
        %run_scoped3A = tpu.sem_alloc : memref<!tpu.dma_semaphore, #tpu.memory_space<semaphore_mem>>
        %dma_start3A = arith.constant 0 : i32
        %dma_start3A_37 = tpu.memref_slice %arg6[%arg0, %add3A_36, %dma_start3A] : memref<2x10240x128xf32, #tpu.memory_space<hbm>> -> memref<1x64x128xf32, #tpu.memory_space<hbm>>
        %dma_start3A_38 = tpu.memref_squeeze %dma_start3A_37 : memref<1x64x128xf32, #tpu.memory_space<hbm>> -> memref<64x128xf32, #tpu.memory_space<hbm>>
        %dma_start3A_39 = arith.constant 0 : i32
        %dma_start3A_40 = tpu.memref_slice %arg6[%arg0, %add3A_36, %dma_start3A_39] : memref<2x10240x128xf32, #tpu.memory_space<hbm>> -> memref<1x64x128xf32, #tpu.memory_space<hbm>>
        %dma_start3A_41 = tpu.memref_squeeze %dma_start3A_40 : memref<1x64x128xf32, #tpu.memory_space<hbm>> -> memref<64x128xf32, #tpu.memory_space<hbm>>
        tpu.enqueue_dma source(%arg8 : memref<64x128xf32, #tpu.memory_space<vmem>>) target(%dma_start3A_41 : memref<64x128xf32, #tpu.memory_space<hbm>>) target_semaphore(%run_scoped3A : memref<!tpu.dma_semaphore, #tpu.memory_space<semaphore_mem>>)
        %dma_wait3A = arith.constant 0 : i32
        %dma_wait3A_42 = tpu.memref_slice %arg6[%arg0, %add3A_36, %dma_wait3A] : memref<2x10240x128xf32, #tpu.memory_space<hbm>> -> memref<1x64x128xf32, #tpu.memory_space<hbm>>
        %dma_wait3A_43 = tpu.memref_squeeze %dma_wait3A_42 : memref<1x64x128xf32, #tpu.memory_space<hbm>> -> memref<64x128xf32, #tpu.memory_space<hbm>>
        %dma_wait3A_44 = arith.constant 0 : i32
        %dma_wait3A_45 = tpu.memref_slice %arg6[%arg0, %add3A_36, %dma_wait3A_44] : memref<2x10240x128xf32, #tpu.memory_space<hbm>> -> memref<1x64x128xf32, #tpu.memory_space<hbm>>
        %dma_wait3A_46 = tpu.memref_squeeze %dma_wait3A_45 : memref<1x64x128xf32, #tpu.memory_space<hbm>> -> memref<64x128xf32, #tpu.memory_space<hbm>>
        tpu.wait_dma2 semaphore(%run_scoped3A : memref<!tpu.dma_semaphore, #tpu.memory_space<semaphore_mem>>) src(%arg8 : memref<64x128xf32, #tpu.memory_space<vmem>>) dst(%dma_wait3A_46 : memref<64x128xf32, #tpu.memory_space<hbm>>)
        tpu.yield
      }) : () -> ()
    }
    %scan3A_28 = arith.constant 10 : i32
    return
  }
}

#map = affine_map<(d0, d1) -> (0, 0)>
#map1 = affine_map<(d0, d1) -> (0, 0, 0)>
module attributes {stable_mosaic.version = 14 : i64} {
  func.func @body(%arg0: i32, %arg1: i32, %arg2: memref<1x320000xi32, #tpu.memory_space<hbm>>, %arg3: memref<64x128xf32, #tpu.memory_space<hbm>>, %arg4: memref<128x128xf32, #tpu.memory_space<hbm>>, %arg5: memref<2x10240x128xf32, #tpu.memory_space<hbm>>, %arg6: memref<64x128xf32, #tpu.memory_space<vmem>>, %arg7: memref<128x128xf32, #tpu.memory_space<vmem>>, %arg8: memref<10240x128xf32, #tpu.memory_space<vmem_shared>>) attributes {dimension_semantics = [#tpu.dimension_semantics<core_parallel>, #tpu.dimension_semantics<subcore_parallel>], iteration_bounds = array<i64: 2, 16>, scalar_prefetch = 0 : i64, scratch_operands = 3 : i64, tpu.core_type = #tpu.core_type<sc_vector_subcore>, window_params = [{transform_indices = #map}, {transform_indices = #map}, {transform_indices = #map}, {transform_indices = #map1}]} {
    %mul3A = arith.constant 640 : i32
    %mul3A_0 = arith.muli %arg1, %mul3A : i32
    "tpu.region"() ({
      %run_scoped3A = tpu.sem_alloc : memref<!tpu.dma_semaphore, #tpu.memory_space<semaphore_mem>>
      tpu.enqueue_dma source(%arg3 : memref<64x128xf32, #tpu.memory_space<hbm>>) target(%arg6 : memref<64x128xf32, #tpu.memory_space<vmem>>) target_semaphore(%run_scoped3A : memref<!tpu.dma_semaphore, #tpu.memory_space<semaphore_mem>>)
      tpu.wait_dma2 semaphore(%run_scoped3A : memref<!tpu.dma_semaphore, #tpu.memory_space<semaphore_mem>>) src(%arg3 : memref<64x128xf32, #tpu.memory_space<hbm>>) dst(%arg6 : memref<64x128xf32, #tpu.memory_space<vmem>>)
      tpu.yield
    }) : () -> ()
    "tpu.region"() ({
      %run_scoped3A = tpu.sem_alloc : memref<!tpu.dma_semaphore, #tpu.memory_space<semaphore_mem>>
      tpu.enqueue_dma source(%arg4 : memref<128x128xf32, #tpu.memory_space<hbm>>) target(%arg7 : memref<128x128xf32, #tpu.memory_space<vmem>>) target_semaphore(%run_scoped3A : memref<!tpu.dma_semaphore, #tpu.memory_space<semaphore_mem>>)
      tpu.wait_dma2 semaphore(%run_scoped3A : memref<!tpu.dma_semaphore, #tpu.memory_space<semaphore_mem>>) src(%arg4 : memref<128x128xf32, #tpu.memory_space<hbm>>) dst(%arg7 : memref<128x128xf32, #tpu.memory_space<vmem>>)
      tpu.yield
    }) : () -> ()
    %scan3A = arith.constant 0 : i32
    %scan3A_1 = arith.constant 10 : i32
    %scan3A_2 = arith.addi %scan3A, %scan3A_1 : i32
    %scan3A_3 = arith.constant 1 : i32
    scf.for %scan3A_29 = %scan3A to %scan3A_2 step %scan3A_3  : i32 {
      %mul3A_30 = arith.constant 1 : i32
      %mul3A_31 = arith.muli %scan3A_29, %mul3A_30 : i32
      %add3A_32 = arith.constant 0 : i32
      %add3A_33 = arith.addi %add3A_32, %mul3A_31 : i32
      %mul3A_34 = arith.constant 64 : i32
      %mul3A_35 = arith.muli %add3A_33, %mul3A_34 : i32
      %add3A_36 = arith.addi %mul3A_0, %mul3A_35 : i32
      "tpu.region"() ({
        %run_scoped3A = tpu.sem_alloc : memref<!tpu.dma_semaphore, #tpu.memory_space<semaphore_mem>>
        %dma_start3A = arith.constant 0 : i32
        %dma_start3A_37 = tpu.memref_slice %arg8[%add3A_36, %dma_start3A] : memref<10240x128xf32, #tpu.memory_space<vmem_shared>> -> memref<64x128xf32, #tpu.memory_space<vmem_shared>>
        %dma_start3A_38 = arith.constant 0 : i32
        %dma_start3A_39 = tpu.memref_slice %arg8[%add3A_36, %dma_start3A_38] : memref<10240x128xf32, #tpu.memory_space<vmem_shared>> -> memref<64x128xf32, #tpu.memory_space<vmem_shared>>
        tpu.enqueue_dma source(%arg6 : memref<64x128xf32, #tpu.memory_space<vmem>>) target(%dma_start3A_39 : memref<64x128xf32, #tpu.memory_space<vmem_shared>>) target_semaphore(%run_scoped3A : memref<!tpu.dma_semaphore, #tpu.memory_space<semaphore_mem>>)
        %dma_wait3A = arith.constant 0 : i32
        %dma_wait3A_40 = tpu.memref_slice %arg8[%add3A_36, %dma_wait3A] : memref<10240x128xf32, #tpu.memory_space<vmem_shared>> -> memref<64x128xf32, #tpu.memory_space<vmem_shared>>
        %dma_wait3A_41 = arith.constant 0 : i32
        %dma_wait3A_42 = tpu.memref_slice %arg8[%add3A_36, %dma_wait3A_41] : memref<10240x128xf32, #tpu.memory_space<vmem_shared>> -> memref<64x128xf32, #tpu.memory_space<vmem_shared>>
        tpu.wait_dma2 semaphore(%run_scoped3A : memref<!tpu.dma_semaphore, #tpu.memory_space<semaphore_mem>>) src(%arg6 : memref<64x128xf32, #tpu.memory_space<vmem>>) dst(%dma_wait3A_42 : memref<64x128xf32, #tpu.memory_space<vmem_shared>>)
        tpu.yield
      }) : () -> ()
    }
    %scan3A_4 = arith.constant 10 : i32
    %barrier3A = arith.constant 0 : index
    tpu.barrier barrier_id(%barrier3A)
    %mul3A_5 = arith.constant 1 : i32
    %mul3A_6 = arith.muli %arg1, %mul3A_5 : i32
    %add3A = arith.constant 0 : i32
    %add3A_7 = arith.addi %add3A, %mul3A_6 : i32
    %mul3A_8 = arith.constant 16 : i32
    %mul3A_9 = arith.muli %arg0, %mul3A_8 : i32
    %add3A_10 = arith.addi %add3A_7, %mul3A_9 : i32
    %lt3A = arith.constant 4 : i32
    %lt3A_11 = arith.cmpi slt, %add3A_10, %lt3A : i32
    %jit3A = arith.constant 79 : i32
    %jit3A_12 = arith.constant 78 : i32
    %select_n3A = arith.select %lt3A_11, %jit3A, %jit3A_12 : i32
    %lt3A_13 = arith.constant 4 : i32
    %lt3A_14 = arith.cmpi slt, %add3A_10, %lt3A_13 : i32
    %mul3A_15 = arith.muli %add3A_10, %select_n3A : i32
    %mul3A_16 = arith.constant 78 : i32
    %mul3A_17 = arith.muli %add3A_10, %mul3A_16 : i32
    %add3A_18 = arith.constant 4 : i32
    %add3A_19 = arith.addi %mul3A_17, %add3A_18 : i32
    %select_n3A_20 = arith.select %lt3A_14, %mul3A_15, %add3A_19 : i32
    %mul3A_21 = arith.constant 1 : i32
    %mul3A_22 = arith.muli %mul3A_21, %select_n3A : i32
    "tpu.region"() ({
      %run_scoped3A = memref.alloca() : memref<2x1x128xi32, #tpu.memory_space<vmem>>
      %run_scoped3A_29 = tpu.sem_alloc : memref<2x!tpu.dma_semaphore, #tpu.memory_space<semaphore_mem>>
      %gt3A = arith.constant 0 : i32
      %gt3A_30 = arith.cmpi sgt, %mul3A_22, %gt3A : i32
      %convert_element_type3A = arith.extui %gt3A_30 : i1 to i32
      %cond3A = arith.constant 0 : i32
      %cond3A_31 = arith.cmpi ne, %convert_element_type3A, %cond3A : i32
      scf.if %cond3A_31 {
        %mul3A_32 = arith.constant 1 : i32
        %mul3A_33 = arith.muli %mul3A_32, %select_n3A : i32
        %sub3A = arith.constant 1 : i32
        %sub3A_34 = arith.subi %mul3A_33, %sub3A : i32
        %eq3A = arith.constant 0 : i32
        %eq3A_35 = arith.cmpi eq, %sub3A_34, %eq3A : i32
        %add3A_36 = arith.constant 0 : i32
        %add3A_37 = arith.addi %add3A_36, %select_n3A_20 : i32
        %select_n3A_38 = arith.constant true
        %select_n3A_39 = arith.constant 0 : i32
        %select_n3A_40 = arith.constant -1 : i32
        %select_n3A_41 = arith.select %select_n3A_38, %select_n3A_40, %select_n3A_39 : i32
        %eq3A_42 = arith.constant -1 : i32
        %eq3A_43 = arith.cmpi eq, %select_n3A_41, %eq3A_42 : i32
        %sub3A_44 = arith.constant 1 : i32
        %sub3A_45 = arith.subi %select_n3A, %sub3A_44 : i32
        %select_n3A_46 = arith.select %eq3A_43, %sub3A_45, %select_n3A_41 : i32
        %add3A_47 = arith.addi %select_n3A_46, %select_n3A_20 : i32
        %select_n3A_48 = arith.constant true
        %select_n3A_49 = arith.constant 0 : i32
        %select_n3A_50 = arith.constant 1 : i32
        %select_n3A_51 = arith.select %select_n3A_48, %select_n3A_50, %select_n3A_49 : i32
        %eq3A_52 = arith.cmpi eq, %select_n3A_51, %select_n3A : i32
        %select_n3A_53 = arith.constant 0 : i32
        %select_n3A_54 = arith.select %eq3A_52, %select_n3A_53, %select_n3A_51 : i32
        %add3A_55 = arith.addi %select_n3A_54, %select_n3A_20 : i32
        %add3A_56 = arith.constant 1 : i32
        %add3A_57 = arith.addi %select_n3A_54, %add3A_56 : i32
        %select_n3A_58 = arith.constant true
        %select_n3A_59 = arith.select %select_n3A_58, %add3A_57, %select_n3A_54 : i32
        %eq3A_60 = arith.cmpi eq, %select_n3A_59, %select_n3A : i32
        %select_n3A_61 = arith.constant 0 : i32
        %select_n3A_62 = arith.select %eq3A_60, %select_n3A_61, %select_n3A_59 : i32
        %add3A_63 = arith.addi %select_n3A_62, %select_n3A_20 : i32
        "tpu.trace_start"() <{level = 10 : i32, message = "ep_initialize_0"}> : () -> ()
        %rem3A = arith.constant 0 : i32
        %rem3A_64 = arith.constant 2 : i32
        %rem3A_65 = arith.remui %rem3A, %rem3A_64 : i32
        %mul3A_66 = arith.constant 128 : i32
        %mul3A_67 = arith.muli %mul3A_66, %add3A_37 : i32
        %dma_start3A = arith.constant 0 : i32
        %dma_start3A_68 = arith.constant 0 : i32
        %dma_start3A_69 = tpu.memref_slice %run_scoped3A[%rem3A_65, %dma_start3A, %dma_start3A_68] : memref<2x1x128xi32, #tpu.memory_space<vmem>> -> memref<1x1x128xi32, #tpu.memory_space<vmem>>
        %dma_start3A_70 = tpu.memref_squeeze %dma_start3A_69 : memref<1x1x128xi32, #tpu.memory_space<vmem>> -> memref<1x128xi32, #tpu.memory_space<vmem>>
        %dma_start3A_71 = arith.constant 0 : i32
        %dma_start3A_72 = tpu.memref_slice %arg2[%dma_start3A_71, %mul3A_67] : memref<1x320000xi32, #tpu.memory_space<hbm>> -> memref<1x128xi32, #tpu.memory_space<hbm>>
        %dma_start3A_73 = tpu.memref_slice %run_scoped3A_29[%rem3A_65] : memref<2x!tpu.dma_semaphore, #tpu.memory_space<semaphore_mem>> -> memref<1x!tpu.dma_semaphore, #tpu.memory_space<semaphore_mem>>
        %dma_start3A_74 = tpu.memref_squeeze %dma_start3A_73 : memref<1x!tpu.dma_semaphore, #tpu.memory_space<semaphore_mem>> -> memref<!tpu.dma_semaphore, #tpu.memory_space<semaphore_mem>>
        %dma_start3A_75 = arith.constant 0 : i32
        %dma_start3A_76 = arith.constant 0 : i32
        %dma_start3A_77 = tpu.memref_slice %run_scoped3A[%rem3A_65, %dma_start3A_75, %dma_start3A_76] : memref<2x1x128xi32, #tpu.memory_space<vmem>> -> memref<1x1x128xi32, #tpu.memory_space<vmem>>
        %dma_start3A_78 = tpu.memref_squeeze %dma_start3A_77 : memref<1x1x128xi32, #tpu.memory_space<vmem>> -> memref<1x128xi32, #tpu.memory_space<vmem>>
        %dma_start3A_79 = arith.constant 0 : i32
        %dma_start3A_80 = tpu.memref_slice %arg2[%dma_start3A_79, %mul3A_67] : memref<1x320000xi32, #tpu.memory_space<hbm>> -> memref<1x128xi32, #tpu.memory_space<hbm>>
        tpu.enqueue_dma source(%dma_start3A_80 : memref<1x128xi32, #tpu.memory_space<hbm>>) target(%dma_start3A_78 : memref<1x128xi32, #tpu.memory_space<vmem>>) target_semaphore(%dma_start3A_74 : memref<!tpu.dma_semaphore, #tpu.memory_space<semaphore_mem>>)
        %add3A_81 = arith.constant 0 : i32
        %add3A_82 = arith.constant 1 : i32
        %add3A_83 = arith.addi %add3A_81, %add3A_82 : i32
        %select_n3A_84 = arith.constant true
        %select_n3A_85 = arith.constant 0 : i32
        %select_n3A_86 = arith.select %select_n3A_84, %add3A_83, %select_n3A_85 : i32
        %while3A = arith.constant 0 : i32
        %while3A_87 = arith.constant 0 : i32
        %while3A_88 = arith.constant 0 : i32
        "tpu.trace_stop"() : () -> ()
        %while3A_89 = arith.subi %mul3A_22, %while3A : i32
        %while3A_90 = arith.addi %while3A, %while3A_89 : i32
        %while3A_91 = arith.constant 1 : i32
        %while3A_92 = arith.divsi %while3A_89, %while3A_91 : i32
        %while3A_93 = arith.muli %while3A_92, %while3A_91 : i32
        %while3A_94 = arith.addi %while3A, %while3A_93 : i32
        %while3A_95 = arith.constant 1 : i32
        %while3A_96:3 = scf.for %while3A_147 = %while3A to %while3A_94 step %while3A_95 iter_args(%while3A_148 = %select_n3A_86, %while3A_149 = %while3A_87, %while3A_150 = %while3A_88) -> (i32, i32, i32)  : i32 {
          %mul3A_151 = arith.constant 1 : i32
          %mul3A_152 = arith.muli %mul3A_151, %select_n3A : i32
          %eq3A_153 = arith.constant 0 : i32
          %eq3A_154 = arith.cmpi eq, %while3A_147, %eq3A_153 : i32
          %sub3A_155 = arith.constant 1 : i32
          %sub3A_156 = arith.subi %mul3A_152, %sub3A_155 : i32
          %eq3A_157 = arith.cmpi eq, %while3A_147, %sub3A_156 : i32
          %add3A_158 = arith.addi %while3A_150, %select_n3A_20 : i32
          %sub3A_159 = arith.constant 1 : i32
          %sub3A_160 = arith.subi %while3A_150, %sub3A_159 : i32
          %select_n3A_161 = arith.constant true
          %select_n3A_162 = arith.select %select_n3A_161, %sub3A_160, %while3A_150 : i32
          %eq3A_163 = arith.constant -1 : i32
          %eq3A_164 = arith.cmpi eq, %select_n3A_162, %eq3A_163 : i32
          %sub3A_165 = arith.constant 1 : i32
          %sub3A_166 = arith.subi %select_n3A, %sub3A_165 : i32
          %select_n3A_167 = arith.select %eq3A_164, %sub3A_166, %select_n3A_162 : i32
          %add3A_168 = arith.addi %select_n3A_167, %select_n3A_20 : i32
          %add3A_169 = arith.constant 1 : i32
          %add3A_170 = arith.addi %while3A_150, %add3A_169 : i32
          %select_n3A_171 = arith.constant true
          %select_n3A_172 = arith.select %select_n3A_171, %add3A_170, %while3A_150 : i32
          %eq3A_173 = arith.cmpi eq, %select_n3A_172, %select_n3A : i32
          %select_n3A_174 = arith.constant 0 : i32
          %select_n3A_175 = arith.select %eq3A_173, %select_n3A_174, %select_n3A_172 : i32
          %add3A_176 = arith.addi %select_n3A_175, %select_n3A_20 : i32
          %add3A_177 = arith.constant 1 : i32
          %add3A_178 = arith.addi %select_n3A_175, %add3A_177 : i32
          %select_n3A_179 = arith.constant true
          %select_n3A_180 = arith.select %select_n3A_179, %add3A_178, %select_n3A_175 : i32
          %eq3A_181 = arith.cmpi eq, %select_n3A_180, %select_n3A : i32
          %select_n3A_182 = arith.constant 0 : i32
          %select_n3A_183 = arith.select %eq3A_181, %select_n3A_182, %select_n3A_180 : i32
          %add3A_184 = arith.addi %select_n3A_183, %select_n3A_20 : i32
          %ne3A = arith.cmpi ne, %add3A_158, %add3A_176 : i32
          %or3A = arith.constant false
          %or3A_185 = arith.ori %or3A, %ne3A : i1
          %sub3A_186 = arith.constant 2 : i32
          %sub3A_187 = arith.subi %mul3A_152, %sub3A_186 : i32
          %add3A_188 = arith.constant 1 : i32
          %add3A_189 = arith.addi %sub3A_187, %add3A_188 : i32
          %ge3A = arith.cmpi sge, %while3A_147, %add3A_189 : i32
          %not3A = arith.constant true
          %not3A_190 = arith.xori %ge3A, %not3A : i1
          %and3A = arith.andi %or3A_185, %not3A_190 : i1
          %convert_element_type3A_191 = arith.extui %and3A : i1 to i32
          %cond3A_192 = arith.constant 0 : i32
          %cond3A_193 = arith.cmpi ne, %convert_element_type3A_191, %cond3A_192 : i32
          scf.if %cond3A_193 {
            "tpu.trace_start"() <{level = 10 : i32, message = "ep_copy_in"}> : () -> ()
            %rem3A_243 = arith.constant 2 : i32
            %rem3A_244 = arith.remui %while3A_148, %rem3A_243 : i32
            %mul3A_245 = arith.constant 128 : i32
            %mul3A_246 = arith.muli %mul3A_245, %add3A_176 : i32
            %dma_start3A_247 = arith.constant 0 : i32
            %dma_start3A_248 = arith.constant 0 : i32
            %dma_start3A_249 = tpu.memref_slice %run_scoped3A[%rem3A_244, %dma_start3A_247, %dma_start3A_248] : memref<2x1x128xi32, #tpu.memory_space<vmem>> -> memref<1x1x128xi32, #tpu.memory_space<vmem>>
            %dma_start3A_250 = tpu.memref_squeeze %dma_start3A_249 : memref<1x1x128xi32, #tpu.memory_space<vmem>> -> memref<1x128xi32, #tpu.memory_space<vmem>>
            %dma_start3A_251 = arith.constant 0 : i32
            %dma_start3A_252 = tpu.memref_slice %arg2[%dma_start3A_251, %mul3A_246] : memref<1x320000xi32, #tpu.memory_space<hbm>> -> memref<1x128xi32, #tpu.memory_space<hbm>>
            %dma_start3A_253 = tpu.memref_slice %run_scoped3A_29[%rem3A_244] : memref<2x!tpu.dma_semaphore, #tpu.memory_space<semaphore_mem>> -> memref<1x!tpu.dma_semaphore, #tpu.memory_space<semaphore_mem>>
            %dma_start3A_254 = tpu.memref_squeeze %dma_start3A_253 : memref<1x!tpu.dma_semaphore, #tpu.memory_space<semaphore_mem>> -> memref<!tpu.dma_semaphore, #tpu.memory_space<semaphore_mem>>
            %dma_start3A_255 = arith.constant 0 : i32
            %dma_start3A_256 = arith.constant 0 : i32
            %dma_start3A_257 = tpu.memref_slice %run_scoped3A[%rem3A_244, %dma_start3A_255, %dma_start3A_256] : memref<2x1x128xi32, #tpu.memory_space<vmem>> -> memref<1x1x128xi32, #tpu.memory_space<vmem>>
            %dma_start3A_258 = tpu.memref_squeeze %dma_start3A_257 : memref<1x1x128xi32, #tpu.memory_space<vmem>> -> memref<1x128xi32, #tpu.memory_space<vmem>>
            %dma_start3A_259 = arith.constant 0 : i32
            %dma_start3A_260 = tpu.memref_slice %arg2[%dma_start3A_259, %mul3A_246] : memref<1x320000xi32, #tpu.memory_space<hbm>> -> memref<1x128xi32, #tpu.memory_space<hbm>>
            tpu.enqueue_dma source(%dma_start3A_260 : memref<1x128xi32, #tpu.memory_space<hbm>>) target(%dma_start3A_258 : memref<1x128xi32, #tpu.memory_space<vmem>>) target_semaphore(%dma_start3A_254 : memref<!tpu.dma_semaphore, #tpu.memory_space<semaphore_mem>>)
            "tpu.trace_stop"() : () -> ()
          } else {
          }
          %and3A_194 = arith.constant true
          %and3A_195 = arith.andi %and3A, %and3A_194 : i1
          %add3A_196 = arith.constant 1 : i32
          %add3A_197 = arith.addi %while3A_148, %add3A_196 : i32
          %select_n3A_198 = arith.select %and3A_195, %add3A_197, %while3A_148 : i32
          %ne3A_199 = arith.cmpi ne, %add3A_158, %add3A_168 : i32
          %or3A_200 = arith.constant false
          %or3A_201 = arith.ori %or3A_200, %ne3A_199 : i1
          %or3A_202 = arith.ori %or3A_201, %eq3A_154 : i1
          %convert_element_type3A_203 = arith.extui %or3A_202 : i1 to i32
          %cond3A_204 = arith.constant 0 : i32
          %cond3A_205 = arith.cmpi ne, %convert_element_type3A_203, %cond3A_204 : i32
          scf.if %cond3A_205 {
            "tpu.trace_start"() <{level = 10 : i32, message = "ep_wait_in"}> : () -> ()
            %mul3A_243 = arith.constant 128 : i32
            %mul3A_244 = arith.muli %mul3A_243, %add3A_158 : i32
            %rem3A_245 = arith.constant 2 : i32
            %rem3A_246 = arith.remui %while3A_149, %rem3A_245 : i32
            %dma_wait3A = arith.constant 0 : i32
            %dma_wait3A_247 = arith.constant 0 : i32
            %dma_wait3A_248 = tpu.memref_slice %run_scoped3A[%rem3A_246, %dma_wait3A, %dma_wait3A_247] : memref<2x1x128xi32, #tpu.memory_space<vmem>> -> memref<1x1x128xi32, #tpu.memory_space<vmem>>
            %dma_wait3A_249 = tpu.memref_squeeze %dma_wait3A_248 : memref<1x1x128xi32, #tpu.memory_space<vmem>> -> memref<1x128xi32, #tpu.memory_space<vmem>>
            %dma_wait3A_250 = arith.constant 0 : i32
            %dma_wait3A_251 = tpu.memref_slice %arg2[%dma_wait3A_250, %mul3A_244] : memref<1x320000xi32, #tpu.memory_space<hbm>> -> memref<1x128xi32, #tpu.memory_space<hbm>>
            %dma_wait3A_252 = tpu.memref_slice %run_scoped3A_29[%rem3A_246] : memref<2x!tpu.dma_semaphore, #tpu.memory_space<semaphore_mem>> -> memref<1x!tpu.dma_semaphore, #tpu.memory_space<semaphore_mem>>
            %dma_wait3A_253 = tpu.memref_squeeze %dma_wait3A_252 : memref<1x!tpu.dma_semaphore, #tpu.memory_space<semaphore_mem>> -> memref<!tpu.dma_semaphore, #tpu.memory_space<semaphore_mem>>
            %dma_wait3A_254 = arith.constant 0 : i32
            %dma_wait3A_255 = arith.constant 0 : i32
            %dma_wait3A_256 = tpu.memref_slice %run_scoped3A[%rem3A_246, %dma_wait3A_254, %dma_wait3A_255] : memref<2x1x128xi32, #tpu.memory_space<vmem>> -> memref<1x1x128xi32, #tpu.memory_space<vmem>>
            %dma_wait3A_257 = tpu.memref_squeeze %dma_wait3A_256 : memref<1x1x128xi32, #tpu.memory_space<vmem>> -> memref<1x128xi32, #tpu.memory_space<vmem>>
            %dma_wait3A_258 = arith.constant 0 : i32
            %dma_wait3A_259 = tpu.memref_slice %arg2[%dma_wait3A_258, %mul3A_244] : memref<1x320000xi32, #tpu.memory_space<hbm>> -> memref<1x128xi32, #tpu.memory_space<hbm>>
            tpu.wait_dma2 semaphore(%dma_wait3A_253 : memref<!tpu.dma_semaphore, #tpu.memory_space<semaphore_mem>>) src(%dma_wait3A_259 : memref<1x128xi32, #tpu.memory_space<hbm>>) dst(%dma_wait3A_257 : memref<1x128xi32, #tpu.memory_space<vmem>>)
            "tpu.trace_stop"() : () -> ()
          } else {
          }
          %rem3A_206 = arith.constant 2 : i32
          %rem3A_207 = arith.remui %while3A_149, %rem3A_206 : i32
          %run_scoped3A_208 = arith.constant 0 : i32
          "tpu.trace_start"() <{level = 10 : i32, message = "ep_run_kernel"}> : () -> ()
          "tpu.region"() ({
            %run_scoped3A_243 = tpu.sem_alloc : memref<!tpu.dma_semaphore, #tpu.memory_space<semaphore_mem>>
            %dma_start3A_244 = arith.constant 0 : i32
            %dma_start3A_245 = arith.constant 0 : i32
            %dma_start3A_246 = tpu.memref_slice %run_scoped3A[%rem3A_207, %dma_start3A_244, %dma_start3A_245] : memref<2x1x128xi32, #tpu.memory_space<vmem>> -> memref<1x1x128xi32, #tpu.memory_space<vmem>>
            %dma_start3A_247 = tpu.memref_squeeze %dma_start3A_246 : memref<1x1x128xi32, #tpu.memory_space<vmem>> -> memref<1x128xi32, #tpu.memory_space<vmem>>
            %dma_start3A_248 = arith.constant 0 : i32
            %dma_start3A_249 = tpu.memref_slice %dma_start3A_247[%run_scoped3A_208, %dma_start3A_248] : memref<1x128xi32, #tpu.memory_space<vmem>> -> memref<1x128xi32, #tpu.memory_space<vmem>>
            %dma_start3A_250 = tpu.memref_squeeze %dma_start3A_249 : memref<1x128xi32, #tpu.memory_space<vmem>> -> memref<128xi32, #tpu.memory_space<vmem>>
            %dma_start3A_251 = arith.constant 0 : i32
            %dma_start3A_252 = arith.constant 0 : i32
            %dma_start3A_253 = tpu.memref_slice %arg8[%dma_start3A_251, %dma_start3A_252] : memref<10240x128xf32, #tpu.memory_space<vmem_shared>> -> memref<10240x128xf32, #tpu.memory_space<vmem_shared>>
            tpu.enqueue_indirect_dma source(%arg7 : memref<128x128xf32, #tpu.memory_space<vmem>>) target(%dma_start3A_253 : memref<10240x128xf32, #tpu.memory_space<vmem_shared>>) offsets(%dma_start3A_250 : memref<128xi32, #tpu.memory_space<vmem>>) semaphore(%run_scoped3A_243 : memref<!tpu.dma_semaphore, #tpu.memory_space<semaphore_mem>>) {add = true}
            %dma_wait3A = arith.constant 0 : i32
            %dma_wait3A_254 = arith.constant 0 : i32
            %dma_wait3A_255 = tpu.memref_slice %run_scoped3A[%rem3A_207, %dma_wait3A, %dma_wait3A_254] : memref<2x1x128xi32, #tpu.memory_space<vmem>> -> memref<1x1x128xi32, #tpu.memory_space<vmem>>
            %dma_wait3A_256 = tpu.memref_squeeze %dma_wait3A_255 : memref<1x1x128xi32, #tpu.memory_space<vmem>> -> memref<1x128xi32, #tpu.memory_space<vmem>>
            %dma_wait3A_257 = arith.constant 0 : i32
            %dma_wait3A_258 = tpu.memref_slice %dma_wait3A_256[%run_scoped3A_208, %dma_wait3A_257] : memref<1x128xi32, #tpu.memory_space<vmem>> -> memref<1x128xi32, #tpu.memory_space<vmem>>
            %dma_wait3A_259 = tpu.memref_squeeze %dma_wait3A_258 : memref<1x128xi32, #tpu.memory_space<vmem>> -> memref<128xi32, #tpu.memory_space<vmem>>
            %dma_wait3A_260 = arith.constant 0 : i32
            %dma_wait3A_261 = arith.constant 0 : i32
            %dma_wait3A_262 = tpu.memref_slice %arg8[%dma_wait3A_260, %dma_wait3A_261] : memref<10240x128xf32, #tpu.memory_space<vmem_shared>> -> memref<10240x128xf32, #tpu.memory_space<vmem_shared>>
            tpu.wait_indirect_dma semaphore(%run_scoped3A_243 : memref<!tpu.dma_semaphore, #tpu.memory_space<semaphore_mem>>) src(%arg7 : memref<128x128xf32, #tpu.memory_space<vmem>>) dst(%dma_wait3A_262 : memref<10240x128xf32, #tpu.memory_space<vmem_shared>>)
            tpu.yield
          }) : () -> ()
          "tpu.trace_stop"() : () -> ()
          %ne3A_209 = arith.cmpi ne, %add3A_158, %add3A_176 : i32
          %or3A_210 = arith.constant false
          %or3A_211 = arith.ori %or3A_210, %ne3A_209 : i1
          %or3A_212 = arith.ori %or3A_211, %eq3A_157 : i1
          %convert_element_type3A_213 = arith.extui %or3A_212 : i1 to i32
          %cond3A_214 = arith.constant 0 : i32
          %cond3A_215 = arith.cmpi ne, %convert_element_type3A_213, %cond3A_214 : i32
          scf.if %cond3A_215 {
          } else {
          }
          %and3A_216 = arith.constant false
          %and3A_217 = arith.andi %or3A_212, %and3A_216 : i1
          %ne3A_218 = arith.cmpi ne, %add3A_158, %add3A_168 : i32
          %or3A_219 = arith.constant false
          %or3A_220 = arith.ori %or3A_219, %ne3A_218 : i1
          %not3A_221 = arith.constant true
          %not3A_222 = arith.xori %eq3A_154, %not3A_221 : i1
          %and3A_223 = arith.andi %or3A_220, %not3A_222 : i1
          %convert_element_type3A_224 = arith.extui %and3A_223 : i1 to i32
          %cond3A_225 = arith.constant 0 : i32
          %cond3A_226 = arith.cmpi ne, %convert_element_type3A_224, %cond3A_225 : i32
          scf.if %cond3A_226 {
          } else {
          }
          %and3A_227 = arith.constant false
          %and3A_228 = arith.andi %and3A_223, %and3A_227 : i1
          %ne3A_229 = arith.cmpi ne, %add3A_158, %add3A_176 : i32
          %or3A_230 = arith.constant false
          %or3A_231 = arith.ori %or3A_230, %ne3A_229 : i1
          %or3A_232 = arith.ori %or3A_231, %eq3A_157 : i1
          %add3A_233 = arith.constant 1 : i32
          %add3A_234 = arith.addi %while3A_149, %add3A_233 : i32
          %select_n3A_235 = arith.select %or3A_232, %add3A_234, %while3A_149 : i32
          %add3A_236 = arith.constant 1 : i32
          %add3A_237 = arith.addi %while3A_150, %add3A_236 : i32
          %select_n3A_238 = arith.constant true
          %select_n3A_239 = arith.select %select_n3A_238, %add3A_237, %while3A_150 : i32
          %eq3A_240 = arith.cmpi eq, %select_n3A_239, %select_n3A : i32
          %select_n3A_241 = arith.constant 0 : i32
          %select_n3A_242 = arith.select %eq3A_240, %select_n3A_241, %select_n3A_239 : i32
          scf.yield %select_n3A_198, %select_n3A_235, %select_n3A_242 : i32, i32, i32
        }
        %while3A_97 = arith.constant 1 : i32
        %while3A_98:3 = scf.for %while3A_147 = %while3A_94 to %while3A_90 step %while3A_97 iter_args(%while3A_148 = %while3A_96#0, %while3A_149 = %while3A_96#1, %while3A_150 = %while3A_96#2) -> (i32, i32, i32)  : i32 {
          %mul3A_151 = arith.constant 1 : i32
          %mul3A_152 = arith.muli %mul3A_151, %select_n3A : i32
          %eq3A_153 = arith.constant 0 : i32
          %eq3A_154 = arith.cmpi eq, %while3A_147, %eq3A_153 : i32
          %sub3A_155 = arith.constant 1 : i32
          %sub3A_156 = arith.subi %mul3A_152, %sub3A_155 : i32
          %eq3A_157 = arith.cmpi eq, %while3A_147, %sub3A_156 : i32
          %add3A_158 = arith.addi %while3A_150, %select_n3A_20 : i32
          %sub3A_159 = arith.constant 1 : i32
          %sub3A_160 = arith.subi %while3A_150, %sub3A_159 : i32
          %select_n3A_161 = arith.constant true
          %select_n3A_162 = arith.select %select_n3A_161, %sub3A_160, %while3A_150 : i32
          %eq3A_163 = arith.constant -1 : i32
          %eq3A_164 = arith.cmpi eq, %select_n3A_162, %eq3A_163 : i32
          %sub3A_165 = arith.constant 1 : i32
          %sub3A_166 = arith.subi %select_n3A, %sub3A_165 : i32
          %select_n3A_167 = arith.select %eq3A_164, %sub3A_166, %select_n3A_162 : i32
          %add3A_168 = arith.addi %select_n3A_167, %select_n3A_20 : i32
          %add3A_169 = arith.constant 1 : i32
          %add3A_170 = arith.addi %while3A_150, %add3A_169 : i32
          %select_n3A_171 = arith.constant true
          %select_n3A_172 = arith.select %select_n3A_171, %add3A_170, %while3A_150 : i32
          %eq3A_173 = arith.cmpi eq, %select_n3A_172, %select_n3A : i32
          %select_n3A_174 = arith.constant 0 : i32
          %select_n3A_175 = arith.select %eq3A_173, %select_n3A_174, %select_n3A_172 : i32
          %add3A_176 = arith.addi %select_n3A_175, %select_n3A_20 : i32
          %add3A_177 = arith.constant 1 : i32
          %add3A_178 = arith.addi %select_n3A_175, %add3A_177 : i32
          %select_n3A_179 = arith.constant true
          %select_n3A_180 = arith.select %select_n3A_179, %add3A_178, %select_n3A_175 : i32
          %eq3A_181 = arith.cmpi eq, %select_n3A_180, %select_n3A : i32
          %select_n3A_182 = arith.constant 0 : i32
          %select_n3A_183 = arith.select %eq3A_181, %select_n3A_182, %select_n3A_180 : i32
          %add3A_184 = arith.addi %select_n3A_183, %select_n3A_20 : i32
          %ne3A = arith.cmpi ne, %add3A_158, %add3A_176 : i32
          %or3A = arith.constant false
          %or3A_185 = arith.ori %or3A, %ne3A : i1
          %sub3A_186 = arith.constant 2 : i32
          %sub3A_187 = arith.subi %mul3A_152, %sub3A_186 : i32
          %add3A_188 = arith.constant 1 : i32
          %add3A_189 = arith.addi %sub3A_187, %add3A_188 : i32
          %ge3A = arith.cmpi sge, %while3A_147, %add3A_189 : i32
          %not3A = arith.constant true
          %not3A_190 = arith.xori %ge3A, %not3A : i1
          %and3A = arith.andi %or3A_185, %not3A_190 : i1
          %convert_element_type3A_191 = arith.extui %and3A : i1 to i32
          %cond3A_192 = arith.constant 0 : i32
          %cond3A_193 = arith.cmpi ne, %convert_element_type3A_191, %cond3A_192 : i32
          scf.if %cond3A_193 {
            "tpu.trace_start"() <{level = 10 : i32, message = "ep_copy_in"}> : () -> ()
            %rem3A_243 = arith.constant 2 : i32
            %rem3A_244 = arith.remui %while3A_148, %rem3A_243 : i32
            %mul3A_245 = arith.constant 128 : i32
            %mul3A_246 = arith.muli %mul3A_245, %add3A_176 : i32
            %dma_start3A_247 = arith.constant 0 : i32
            %dma_start3A_248 = arith.constant 0 : i32
            %dma_start3A_249 = tpu.memref_slice %run_scoped3A[%rem3A_244, %dma_start3A_247, %dma_start3A_248] : memref<2x1x128xi32, #tpu.memory_space<vmem>> -> memref<1x1x128xi32, #tpu.memory_space<vmem>>
            %dma_start3A_250 = tpu.memref_squeeze %dma_start3A_249 : memref<1x1x128xi32, #tpu.memory_space<vmem>> -> memref<1x128xi32, #tpu.memory_space<vmem>>
            %dma_start3A_251 = arith.constant 0 : i32
            %dma_start3A_252 = tpu.memref_slice %arg2[%dma_start3A_251, %mul3A_246] : memref<1x320000xi32, #tpu.memory_space<hbm>> -> memref<1x128xi32, #tpu.memory_space<hbm>>
            %dma_start3A_253 = tpu.memref_slice %run_scoped3A_29[%rem3A_244] : memref<2x!tpu.dma_semaphore, #tpu.memory_space<semaphore_mem>> -> memref<1x!tpu.dma_semaphore, #tpu.memory_space<semaphore_mem>>
            %dma_start3A_254 = tpu.memref_squeeze %dma_start3A_253 : memref<1x!tpu.dma_semaphore, #tpu.memory_space<semaphore_mem>> -> memref<!tpu.dma_semaphore, #tpu.memory_space<semaphore_mem>>
            %dma_start3A_255 = arith.constant 0 : i32
            %dma_start3A_256 = arith.constant 0 : i32
            %dma_start3A_257 = tpu.memref_slice %run_scoped3A[%rem3A_244, %dma_start3A_255, %dma_start3A_256] : memref<2x1x128xi32, #tpu.memory_space<vmem>> -> memref<1x1x128xi32, #tpu.memory_space<vmem>>
            %dma_start3A_258 = tpu.memref_squeeze %dma_start3A_257 : memref<1x1x128xi32, #tpu.memory_space<vmem>> -> memref<1x128xi32, #tpu.memory_space<vmem>>
            %dma_start3A_259 = arith.constant 0 : i32
            %dma_start3A_260 = tpu.memref_slice %arg2[%dma_start3A_259, %mul3A_246] : memref<1x320000xi32, #tpu.memory_space<hbm>> -> memref<1x128xi32, #tpu.memory_space<hbm>>
            tpu.enqueue_dma source(%dma_start3A_260 : memref<1x128xi32, #tpu.memory_space<hbm>>) target(%dma_start3A_258 : memref<1x128xi32, #tpu.memory_space<vmem>>) target_semaphore(%dma_start3A_254 : memref<!tpu.dma_semaphore, #tpu.memory_space<semaphore_mem>>)
            "tpu.trace_stop"() : () -> ()
          } else {
          }
          %and3A_194 = arith.constant true
          %and3A_195 = arith.andi %and3A, %and3A_194 : i1
          %add3A_196 = arith.constant 1 : i32
          %add3A_197 = arith.addi %while3A_148, %add3A_196 : i32
          %select_n3A_198 = arith.select %and3A_195, %add3A_197, %while3A_148 : i32
          %ne3A_199 = arith.cmpi ne, %add3A_158, %add3A_168 : i32
          %or3A_200 = arith.constant false
          %or3A_201 = arith.ori %or3A_200, %ne3A_199 : i1
          %or3A_202 = arith.ori %or3A_201, %eq3A_154 : i1
          %convert_element_type3A_203 = arith.extui %or3A_202 : i1 to i32
          %cond3A_204 = arith.constant 0 : i32
          %cond3A_205 = arith.cmpi ne, %convert_element_type3A_203, %cond3A_204 : i32
          scf.if %cond3A_205 {
            "tpu.trace_start"() <{level = 10 : i32, message = "ep_wait_in"}> : () -> ()
            %mul3A_243 = arith.constant 128 : i32
            %mul3A_244 = arith.muli %mul3A_243, %add3A_158 : i32
            %rem3A_245 = arith.constant 2 : i32
            %rem3A_246 = arith.remui %while3A_149, %rem3A_245 : i32
            %dma_wait3A = arith.constant 0 : i32
            %dma_wait3A_247 = arith.constant 0 : i32
            %dma_wait3A_248 = tpu.memref_slice %run_scoped3A[%rem3A_246, %dma_wait3A, %dma_wait3A_247] : memref<2x1x128xi32, #tpu.memory_space<vmem>> -> memref<1x1x128xi32, #tpu.memory_space<vmem>>
            %dma_wait3A_249 = tpu.memref_squeeze %dma_wait3A_248 : memref<1x1x128xi32, #tpu.memory_space<vmem>> -> memref<1x128xi32, #tpu.memory_space<vmem>>
            %dma_wait3A_250 = arith.constant 0 : i32
            %dma_wait3A_251 = tpu.memref_slice %arg2[%dma_wait3A_250, %mul3A_244] : memref<1x320000xi32, #tpu.memory_space<hbm>> -> memref<1x128xi32, #tpu.memory_space<hbm>>
            %dma_wait3A_252 = tpu.memref_slice %run_scoped3A_29[%rem3A_246] : memref<2x!tpu.dma_semaphore, #tpu.memory_space<semaphore_mem>> -> memref<1x!tpu.dma_semaphore, #tpu.memory_space<semaphore_mem>>
            %dma_wait3A_253 = tpu.memref_squeeze %dma_wait3A_252 : memref<1x!tpu.dma_semaphore, #tpu.memory_space<semaphore_mem>> -> memref<!tpu.dma_semaphore, #tpu.memory_space<semaphore_mem>>
            %dma_wait3A_254 = arith.constant 0 : i32
            %dma_wait3A_255 = arith.constant 0 : i32
            %dma_wait3A_256 = tpu.memref_slice %run_scoped3A[%rem3A_246, %dma_wait3A_254, %dma_wait3A_255] : memref<2x1x128xi32, #tpu.memory_space<vmem>> -> memref<1x1x128xi32, #tpu.memory_space<vmem>>
            %dma_wait3A_257 = tpu.memref_squeeze %dma_wait3A_256 : memref<1x1x128xi32, #tpu.memory_space<vmem>> -> memref<1x128xi32, #tpu.memory_space<vmem>>
            %dma_wait3A_258 = arith.constant 0 : i32
            %dma_wait3A_259 = tpu.memref_slice %arg2[%dma_wait3A_258, %mul3A_244] : memref<1x320000xi32, #tpu.memory_space<hbm>> -> memref<1x128xi32, #tpu.memory_space<hbm>>
            tpu.wait_dma2 semaphore(%dma_wait3A_253 : memref<!tpu.dma_semaphore, #tpu.memory_space<semaphore_mem>>) src(%dma_wait3A_259 : memref<1x128xi32, #tpu.memory_space<hbm>>) dst(%dma_wait3A_257 : memref<1x128xi32, #tpu.memory_space<vmem>>)
            "tpu.trace_stop"() : () -> ()
          } else {
          }
          %rem3A_206 = arith.constant 2 : i32
          %rem3A_207 = arith.remui %while3A_149, %rem3A_206 : i32
          %run_scoped3A_208 = arith.constant 0 : i32
          "tpu.trace_start"() <{level = 10 : i32, message = "ep_run_kernel"}> : () -> ()
          "tpu.region"() ({
            %run_scoped3A_243 = tpu.sem_alloc : memref<!tpu.dma_semaphore, #tpu.memory_space<semaphore_mem>>
            %dma_start3A_244 = arith.constant 0 : i32
            %dma_start3A_245 = arith.constant 0 : i32
            %dma_start3A_246 = tpu.memref_slice %run_scoped3A[%rem3A_207, %dma_start3A_244, %dma_start3A_245] : memref<2x1x128xi32, #tpu.memory_space<vmem>> -> memref<1x1x128xi32, #tpu.memory_space<vmem>>
            %dma_start3A_247 = tpu.memref_squeeze %dma_start3A_246 : memref<1x1x128xi32, #tpu.memory_space<vmem>> -> memref<1x128xi32, #tpu.memory_space<vmem>>
            %dma_start3A_248 = arith.constant 0 : i32
            %dma_start3A_249 = tpu.memref_slice %dma_start3A_247[%run_scoped3A_208, %dma_start3A_248] : memref<1x128xi32, #tpu.memory_space<vmem>> -> memref<1x128xi32, #tpu.memory_space<vmem>>
            %dma_start3A_250 = tpu.memref_squeeze %dma_start3A_249 : memref<1x128xi32, #tpu.memory_space<vmem>> -> memref<128xi32, #tpu.memory_space<vmem>>
            %dma_start3A_251 = arith.constant 0 : i32
            %dma_start3A_252 = arith.constant 0 : i32
            %dma_start3A_253 = tpu.memref_slice %arg8[%dma_start3A_251, %dma_start3A_252] : memref<10240x128xf32, #tpu.memory_space<vmem_shared>> -> memref<10240x128xf32, #tpu.memory_space<vmem_shared>>
            tpu.enqueue_indirect_dma source(%arg7 : memref<128x128xf32, #tpu.memory_space<vmem>>) target(%dma_start3A_253 : memref<10240x128xf32, #tpu.memory_space<vmem_shared>>) offsets(%dma_start3A_250 : memref<128xi32, #tpu.memory_space<vmem>>) semaphore(%run_scoped3A_243 : memref<!tpu.dma_semaphore, #tpu.memory_space<semaphore_mem>>) {add = true}
            %dma_wait3A = arith.constant 0 : i32
            %dma_wait3A_254 = arith.constant 0 : i32
            %dma_wait3A_255 = tpu.memref_slice %run_scoped3A[%rem3A_207, %dma_wait3A, %dma_wait3A_254] : memref<2x1x128xi32, #tpu.memory_space<vmem>> -> memref<1x1x128xi32, #tpu.memory_space<vmem>>
            %dma_wait3A_256 = tpu.memref_squeeze %dma_wait3A_255 : memref<1x1x128xi32, #tpu.memory_space<vmem>> -> memref<1x128xi32, #tpu.memory_space<vmem>>
            %dma_wait3A_257 = arith.constant 0 : i32
            %dma_wait3A_258 = tpu.memref_slice %dma_wait3A_256[%run_scoped3A_208, %dma_wait3A_257] : memref<1x128xi32, #tpu.memory_space<vmem>> -> memref<1x128xi32, #tpu.memory_space<vmem>>
            %dma_wait3A_259 = tpu.memref_squeeze %dma_wait3A_258 : memref<1x128xi32, #tpu.memory_space<vmem>> -> memref<128xi32, #tpu.memory_space<vmem>>
            %dma_wait3A_260 = arith.constant 0 : i32
            %dma_wait3A_261 = arith.constant 0 : i32
            %dma_wait3A_262 = tpu.memref_slice %arg8[%dma_wait3A_260, %dma_wait3A_261] : memref<10240x128xf32, #tpu.memory_space<vmem_shared>> -> memref<10240x128xf32, #tpu.memory_space<vmem_shared>>
            tpu.wait_indirect_dma semaphore(%run_scoped3A_243 : memref<!tpu.dma_semaphore, #tpu.memory_space<semaphore_mem>>) src(%arg7 : memref<128x128xf32, #tpu.memory_space<vmem>>) dst(%dma_wait3A_262 : memref<10240x128xf32, #tpu.memory_space<vmem_shared>>)
            tpu.yield
          }) : () -> ()
          "tpu.trace_stop"() : () -> ()
          %ne3A_209 = arith.cmpi ne, %add3A_158, %add3A_176 : i32
          %or3A_210 = arith.constant false
          %or3A_211 = arith.ori %or3A_210, %ne3A_209 : i1
          %or3A_212 = arith.ori %or3A_211, %eq3A_157 : i1
          %convert_element_type3A_213 = arith.extui %or3A_212 : i1 to i32
          %cond3A_214 = arith.constant 0 : i32
          %cond3A_215 = arith.cmpi ne, %convert_element_type3A_213, %cond3A_214 : i32
          scf.if %cond3A_215 {
          } else {
          }
          %and3A_216 = arith.constant false
          %and3A_217 = arith.andi %or3A_212, %and3A_216 : i1
          %ne3A_218 = arith.cmpi ne, %add3A_158, %add3A_168 : i32
          %or3A_219 = arith.constant false
          %or3A_220 = arith.ori %or3A_219, %ne3A_218 : i1
          %not3A_221 = arith.constant true
          %not3A_222 = arith.xori %eq3A_154, %not3A_221 : i1
          %and3A_223 = arith.andi %or3A_220, %not3A_222 : i1
          %convert_element_type3A_224 = arith.extui %and3A_223 : i1 to i32
          %cond3A_225 = arith.constant 0 : i32
          %cond3A_226 = arith.cmpi ne, %convert_element_type3A_224, %cond3A_225 : i32
          scf.if %cond3A_226 {
          } else {
          }
          %and3A_227 = arith.constant false
          %and3A_228 = arith.andi %and3A_223, %and3A_227 : i1
          %ne3A_229 = arith.cmpi ne, %add3A_158, %add3A_176 : i32
          %or3A_230 = arith.constant false
          %or3A_231 = arith.ori %or3A_230, %ne3A_229 : i1
          %or3A_232 = arith.ori %or3A_231, %eq3A_157 : i1
          %add3A_233 = arith.constant 1 : i32
          %add3A_234 = arith.addi %while3A_149, %add3A_233 : i32
          %select_n3A_235 = arith.select %or3A_232, %add3A_234, %while3A_149 : i32
          %add3A_236 = arith.constant 1 : i32
          %add3A_237 = arith.addi %while3A_150, %add3A_236 : i32
          %select_n3A_238 = arith.constant true
          %select_n3A_239 = arith.select %select_n3A_238, %add3A_237, %while3A_150 : i32
          %eq3A_240 = arith.cmpi eq, %select_n3A_239, %select_n3A : i32
          %select_n3A_241 = arith.constant 0 : i32
          %select_n3A_242 = arith.select %eq3A_240, %select_n3A_241, %select_n3A_239 : i32
          scf.yield %select_n3A_198, %select_n3A_235, %select_n3A_242 : i32, i32, i32
        }
        %sub3A_99 = arith.constant 1 : i32
        %sub3A_100 = arith.subi %while3A_98#2, %sub3A_99 : i32
        %select_n3A_101 = arith.constant true
        %select_n3A_102 = arith.select %select_n3A_101, %sub3A_100, %while3A_98#2 : i32
        %eq3A_103 = arith.constant -1 : i32
        %eq3A_104 = arith.cmpi eq, %select_n3A_102, %eq3A_103 : i32
        %sub3A_105 = arith.constant 1 : i32
        %sub3A_106 = arith.subi %select_n3A, %sub3A_105 : i32
        %select_n3A_107 = arith.select %eq3A_104, %sub3A_106, %select_n3A_102 : i32
        %sub3A_108 = arith.constant 1 : i32
        %sub3A_109 = arith.subi %mul3A_22, %sub3A_108 : i32
        %mul3A_110 = arith.constant 1 : i32
        %mul3A_111 = arith.muli %mul3A_110, %select_n3A : i32
        %eq3A_112 = arith.constant 0 : i32
        %eq3A_113 = arith.cmpi eq, %sub3A_109, %eq3A_112 : i32
        %sub3A_114 = arith.constant 1 : i32
        %sub3A_115 = arith.subi %mul3A_111, %sub3A_114 : i32
        %eq3A_116 = arith.cmpi eq, %sub3A_109, %sub3A_115 : i32
        %add3A_117 = arith.addi %select_n3A_107, %select_n3A_20 : i32
        %sub3A_118 = arith.constant 1 : i32
        %sub3A_119 = arith.subi %select_n3A_107, %sub3A_118 : i32
        %select_n3A_120 = arith.constant true
        %select_n3A_121 = arith.select %select_n3A_120, %sub3A_119, %select_n3A_107 : i32
        %eq3A_122 = arith.constant -1 : i32
        %eq3A_123 = arith.cmpi eq, %select_n3A_121, %eq3A_122 : i32
        %sub3A_124 = arith.constant 1 : i32
        %sub3A_125 = arith.subi %select_n3A, %sub3A_124 : i32
        %select_n3A_126 = arith.select %eq3A_123, %sub3A_125, %select_n3A_121 : i32
        %add3A_127 = arith.addi %select_n3A_126, %select_n3A_20 : i32
        %add3A_128 = arith.constant 1 : i32
        %add3A_129 = arith.addi %select_n3A_107, %add3A_128 : i32
        %select_n3A_130 = arith.constant true
        %select_n3A_131 = arith.select %select_n3A_130, %add3A_129, %select_n3A_107 : i32
        %eq3A_132 = arith.cmpi eq, %select_n3A_131, %select_n3A : i32
        %select_n3A_133 = arith.constant 0 : i32
        %select_n3A_134 = arith.select %eq3A_132, %select_n3A_133, %select_n3A_131 : i32
        %add3A_135 = arith.addi %select_n3A_134, %select_n3A_20 : i32
        %add3A_136 = arith.constant 1 : i32
        %add3A_137 = arith.addi %select_n3A_134, %add3A_136 : i32
        %select_n3A_138 = arith.constant true
        %select_n3A_139 = arith.select %select_n3A_138, %add3A_137, %select_n3A_134 : i32
        %eq3A_140 = arith.cmpi eq, %select_n3A_139, %select_n3A : i32
        %select_n3A_141 = arith.constant 0 : i32
        %select_n3A_142 = arith.select %eq3A_140, %select_n3A_141, %select_n3A_139 : i32
        %add3A_143 = arith.addi %select_n3A_142, %select_n3A_20 : i32
        %convert_element_type3A_144 = arith.extui %eq3A_116 : i1 to i32
        %cond3A_145 = arith.constant 0 : i32
        %cond3A_146 = arith.cmpi ne, %convert_element_type3A_144, %cond3A_145 : i32
        scf.if %cond3A_146 {
        } else {
        }
      } else {
      }
      tpu.yield
    }) : () -> ()
    %barrier3A_23 = arith.constant 0 : index
    tpu.barrier barrier_id(%barrier3A_23)
    %scan3A_24 = arith.constant 0 : i32
    %scan3A_25 = arith.constant 10 : i32
    %scan3A_26 = arith.addi %scan3A_24, %scan3A_25 : i32
    %scan3A_27 = arith.constant 1 : i32
    scf.for %scan3A_29 = %scan3A_24 to %scan3A_26 step %scan3A_27  : i32 {
      %mul3A_30 = arith.constant 1 : i32
      %mul3A_31 = arith.muli %scan3A_29, %mul3A_30 : i32
      %add3A_32 = arith.constant 0 : i32
      %add3A_33 = arith.addi %add3A_32, %mul3A_31 : i32
      %mul3A_34 = arith.constant 64 : i32
      %mul3A_35 = arith.muli %add3A_33, %mul3A_34 : i32
      %add3A_36 = arith.addi %mul3A_0, %mul3A_35 : i32
      "tpu.region"() ({
        %run_scoped3A = tpu.sem_alloc : memref<!tpu.dma_semaphore, #tpu.memory_space<semaphore_mem>>
        %dma_start3A = arith.constant 0 : i32
        %dma_start3A_37 = tpu.memref_slice %arg8[%add3A_36, %dma_start3A] : memref<10240x128xf32, #tpu.memory_space<vmem_shared>> -> memref<64x128xf32, #tpu.memory_space<vmem_shared>>
        %dma_start3A_38 = arith.constant 0 : i32
        %dma_start3A_39 = tpu.memref_slice %arg8[%add3A_36, %dma_start3A_38] : memref<10240x128xf32, #tpu.memory_space<vmem_shared>> -> memref<64x128xf32, #tpu.memory_space<vmem_shared>>
        tpu.enqueue_dma source(%dma_start3A_39 : memref<64x128xf32, #tpu.memory_space<vmem_shared>>) target(%arg6 : memref<64x128xf32, #tpu.memory_space<vmem>>) target_semaphore(%run_scoped3A : memref<!tpu.dma_semaphore, #tpu.memory_space<semaphore_mem>>)
        %dma_wait3A = arith.constant 0 : i32
        %dma_wait3A_40 = tpu.memref_slice %arg8[%add3A_36, %dma_wait3A] : memref<10240x128xf32, #tpu.memory_space<vmem_shared>> -> memref<64x128xf32, #tpu.memory_space<vmem_shared>>
        %dma_wait3A_41 = arith.constant 0 : i32
        %dma_wait3A_42 = tpu.memref_slice %arg8[%add3A_36, %dma_wait3A_41] : memref<10240x128xf32, #tpu.memory_space<vmem_shared>> -> memref<64x128xf32, #tpu.memory_space<vmem_shared>>
        tpu.wait_dma2 semaphore(%run_scoped3A : memref<!tpu.dma_semaphore, #tpu.memory_space<semaphore_mem>>) src(%dma_wait3A_42 : memref<64x128xf32, #tpu.memory_space<vmem_shared>>) dst(%arg6 : memref<64x128xf32, #tpu.memory_space<vmem>>)
        tpu.yield
      }) : () -> ()
      "tpu.region"() ({
        %run_scoped3A = tpu.sem_alloc : memref<!tpu.dma_semaphore, #tpu.memory_space<semaphore_mem>>
        %dma_start3A = arith.constant 0 : i32
        %dma_start3A_37 = tpu.memref_slice %arg5[%arg0, %add3A_36, %dma_start3A] : memref<2x10240x128xf32, #tpu.memory_space<hbm>> -> memref<1x64x128xf32, #tpu.memory_space<hbm>>
        %dma_start3A_38 = tpu.memref_squeeze %dma_start3A_37 : memref<1x64x128xf32, #tpu.memory_space<hbm>> -> memref<64x128xf32, #tpu.memory_space<hbm>>
        %dma_start3A_39 = arith.constant 0 : i32
        %dma_start3A_40 = tpu.memref_slice %arg5[%arg0, %add3A_36, %dma_start3A_39] : memref<2x10240x128xf32, #tpu.memory_space<hbm>> -> memref<1x64x128xf32, #tpu.memory_space<hbm>>
        %dma_start3A_41 = tpu.memref_squeeze %dma_start3A_40 : memref<1x64x128xf32, #tpu.memory_space<hbm>> -> memref<64x128xf32, #tpu.memory_space<hbm>>
        tpu.enqueue_dma source(%arg6 : memref<64x128xf32, #tpu.memory_space<vmem>>) target(%dma_start3A_41 : memref<64x128xf32, #tpu.memory_space<hbm>>) target_semaphore(%run_scoped3A : memref<!tpu.dma_semaphore, #tpu.memory_space<semaphore_mem>>)
        %dma_wait3A = arith.constant 0 : i32
        %dma_wait3A_42 = tpu.memref_slice %arg5[%arg0, %add3A_36, %dma_wait3A] : memref<2x10240x128xf32, #tpu.memory_space<hbm>> -> memref<1x64x128xf32, #tpu.memory_space<hbm>>
        %dma_wait3A_43 = tpu.memref_squeeze %dma_wait3A_42 : memref<1x64x128xf32, #tpu.memory_space<hbm>> -> memref<64x128xf32, #tpu.memory_space<hbm>>
        %dma_wait3A_44 = arith.constant 0 : i32
        %dma_wait3A_45 = tpu.memref_slice %arg5[%arg0, %add3A_36, %dma_wait3A_44] : memref<2x10240x128xf32, #tpu.memory_space<hbm>> -> memref<1x64x128xf32, #tpu.memory_space<hbm>>
        %dma_wait3A_46 = tpu.memref_squeeze %dma_wait3A_45 : memref<1x64x128xf32, #tpu.memory_space<hbm>> -> memref<64x128xf32, #tpu.memory_space<hbm>>
        tpu.wait_dma2 semaphore(%run_scoped3A : memref<!tpu.dma_semaphore, #tpu.memory_space<semaphore_mem>>) src(%arg6 : memref<64x128xf32, #tpu.memory_space<vmem>>) dst(%dma_wait3A_46 : memref<64x128xf32, #tpu.memory_space<hbm>>)
        tpu.yield
      }) : () -> ()
    }
    %scan3A_28 = arith.constant 10 : i32
    return
  }
}

module attributes {stable_mosaic.version = 14 : i64} {
  func.func @body(%arg0: i32, %arg1: memref<2x1000x128xf32, #tpu.memory_space<vmem>>, %arg2: memref<2x1000x128xf32, #tpu.memory_space<vmem>>, %arg3: memref<1000x128xf32, #tpu.memory_space<vmem>>, %arg4: memref<128x128xf32, #tpu.memory_space<vmem>>, %arg5: memref<1x128xf32, #tpu.memory_space<vmem>>, %arg6: memref<128x128xf32, #tpu.memory_space<vmem>>, %arg7: memref<1000x128xf32, #tpu.memory_space<vmem>>) attributes {dimension_semantics = [#tpu.dimension_semantics<arbitrary>], iteration_bounds = array<i64: 10>, scalar_prefetch = 0 : i64, scratch_operands = 0 : i64, tpu.core_type = #tpu.core_type<tc>, window_params = [{transform_indices = @transform_0, window_bounds = array<i64: 2, 1000, 128>}, {transform_indices = @transform_1, window_bounds = array<i64: 2, 1000, 128>}, {transform_indices = @transform_2, window_bounds = array<i64: 1000, 128>}, {pipeline_mode = #tpu.pipeline_mode<synchronous>, transform_indices = @transform_3, window_bounds = array<i64: 128, 128>}, {pipeline_mode = #tpu.pipeline_mode<synchronous>, transform_indices = @transform_4, window_bounds = array<i64: 1, 128>}, {pipeline_mode = #tpu.pipeline_mode<synchronous>, transform_indices = @transform_5, window_bounds = array<i64: 128, 128>}, {transform_indices = @transform_6, window_bounds = array<i64: 1000, 128>}]} {
    %get3A = arith.constant 0 : index
    %get3A_0 = arith.constant 0 : index
    %get3A_1 = arith.constant 0 : index
    %get3A_2 = vector.load %arg1[%get3A, %get3A_0, %get3A_1] : memref<2x1000x128xf32, #tpu.memory_space<vmem>>, vector<1x1000x128xf32>
    %get3A_3 = vector.shape_cast %get3A_2 : vector<1x1000x128xf32> to vector<1000x128xf32>
    %get3A_4 = arith.constant 1 : index
    %get3A_5 = arith.constant 0 : index
    %get3A_6 = arith.constant 0 : index
    %get3A_7 = vector.load %arg1[%get3A_4, %get3A_5, %get3A_6] : memref<2x1000x128xf32, #tpu.memory_space<vmem>>, vector<1x1000x128xf32>
    %get3A_8 = vector.shape_cast %get3A_7 : vector<1x1000x128xf32> to vector<1000x128xf32>
    %add3A = arith.addf %get3A_3, %get3A_8 : vector<1000x128xf32>
    %get3A_9 = arith.constant 0 : index
    %get3A_10 = arith.constant 0 : index
    %get3A_11 = arith.constant 0 : index
    %get3A_12 = vector.load %arg2[%get3A_9, %get3A_10, %get3A_11] : memref<2x1000x128xf32, #tpu.memory_space<vmem>>, vector<1x1000x128xf32>
    %get3A_13 = vector.shape_cast %get3A_12 : vector<1x1000x128xf32> to vector<1000x128xf32>
    %slice3A = vector.extract_strided_slice %get3A_13 {offsets = [0, 0], sizes = [1000, 1], strides = [1, 1]} : vector<1000x128xf32> to vector<1000x1xf32>
    %get3A_14 = arith.constant 1 : index
    %get3A_15 = arith.constant 0 : index
    %get3A_16 = arith.constant 0 : index
    %get3A_17 = vector.load %arg2[%get3A_14, %get3A_15, %get3A_16] : memref<2x1000x128xf32, #tpu.memory_space<vmem>>, vector<1x1000x128xf32>
    %get3A_18 = vector.shape_cast %get3A_17 : vector<1x1000x128xf32> to vector<1000x128xf32>
    %slice3A_19 = vector.extract_strided_slice %get3A_18 {offsets = [0, 0], sizes = [1000, 1], strides = [1, 1]} : vector<1000x128xf32> to vector<1000x1xf32>
    %add3A_20 = arith.addf %slice3A, %slice3A_19 : vector<1000x1xf32>
    %max3A = arith.constant 1.000000e+00 : f32
    %max3A_21 = vector.broadcast %max3A : f32 to vector<1000x1xf32>
    %max3A_22 = arith.maximumf %add3A_20, %max3A_21 : vector<1000x1xf32>
    %div3A = vector.broadcast %max3A_22 : vector<1000x1xf32> to vector<1000x128xf32>
    %div3A_23 = arith.divf %add3A, %div3A : vector<1000x128xf32>
    %get3A_24 = arith.constant 0 : index
    %get3A_25 = arith.constant 0 : index
    %get3A_26 = vector.load %arg4[%get3A_24, %get3A_25] : memref<128x128xf32, #tpu.memory_space<vmem>>, vector<128x128xf32>
    %dot_general3A = arith.constant dense<0.000000e+00> : vector<1000x128xf32>
    %dot_general3A_27 = tpu.matmul %div3A_23, %get3A_26, %dot_general3A {dimension_numbers = #tpu.dot_dimension_numbers<[1], [0], [0], [1], [0, 0, 1, 1], [], []>, transpose_lhs_hint = false} : vector<1000x128xf32>, vector<128x128xf32>, vector<1000x128xf32> -> vector<1000x128xf32>
    %get3A_28 = arith.constant 0 : index
    %get3A_29 = arith.constant 0 : index
    %get3A_30 = vector.load %arg5[%get3A_28, %get3A_29] : memref<1x128xf32, #tpu.memory_space<vmem>>, vector<1x128xf32>
    %add3A_31 = vector.broadcast %get3A_30 : vector<1x128xf32> to vector<1000x128xf32>
    %add3A_32 = arith.addf %dot_general3A_27, %add3A_31 : vector<1000x128xf32>
    %get3A_33 = arith.constant 0 : index
    %get3A_34 = arith.constant 0 : index
    %get3A_35 = vector.load %arg3[%get3A_33, %get3A_34] : memref<1000x128xf32, #tpu.memory_space<vmem>>, vector<1000x128xf32>
    %get3A_36 = arith.constant 0 : index
    %get3A_37 = arith.constant 0 : index
    %get3A_38 = vector.load %arg6[%get3A_36, %get3A_37] : memref<128x128xf32, #tpu.memory_space<vmem>>, vector<128x128xf32>
    %dot_general3A_39 = arith.constant dense<0.000000e+00> : vector<1000x128xf32>
    %dot_general3A_40 = tpu.matmul %get3A_35, %get3A_38, %dot_general3A_39 {dimension_numbers = #tpu.dot_dimension_numbers<[1], [0], [0], [1], [0, 0, 1, 1], [], []>, transpose_lhs_hint = false} : vector<1000x128xf32>, vector<128x128xf32>, vector<1000x128xf32> -> vector<1000x128xf32>
    %add3A_41 = arith.addf %add3A_32, %dot_general3A_40 : vector<1000x128xf32>
    %max3A_42 = arith.constant 0.000000e+00 : f32
    %max3A_43 = vector.broadcast %max3A_42 : f32 to vector<1000x128xf32>
    %max3A_44 = arith.maximumf %add3A_41, %max3A_43 : vector<1000x128xf32>
    %swap3A = arith.constant 0 : index
    %swap3A_45 = arith.constant 0 : index
    %swap3A_46 = vector.load %arg7[%swap3A, %swap3A_45] : memref<1000x128xf32, #tpu.memory_space<vmem>>, vector<1000x128xf32>
    tpu.vector_store %arg7[%swap3A, %swap3A_45], %max3A_44 {strides = array<i32>} : memref<1000x128xf32, #tpu.memory_space<vmem>>, vector<1000x128xf32>,
    return
  }
  func.func @transform_0(%arg0: i32) -> (i32, i32, i32) {
    %c0_i32 = arith.constant 0 : i32
    %c0_i32_0 = arith.constant 0 : i32
    %c0_i32_1 = arith.constant 0 : i32
    return %c0_i32, %arg0, %c0_i32_0 : i32, i32, i32
  }
  func.func @transform_1(%arg0: i32) -> (i32, i32, i32) {
    %c0_i32 = arith.constant 0 : i32
    %c0_i32_0 = arith.constant 0 : i32
    %c0_i32_1 = arith.constant 0 : i32
    return %c0_i32, %arg0, %c0_i32_0 : i32, i32, i32
  }
  func.func @transform_2(%arg0: i32) -> (i32, i32) {
    %c0_i32 = arith.constant 0 : i32
    %c0_i32_0 = arith.constant 0 : i32
    return %arg0, %c0_i32 : i32, i32
  }
  func.func @transform_3(%arg0: i32) -> (i32, i32) {
    %c0_i32 = arith.constant 0 : i32
    %c0_i32_0 = arith.constant 0 : i32
    %c0_i32_1 = arith.constant 0 : i32
    return %c0_i32, %c0_i32_0 : i32, i32
  }
  func.func @transform_4(%arg0: i32) -> (i32, i32) {
    %c0_i32 = arith.constant 0 : i32
    %c0_i32_0 = arith.constant 0 : i32
    %c0_i32_1 = arith.constant 0 : i32
    return %c0_i32, %c0_i32_0 : i32, i32
  }
  func.func @transform_5(%arg0: i32) -> (i32, i32) {
    %c0_i32 = arith.constant 0 : i32
    %c0_i32_0 = arith.constant 0 : i32
    %c0_i32_1 = arith.constant 0 : i32
    return %c0_i32, %c0_i32_0 : i32, i32
  }
  func.func @transform_6(%arg0: i32) -> (i32, i32) {
    %c0_i32 = arith.constant 0 : i32
    %c0_i32_0 = arith.constant 0 : i32
    return %arg0, %c0_i32 : i32, i32
  }
}

module attributes {stable_mosaic.version = 14 : i64} {
  func.func @body(%arg0: i32, %arg1: memref<2x1000x128xf32, #tpu.memory_space<vmem>>, %arg2: memref<2x1000x128xf32, #tpu.memory_space<vmem>>, %arg3: memref<1000x128xf32, #tpu.memory_space<vmem>>, %arg4: memref<128x128xf32, #tpu.memory_space<vmem>>, %arg5: memref<1x128xf32, #tpu.memory_space<vmem>>, %arg6: memref<128x128xf32, #tpu.memory_space<vmem>>, %arg7: memref<128x1xf32, #tpu.memory_space<vmem>>, %arg8: memref<1x1xf32, #tpu.memory_space<vmem>>, %arg9: memref<128x1xf32, #tpu.memory_space<vmem>>, %arg10: memref<1x1xf32, #tpu.memory_space<vmem>>, %arg11: memref<1000x1xf32, #tpu.memory_space<vmem>>, %arg12: memref<1x128xf32, #tpu.memory_space<vmem>>, %arg13: memref<1x1xf32, #tpu.memory_space<vmem>>) attributes {dimension_semantics = [#tpu.dimension_semantics<arbitrary>], iteration_bounds = array<i64: 10>, scalar_prefetch = 0 : i64, scratch_operands = 0 : i64, tpu.core_type = #tpu.core_type<tc>, window_params = [{transform_indices = @transform_0, window_bounds = array<i64: 2, 1000, 128>}, {transform_indices = @transform_1, window_bounds = array<i64: 2, 1000, 128>}, {transform_indices = @transform_2, window_bounds = array<i64: 1000, 128>}, {pipeline_mode = #tpu.pipeline_mode<synchronous>, transform_indices = @transform_3, window_bounds = array<i64: 128, 128>}, {pipeline_mode = #tpu.pipeline_mode<synchronous>, transform_indices = @transform_4, window_bounds = array<i64: 1, 128>}, {pipeline_mode = #tpu.pipeline_mode<synchronous>, transform_indices = @transform_5, window_bounds = array<i64: 128, 128>}, {pipeline_mode = #tpu.pipeline_mode<synchronous>, transform_indices = @transform_6, window_bounds = array<i64: 128, 1>}, {pipeline_mode = #tpu.pipeline_mode<synchronous>, transform_indices = @transform_7, window_bounds = array<i64: 1, 1>}, {pipeline_mode = #tpu.pipeline_mode<synchronous>, transform_indices = @transform_8, window_bounds = array<i64: 128, 1>}, {pipeline_mode = #tpu.pipeline_mode<synchronous>, transform_indices = @transform_9, window_bounds = array<i64: 1, 1>}, {transform_indices = @transform_10, window_bounds = array<i64: 1000, 1>}, {pipeline_mode = #tpu.pipeline_mode<synchronous>, transform_indices = @transform_11, window_bounds = array<i64: 1, 128>}, {pipeline_mode = #tpu.pipeline_mode<synchronous>, transform_indices = @transform_12, window_bounds = array<i64: 1, 1>}]} {
    %get3A = arith.constant 0 : index
    %get3A_0 = arith.constant 0 : index
    %get3A_1 = arith.constant 0 : index
    %get3A_2 = vector.load %arg1[%get3A, %get3A_0, %get3A_1] : memref<2x1000x128xf32, #tpu.memory_space<vmem>>, vector<1x1000x128xf32>
    %get3A_3 = vector.shape_cast %get3A_2 : vector<1x1000x128xf32> to vector<1000x128xf32>
    %get3A_4 = arith.constant 1 : index
    %get3A_5 = arith.constant 0 : index
    %get3A_6 = arith.constant 0 : index
    %get3A_7 = vector.load %arg1[%get3A_4, %get3A_5, %get3A_6] : memref<2x1000x128xf32, #tpu.memory_space<vmem>>, vector<1x1000x128xf32>
    %get3A_8 = vector.shape_cast %get3A_7 : vector<1x1000x128xf32> to vector<1000x128xf32>
    %add3A = arith.addf %get3A_3, %get3A_8 : vector<1000x128xf32>
    %get3A_9 = arith.constant 0 : index
    %get3A_10 = arith.constant 0 : index
    %get3A_11 = arith.constant 0 : index
    %get3A_12 = vector.load %arg2[%get3A_9, %get3A_10, %get3A_11] : memref<2x1000x128xf32, #tpu.memory_space<vmem>>, vector<1x1000x128xf32>
    %get3A_13 = vector.shape_cast %get3A_12 : vector<1x1000x128xf32> to vector<1000x128xf32>
    %slice3A = vector.extract_strided_slice %get3A_13 {offsets = [0, 0], sizes = [1000, 1], strides = [1, 1]} : vector<1000x128xf32> to vector<1000x1xf32>
    %get3A_14 = arith.constant 1 : index
    %get3A_15 = arith.constant 0 : index
    %get3A_16 = arith.constant 0 : index
    %get3A_17 = vector.load %arg2[%get3A_14, %get3A_15, %get3A_16] : memref<2x1000x128xf32, #tpu.memory_space<vmem>>, vector<1x1000x128xf32>
    %get3A_18 = vector.shape_cast %get3A_17 : vector<1x1000x128xf32> to vector<1000x128xf32>
    %slice3A_19 = vector.extract_strided_slice %get3A_18 {offsets = [0, 0], sizes = [1000, 1], strides = [1, 1]} : vector<1000x128xf32> to vector<1000x1xf32>
    %add3A_20 = arith.addf %slice3A, %slice3A_19 : vector<1000x1xf32>
    %max3A = arith.constant 1.000000e+00 : f32
    %max3A_21 = vector.broadcast %max3A : f32 to vector<1000x1xf32>
    %max3A_22 = arith.maximumf %add3A_20, %max3A_21 : vector<1000x1xf32>
    %div3A = vector.broadcast %max3A_22 : vector<1000x1xf32> to vector<1000x128xf32>
    %div3A_23 = arith.divf %add3A, %div3A : vector<1000x128xf32>
    %get3A_24 = arith.constant 0 : index
    %get3A_25 = arith.constant 0 : index
    %get3A_26 = vector.load %arg4[%get3A_24, %get3A_25] : memref<128x128xf32, #tpu.memory_space<vmem>>, vector<128x128xf32>
    %dot_general3A = arith.constant dense<0.000000e+00> : vector<1000x128xf32>
    %dot_general3A_27 = tpu.matmul %div3A_23, %get3A_26, %dot_general3A {dimension_numbers = #tpu.dot_dimension_numbers<[1], [0], [0], [1], [0, 0, 1, 1], [], []>, transpose_lhs_hint = false} : vector<1000x128xf32>, vector<128x128xf32>, vector<1000x128xf32> -> vector<1000x128xf32>
    %get3A_28 = arith.constant 0 : index
    %get3A_29 = arith.constant 0 : index
    %get3A_30 = vector.load %arg5[%get3A_28, %get3A_29] : memref<1x128xf32, #tpu.memory_space<vmem>>, vector<1x128xf32>
    %add3A_31 = vector.broadcast %get3A_30 : vector<1x128xf32> to vector<1000x128xf32>
    %add3A_32 = arith.addf %dot_general3A_27, %add3A_31 : vector<1000x128xf32>
    %get3A_33 = arith.constant 0 : index
    %get3A_34 = arith.constant 0 : index
    %get3A_35 = vector.load %arg3[%get3A_33, %get3A_34] : memref<1000x128xf32, #tpu.memory_space<vmem>>, vector<1000x128xf32>
    %get3A_36 = arith.constant 0 : index
    %get3A_37 = arith.constant 0 : index
    %get3A_38 = vector.load %arg6[%get3A_36, %get3A_37] : memref<128x128xf32, #tpu.memory_space<vmem>>, vector<128x128xf32>
    %dot_general3A_39 = arith.constant dense<0.000000e+00> : vector<1000x128xf32>
    %dot_general3A_40 = tpu.matmul %get3A_35, %get3A_38, %dot_general3A_39 {dimension_numbers = #tpu.dot_dimension_numbers<[1], [0], [0], [1], [0, 0, 1, 1], [], []>, transpose_lhs_hint = false} : vector<1000x128xf32>, vector<128x128xf32>, vector<1000x128xf32> -> vector<1000x128xf32>
    %add3A_41 = arith.addf %add3A_32, %dot_general3A_40 : vector<1000x128xf32>
    %max3A_42 = arith.constant 0.000000e+00 : f32
    %max3A_43 = vector.broadcast %max3A_42 : f32 to vector<1000x128xf32>
    %max3A_44 = arith.maximumf %add3A_41, %max3A_43 : vector<1000x128xf32>
    %get3A_45 = arith.constant 0 : index
    %get3A_46 = arith.constant 0 : index
    %get3A_47 = vector.load %arg7[%get3A_45, %get3A_46] : memref<128x1xf32, #tpu.memory_space<vmem>>, vector<128x1xf32>
    %dot_general3A_48 = arith.constant dense<0.000000e+00> : vector<1000x1xf32>
    %dot_general3A_49 = tpu.matmul %max3A_44, %get3A_47, %dot_general3A_48 {dimension_numbers = #tpu.dot_dimension_numbers<[1], [0], [0], [1], [0, 0, 1, 1], [], []>, transpose_lhs_hint = false} : vector<1000x128xf32>, vector<128x1xf32>, vector<1000x1xf32> -> vector<1000x1xf32>
    %get3A_50 = arith.constant 0 : index
    %get3A_51 = arith.constant 0 : index
    %get3A_52 = vector.load %arg8[%get3A_50, %get3A_51] : memref<1x1xf32, #tpu.memory_space<vmem>>, vector<1x1xf32>
    %add3A_53 = vector.broadcast %get3A_52 : vector<1x1xf32> to vector<1000x1xf32>
    %add3A_54 = arith.addf %dot_general3A_49, %add3A_53 : vector<1000x1xf32>
    %swap3A = arith.constant 0 : index
    %swap3A_55 = arith.constant 0 : index
    %swap3A_56 = vector.load %arg11[%swap3A, %swap3A_55] : memref<1000x1xf32, #tpu.memory_space<vmem>>, vector<1000x1xf32>
    tpu.vector_store %arg11[%swap3A, %swap3A_55], %add3A_54 {strides = array<i32>} : memref<1000x1xf32, #tpu.memory_space<vmem>>, vector<1000x1xf32>,
    %reduce_sum3A = arith.constant dense<0.000000e+00> : vector<128xf32>
    %reduce_sum3A_57 = vector.multi_reduction <add>, %max3A_44, %reduce_sum3A [0] : vector<1000x128xf32> to vector<128xf32>
    %broadcast_in_dim3A = vector.shape_cast %reduce_sum3A_57 : vector<128xf32> to vector<1x128xf32>
    %eq3A = arith.constant 0 : i32
    %eq3A_58 = arith.cmpi eq, %arg0, %eq3A : i32
    %convert_element_type3A = arith.extui %eq3A_58 : i1 to i32
    %cond3A = arith.constant 0 : i32
    %cond3A_59 = arith.cmpi ne, %convert_element_type3A, %cond3A : i32
    scf.if %cond3A_59 {
      %swap3A_69 = arith.constant 0 : index
      %swap3A_70 = arith.constant 0 : index
      %swap3A_71 = vector.load %arg12[%swap3A_69, %swap3A_70] : memref<1x128xf32, #tpu.memory_space<vmem>>, vector<1x128xf32>
      tpu.vector_store %arg12[%swap3A_69, %swap3A_70], %broadcast_in_dim3A {strides = array<i32>} : memref<1x128xf32, #tpu.memory_space<vmem>>, vector<1x128xf32>,
    } else {
    }
    %gt3A = arith.constant 0 : i32
    %gt3A_60 = arith.cmpi sgt, %arg0, %gt3A : i32
    %convert_element_type3A_61 = arith.extui %gt3A_60 : i1 to i32
    %cond3A_62 = arith.constant 0 : i32
    %cond3A_63 = arith.cmpi ne, %convert_element_type3A_61, %cond3A_62 : i32
    scf.if %cond3A_63 {
      %get3A_69 = arith.constant 0 : index
      %get3A_70 = arith.constant 0 : index
      %get3A_71 = vector.load %arg12[%get3A_69, %get3A_70] : memref<1x128xf32, #tpu.memory_space<vmem>>, vector<1x128xf32>
      %add3A_72 = arith.addf %get3A_71, %broadcast_in_dim3A : vector<1x128xf32>
      %swap3A_73 = arith.constant 0 : index
      %swap3A_74 = arith.constant 0 : index
      %swap3A_75 = vector.load %arg12[%swap3A_73, %swap3A_74] : memref<1x128xf32, #tpu.memory_space<vmem>>, vector<1x128xf32>
      tpu.vector_store %arg12[%swap3A_73, %swap3A_74], %add3A_72 {strides = array<i32>} : memref<1x128xf32, #tpu.memory_space<vmem>>, vector<1x128xf32>,
    } else {
    }
    %eq3A_64 = arith.constant 9 : i32
    %eq3A_65 = arith.cmpi eq, %arg0, %eq3A_64 : i32
    %convert_element_type3A_66 = arith.extui %eq3A_65 : i1 to i32
    %cond3A_67 = arith.constant 0 : i32
    %cond3A_68 = arith.cmpi ne, %convert_element_type3A_66, %cond3A_67 : i32
    scf.if %cond3A_68 {
      %get3A_69 = arith.constant 0 : index
      %get3A_70 = arith.constant 0 : index
      %get3A_71 = vector.load %arg12[%get3A_69, %get3A_70] : memref<1x128xf32, #tpu.memory_space<vmem>>, vector<1x128xf32>
      %div3A_72 = arith.constant 1.000000e+04 : f32
      %div3A_73 = vector.broadcast %div3A_72 : f32 to vector<1x128xf32>
      %div3A_74 = arith.divf %get3A_71, %div3A_73 : vector<1x128xf32>
      %get3A_75 = arith.constant 0 : index
      %get3A_76 = arith.constant 0 : index
      %get3A_77 = vector.load %arg9[%get3A_75, %get3A_76] : memref<128x1xf32, #tpu.memory_space<vmem>>, vector<128x1xf32>
      %dot_general3A_78 = arith.constant dense<0.000000e+00> : vector<1x1xf32>
      %dot_general3A_79 = tpu.matmul %div3A_74, %get3A_77, %dot_general3A_78 {dimension_numbers = #tpu.dot_dimension_numbers<[1], [0], [0], [1], [0, 0, 1, 1], [], []>, transpose_lhs_hint = false} : vector<1x128xf32>, vector<128x1xf32>, vector<1x1xf32> -> vector<1x1xf32>
      %get3A_80 = arith.constant 0 : index
      %get3A_81 = arith.constant 0 : index
      %get3A_82 = vector.load %arg10[%get3A_80, %get3A_81] : memref<1x1xf32, #tpu.memory_space<vmem>>, vector<1x1xf32>
      %add3A_83 = arith.addf %dot_general3A_79, %get3A_82 : vector<1x1xf32>
      %swap3A_84 = arith.constant 0 : index
      %swap3A_85 = arith.constant 0 : index
      %swap3A_86 = vector.load %arg13[%swap3A_84, %swap3A_85] : memref<1x1xf32, #tpu.memory_space<vmem>>, vector<1x1xf32>
      tpu.vector_store %arg13[%swap3A_84, %swap3A_85], %add3A_83 {strides = array<i32>} : memref<1x1xf32, #tpu.memory_space<vmem>>, vector<1x1xf32>,
    } else {
    }
    return
  }
  func.func @transform_0(%arg0: i32) -> (i32, i32, i32) {
    %c0_i32 = arith.constant 0 : i32
    %c0_i32_0 = arith.constant 0 : i32
    %c0_i32_1 = arith.constant 0 : i32
    return %c0_i32, %arg0, %c0_i32_0 : i32, i32, i32
  }
  func.func @transform_1(%arg0: i32) -> (i32, i32, i32) {
    %c0_i32 = arith.constant 0 : i32
    %c0_i32_0 = arith.constant 0 : i32
    %c0_i32_1 = arith.constant 0 : i32
    return %c0_i32, %arg0, %c0_i32_0 : i32, i32, i32
  }
  func.func @transform_2(%arg0: i32) -> (i32, i32) {
    %c0_i32 = arith.constant 0 : i32
    %c0_i32_0 = arith.constant 0 : i32
    return %arg0, %c0_i32 : i32, i32
  }
  func.func @transform_3(%arg0: i32) -> (i32, i32) {
    %c0_i32 = arith.constant 0 : i32
    %c0_i32_0 = arith.constant 0 : i32
    %c0_i32_1 = arith.constant 0 : i32
    return %c0_i32, %c0_i32_0 : i32, i32
  }
  func.func @transform_4(%arg0: i32) -> (i32, i32) {
    %c0_i32 = arith.constant 0 : i32
    %c0_i32_0 = arith.constant 0 : i32
    %c0_i32_1 = arith.constant 0 : i32
    return %c0_i32, %c0_i32_0 : i32, i32
  }
  func.func @transform_5(%arg0: i32) -> (i32, i32) {
    %c0_i32 = arith.constant 0 : i32
    %c0_i32_0 = arith.constant 0 : i32
    %c0_i32_1 = arith.constant 0 : i32
    return %c0_i32, %c0_i32_0 : i32, i32
  }
  func.func @transform_6(%arg0: i32) -> (i32, i32) {
    %c0_i32 = arith.constant 0 : i32
    %c0_i32_0 = arith.constant 0 : i32
    %c0_i32_1 = arith.constant 0 : i32
    return %c0_i32, %c0_i32_0 : i32, i32
  }
  func.func @transform_7(%arg0: i32) -> (i32, i32) {
    %c0_i32 = arith.constant 0 : i32
    %c0_i32_0 = arith.constant 0 : i32
    %c0_i32_1 = arith.constant 0 : i32
    return %c0_i32, %c0_i32_0 : i32, i32
  }
  func.func @transform_8(%arg0: i32) -> (i32, i32) {
    %c0_i32 = arith.constant 0 : i32
    %c0_i32_0 = arith.constant 0 : i32
    %c0_i32_1 = arith.constant 0 : i32
    return %c0_i32, %c0_i32_0 : i32, i32
  }
  func.func @transform_9(%arg0: i32) -> (i32, i32) {
    %c0_i32 = arith.constant 0 : i32
    %c0_i32_0 = arith.constant 0 : i32
    %c0_i32_1 = arith.constant 0 : i32
    return %c0_i32, %c0_i32_0 : i32, i32
  }
  func.func @transform_10(%arg0: i32) -> (i32, i32) {
    %c0_i32 = arith.constant 0 : i32
    %c0_i32_0 = arith.constant 0 : i32
    return %arg0, %c0_i32 : i32, i32
  }
  func.func @transform_11(%arg0: i32) -> (i32, i32) {
    %c0_i32 = arith.constant 0 : i32
    %c0_i32_0 = arith.constant 0 : i32
    %c0_i32_1 = arith.constant 0 : i32
    return %c0_i32, %c0_i32_0 : i32, i32
  }
  func.func @transform_12(%arg0: i32) -> (i32, i32) {
    %c0_i32 = arith.constant 0 : i32
    %c0_i32_0 = arith.constant 0 : i32
    %c0_i32_1 = arith.constant 0 : i32
    return %c0_i32, %c0_i32_0 : i32, i32
  }
}

</mosaic_0001>

<sc_bundles>
// kernel: kernel.10.cloned.1.call-start
scs
__scs_entry_jumppad:
0x0: {  	(pc) =	sbr.rel $0x88, $3  }
0x1: {  	(tag) =	ssettag $0x0;
	lr =	simm.s32 $0x1  }
0x2: {  	[smem:$0x3F95] =	sst lr;
	_ =	strace $0xD0000000  }
0x3: {  	_ = 	snop  }
0x4: {  	_ = 	snop  }
0x5: {  	_ = 	snop  }
0x6: {  	_ = 	snop  }
0x7: {  	_ = 	snop  }
__scs_overlays_trampoline_lowered:
0x8: {  	[smem:$0x3FA4] =	sst s0  }
0x9: {  	[smem:$0x3FA5] =	sst s1  }
0xa: {  	[smem:$0x3FA6] =	sst s2  }
0xb: {  	[smem:$0x3FA7] =	sst s3  }
0xc: {  	[smem:$0x3FA8] =	sst s4  }
0xd: {  	[smem:$0x3FA9] =	sst s5  }
0xe: {  	[smem:$0x3FAA] =	sst s6  }
0xf: {  	[smem:$0x3FAB] =	sst s7  }
0x10: {  	[smem:$0x3FAC] =	sst s8  }
0x11: {  	[smem:$0x3FAD] =	sst s9;
	s0 =	simm.s32 @!p0 $0x0  }
0x12: {  	s1 =	sld [smem:$0x3F93];
	s0 =	simm.s32 @p0 $0x1  }
0x13: {  	[smem:$0x3FAE] =	sst s0;
	s0 =	simm.s32 @!p1 $0x0  }
0x14: {  	s2 =	sld [smem:$0x3F92];
	s0 =	simm.s32 @p1 $0x1  }
0x15: {  	[smem:$0x3FAF] =	sst s0;
	s0 =	simm.s32 @!p2 $0x0  }
0x16: {  	s3 =	sld [smem:$0x3FDB];
	s0 =	simm.s32 @p2 $0x1  }
0x17: {  	s4 =	simm.s32 $0x1BF5;
	[smem:$0x3FB1] =	sst s0  }
0x18: {  	s0 =	sld [smem:$0x3F94];
	_ =	swait.ge [sflag:s4], $0x0  }
0x19: {  	s7 =	sld [smem:$0x3F95]  }
0x1a: {  	s8 =	sadd.s32 $0xFFFFE003, lr  }
0x1b: {  	s9 =	sadd.s32 $0xFFFFFEF7, lr;
	s5 =	simm.s32 $0xFFFFFFFF;
	p2 =	slt.u32 s8, $0xFFFFF086  }
0x1c: {  	p1 =	slt.u32 s9, $0xF7A;
	s5 =	simm.s32 @!p2 $0x0  }
0x1d: {  	s5 =	simm.s32 @p1 $0x1;
	p0 =	seq.s32 s7, s2  }
0x1e: {  	s7 =	smul.u32 @!p0 $0xF7A, s2;
	p2 =	seq.s32 @!p0 s5, $0x0  }
0x1f: {  	s9 =	smul.u32 $0xF7A, s1;
	s8 =	simm.s32 @!p0 $0x1BF5;
	p2 =	por !p2, p0  }
0x20: {  	[sflag:s8] =	ssyncset.s32 @!p0 $0xFFFFF086;
	s6 =	sadd.s32 @!p0 s3, s7;
	s7 =	simm.s32 @!p0 $0x108  }
0x21: {  	s3 =	sadd.s32 s3, s9;
	s6 =	sadd.s32 @!p0 $0x88, s6;
	s7 =	simm.s32 @p2 $0x1082  }
0x22: {  	[simem:s7], [sflag:s8] =	dma.local @!p0 [hbm:s6], $0xF7A  }
0x23: {  	s9 =	sor.u32 $0xD0000000, s2;
	s6 =	simm.s32 $0x108;
	_ =	swait.ge @!p0 [sflag:s8], $0x0  }
0x24: {  	s3 =	sadd.s32 $0x88, s3;
	s6 =	simm.s32 @!p1 $0x1082;
	[sflag:s4] =	ssyncset.s32 $0xFFFFF086  }
0x25: {  	[simem:s6], [sflag:s4] =	dma.local [hbm:s3], $0xF7A  }
0x26: {  	[smem:$0x3F95] =	sst s1;
	(tag) =	ssettag s2;
	_ =	strace s9  }
0x27: {  	s1 =	sld [smem:$0x3FA5]  }
0x28: {  	s2 =	sld [smem:$0x3FA6]  }
0x29: {  	s4 =	sld [smem:$0x3FA8]  }
0x2a: {  	p0 =	seq.s32 s5, $0x0;
	s5 =	sld [smem:$0x3FA9]  }
0x2b: {  	s6 =	sld [smem:$0x3FAA]  }
0x2c: {  	s7 =	sld [smem:$0x3FAB]  }
0x2d: {  	s3 =	simm.s32 $0x108;
	s8 =	sld [smem:$0x3FAC]  }
0x2e: {  	s3 =	simm.s32 @!p0 $0x1082;
	s9 =	sld [smem:$0x3FAD]  }
0x2f: {  	lr =	sadd.s32 s0, s3;
	s0 =	sld [smem:$0x3FA4]  }
0x30: {  	s3 =	sld [smem:$0x3FA7]  }
0x31: {  	[smem:$0x3FB0] =	sst s10  }
0x32: {  	s10 =	sld [smem:$0x3FAE];
	_ =	sdelay $0x3  }
0x33: {  	p0 =	seq.s32 s10, $0x1;
	s10 =	sld [smem:$0x3FB0];
	_ =	sdelay $0x3  }
0x34: {  	[smem:$0x3FB0] =	sst s10  }
0x35: {  	s10 =	sld [smem:$0x3FAF];
	_ =	sdelay $0x3  }
0x36: {  	p1 =	seq.s32 s10, $0x1;
	s10 =	sld [smem:$0x3FB0];
	_ =	sdelay $0x3  }
0x37: {  	[smem:$0x3FB0] =	sst s10  }
0x38: {  	s10 =	sld [smem:$0x3FB1]  }
0x39: {  	_ = 	snop;
	(pc) =	sbr.ind lr, $3  }
0x3a: {  	_ = 	snop  }
0x3b: {  	_ = 	snop  }
0x3c: {  	p2 =	seq.s32 s10, $0x1;
	s10 =	sld [smem:$0x3FB0]  }
0x3d: {  	_ =	shalt  }
0x3e: {  	_ =	shalt  }
0x3f: {  	_ =	shalt  }
0x40: {  	_ =	shalt  }
0x41: {  	_ =	shalt  }
0x42: {  	_ =	shalt  }
0x43: {  	_ =	shalt  }
0x44: {  	_ =	shalt  }
0x45: {  	_ =	shalt  }
0x46: {  	_ =	shalt  }
0x47: {  	_ =	shalt  }
0x48: {  	_ =	shalt  }
0x49: {  	_ =	shalt  }
0x4a: {  	_ =	shalt  }
0x4b: {  	_ =	shalt  }
0x4c: {  	_ =	shalt  }
0x4d: {  	_ =	shalt  }
0x4e: {  	_ =	shalt  }
0x4f: {  	_ =	shalt  }
0x50: {  	_ =	shalt  }
0x51: {  	_ =	shalt  }
0x52: {  	_ =	shalt  }
0x53: {  	_ =	shalt  }
0x54: {  	_ =	shalt  }
0x55: {  	_ =	shalt  }
0x56: {  	_ =	shalt  }
0x57: {  	_ =	shalt  }
0x58: {  	_ =	shalt  }
0x59: {  	_ =	shalt  }
0x5a: {  	_ =	shalt  }
0x5b: {  	_ =	shalt  }
0x5c: {  	_ =	shalt  }
0x5d: {  	_ =	shalt  }
0x5e: {  	_ =	shalt  }
0x5f: {  	_ =	shalt  }
0x60: {  	_ =	shalt  }
0x61: {  	_ =	shalt  }
0x62: {  	_ =	shalt  }
0x63: {  	_ =	shalt  }
0x64: {  	_ =	shalt  }
0x65: {  	_ =	shalt  }
0x66: {  	_ =	shalt  }
0x67: {  	_ =	shalt  }
0x68: {  	_ =	shalt  }
0x69: {  	_ =	shalt  }
0x6a: {  	_ =	shalt  }
0x6b: {  	_ =	shalt  }
0x6c: {  	_ =	shalt  }
0x6d: {  	_ =	shalt  }
0x6e: {  	_ =	shalt  }
0x6f: {  	_ =	shalt  }
0x70: {  	_ =	shalt  }
0x71: {  	_ =	shalt  }
0x72: {  	_ =	shalt  }
0x73: {  	_ =	shalt  }
0x74: {  	_ =	shalt  }
0x75: {  	_ =	shalt  }
0x76: {  	_ =	shalt  }
0x77: {  	_ =	shalt  }
0x78: {  	_ =	shalt  }
0x79: {  	_ =	shalt  }
0x7a: {  	_ =	shalt  }
0x7b: {  	_ =	shalt  }
0x7c: {  	_ =	shalt  }
0x7d: {  	_ =	shalt  }
0x7e: {  	_ =	shalt  }
0x7f: {  	_ =	shalt  }
0x80: {  	_ =	shalt  }
0x81: {  	_ =	shalt  }
0x82: {  	_ =	shalt  }
0x83: {  	_ =	shalt  }
0x84: {  	_ =	shalt  }
0x85: {  	_ =	shalt  }
0x86: {  	_ =	shalt  }
0x87: {  	_ =	shalt  }
.Lfunc_end0:
.L_simem_size_0:
called_computation.1_lowered:
.L_overlay_start_0:
0x88: {  	s2 =	sld [smem:$0x3FD9]  }
0x89: {  	s3 =	sld [smem:$0x3FFE];
	_ =	sdelay $0x1  }
0x8a: {  	s1 =	srdreg.scid  }
0x8b: {  	s0 =	sand.u32 $0x1, s1  }
0x8c: {  	s14 =	sshll.u32 s0, $0xA;
	s2 =	sadd.s32 s3, s2  }
0x8d: {  	s2 =	sadd.s32 s2, s14  }
0x8e: {  	[smem:$0x3FBC] =	sst s2  }
0x8f: {  	_ = 	snop  }
0x90: {  	s2 =	sld [smem:$0x3FD0];
	_ =	sdelay $0x2  }
0x91: {  	s4 =	simm.s32 $0xB;
	s5 =	simm.s32 $0x10;
	s15 =	sld [smem:$0x3FC9]  }
0x92: {  	[smem:s5], [sflag:s4] =	dma.local [hbm:s2], $0x1  }
0x93: {  	_ =	swait.eq [sflag:s4], $0x1  }
0x94: {  	[sflag:s4] =	ssyncset.done $0x0  }
0x95: {  	[sflag:s4] =	ssyncadd.s32 $0xFFFFFFFF  }
0x96: {  	s16 =	sld [smem:$0x10];
	(tm) =	ssettm $0x1  }
0x97: {  	s17 =	sld [smem:$0x3FFB];
	_ =	sdelay $0x3  }
0x98: {  	_ =	strace s17  }
0x99: {  	s4 =	sld [smem:$0x3FFC];
	_ =	sdelay $0x3  }
0x9a: {  	_ =	strace s4  }
0x9b: {  	s4 =	sld [smem:$0x3FFD];
	_ =	sdelay $0x3  }
0x9c: {  	_ =	strace s4  }
0x9d: {  	_ =	strace $0x8FFFFFFF  }
0x9e: {  	s18 =	sld [smem:$0x3FDB];
	_ =	sdelay $0x1  }
0x9f: {  	s19 =	simm.s32 $_scs_section_size  }
0xa0: {  	s6 =	simm.s32 $_size__tile_overlayer_lowered;
	s7 =	simm.s32 $_tile_overlayer_lowered  }
0xa1: {  	s22 =	simm.s32 $0x1BFF;
	s21 =	sshll.u32 s7, $0x1;
	s4 =	sadd.s32 s19, s18  }
0xa2: {  	s8 =	simm.s32 $0x0;
	s20 =	sshll.u32 s6, $0x1;
	s6 =	sadd.s32 s21, s4  }
0xa3: {  	[timem:s8], [sflag:s22] =	dma.local [hbm:s6], s20  }
0xa4: {  	_ =	swait.ge [sflag:s22], s20  }
0xa5: {  	s5 =	ssub.s32 $0x0, s20;
	[sflag:s22] =	ssyncset.done $0x0  }
0xa6: {  	[sflag:s22] =	ssyncadd.s32 s5;
	_ =	sdelay $0x1  }
0xa7: {  	s23 =	simm.s32 $0x1B8B  }
0xa8: {  	_ =	swait.ge [sflag:s23], $0x1  }
0xa9: {  	[sflag:s23] =	ssyncset.done $0x0  }
0xaa: {  	s25 =	simm.s32 $0x1B8E;
	s24 =	sld [smem:$0x3FFE];
	[sflag:s23] =	ssyncadd.s32 $0xFFFFFFFF  }
0xab: {  	s26 =	simm.s32 $execute0_lowered;
	[smem:$0x3FD2] =	sst s25  }
0xac: {  	s6 =	sshll.u32 s26, $0x1;
	_ =	strace $0x80000046;
	[dreg:$0x1] =	wrdreg $0xFFFFFFFF  }
0xad: {  	s28 =	simm.s32 $_size_execute0_lowered;
	s4 =	sadd.s32 s4, s6;
	[dreg:$0x0] =	wrdreg $0x0  }
0xae: {  	s6 =	sshll.u32 s28, $0x1;
	[dreg:$0x2] =	wrdreg s4  }
0xaf: {  	[dreg:$0x3] =	wrdreg s6  }
0xb0: {  	[dreg:$0x4] =	wrdreg $0xC0  }
0xb1: {  	_ =	task [dreg:s8], $0x5FFFF  }
0xb2: {  	[dreg:$0x1] =	wrdreg $0xFFFFFFFF  }
0xb3: {  	[dreg:$0x0] =	wrdreg $0x60  }
0xb4: {  	[dreg:$0x2] =	wrdreg s15  }
0xb5: {  	[dreg:$0x3] =	wrdreg s24  }
0xb6: {  	[dreg:$0x4] =	wrdreg s16  }
0xb7: {  	[dreg:$0x5] =	wrdreg $0x60000  }
0xb8: {  	[dreg:$0x6] =	wrdreg $0xA  }
0xb9: {  	_ =	task.clear_ibuf [dreg:s8], $0x7FFFF;
	_ =	strace $0x90000046  }
0xba: {  	s29 =	simm.s32 $0xA;
	_ =	strace $0x8000004E  }
0xbb: {  	_ =	swait.ge [sflag:s29], $0x1  }
0xbc: {  	[sflag:s29] =	ssyncadd.s32 $0xFFFFFFFF  }
0xbd: {  	_ =	strace $0x9000004E  }
0xbe: {  	_ =	sfence  }
0xbf: {  	s30 =	sld [smem:$0x0];
	_ =	sdelay $0x2  }
0xc0: {  	s31 =	sshll.u32 s1, $0xD;
	s1 =	sshrl.u32 s1, $0x2  }
0xc1: {  	s3 =	sand.u32 $0x4000, s31;
	s1 =	sadd.s32 s1, s30  }
0xc2: {  	s0 =	sor.u32 s3, s0;
	s1 =	sshll.u32 s1, $0x11  }
0xc3: {  	s0 =	sor.u32 s1, s0  }
0xc4: {  	s0 =	sadd.s32 $0x8F2B, s0  }
0xc5: {  	[sflag:s0] =	ssyncadd.remote.s32 $0x1  }
0xc6: {  	_ =	sfence.sel $0xFFFF  }
0xc7: {  	[dreg:$0x0] =	wrdreg $0xFFFFFFFF;
	(pc) =	sbr.abs _section_cstart, $3  }
0xc8: {  	[dreg:$0x1] =	wrdreg $0xFFFFFFFF  }
0xc9: {  	_ =	task.clear_ibuf [dreg:s8], $0x2FFFF;
	_ =	strace $0x9FFFFFFF  }
0xca: {  	(tm) =	ssettm $0x7FFFFFFF  }
0xcb: {  	_ =	shalt  }
tec
execute0_lowered:
.L_overlay_start_1:
0x0: {  	(tag) =	ssettag $0x1  }
0x1: {  	s0 =	srdreg.scid;
	s1 =	rddreg [dreg:$0x0]  }
0x2: {  	s17 =	stileid.u32;
	s4 =	rddreg [dreg:$0x1]  }
0x3: {  	s0 =	sand.u32 $0x1, s0;
	s9 =	smul.u32 $0x14000, s17;
	s10 =	sadd.s32 $0x16800, s4  }
0x4: {  	s28 =	smul.u32 $0x50000, s17;
	s2 =	sshll.u32 s0, $0x4;
	s6 =	ssub.s32 $0x2, s0  }
0x5: {  	s0 =	smul.u32 $0x140000, s0;
	s3 =	sor.u32 s17, s2;
	s2 =	simm.s32 $0x0  }
0x6: {  	s8 =	sshrl.u32 s6, $0x1;
	s11 =	sadd.s32 $0x4000, s9;
	s12 =	sadd.s32 $0x8000, s9  }
0x7: {  	s14 =	sadd.s32 $0xA000, s9;
	s23 =	sadd.s32 $0xC000, s9;
	s5 =	smul.u32 $0x4F, s3  }
0x8: {  	s17 =	sadd.s32 $0xCA00, s4;
	s7 =	smul.u32 $0x4E, s3;
	[smem:$0x7FF] =	sst s2  }
0x9: {  	s6 =	ssub.s32 s6, s8;
	p0 =	slt.u32 s3, $0x4;
	s15 =	sadd.s32 s0, s9  }
0xa: {  	s19 =	sadd.s32 s0, s11;
	s13 =	sadd.s32 s0, s12;
	s22 =	sadd.s32 s0, s14  }
0xb: {  	s24 =	sadd.s32 s0, s23;
	s13 =	sshrl.u32 s13, $0x3;
	s3 =	sadd.s32 $0x4, s7  }
0xc: {  	s7 =	sor.u32 $0x2000, s9;
	s21 =	sadd.s32 s10, s13;
	s3 =	smov.u32 @p0 s5  }
0xd: {  	s16 =	sadd.s32 s0, s7;
	s5 =	sshrl.u32 s15, $0x3;
	[dreg:$0x9] =	wrdreg s21  }
0xe: {  	s21 =	sadd.s32 $0x10000, s9;
	s8 =	sshrl.u32 s16, $0x3;
	s5 =	sadd.s32 s10, s5  }
0xf: {  	s16 =	sadd.s32 $0xE000, s9;
	s26 =	sadd.s32 s0, s21;
	[dreg:$0x5] =	wrdreg s5  }
0x10: {  	s18 =	sadd.s32 s10, s8;
	s5 =	sshrl.u32 s19, $0x3;
	s8 =	sadd.s32 $0x6000, s9  }
0x11: {  	s30 =	sshll.u32 s3, $0x4;
	s5 =	sadd.s32 s10, s5;
	s20 =	sadd.s32 s0, s8  }
0x12: {  	s15 =	sadd.s32 s0, s16;
	[dreg:$0x7] =	wrdreg s5;
	s5 =	sshrl.u32 s20, $0x3  }
0x13: {  	s9 =	sadd.s32 $0x12000, s9;
	[dreg:$0x6] =	wrdreg s18;
	s5 =	sadd.s32 s10, s5  }
0x14: {  	s15 =	sshrl.u32 s15, $0x3;
	[dreg:$0x8] =	wrdreg s5;
	s5 =	sshrl.u32 s22, $0x3  }
0x15: {  	s25 =	sadd.s32 s10, s15;
	s15 =	rddreg [dreg:$0x3];
	s5 =	sadd.s32 s10, s5  }
0x16: {  	s0 =	sadd.s32 s0, s9;
	[dreg:$0xa] =	wrdreg s5;
	s5 =	sshrl.u32 s24, $0x3  }
0x17: {  	s0 =	sshrl.u32 s0, $0x3;
	[dreg:$0xc] =	wrdreg s25;
	s5 =	sadd.s32 s10, s5  }
0x18: {  	s0 =	sadd.s32 s10, s0;
	[dreg:$0xb] =	wrdreg s5;
	s5 =	sshrl.u32 s26, $0x3  }
0x19: {  	s31 =	sand.u32 $0x1FFFFFF0, s30;
	[dreg:$0xe] =	wrdreg s0;
	s5 =	sadd.s32 s10, s5  }
0x1a: {  	s18 =	sadd.s32 $0x2C00, s4;
	s4 =	sadd.s32 s17, s31;
	[dreg:$0xd] =	wrdreg s5  }
0x1b: {  	s0 =	sadd.s32 s18, s31;
	_ =	strace $0x80000047;
	[dreg:$0x10] =	wrdreg s4  }
0x1c: {  	s5 =	smax.u32 s6, $0x1;
	[dreg:$0x11] =	wrdreg s0  }
0x1d: {  	s6 =	sadd.s32 s7, s15;
	[dreg:$0x12] =	wrdreg s5  }
0x1e: {  	s7 =	sadd.s32 s11, s15;
	[dreg:$0x13] =	wrdreg s6  }
0x1f: {  	s10 =	sadd.s32 s8, s15;
	[dreg:$0x14] =	wrdreg s7  }
0x20: {  	s11 =	sadd.s32 s12, s15;
	[dreg:$0x15] =	wrdreg s10  }
0x21: {  	s12 =	sadd.s32 s14, s15;
	[dreg:$0x16] =	wrdreg s11  }
0x22: {  	s13 =	sadd.s32 s23, s15;
	[dreg:$0x17] =	wrdreg s12  }
0x23: {  	s14 =	sadd.s32 s16, s15;
	[dreg:$0x18] =	wrdreg s13  }
0x24: {  	s29 =	sshrl.u32 s28, $0x2;
	s16 =	sadd.s32 s21, s15;
	[dreg:$0x19] =	wrdreg s14  }
0x25: {  	s19 =	sadd.s32 s29, s15;
	s21 =	sadd.s32 s9, s15;
	[dreg:$0x1a] =	wrdreg s16  }
0x26: {  	s22 =	sadd.s32 $0x2000, s19;
	[dreg:$0x1b] =	wrdreg s21  }
0x27: {  	s23 =	sadd.s32 $0x4000, s19;
	[dreg:$0x1c] =	wrdreg s22  }
0x28: {  	s24 =	sadd.s32 $0x6000, s19;
	[dreg:$0x1d] =	wrdreg s23  }
0x29: {  	s25 =	sadd.s32 $0x8000, s19;
	[dreg:$0x1e] =	wrdreg s24  }
0x2a: {  	s26 =	sadd.s32 $0xA000, s19;
	[dreg:$0x1f] =	wrdreg s25  }
0x2b: {  	s28 =	sadd.s32 $0xC000, s19;
	[smem:$0x7F9] =	sst s26  }
0x2c: {  	s29 =	sadd.s32 $0xE000, s19;
	[smem:$0x7FA] =	sst s28  }
0x2d: {  	s20 =	simm.s32 $0x4F;
	s30 =	sadd.s32 $0x10000, s19;
	[smem:$0x7FB] =	sst s29  }
0x2e: {  	s20 =	simm.s32 @!p0 $0x4E;
	s31 =	sadd.s32 $0x12000, s19;
	[smem:$0x7FC] =	sst s30  }
0x2f: {  	s13 =	sadd.s32 $0xFFFFFFFF, s20;
	[smem:$0x7FD] =	sst s31  }
0x30: {  	s14 =	simm.s32 $0x4000;
	s21 =	simm.s32 $0x80;
	s22 =	simm.s32 $0x5  }
0x31: {  	s23 =	simm.s32 $0x1;
	s16 =	simm.s32 $0x0;
	[dreg:$0xf] =	wrdreg s19  }
.LBB2_1:
0x32: {  	s0 =	rddreg [dreg:$0x2]  }
0x33: {  	[tilespmem:s14], [sflag:$0x1] =	stream.linear.gather [hbm4b:s0+s2], $0x2000, $0x38;
	[tilespmem:$0x1A200] =	vst v63  }
0x34: {  	_ =	swait.ge [sflag:s23], $0x2000  }
0x35: {  	[sflag:s23] =	ssyncset.done $0x0  }
0x36: {  	[sflag:s23] =	ssyncadd.s32 $0xFFFFE000  }
0x37: {  	[spmem:s19] =	stream.linear.scatter [tilespmem:s14], [sflag:$0x1], $0x2000, $0x38;
	[tilespmem:$0x1A200] =	vst v63  }
0x38: {  	_ =	swait.ge [sflag:s23], $0x2000  }
0x39: {  	[sflag:s23] =	ssyncset.done $0x0  }
0x3a: {  	s5 =	rddreg [dreg:$0x1c];
	[sflag:s23] =	ssyncadd.s32 $0xFFFFE000  }
0x3b: {  	[spmem:s5] =	stream.linear.scatter [tilespmem:s14], [sflag:$0x1], $0x2000, $0x38;
	[tilespmem:$0x1A200] =	vst v63  }
0x3c: {  	_ =	swait.ge [sflag:s23], $0x2000  }
0x3d: {  	[sflag:s23] =	ssyncset.done $0x0  }
0x3e: {  	s6 =	rddreg [dreg:$0x1d];
	[sflag:s23] =	ssyncadd.s32 $0xFFFFE000  }
0x3f: {  	[spmem:s6] =	stream.linear.scatter [tilespmem:s14], [sflag:$0x1], $0x2000, $0x38;
	[tilespmem:$0x1A200] =	vst v63  }
0x40: {  	_ =	swait.ge [sflag:s23], $0x2000  }
0x41: {  	[sflag:s23] =	ssyncset.done $0x0  }
0x42: {  	s7 =	rddreg [dreg:$0x1e];
	[sflag:s23] =	ssyncadd.s32 $0xFFFFE000  }
0x43: {  	[spmem:s7] =	stream.linear.scatter [tilespmem:s14], [sflag:$0x1], $0x2000, $0x38;
	[tilespmem:$0x1A200] =	vst v63  }
0x44: {  	_ =	swait.ge [sflag:s23], $0x2000  }
0x45: {  	[sflag:s23] =	ssyncset.done $0x0  }
0x46: {  	s8 =	rddreg [dreg:$0x1f];
	[sflag:s23] =	ssyncadd.s32 $0xFFFFE000  }
0x47: {  	[spmem:s8] =	stream.linear.scatter [tilespmem:s14], [sflag:$0x1], $0x2000, $0x38;
	[tilespmem:$0x1A200] =	vst v63  }
0x48: {  	_ =	swait.ge [sflag:s23], $0x2000  }
0x49: {  	s9 =	sld [smem:$0x7F9]  }
0x4a: {  	[sflag:s23] =	ssyncset.done $0x0  }
0x4b: {  	[sflag:s23] =	ssyncadd.s32 $0xFFFFE000  }
0x4c: {  	[spmem:s9] =	stream.linear.scatter [tilespmem:s14], [sflag:$0x1], $0x2000, $0x38;
	[tilespmem:$0x1A200] =	vst v63  }
0x4d: {  	_ =	swait.ge [sflag:s23], $0x2000  }
0x4e: {  	s10 =	sld [smem:$0x7FA]  }
0x4f: {  	[sflag:s23] =	ssyncset.done $0x0  }
0x50: {  	[sflag:s23] =	ssyncadd.s32 $0xFFFFE000  }
0x51: {  	[spmem:s10] =	stream.linear.scatter [tilespmem:s14], [sflag:$0x1], $0x2000, $0x38;
	[tilespmem:$0x1A200] =	vst v63  }
0x52: {  	_ =	swait.ge [sflag:s23], $0x2000  }
0x53: {  	s11 =	sld [smem:$0x7FB]  }
0x54: {  	[sflag:s23] =	ssyncset.done $0x0  }
0x55: {  	[sflag:s23] =	ssyncadd.s32 $0xFFFFE000  }
0x56: {  	[spmem:s11] =	stream.linear.scatter [tilespmem:s14], [sflag:$0x1], $0x2000, $0x38;
	[tilespmem:$0x1A200] =	vst v63  }
0x57: {  	_ =	swait.ge [sflag:s23], $0x2000  }
0x58: {  	s12 =	sld [smem:$0x7FC]  }
0x59: {  	[sflag:s23] =	ssyncset.done $0x0  }
0x5a: {  	[sflag:s23] =	ssyncadd.s32 $0xFFFFE000  }
0x5b: {  	[spmem:s12] =	stream.linear.scatter [tilespmem:s14], [sflag:$0x1], $0x2000, $0x38;
	[tilespmem:$0x1A200] =	vst v63  }
0x5c: {  	_ =	swait.ge [sflag:s23], $0x2000  }
0x5d: {  	s24 =	sld [smem:$0x7FD]  }
0x5e: {  	[sflag:s23] =	ssyncset.done $0x0  }
0x5f: {  	[sflag:s23] =	ssyncadd.s32 $0xFFFFE000  }
0x60: {  	[spmem:s24] =	stream.linear.scatter [tilespmem:s14], [sflag:$0x1], $0x2000, $0x38;
	[tilespmem:$0x1A200] =	vst v63  }
0x61: {  	_ =	swait.ge [sflag:s23], $0x2000  }
0x62: {  	[sflag:s23] =	ssyncset.done $0x0  }
0x63: {  	[sflag:s23] =	ssyncadd.s32 $0xFFFFE000  }
0x64: {  	s4 =	simm.s32 $0x1A000;
	[bflag:$0x0] =	sbarrier.arrive $0xFFFF  }
0x65: {  	s28 =	simm.s32 $0x1A100;
	s31 =	sand.u32 $0x1, s2;
	_ =	strace $0x80000048  }
0x66: {  	s30 =	simm.s32 $0x0;
	p3 =	sne.s32 s13, $0x1;
	s25 =	rddreg [dreg:$0x10]  }
0x67: {  	[tilespmem:s4], [sflag:$0x1] =	stream.linear.gather [hbm4b:s25+s2], $0x80, $0x200038;
	[tilespmem:$0x1A200] =	vst v63  }
.Ltmp0:
0x68: {  	s29 =	simm.s32 $0x1;
	p0 =	seq.s32 s20, $0x1;
	(pc) =	sbr.rel @!p3 .LBB2_2-.Ltmp0, $4  }
0x69: {  	p2 =	por $0x0, $0x0;
	s7 =	sand.u32 $0x80, s30;
	s4 =	simm.s32 $0x1  }
0x6a: {  	s8 =	sand.u32 $0x80, s30;
	s26 =	rddreg [dreg:$0x11];
	s4 =	simm.s32 @p0 $0x0  }
0x6b: {  	[tilespmem:s28], [sflag:$0x3] =	stream.linear.gather [hbm4b:s26+s2], $0x80, $0x200038;
	[tilespmem:$0x1A200] =	vst v63  }
0x6c: {  	p0 =	seq.s32 s4, $0x0;
	p1 =	sne.s32 s4, $0x0;
	_ =	strace $0x90000048  }
0x6d: {  	[smem:$0x7F8] =	sst s16;
	s0 =	sadd.s32 @!p0 s3, s4  }
0x6e: {  	s5 =	sand.u32 @!p0 $0x1, s23;
	s6 =	simm.s32 @!p0 $0x0;
	s0 =	sshll.u32 @!p0 s0, $0x4  }
0x6f: {  	_ =	strace @!p0 $0x80000049;
	s9 =	sshll.u32 @!p0 s5, $0x7;
	s0 =	sand.u32 @!p0 $0x1FFFFFF0, s0  }
0x70: {  	s25 =	sadd.s32 @!p0 $0x1, s5;
	s12 =	sor.u32 @!p0 $0x1A000, s9;
	s10 =	sadd.s32 @!p0 s17, s0  }
0x71: {  	[tilespmem:s12], [sflag:s25] =	stream.linear.gather @!p0 [hbm4b:s10+s6], $0x80, $0x200038;
	[tilespmem:$0x1A200] =	vst v63  }
0x72: {  	s5 =	sadd.s32 @!p0 $0x3, s5;
	_ =	strace @!p0 $0x90000049  }
0x73: {  	s9 =	sor.u32 @!p0 $0x1A100, s9;
	s0 =	sadd.s32 @!p0 s18, s0;
	_ =	strace @!p0 $0x8000004A  }
0x74: {  	[tilespmem:s9], [sflag:s5] =	stream.linear.gather @!p0 [hbm4b:s0+s6], $0x80, $0x200038;
	[tilespmem:$0x1A200] =	vst v63  }
0x75: {  	s16 =	sadd.s32 $0x1, s31;
	s19 =	sadd.s32 $0x3, s31;
	_ =	strace @!p0 $0x9000004A  }
0x76: {  	s29 =	simm.s32 $0x2;
	p4 =	sne.s32 s13, $0x2;
	_ =	strace $0x8000004B  }
0x77: {  	s31 =	sadd.s32 $0x1, s4;
	p3 =	por p0, p0;
	_ =	swait.ge [sflag:s16], $0x80  }
0x78: {  	p2 =	por $0x1, $0x1;
	s25 =	sor.u32 $0x1A000, s7;
	[sflag:s16] =	ssyncset.done $0x0  }
0x79: {  	s5 =	simm.s32 $0x1;
	s0 =	simm.s32 @!p0 $0x1;
	[sflag:s16] =	ssyncadd.s32 $0xFFFFFF80  }
0x7a: {  	s9 =	sor.u32 $0x1A100, s8;
	s6 =	simm.s32 $0x1;
	_ =	strace $0x9000004B  }
0x7b: {  	s5 =	simm.s32 @!p1 $0x0;
	s0 =	simm.s32 @p0 $0x0;
	_ =	strace $0x8000004C  }
0x7c: {  	p0 =	seq.s32 s31, s20;
	s26 =	sadd.s32 $0x0, s5;
	_ =	swait.ge [sflag:s19], $0x80  }
0x7d: {  	s28 =	sadd.s32 $0x1, s0;
	s31 =	simm.s32 @p0 $0x0;
	[sflag:s19] =	ssyncset.done $0x0  }
.Ltmp1:
0x7e: {  	s30 =	sand.u32 $0x1, s26;
	[sflag:s19] =	ssyncadd.s32 $0xFFFFFF80;
	(pc) =	sbr.rel @!p4 .LBB2_4-.Ltmp1, $4  }
0x7f: {  	s24 =	sshll.u32 s26, $0x7;
	p0 =	seq.s32 s4, s31;
	_ =	strace $0x9000004C  }
0x80: {  	p1 =	sne.s32 s4, s31;
	s5 =	sand.u32 $0x80, s24;
	_ =	strace $0x8000004D  }
0x81: {  	[tilespmem:s2], [sflag:$0x5] =	stream.indirect.gather [hbm4b:s1+s21], $0x80, s25, s21, $0x2000b8;
	[tilespmem:$0x1A200] =	vst v63  }
0x82: {  	s0 =	sand.u32 $0x80, s24;
	s12 =	smov.u32 s30;
	s25 =	smov.u32 s26  }
.LBB2_5:
0x83: {  	s11 =	smov.u32 s6;
	s8 =	simm.s32 @!p0 $0x1  }
0x84: {  	s6 =	simm.s32 $0x1;
	s4 =	smov.u32 s5;
	s7 =	smov.u32 s0  }
0x85: {  	s10 =	smov.u32 s31;
	s6 =	simm.s32 @!p1 $0x0;
	_ =	swait.ge [sflag:s22], $0x4000  }
0x86: {  	s26 =	sadd.s32 s6, s26;
	s25 =	sadd.s32 s6, s25;
	[sflag:s22] =	ssyncset.done $0x0  }
0x87: {  	s8 =	simm.s32 @p0 $0x0;
	s0 =	sand.u32 $0x1, s26;
	[sflag:s22] =	ssyncadd.s32 $0xFFFFC000  }
0x88: {  	[spmem:s15] =	stream.indirect.scatter.add.f32 [tilespmem:s2], [sflag:$0x5], $0x80, s9, s21, $0x2000b8;
	[tilespmem:$0x1A200] =	vst v63  }
0x89: {  	s5 =	sand.u32 @!p0 $0x1, s28;
	s6 =	sadd.s32 @!p3 $0x1, s11;
	_ =	swait.ge [sflag:s22], $0x4000  }
0x8a: {  	s14 =	simm.s32 @!p0 $0x0;
	s9 =	sadd.s32 @!p0 s3, s31;
	[sflag:s22] =	ssyncset.done $0x0  }
0x8b: {  	s6 =	smov.u32 @p3 s11;
	s9 =	sshll.u32 @!p0 s9, $0x4;
	[sflag:s22] =	ssyncadd.s32 $0xFFFFC000  }
0x8c: {  	s11 =	sand.u32 @!p0 $0x1, s6;
	s9 =	sand.u32 @!p0 $0x1FFFFFF0, s9;
	_ =	strace $0x9000004D  }
0x8d: {  	s19 =	sshll.u32 @!p0 s11, $0x7;
	s24 =	sadd.s32 @!p0 s17, s9;
	_ =	strace @!p0 $0x80000049  }
0x8e: {  	s16 =	sshll.u32 @!p0 s5, $0x7;
	s11 =	sadd.s32 @!p0 $0x1, s11;
	s19 =	sor.u32 @!p0 $0x1A000, s19  }
0x8f: {  	[tilespmem:s19], [sflag:s11] =	stream.linear.gather @!p0 [hbm4b:s24+s14], $0x80, $0x200038;
	[tilespmem:$0x1A200] =	vst v63  }
0x90: {  	s5 =	sadd.s32 @!p0 $0x3, s5;
	s11 =	sor.u32 @!p0 $0x1A100, s16;
	_ =	strace @!p0 $0x90000049  }
0x91: {  	s9 =	sadd.s32 @!p0 s18, s9;
	s16 =	sand.u32 $0x1, s25;
	_ =	strace @!p0 $0x8000004A  }
0x92: {  	[tilespmem:s11], [sflag:s5] =	stream.linear.gather @!p0 [hbm4b:s9+s14], $0x80, $0x200038;
	[tilespmem:$0x1A200] =	vst v63  }
0x93: {  	s29 =	sadd.s32 $0x1, s29;
	s5 =	sshll.u32 s26, $0x7;
	_ =	strace @!p0 $0x9000004A  }
0x94: {  	s9 =	sadd.s32 $0x1, s30;
	s5 =	sand.u32 $0x80, s5;
	_ =	strace $0x8000004B  }
0x95: {  	p4 =	sne.s32 s13, s29;
	s28 =	sadd.s32 s28, s8;
	_ =	swait.ge [sflag:s9], $0x80  }
0x96: {  	s8 =	sshll.u32 s25, $0x7;
	s30 =	smov.u32 s0;
	[sflag:s9] =	ssyncset.done $0x0  }
0x97: {  	p3 =	por p0, p0;
	s0 =	sand.u32 $0x80, s8;
	[sflag:s9] =	ssyncadd.s32 $0xFFFFFF80  }
0x98: {  	_ =	strace $0x9000004B  }
0x99: {  	s8 =	sadd.s32 $0x3, s12;
	s12 =	smov.u32 s16;
	_ =	strace $0x8000004C  }
0x9a: {  	_ =	swait.ge [sflag:s8], $0x80  }
.Ltmp2:
0x9b: {  	s31 =	sadd.s32 $0x1, s31;
	[sflag:s8] =	ssyncset.done $0x0;
	(pc) =	sbr.rel @p4 .LBB2_5-.Ltmp2, $4  }
0x9c: {  	p0 =	seq.s32 s31, s20;
	s9 =	sor.u32 $0x1A100, s7;
	[sflag:s8] =	ssyncadd.s32 $0xFFFFFF80  }
0x9d: {  	s4 =	sor.u32 $0x1A000, s4;
	s31 =	simm.s32 @p0 $0x0;
	_ =	strace $0x9000004C  }
0x9e: {  	p0 =	seq.s32 s10, s31;
	p1 =	sne.s32 s10, s31;
	_ =	strace $0x8000004D  }
0x9f: {  	[tilespmem:s2], [sflag:$0x5] =	stream.indirect.gather [hbm4b:s1+s21], $0x80, s4, s21, $0x2000b8;
	[tilespmem:$0x1A200] =	vst v63  }
0xa0: {  	s7 =	smov.u32 s5  }
0xa1: {  	s8 =	smov.u32 s0;
	s4 =	smov.u32 s31;
	s19 =	rddreg [dreg:$0xf]  }
0xa2: {  	s31 =	smov.u32 s30;
	s14 =	simm.s32 $0x4000;
	s16 =	sld [smem:$0x7F8]  }
.LBB2_7:
0xa3: {  	_ =	swait.ge @p2 [sflag:s22], $0x4000;
	p4 =	por p3, !p2  }
0xa4: {  	s5 =	sadd.s32 @!p0 s3, s4;
	p3 =	por !p3, !p2;
	[sflag:s22] =	ssyncset.done @p2 $0x0  }
0xa5: {  	s0 =	sadd.s32 @!p4 $0x1, s6;
	s5 =	sshll.u32 @!p0 s5, $0x4;
	[sflag:s22] =	ssyncadd.s32 @p2 $0xFFFFC000  }
0xa6: {  	[spmem:s15] =	stream.indirect.scatter.add.f32 @p2 [tilespmem:s2], [sflag:$0x5], $0x80, s9, s21, $0x2000b8;
	[tilespmem:$0x1A200] =	vst v63  }
0xa7: {  	s6 =	smov.u32 @p3 s0;
	s0 =	simm.s32 $0x1;
	_ =	swait.ge @p2 [sflag:s22], $0x4000  }
0xa8: {  	s5 =	sand.u32 @!p0 $0x1FFFFFF0, s5;
	s0 =	smov.u32 @p2 s6;
	[sflag:s22] =	ssyncset.done @p2 $0x0  }
0xa9: {  	s9 =	simm.s32 @!p0 $0x0;
	s6 =	sand.u32 @!p0 $0x1, s0;
	[sflag:s22] =	ssyncadd.s32 @p2 $0xFFFFC000  }
0xaa: {  	s11 =	sadd.s32 @!p0 s17, s5;
	s10 =	sshll.u32 @!p0 s6, $0x7;
	_ =	strace @p2 $0x9000004D  }
0xab: {  	s6 =	sadd.s32 @!p0 $0x1, s6;
	s10 =	sor.u32 @!p0 $0x1A000, s10;
	_ =	strace @!p0 $0x80000049  }
0xac: {  	[tilespmem:s10], [sflag:s6] =	stream.linear.gather @!p0 [hbm4b:s11+s9], $0x80, $0x200038;
	[tilespmem:$0x1A200] =	vst v63  }
0xad: {  	s6 =	sand.u32 @!p0 $0x1, s28  }
0xae: {  	s5 =	sadd.s32 @!p0 s18, s5;
	s10 =	sshll.u32 @!p0 s6, $0x7;
	_ =	strace @!p0 $0x90000049  }
0xaf: {  	s6 =	sadd.s32 @!p0 $0x3, s6;
	s10 =	sor.u32 @!p0 $0x1A100, s10;
	_ =	strace @!p0 $0x8000004A  }
0xb0: {  	[tilespmem:s10], [sflag:s6] =	stream.linear.gather @!p0 [hbm4b:s5+s9], $0x80, $0x200038;
	[tilespmem:$0x1A200] =	vst v63  }
0xb1: {  	_ =	strace @!p0 $0x9000004A  }
0xb2: {  	s6 =	sadd.s32 $0x1, s31;
	_ =	strace $0x8000004B  }
0xb3: {  	_ =	swait.ge [sflag:s6], $0x80  }
0xb4: {  	[sflag:s6] =	ssyncset.done $0x0  }
0xb5: {  	[sflag:s6] =	ssyncadd.s32 $0xFFFFFF80  }
0xb6: {  	_ =	strace $0x9000004B  }
0xb7: {  	s9 =	sadd.s32 $0x3, s12;
	_ =	strace $0x8000004C  }
0xb8: {  	_ =	swait.ge [sflag:s9], $0x80  }
0xb9: {  	[sflag:s9] =	ssyncset.done $0x0  }
0xba: {  	p2 =	por p0, p0;
	[sflag:s9] =	ssyncadd.s32 $0xFFFFFF80  }
0xbb: {  	s11 =	sor.u32 $0x1A100, s8;
	s5 =	sadd.s32 $0x1, s4;
	_ =	strace $0x9000004C  }
0xbc: {  	s10 =	sor.u32 $0x1A000, s7;
	p3 =	seq.s32 s5, s20;
	_ =	strace $0x8000004D  }
0xbd: {  	[tilespmem:s2], [sflag:$0x5] =	stream.indirect.gather [hbm4b:s1+s21], $0x80, s10, s21, $0x2000b8;
	[tilespmem:$0x1A200] =	vst v63  }
0xbe: {  	s5 =	simm.s32 @p3 $0x0;
	p3 =	sge.u32 s29, s13;
	_ =	swait.ge [sflag:s22], $0x4000  }
0xbf: {  	p4 =	seq.s32 @!p3 s4, s5;
	s6 =	sadd.s32 @!p2 $0x1, s0;
	[sflag:s22] =	ssyncset.done $0x0  }
0xc0: {  	s6 =	smov.u32 @p2 s0;
	p2 =	por p4, p3;
	[sflag:s22] =	ssyncadd.s32 $0xFFFFC000  }
0xc1: {  	[spmem:s15] =	stream.indirect.scatter.add.f32 [tilespmem:s2], [sflag:$0x5], $0x80, s11, s21, $0x2000b8;
	[tilespmem:$0x1A200] =	vst v63  }
0xc2: {  	s0 =	sadd.s32 @!p2 s3, s5;
	_ =	swait.ge [sflag:s22], $0x4000  }
0xc3: {  	s4 =	sand.u32 @!p2 $0x1, s6;
	s7 =	simm.s32 @!p2 $0x0;
	[sflag:s22] =	ssyncset.done $0x0  }
0xc4: {  	s5 =	sshll.u32 @!p2 s4, $0x7;
	s0 =	sshll.u32 @!p2 s0, $0x4;
	[sflag:s22] =	ssyncadd.s32 $0xFFFFC000  }
0xc5: {  	s4 =	sadd.s32 @!p2 $0x1, s4;
	s0 =	sand.u32 @!p2 $0x1FFFFFF0, s0;
	_ =	strace $0x9000004D  }
0xc6: {  	s5 =	sor.u32 @!p2 $0x1A000, s5;
	s6 =	sadd.s32 @!p2 s17, s0;
	_ =	strace @!p2 $0x80000049  }
0xc7: {  	[tilespmem:s5], [sflag:s4] =	stream.linear.gather @!p2 [hbm4b:s6+s7], $0x80, $0x200038;
	[tilespmem:$0x1A200] =	vst v63  }
0xc8: {  	s4 =	simm.s32 @!p0 $0x1  }
0xc9: {  	s4 =	simm.s32 @p0 $0x0  }
0xca: {  	s4 =	sadd.s32 s28, s4  }
0xcb: {  	s4 =	sand.u32 @!p2 $0x1, s4  }
0xcc: {  	s0 =	sadd.s32 @!p2 s18, s0;
	_ =	strace @!p2 $0x90000049;
	s5 =	sshll.u32 @!p2 s4, $0x7  }
0xcd: {  	_ =	strace @!p2 $0x8000004A;
	s4 =	sadd.s32 @!p2 $0x3, s4;
	s5 =	sor.u32 @!p2 $0x1A100, s5  }
0xce: {  	[tilespmem:s5], [sflag:s4] =	stream.linear.gather @!p2 [hbm4b:s0+s7], $0x80, $0x200038;
	[tilespmem:$0x1A200] =	vst v63  }
0xcf: {  	s0 =	simm.s32 $0x1  }
0xd0: {  	s0 =	simm.s32 @!p1 $0x0  }
0xd1: {  	s12 =	sadd.s32 s0, s26  }
0xd2: {  	_ =	strace @!p2 $0x9000004A;
	s24 =	sand.u32 $0x1, s12  }
0xd3: {  	_ =	strace $0x8000004B;
	s5 =	sadd.s32 $0x1, s24  }
0xd4: {  	_ =	swait.ge [sflag:s5], $0x80  }
0xd5: {  	[sflag:s5] =	ssyncset.done $0x0  }
0xd6: {  	s0 =	sadd.s32 s0, s25;
	[sflag:s5] =	ssyncadd.s32 $0xFFFFFF80  }
0xd7: {  	s26 =	sand.u32 $0x1, s0;
	_ =	strace $0x9000004B  }
0xd8: {  	s5 =	sadd.s32 $0x3, s26;
	_ =	strace $0x8000004C  }
0xd9: {  	_ =	swait.ge [sflag:s5], $0x80  }
0xda: {  	[sflag:s5] =	ssyncset.done $0x0  }
0xdb: {  	s4 =	sshll.u32 s12, $0x7;
	[sflag:s5] =	ssyncadd.s32 $0xFFFFFF80  }
0xdc: {  	s4 =	sand.u32 $0x80, s4;
	_ =	strace $0x9000004C  }
0xdd: {  	s4 =	sor.u32 $0x1A000, s4;
	_ =	strace $0x8000004D  }
0xde: {  	[tilespmem:s2], [sflag:$0x5] =	stream.indirect.gather [hbm4b:s1+s21], $0x80, s4, s21, $0x2000b8;
	[tilespmem:$0x1A200] =	vst v63  }
0xdf: {  	s0 =	sshll.u32 s0, $0x7;
	_ =	swait.ge [sflag:s22], $0x4000  }
0xe0: {  	s0 =	sand.u32 $0x80, s0;
	[sflag:s22] =	ssyncset.done $0x0  }
0xe1: {  	s0 =	sor.u32 $0x1A100, s0;
	[sflag:s22] =	ssyncadd.s32 $0xFFFFC000  }
0xe2: {  	[spmem:s15] =	stream.indirect.scatter.add.f32 [tilespmem:s2], [sflag:$0x5], $0x80, s0, s21, $0x2000b8;
	[tilespmem:$0x1A200] =	vst v63  }
0xe3: {  	_ =	swait.ge [sflag:s22], $0x4000  }
0xe4: {  	[sflag:s22] =	ssyncset.done $0x0  }
0xe5: {  	[sflag:s22] =	ssyncadd.s32 $0xFFFFC000  }
0xe6: {  	_ =	strace $0x9000004D  }
0xe7: {  	[bflag:$0x0] =	sbarrier.arrive $0xFFFF  }
0xe8: {  	[tilespmem:s14], [sflag:$0x1] =	stream.linear.gather [spmem:s19], $0x2000, $0x38;
	[tilespmem:$0x1A200] =	vst v63  }
0xe9: {  	_ =	swait.ge [sflag:s23], $0x2000  }
0xea: {  	[sflag:s23] =	ssyncset.done $0x0  }
0xeb: {  	s28 =	rddreg [dreg:$0x5];
	[sflag:s23] =	ssyncadd.s32 $0xFFFFE000  }
0xec: {  	[hbm4b:s28+s2] =	stream.linear.scatter [tilespmem:s14], [sflag:$0x1], $0x2000, $0x38;
	[tilespmem:$0x1A200] =	vst v63  }
0xed: {  	_ =	swait.ge [sflag:s23], $0x2000  }
0xee: {  	[sflag:s23] =	ssyncset.done $0x0  }
0xef: {  	s29 =	rddreg [dreg:$0x13];
	[sflag:s23] =	ssyncadd.s32 $0xFFFFE000  }
0xf0: {  	[tilespmem:s14], [sflag:$0x1] =	stream.linear.gather [spmem:s29], $0x2000, $0x38;
	[tilespmem:$0x1A200] =	vst v63  }
0xf1: {  	_ =	swait.ge [sflag:s23], $0x2000  }
0xf2: {  	[sflag:s23] =	ssyncset.done $0x0  }
0xf3: {  	s30 =	rddreg [dreg:$0x6];
	[sflag:s23] =	ssyncadd.s32 $0xFFFFE000  }
0xf4: {  	[hbm4b:s30+s2] =	stream.linear.scatter [tilespmem:s14], [sflag:$0x1], $0x2000, $0x38;
	[tilespmem:$0x1A200] =	vst v63  }
0xf5: {  	_ =	swait.ge [sflag:s23], $0x2000  }
0xf6: {  	[sflag:s23] =	ssyncset.done $0x0  }
0xf7: {  	s31 =	rddreg [dreg:$0x14];
	[sflag:s23] =	ssyncadd.s32 $0xFFFFE000  }
0xf8: {  	[tilespmem:s14], [sflag:$0x1] =	stream.linear.gather [spmem:s31], $0x2000, $0x38;
	[tilespmem:$0x1A200] =	vst v63  }
0xf9: {  	_ =	swait.ge [sflag:s23], $0x2000  }
0xfa: {  	[sflag:s23] =	ssyncset.done $0x0  }
0xfb: {  	s4 =	rddreg [dreg:$0x7];
	[sflag:s23] =	ssyncadd.s32 $0xFFFFE000  }
0xfc: {  	[hbm4b:s4+s2] =	stream.linear.scatter [tilespmem:s14], [sflag:$0x1], $0x2000, $0x38;
	[tilespmem:$0x1A200] =	vst v63  }
0xfd: {  	_ =	swait.ge [sflag:s23], $0x2000  }
0xfe: {  	[sflag:s23] =	ssyncset.done $0x0  }
0xff: {  	s5 =	rddreg [dreg:$0x15];
	[sflag:s23] =	ssyncadd.s32 $0xFFFFE000  }
0x100: {  	[tilespmem:s14], [sflag:$0x1] =	stream.linear.gather [spmem:s5], $0x2000, $0x38;
	[tilespmem:$0x1A200] =	vst v63  }
0x101: {  	_ =	swait.ge [sflag:s23], $0x2000  }
0x102: {  	[sflag:s23] =	ssyncset.done $0x0  }
0x103: {  	s6 =	rddreg [dreg:$0x8];
	[sflag:s23] =	ssyncadd.s32 $0xFFFFE000  }
0x104: {  	[hbm4b:s6+s2] =	stream.linear.scatter [tilespmem:s14], [sflag:$0x1], $0x2000, $0x38;
	[tilespmem:$0x1A200] =	vst v63  }
0x105: {  	_ =	swait.ge [sflag:s23], $0x2000  }
0x106: {  	[sflag:s23] =	ssyncset.done $0x0  }
0x107: {  	s7 =	rddreg [dreg:$0x16];
	[sflag:s23] =	ssyncadd.s32 $0xFFFFE000  }
0x108: {  	[tilespmem:s14], [sflag:$0x1] =	stream.linear.gather [spmem:s7], $0x2000, $0x38;
	[tilespmem:$0x1A200] =	vst v63  }
0x109: {  	_ =	swait.ge [sflag:s23], $0x2000  }
0x10a: {  	[sflag:s23] =	ssyncset.done $0x0  }
0x10b: {  	s8 =	rddreg [dreg:$0x9];
	[sflag:s23] =	ssyncadd.s32 $0xFFFFE000  }
0x10c: {  	[hbm4b:s8+s2] =	stream.linear.scatter [tilespmem:s14], [sflag:$0x1], $0x2000, $0x38;
	[tilespmem:$0x1A200] =	vst v63  }
0x10d: {  	_ =	swait.ge [sflag:s23], $0x2000  }
0x10e: {  	[sflag:s23] =	ssyncset.done $0x0  }
0x10f: {  	s9 =	rddreg [dreg:$0x17];
	[sflag:s23] =	ssyncadd.s32 $0xFFFFE000  }
0x110: {  	[tilespmem:s14], [sflag:$0x1] =	stream.linear.gather [spmem:s9], $0x2000, $0x38;
	[tilespmem:$0x1A200] =	vst v63  }
0x111: {  	_ =	swait.ge [sflag:s23], $0x2000  }
0x112: {  	[sflag:s23] =	ssyncset.done $0x0  }
0x113: {  	s10 =	rddreg [dreg:$0xa];
	[sflag:s23] =	ssyncadd.s32 $0xFFFFE000  }
0x114: {  	[hbm4b:s10+s2] =	stream.linear.scatter [tilespmem:s14], [sflag:$0x1], $0x2000, $0x38;
	[tilespmem:$0x1A200] =	vst v63  }
0x115: {  	_ =	swait.ge [sflag:s23], $0x2000  }
0x116: {  	[sflag:s23] =	ssyncset.done $0x0  }
0x117: {  	s11 =	rddreg [dreg:$0x18];
	[sflag:s23] =	ssyncadd.s32 $0xFFFFE000  }
0x118: {  	[tilespmem:s14], [sflag:$0x1] =	stream.linear.gather [spmem:s11], $0x2000, $0x38;
	[tilespmem:$0x1A200] =	vst v63  }
0x119: {  	_ =	swait.ge [sflag:s23], $0x2000  }
0x11a: {  	[sflag:s23] =	ssyncset.done $0x0  }
0x11b: {  	s12 =	rddreg [dreg:$0xb];
	[sflag:s23] =	ssyncadd.s32 $0xFFFFE000  }
0x11c: {  	[hbm4b:s12+s2] =	stream.linear.scatter [tilespmem:s14], [sflag:$0x1], $0x2000, $0x38;
	[tilespmem:$0x1A200] =	vst v63  }
0x11d: {  	_ =	swait.ge [sflag:s23], $0x2000  }
0x11e: {  	[sflag:s23] =	ssyncset.done $0x0  }
0x11f: {  	s24 =	rddreg [dreg:$0x19];
	[sflag:s23] =	ssyncadd.s32 $0xFFFFE000  }
0x120: {  	[tilespmem:s14], [sflag:$0x1] =	stream.linear.gather [spmem:s24], $0x2000, $0x38;
	[tilespmem:$0x1A200] =	vst v63  }
0x121: {  	_ =	swait.ge [sflag:s23], $0x2000  }
0x122: {  	[sflag:s23] =	ssyncset.done $0x0  }
0x123: {  	s25 =	rddreg [dreg:$0xc];
	[sflag:s23] =	ssyncadd.s32 $0xFFFFE000  }
0x124: {  	[hbm4b:s25+s2] =	stream.linear.scatter [tilespmem:s14], [sflag:$0x1], $0x2000, $0x38;
	[tilespmem:$0x1A200] =	vst v63  }
0x125: {  	_ =	swait.ge [sflag:s23], $0x2000  }
0x126: {  	[sflag:s23] =	ssyncset.done $0x0  }
0x127: {  	s26 =	rddreg [dreg:$0x1a];
	[sflag:s23] =	ssyncadd.s32 $0xFFFFE000  }
0x128: {  	[tilespmem:s14], [sflag:$0x1] =	stream.linear.gather [spmem:s26], $0x2000, $0x38;
	[tilespmem:$0x1A200] =	vst v63  }
0x129: {  	_ =	swait.ge [sflag:s23], $0x2000  }
0x12a: {  	[sflag:s23] =	ssyncset.done $0x0  }
0x12b: {  	s28 =	rddreg [dreg:$0xd];
	[sflag:s23] =	ssyncadd.s32 $0xFFFFE000  }
0x12c: {  	[hbm4b:s28+s2] =	stream.linear.scatter [tilespmem:s14], [sflag:$0x1], $0x2000, $0x38;
	[tilespmem:$0x1A200] =	vst v63  }
0x12d: {  	_ =	swait.ge [sflag:s23], $0x2000  }
0x12e: {  	[sflag:s23] =	ssyncset.done $0x0  }
0x12f: {  	s29 =	rddreg [dreg:$0x1b];
	[sflag:s23] =	ssyncadd.s32 $0xFFFFE000  }
0x130: {  	[tilespmem:s14], [sflag:$0x1] =	stream.linear.gather [spmem:s29], $0x2000, $0x38;
	[tilespmem:$0x1A200] =	vst v63  }
0x131: {  	_ =	swait.ge [sflag:s23], $0x2000  }
0x132: {  	[sflag:s23] =	ssyncset.done $0x0  }
0x133: {  	s30 =	rddreg [dreg:$0xe];
	[sflag:s23] =	ssyncadd.s32 $0xFFFFE000  }
0x134: {  	[hbm4b:s30+s2] =	stream.linear.scatter [tilespmem:s14], [sflag:$0x1], $0x2000, $0x38;
	[tilespmem:$0x1A200] =	vst v63  }
0x135: {  	_ =	swait.ge [sflag:s23], $0x2000  }
0x136: {  	s16 =	sadd.s32 $0x1, s16;
	s31 =	rddreg [dreg:$0x12]  }
0x137: {  	p0 =	sne.s32 s16, s31  }
.Ltmp3:
0x138: {  	_ = 	snop;
	(pc) =	sbr.rel @p0 .LBB2_1-.Ltmp3, $4  }
.Ltmp4:
0x139: {  	_ = 	snop;
	(pc) =	sbr.rel @!p0 .LBB2_8-.Ltmp4, $4  }
0x13a: {  	_ = 	snop  }
0x13b: {  	[sflag:s23] =	ssyncset.done $0x0  }
0x13c: {  	[sflag:s23] =	ssyncadd.s32 $0xFFFFE000  }
0x13d: {  	_ = 	snop  }
.LBB2_2:
.Ltmp5:
0x13e: {  	(pc) =	sbr.rel .LBB2_7-.Ltmp5, $3  }
0x13f: {  	_ =	sdelay $0x1  }
0x140: {  	s26 =	simm.s32 $0x0;
	s25 =	simm.s32 $0x0  }
0x141: {  	s28 =	simm.s32 $0x1;
	s6 =	simm.s32 $0x1;
	s12 =	smov.u32 s31  }
.LBB2_4:
.Ltmp6:
0x142: {  	(pc) =	sbr.rel .LBB2_7-.Ltmp6, $4  }
0x143: {  	s7 =	smov.u32 s5  }
0x144: {  	s8 =	smov.u32 s0;
	s4 =	smov.u32 s31;
	s25 =	smov.u32 s26  }
0x145: {  	s6 =	simm.s32 $0x1;
	s31 =	smov.u32 s30;
	s19 =	rddreg [dreg:$0xf]  }
0x146: {  	s12 =	smov.u32 s30;
	s14 =	simm.s32 $0x4000;
	s16 =	sld [smem:$0x7F8]  }
.LBB2_8:
0x147: {  	_ =	sfence.sel $0x180000  }
0x148: {  	[bflag:$0x0] =	sbarrier.arrive $0xFFFF  }
0x149: {  	_ =	strace $0x90000047  }
0x14a: {  	s0 =	stileid.u32;
	[bflag:$0x2] =	sbarrier.arrive $0xFFFF  }
0x14b: {  	p0 =	sne.s32 s0, $0x0;
	s0 =	rddreg [dreg:$0x4]  }
0x14c: {  	s0 =	sadd.s32 @!p0 $0x100000, s0  }
0x14d: {  	[sflag:s0] =	ssyncadd.tile.s32 @!p0 $0x1;
	_ =	shalt  }
.Lfunc_end2:
_tile_overlayer_lowered:
.L_overlay_start_2:
0x14e: {  	(tag) =	ssettag $0x2  }
0x14f: {  	s0 =	rddreg [dreg:$0x0];
	s2 =	stileid.u32  }
0x150: {  	s1 =	rddreg [dreg:$0x1];
	p0 =	sne.s32 s2, $0x0  }
0x151: {  	s3 =	rddreg [dreg:$0x2];
	[bflag:$0x3] =	sbarrier.arrive $0xFFFF;
	s2 =	simm.s32 @!p0 $0x1C01  }
0x152: {  	[timem:s3], [sflag:s2] =	dma.local @!p0 [hbm:s0], s1  }
0x153: {  	s0 =	simm.s32 @!p0 $0x1  }
0x154: {  	_ =	swait.ge @!p0 [sflag:s0], s1  }
0x155: {  	s1 =	ssub.s32 @!p0 $0x0, s1;
	[sflag:s0] =	ssyncset.done @!p0 $0x0  }
0x156: {  	[sflag:s0] =	ssyncadd.s32 @!p0 s1  }
0x157: {  	[bflag:$0x3] =	sbarrier.arrive $0xFFFF  }
0x158: {  	_ =	shalt  }

// kernel: kernel.13.cloned.1.call-start
scs
__scs_entry_jumppad:
0x0: {  	(pc) =	sbr.rel $0x88, $3  }
0x1: {  	(tag) =	ssettag $0x0;
	lr =	simm.s32 $0x1  }
0x2: {  	[smem:$0x3F95] =	sst lr;
	_ =	strace $0xD0000000  }
0x3: {  	_ = 	snop  }
0x4: {  	_ = 	snop  }
0x5: {  	_ = 	snop  }
0x6: {  	_ = 	snop  }
0x7: {  	_ = 	snop  }
__scs_overlays_trampoline_lowered:
0x8: {  	[smem:$0x3FA4] =	sst s0  }
0x9: {  	[smem:$0x3FA5] =	sst s1  }
0xa: {  	[smem:$0x3FA6] =	sst s2  }
0xb: {  	[smem:$0x3FA7] =	sst s3  }
0xc: {  	[smem:$0x3FA8] =	sst s4  }
0xd: {  	[smem:$0x3FA9] =	sst s5  }
0xe: {  	[smem:$0x3FAA] =	sst s6  }
0xf: {  	[smem:$0x3FAB] =	sst s7  }
0x10: {  	[smem:$0x3FAC] =	sst s8  }
0x11: {  	[smem:$0x3FAD] =	sst s9;
	s0 =	simm.s32 @!p0 $0x0  }
0x12: {  	s1 =	sld [smem:$0x3F93];
	s0 =	simm.s32 @p0 $0x1  }
0x13: {  	[smem:$0x3FAE] =	sst s0;
	s0 =	simm.s32 @!p1 $0x0  }
0x14: {  	s2 =	sld [smem:$0x3F92];
	s0 =	simm.s32 @p1 $0x1  }
0x15: {  	[smem:$0x3FAF] =	sst s0;
	s0 =	simm.s32 @!p2 $0x0  }
0x16: {  	s3 =	sld [smem:$0x3FDB];
	s0 =	simm.s32 @p2 $0x1  }
0x17: {  	s4 =	simm.s32 $0x1BF5;
	[smem:$0x3FB1] =	sst s0  }
0x18: {  	s0 =	sld [smem:$0x3F94];
	_ =	swait.ge [sflag:s4], $0x0  }
0x19: {  	s7 =	sld [smem:$0x3F95]  }
0x1a: {  	s8 =	sadd.s32 $0xFFFFE003, lr  }
0x1b: {  	s9 =	sadd.s32 $0xFFFFFEF7, lr;
	s5 =	simm.s32 $0xFFFFFFFF;
	p2 =	slt.u32 s8, $0xFFFFF086  }
0x1c: {  	p1 =	slt.u32 s9, $0xF7A;
	s5 =	simm.s32 @!p2 $0x0  }
0x1d: {  	s5 =	simm.s32 @p1 $0x1;
	p0 =	seq.s32 s7, s2  }
0x1e: {  	s7 =	smul.u32 @!p0 $0xF7A, s2;
	p2 =	seq.s32 @!p0 s5, $0x0  }
0x1f: {  	s9 =	smul.u32 $0xF7A, s1;
	s8 =	simm.s32 @!p0 $0x1BF5;
	p2 =	por !p2, p0  }
0x20: {  	[sflag:s8] =	ssyncset.s32 @!p0 $0xFFFFF086;
	s6 =	sadd.s32 @!p0 s3, s7;
	s7 =	simm.s32 @!p0 $0x108  }
0x21: {  	s3 =	sadd.s32 s3, s9;
	s6 =	sadd.s32 @!p0 $0x88, s6;
	s7 =	simm.s32 @p2 $0x1082  }
0x22: {  	[simem:s7], [sflag:s8] =	dma.local @!p0 [hbm:s6], $0xF7A  }
0x23: {  	s9 =	sor.u32 $0xD0000000, s2;
	s6 =	simm.s32 $0x108;
	_ =	swait.ge @!p0 [sflag:s8], $0x0  }
0x24: {  	s3 =	sadd.s32 $0x88, s3;
	s6 =	simm.s32 @!p1 $0x1082;
	[sflag:s4] =	ssyncset.s32 $0xFFFFF086  }
0x25: {  	[simem:s6], [sflag:s4] =	dma.local [hbm:s3], $0xF7A  }
0x26: {  	[smem:$0x3F95] =	sst s1;
	(tag) =	ssettag s2;
	_ =	strace s9  }
0x27: {  	s1 =	sld [smem:$0x3FA5]  }
0x28: {  	s2 =	sld [smem:$0x3FA6]  }
0x29: {  	s4 =	sld [smem:$0x3FA8]  }
0x2a: {  	p0 =	seq.s32 s5, $0x0;
	s5 =	sld [smem:$0x3FA9]  }
0x2b: {  	s6 =	sld [smem:$0x3FAA]  }
0x2c: {  	s7 =	sld [smem:$0x3FAB]  }
0x2d: {  	s3 =	simm.s32 $0x108;
	s8 =	sld [smem:$0x3FAC]  }
0x2e: {  	s3 =	simm.s32 @!p0 $0x1082;
	s9 =	sld [smem:$0x3FAD]  }
0x2f: {  	lr =	sadd.s32 s0, s3;
	s0 =	sld [smem:$0x3FA4]  }
0x30: {  	s3 =	sld [smem:$0x3FA7]  }
0x31: {  	[smem:$0x3FB0] =	sst s10  }
0x32: {  	s10 =	sld [smem:$0x3FAE];
	_ =	sdelay $0x3  }
0x33: {  	p0 =	seq.s32 s10, $0x1;
	s10 =	sld [smem:$0x3FB0];
	_ =	sdelay $0x3  }
0x34: {  	[smem:$0x3FB0] =	sst s10  }
0x35: {  	s10 =	sld [smem:$0x3FAF];
	_ =	sdelay $0x3  }
0x36: {  	p1 =	seq.s32 s10, $0x1;
	s10 =	sld [smem:$0x3FB0];
	_ =	sdelay $0x3  }
0x37: {  	[smem:$0x3FB0] =	sst s10  }
0x38: {  	s10 =	sld [smem:$0x3FB1]  }
0x39: {  	_ = 	snop;
	(pc) =	sbr.ind lr, $3  }
0x3a: {  	_ = 	snop  }
0x3b: {  	_ = 	snop  }
0x3c: {  	p2 =	seq.s32 s10, $0x1;
	s10 =	sld [smem:$0x3FB0]  }
0x3d: {  	_ =	shalt  }
0x3e: {  	_ =	shalt  }
0x3f: {  	_ =	shalt  }
0x40: {  	_ =	shalt  }
0x41: {  	_ =	shalt  }
0x42: {  	_ =	shalt  }
0x43: {  	_ =	shalt  }
0x44: {  	_ =	shalt  }
0x45: {  	_ =	shalt  }
0x46: {  	_ =	shalt  }
0x47: {  	_ =	shalt  }
0x48: {  	_ =	shalt  }
0x49: {  	_ =	shalt  }
0x4a: {  	_ =	shalt  }
0x4b: {  	_ =	shalt  }
0x4c: {  	_ =	shalt  }
0x4d: {  	_ =	shalt  }
0x4e: {  	_ =	shalt  }
0x4f: {  	_ =	shalt  }
0x50: {  	_ =	shalt  }
0x51: {  	_ =	shalt  }
0x52: {  	_ =	shalt  }
0x53: {  	_ =	shalt  }
0x54: {  	_ =	shalt  }
0x55: {  	_ =	shalt  }
0x56: {  	_ =	shalt  }
0x57: {  	_ =	shalt  }
0x58: {  	_ =	shalt  }
0x59: {  	_ =	shalt  }
0x5a: {  	_ =	shalt  }
0x5b: {  	_ =	shalt  }
0x5c: {  	_ =	shalt  }
0x5d: {  	_ =	shalt  }
0x5e: {  	_ =	shalt  }
0x5f: {  	_ =	shalt  }
0x60: {  	_ =	shalt  }
0x61: {  	_ =	shalt  }
0x62: {  	_ =	shalt  }
0x63: {  	_ =	shalt  }
0x64: {  	_ =	shalt  }
0x65: {  	_ =	shalt  }
0x66: {  	_ =	shalt  }
0x67: {  	_ =	shalt  }
0x68: {  	_ =	shalt  }
0x69: {  	_ =	shalt  }
0x6a: {  	_ =	shalt  }
0x6b: {  	_ =	shalt  }
0x6c: {  	_ =	shalt  }
0x6d: {  	_ =	shalt  }
0x6e: {  	_ =	shalt  }
0x6f: {  	_ =	shalt  }
0x70: {  	_ =	shalt  }
0x71: {  	_ =	shalt  }
0x72: {  	_ =	shalt  }
0x73: {  	_ =	shalt  }
0x74: {  	_ =	shalt  }
0x75: {  	_ =	shalt  }
0x76: {  	_ =	shalt  }
0x77: {  	_ =	shalt  }
0x78: {  	_ =	shalt  }
0x79: {  	_ =	shalt  }
0x7a: {  	_ =	shalt  }
0x7b: {  	_ =	shalt  }
0x7c: {  	_ =	shalt  }
0x7d: {  	_ =	shalt  }
0x7e: {  	_ =	shalt  }
0x7f: {  	_ =	shalt  }
0x80: {  	_ =	shalt  }
0x81: {  	_ =	shalt  }
0x82: {  	_ =	shalt  }
0x83: {  	_ =	shalt  }
0x84: {  	_ =	shalt  }
0x85: {  	_ =	shalt  }
0x86: {  	_ =	shalt  }
0x87: {  	_ =	shalt  }
.Lfunc_end0:
.L_simem_size_0:
called_computation.2_lowered:
.L_overlay_start_0:
0x88: {  	s2 =	sld [smem:$0x3FD9]  }
0x89: {  	s3 =	sld [smem:$0x3FFE];
	_ =	sdelay $0x1  }
0x8a: {  	s1 =	srdreg.scid  }
0x8b: {  	s0 =	sand.u32 $0x1, s1  }
0x8c: {  	s14 =	sshll.u32 s0, $0xA;
	s2 =	sadd.s32 s3, s2  }
0x8d: {  	s2 =	sadd.s32 s2, s14  }
0x8e: {  	[smem:$0x3FBC] =	sst s2  }
0x8f: {  	_ = 	snop  }
0x90: {  	s2 =	sld [smem:$0x3FD0];
	_ =	sdelay $0x2  }
0x91: {  	s15 =	simm.s32 $0xB;
	s4 =	simm.s32 $0x10  }
0x92: {  	[smem:s4], [sflag:s15] =	dma.local [hbm:s2], $0x1  }
0x93: {  	_ =	swait.eq [sflag:s15], $0x1  }
0x94: {  	[sflag:s15] =	ssyncset.done $0x0  }
0x95: {  	[sflag:s15] =	ssyncadd.s32 $0xFFFFFFFF  }
0x96: {  	s16 =	sld [smem:$0x10];
	(tm) =	ssettm $0x1  }
0x97: {  	s17 =	sld [smem:$0x3FFB];
	_ =	sdelay $0x3  }
0x98: {  	_ =	strace s17  }
0x99: {  	s3 =	sld [smem:$0x3FFC];
	_ =	sdelay $0x3  }
0x9a: {  	_ =	strace s3  }
0x9b: {  	s3 =	sld [smem:$0x3FFD];
	_ =	sdelay $0x3  }
0x9c: {  	_ =	strace s3  }
0x9d: {  	_ =	strace $0x8FFFFFFF  }
0x9e: {  	s18 =	sld [smem:$0x3FDB];
	_ =	sdelay $0x1  }
0x9f: {  	s19 =	simm.s32 $_scs_section_size  }
0xa0: {  	s5 =	simm.s32 $_size__tile_overlayer_lowered;
	s6 =	simm.s32 $_tile_overlayer_lowered  }
0xa1: {  	s22 =	simm.s32 $0x1BFF;
	s21 =	sshll.u32 s6, $0x1;
	s3 =	sadd.s32 s19, s18  }
0xa2: {  	s7 =	simm.s32 $0x0;
	s20 =	sshll.u32 s5, $0x1;
	s5 =	sadd.s32 s21, s3  }
0xa3: {  	[timem:s7], [sflag:s22] =	dma.local [hbm:s5], s20  }
0xa4: {  	_ =	swait.ge [sflag:s22], s20  }
0xa5: {  	s4 =	ssub.s32 $0x0, s20;
	[sflag:s22] =	ssyncset.done $0x0  }
0xa6: {  	[sflag:s22] =	ssyncadd.s32 s4;
	_ =	sdelay $0x1  }
0xa7: {  	s23 =	simm.s32 $0x1B8B  }
0xa8: {  	_ =	swait.ge [sflag:s23], $0x1  }
0xa9: {  	[sflag:s23] =	ssyncset.done $0x0  }
0xaa: {  	s25 =	simm.s32 $0x1B8E;
	s24 =	sld [smem:$0x3FFE];
	[sflag:s23] =	ssyncadd.s32 $0xFFFFFFFF  }
0xab: {  	s26 =	simm.s32 $execute0_lowered;
	[smem:$0x3FD2] =	sst s25  }
0xac: {  	s5 =	sshll.u32 s26, $0x1;
	_ =	strace $0x80000056;
	[dreg:$0x1] =	wrdreg $0xFFFFFFFF  }
0xad: {  	s28 =	simm.s32 $_size_execute0_lowered;
	s3 =	sadd.s32 s3, s5;
	[dreg:$0x0] =	wrdreg $0x0  }
0xae: {  	s5 =	sshll.u32 s28, $0x1;
	[dreg:$0x2] =	wrdreg s3  }
0xaf: {  	[dreg:$0x3] =	wrdreg s5  }
0xb0: {  	[dreg:$0x4] =	wrdreg $0xC0  }
0xb1: {  	_ =	task [dreg:s7], $0x5FFFF  }
0xb2: {  	[dreg:$0x1] =	wrdreg $0xFFFFFFFF  }
0xb3: {  	[dreg:$0x0] =	wrdreg $0x60  }
0xb4: {  	[dreg:$0x2] =	wrdreg s24  }
0xb5: {  	[dreg:$0x3] =	wrdreg s16  }
0xb6: {  	[dreg:$0x4] =	wrdreg $0x60000  }
0xb7: {  	[dreg:$0x5] =	wrdreg $0x9  }
0xb8: {  	_ =	task.clear_ibuf [dreg:s7], $0x6FFFF;
	_ =	strace $0x90000056  }
0xb9: {  	s29 =	simm.s32 $0x9;
	_ =	strace $0x8000005E  }
0xba: {  	_ =	swait.ge [sflag:s29], $0x1  }
0xbb: {  	[sflag:s29] =	ssyncadd.s32 $0xFFFFFFFF  }
0xbc: {  	_ =	strace $0x9000005E  }
0xbd: {  	_ =	sfence  }
0xbe: {  	s30 =	sld [smem:$0x0];
	_ =	sdelay $0x2  }
0xbf: {  	s31 =	sshll.u32 s1, $0xD;
	s1 =	sshrl.u32 s1, $0x2  }
0xc0: {  	s3 =	sand.u32 $0x4000, s31;
	s1 =	sadd.s32 s1, s30  }
0xc1: {  	s0 =	sor.u32 s3, s0;
	s1 =	sshll.u32 s1, $0x11  }
0xc2: {  	s0 =	sor.u32 s1, s0  }
0xc3: {  	s0 =	sadd.s32 $0x8F2B, s0  }
0xc4: {  	[sflag:s0] =	ssyncadd.remote.s32 $0x1  }
0xc5: {  	_ =	sfence.sel $0xFFFF  }
0xc6: {  	[dreg:$0x0] =	wrdreg $0xFFFFFFFF;
	(pc) =	sbr.abs _section_cstart, $3  }
0xc7: {  	[dreg:$0x1] =	wrdreg $0xFFFFFFFF  }
0xc8: {  	_ =	task.clear_ibuf [dreg:s7], $0x2FFFF;
	_ =	strace $0x9FFFFFFF  }
0xc9: {  	(tm) =	ssettm $0x7FFFFFFF  }
tec
execute0_lowered:
.L_overlay_start_1:
0x0: {  	(tag) =	ssettag $0x1  }
0x1: {  	s0 =	srdreg.scid  }
0x2: {  	s16 =	stileid.u32;
	s4 =	rddreg [dreg:$0x0]  }
0x3: {  	s2 =	simm.s32 $0x0;
	s0 =	sand.u32 $0x1, s0;
	s7 =	smul.u32 $0x14000, s16  }
0x4: {  	[smem:$0x7FF] =	sst s2;
	s8 =	sadd.s32 $0xB7000, s4;
	s30 =	smul.u32 $0x50000, s16  }
0x5: {  	s1 =	sshll.u32 s0, $0x4;
	s5 =	ssub.s32 $0x2, s0;
	s0 =	smul.u32 $0x140000, s0  }
0x6: {  	s1 =	sor.u32 s16, s1;
	s6 =	sshrl.u32 s5, $0x1;
	s9 =	sadd.s32 $0x4000, s7  }
0x7: {  	s11 =	sadd.s32 $0x6000, s7;
	s12 =	sadd.s32 $0xA000, s7;
	s15 =	sadd.s32 $0xC000, s7  }
0x8: {  	s26 =	sadd.s32 $0xE000, s7;
	s16 =	sadd.s32 $0x16800, s4;
	s3 =	smul.u32 $0x4E, s1  }
0x9: {  	s5 =	ssub.s32 s5, s6;
	s6 =	smul.u32 $0x4F, s1;
	p0 =	slt.u32 s1, $0x4  }
0xa: {  	s17 =	sadd.s32 s0, s7;
	s10 =	sadd.s32 s0, s9;
	s20 =	sadd.s32 s0, s11  }
0xb: {  	s13 =	sadd.s32 s0, s12;
	s24 =	sadd.s32 s0, s15;
	s28 =	sadd.s32 s0, s26  }
0xc: {  	s1 =	sshrl.u32 s17, $0x3;
	s19 =	sshrl.u32 s10, $0x3;
	s3 =	sadd.s32 $0x4, s3  }
0xd: {  	s21 =	sshrl.u32 s20, $0x3;
	s3 =	smov.u32 @p0 s6;
	s6 =	sor.u32 $0x2000, s7  }
0xe: {  	s10 =	sadd.s32 $0x8000, s7;
	s1 =	sadd.s32 s8, s1;
	s18 =	sadd.s32 s0, s6  }
0xf: {  	s23 =	sshrl.u32 s13, $0x3;
	[dreg:$0x4] =	wrdreg s1;
	s1 =	sshrl.u32 s18, $0x3  }
0x10: {  	s25 =	sshrl.u32 s24, $0x3;
	s17 =	sadd.s32 $0xCA00, s4;
	s1 =	sadd.s32 s8, s1  }
0x11: {  	s22 =	sadd.s32 s0, s10;
	[dreg:$0x5] =	wrdreg s1;
	s1 =	sadd.s32 s8, s19  }
0x12: {  	s31 =	sshll.u32 s3, $0x4;
	s18 =	sadd.s32 $0x2C00, s4;
	[dreg:$0x6] =	wrdreg s1  }
0x13: {  	s1 =	sadd.s32 s8, s21;
	s21 =	sadd.s32 $0x10000, s7;
	s7 =	sadd.s32 $0x12000, s7  }
0x14: {  	[dreg:$0x7] =	wrdreg s1;
	s1 =	sshrl.u32 s22, $0x3;
	s14 =	sadd.s32 s0, s21  }
0x15: {  	s1 =	sadd.s32 s8, s1;
	s29 =	sshrl.u32 s14, $0x3;
	s14 =	rddreg [dreg:$0x2]  }
0x16: {  	s0 =	sadd.s32 s0, s7;
	[dreg:$0x8] =	wrdreg s1;
	s1 =	sadd.s32 s8, s23  }
0x17: {  	s0 =	sshrl.u32 s0, $0x3;
	[dreg:$0x9] =	wrdreg s1;
	s1 =	sadd.s32 s8, s25  }
0x18: {  	s0 =	sadd.s32 s8, s0;
	[dreg:$0xa] =	wrdreg s1;
	s1 =	sshrl.u32 s28, $0x3  }
0x19: {  	s4 =	sand.u32 $0x1FFFFFF0, s31;
	[dreg:$0xd] =	wrdreg s0;
	s1 =	sadd.s32 s8, s1  }
0x1a: {  	s0 =	sshrl.u32 s30, $0x2;
	[dreg:$0xb] =	wrdreg s1;
	s1 =	sadd.s32 s8, s29  }
0x1b: {  	s19 =	sadd.s32 s0, s14;
	[dreg:$0xc] =	wrdreg s1;
	s1 =	sadd.s32 s17, s4  }
0x1c: {  	s0 =	sadd.s32 s18, s4;
	_ =	strace $0x80000057;
	[dreg:$0xf] =	wrdreg s1  }
0x1d: {  	s5 =	smax.u32 s5, $0x1;
	[dreg:$0x10] =	wrdreg s0  }
0x1e: {  	s6 =	sadd.s32 s6, s14;
	[dreg:$0x11] =	wrdreg s5  }
0x1f: {  	s8 =	sadd.s32 s9, s14;
	[dreg:$0x12] =	wrdreg s6  }
0x20: {  	s9 =	sadd.s32 s11, s14;
	[dreg:$0x13] =	wrdreg s8  }
0x21: {  	s10 =	sadd.s32 s10, s14;
	[dreg:$0x14] =	wrdreg s9  }
0x22: {  	s11 =	sadd.s32 s12, s14;
	[dreg:$0x15] =	wrdreg s10  }
0x23: {  	s12 =	sadd.s32 s15, s14;
	[dreg:$0x16] =	wrdreg s11  }
0x24: {  	s13 =	sadd.s32 s26, s14;
	[dreg:$0x17] =	wrdreg s12  }
0x25: {  	s15 =	sadd.s32 s21, s14;
	[dreg:$0x18] =	wrdreg s13  }
0x26: {  	s21 =	sadd.s32 s7, s14;
	[dreg:$0x19] =	wrdreg s15  }
0x27: {  	s22 =	sadd.s32 $0x2000, s19;
	[dreg:$0x1a] =	wrdreg s21  }
0x28: {  	s23 =	sadd.s32 $0x4000, s19;
	[dreg:$0x1b] =	wrdreg s22  }
0x29: {  	s24 =	sadd.s32 $0x6000, s19;
	[dreg:$0x1c] =	wrdreg s23  }
0x2a: {  	s25 =	sadd.s32 $0x8000, s19;
	[dreg:$0x1d] =	wrdreg s24  }
0x2b: {  	s26 =	sadd.s32 $0xA000, s19;
	[dreg:$0x1e] =	wrdreg s25  }
0x2c: {  	s28 =	sadd.s32 $0xC000, s19;
	[dreg:$0x1f] =	wrdreg s26  }
0x2d: {  	s29 =	sadd.s32 $0xE000, s19;
	[smem:$0x7FA] =	sst s28  }
0x2e: {  	s20 =	simm.s32 $0x4F;
	s30 =	sadd.s32 $0x10000, s19;
	[smem:$0x7FB] =	sst s29  }
0x2f: {  	s20 =	simm.s32 @!p0 $0x4E;
	s31 =	sadd.s32 $0x12000, s19;
	[smem:$0x7FC] =	sst s30  }
0x30: {  	s1 =	sadd.s32 $0xFFFFFFFF, s20;
	[smem:$0x7FD] =	sst s31  }
0x31: {  	s13 =	simm.s32 $0x4000;
	s21 =	simm.s32 $0x80;
	s22 =	simm.s32 $0x5  }
0x32: {  	s23 =	simm.s32 $0x1;
	s15 =	simm.s32 $0x0;
	[dreg:$0xe] =	wrdreg s19  }
.LBB2_1:
0x33: {  	s0 =	rddreg [dreg:$0x1]  }
0x34: {  	[tilespmem:s13], [sflag:$0x1] =	stream.linear.gather [hbm4b:s0+s2], $0x2000, $0x38;
	[tilespmem:$0x1A200] =	vst v63  }
0x35: {  	_ =	swait.ge [sflag:s23], $0x2000  }
0x36: {  	[sflag:s23] =	ssyncset.done $0x0  }
0x37: {  	[sflag:s23] =	ssyncadd.s32 $0xFFFFE000  }
0x38: {  	[spmem:s19] =	stream.linear.scatter [tilespmem:s13], [sflag:$0x1], $0x2000, $0x38;
	[tilespmem:$0x1A200] =	vst v63  }
0x39: {  	_ =	swait.ge [sflag:s23], $0x2000  }
0x3a: {  	[sflag:s23] =	ssyncset.done $0x0  }
0x3b: {  	s5 =	rddreg [dreg:$0x1b];
	[sflag:s23] =	ssyncadd.s32 $0xFFFFE000  }
0x3c: {  	[spmem:s5] =	stream.linear.scatter [tilespmem:s13], [sflag:$0x1], $0x2000, $0x38;
	[tilespmem:$0x1A200] =	vst v63  }
0x3d: {  	_ =	swait.ge [sflag:s23], $0x2000  }
0x3e: {  	[sflag:s23] =	ssyncset.done $0x0  }
0x3f: {  	s6 =	rddreg [dreg:$0x1c];
	[sflag:s23] =	ssyncadd.s32 $0xFFFFE000  }
0x40: {  	[spmem:s6] =	stream.linear.scatter [tilespmem:s13], [sflag:$0x1], $0x2000, $0x38;
	[tilespmem:$0x1A200] =	vst v63  }
0x41: {  	_ =	swait.ge [sflag:s23], $0x2000  }
0x42: {  	[sflag:s23] =	ssyncset.done $0x0  }
0x43: {  	s7 =	rddreg [dreg:$0x1d];
	[sflag:s23] =	ssyncadd.s32 $0xFFFFE000  }
0x44: {  	[spmem:s7] =	stream.linear.scatter [tilespmem:s13], [sflag:$0x1], $0x2000, $0x38;
	[tilespmem:$0x1A200] =	vst v63  }
0x45: {  	_ =	swait.ge [sflag:s23], $0x2000  }
0x46: {  	[sflag:s23] =	ssyncset.done $0x0  }
0x47: {  	s8 =	rddreg [dreg:$0x1e];
	[sflag:s23] =	ssyncadd.s32 $0xFFFFE000  }
0x48: {  	[spmem:s8] =	stream.linear.scatter [tilespmem:s13], [sflag:$0x1], $0x2000, $0x38;
	[tilespmem:$0x1A200] =	vst v63  }
0x49: {  	_ =	swait.ge [sflag:s23], $0x2000  }
0x4a: {  	[sflag:s23] =	ssyncset.done $0x0  }
0x4b: {  	s9 =	rddreg [dreg:$0x1f];
	[sflag:s23] =	ssyncadd.s32 $0xFFFFE000  }
0x4c: {  	[spmem:s9] =	stream.linear.scatter [tilespmem:s13], [sflag:$0x1], $0x2000, $0x38;
	[tilespmem:$0x1A200] =	vst v63  }
0x4d: {  	_ =	swait.ge [sflag:s23], $0x2000  }
0x4e: {  	s10 =	sld [smem:$0x7FA]  }
0x4f: {  	[sflag:s23] =	ssyncset.done $0x0  }
0x50: {  	[sflag:s23] =	ssyncadd.s32 $0xFFFFE000  }
0x51: {  	[spmem:s10] =	stream.linear.scatter [tilespmem:s13], [sflag:$0x1], $0x2000, $0x38;
	[tilespmem:$0x1A200] =	vst v63  }
0x52: {  	_ =	swait.ge [sflag:s23], $0x2000  }
0x53: {  	s11 =	sld [smem:$0x7FB]  }
0x54: {  	[sflag:s23] =	ssyncset.done $0x0  }
0x55: {  	[sflag:s23] =	ssyncadd.s32 $0xFFFFE000  }
0x56: {  	[spmem:s11] =	stream.linear.scatter [tilespmem:s13], [sflag:$0x1], $0x2000, $0x38;
	[tilespmem:$0x1A200] =	vst v63  }
0x57: {  	_ =	swait.ge [sflag:s23], $0x2000  }
0x58: {  	s12 =	sld [smem:$0x7FC]  }
0x59: {  	[sflag:s23] =	ssyncset.done $0x0  }
0x5a: {  	[sflag:s23] =	ssyncadd.s32 $0xFFFFE000  }
0x5b: {  	[spmem:s12] =	stream.linear.scatter [tilespmem:s13], [sflag:$0x1], $0x2000, $0x38;
	[tilespmem:$0x1A200] =	vst v63  }
0x5c: {  	_ =	swait.ge [sflag:s23], $0x2000  }
0x5d: {  	s24 =	sld [smem:$0x7FD]  }
0x5e: {  	[sflag:s23] =	ssyncset.done $0x0  }
0x5f: {  	[sflag:s23] =	ssyncadd.s32 $0xFFFFE000  }
0x60: {  	[spmem:s24] =	stream.linear.scatter [tilespmem:s13], [sflag:$0x1], $0x2000, $0x38;
	[tilespmem:$0x1A200] =	vst v63  }
0x61: {  	_ =	swait.ge [sflag:s23], $0x2000  }
0x62: {  	[sflag:s23] =	ssyncset.done $0x0  }
0x63: {  	[sflag:s23] =	ssyncadd.s32 $0xFFFFE000  }
0x64: {  	s4 =	simm.s32 $0x1A000;
	[bflag:$0x0] =	sbarrier.arrive $0xFFFF  }
0x65: {  	s28 =	simm.s32 $0x1A100;
	s31 =	sand.u32 $0x1, s2;
	_ =	strace $0x80000058  }
0x66: {  	s30 =	simm.s32 $0x0;
	p3 =	sne.s32 s1, $0x1;
	s25 =	rddreg [dreg:$0xf]  }
0x67: {  	[tilespmem:s4], [sflag:$0x1] =	stream.linear.gather [hbm4b:s25+s2], $0x80, $0x200038;
	[tilespmem:$0x1A200] =	vst v63  }
.Ltmp0:
0x68: {  	s29 =	simm.s32 $0x1;
	p0 =	seq.s32 s20, $0x1;
	(pc) =	sbr.rel @!p3 .LBB2_2-.Ltmp0, $4  }
0x69: {  	p2 =	por $0x0, $0x0;
	s7 =	sand.u32 $0x80, s30;
	s4 =	simm.s32 $0x1  }
0x6a: {  	s8 =	sand.u32 $0x80, s30;
	s26 =	rddreg [dreg:$0x10];
	s4 =	simm.s32 @p0 $0x0  }
0x6b: {  	[tilespmem:s28], [sflag:$0x3] =	stream.linear.gather [hbm4b:s26+s2], $0x80, $0x200038;
	[tilespmem:$0x1A200] =	vst v63  }
0x6c: {  	p0 =	seq.s32 s4, $0x0;
	p1 =	sne.s32 s4, $0x0;
	_ =	strace $0x90000058  }
0x6d: {  	[smem:$0x7F9] =	sst s15;
	s0 =	sadd.s32 @!p0 s3, s4  }
0x6e: {  	s5 =	sand.u32 @!p0 $0x1, s23;
	s6 =	simm.s32 @!p0 $0x0;
	s0 =	sshll.u32 @!p0 s0, $0x4  }
0x6f: {  	_ =	strace @!p0 $0x80000059;
	s9 =	sshll.u32 @!p0 s5, $0x7;
	s0 =	sand.u32 @!p0 $0x1FFFFFF0, s0  }
0x70: {  	s25 =	sadd.s32 @!p0 $0x1, s5;
	s12 =	sor.u32 @!p0 $0x1A000, s9;
	s10 =	sadd.s32 @!p0 s17, s0  }
0x71: {  	[tilespmem:s12], [sflag:s25] =	stream.linear.gather @!p0 [hbm4b:s10+s6], $0x80, $0x200038;
	[tilespmem:$0x1A200] =	vst v63  }
0x72: {  	s5 =	sadd.s32 @!p0 $0x3, s5;
	_ =	strace @!p0 $0x90000059  }
0x73: {  	s9 =	sor.u32 @!p0 $0x1A100, s9;
	s0 =	sadd.s32 @!p0 s18, s0;
	_ =	strace @!p0 $0x8000005A  }
0x74: {  	[tilespmem:s9], [sflag:s5] =	stream.linear.gather @!p0 [hbm4b:s0+s6], $0x80, $0x200038;
	[tilespmem:$0x1A200] =	vst v63  }
0x75: {  	s15 =	sadd.s32 $0x1, s31;
	s19 =	sadd.s32 $0x3, s31;
	_ =	strace @!p0 $0x9000005A  }
0x76: {  	s29 =	simm.s32 $0x2;
	p4 =	sne.s32 s1, $0x2;
	_ =	strace $0x8000005B  }
0x77: {  	s31 =	sadd.s32 $0x1, s4;
	p3 =	por p0, p0;
	_ =	swait.ge [sflag:s15], $0x80  }
0x78: {  	p2 =	por $0x1, $0x1;
	s25 =	sor.u32 $0x1A000, s7;
	[sflag:s15] =	ssyncset.done $0x0  }
0x79: {  	s5 =	simm.s32 $0x1;
	s0 =	simm.s32 @!p0 $0x1;
	[sflag:s15] =	ssyncadd.s32 $0xFFFFFF80  }
0x7a: {  	s9 =	sor.u32 $0x1A100, s8;
	s6 =	simm.s32 $0x1;
	_ =	strace $0x9000005B  }
0x7b: {  	s5 =	simm.s32 @!p1 $0x0;
	s0 =	simm.s32 @p0 $0x0;
	_ =	strace $0x8000005C  }
0x7c: {  	p0 =	seq.s32 s31, s20;
	s26 =	sadd.s32 $0x0, s5;
	_ =	swait.ge [sflag:s19], $0x80  }
0x7d: {  	s28 =	sadd.s32 $0x1, s0;
	s31 =	simm.s32 @p0 $0x0;
	[sflag:s19] =	ssyncset.done $0x0  }
.Ltmp1:
0x7e: {  	s30 =	sand.u32 $0x1, s26;
	[sflag:s19] =	ssyncadd.s32 $0xFFFFFF80;
	(pc) =	sbr.rel @!p4 .LBB2_4-.Ltmp1, $4  }
0x7f: {  	s24 =	sshll.u32 s26, $0x7;
	p0 =	seq.s32 s4, s31;
	_ =	strace $0x9000005C  }
0x80: {  	p1 =	sne.s32 s4, s31;
	s5 =	sand.u32 $0x80, s24;
	_ =	strace $0x8000005D  }
0x81: {  	[tilespmem:s2], [sflag:$0x5] =	stream.indirect.gather [hbm4b:s16+s21], $0x80, s25, s21, $0x2000b8;
	[tilespmem:$0x1A200] =	vst v63  }
0x82: {  	s0 =	sand.u32 $0x80, s24;
	s12 =	smov.u32 s30;
	s25 =	smov.u32 s26  }
.LBB2_5:
0x83: {  	s11 =	smov.u32 s6;
	s8 =	simm.s32 @!p0 $0x1  }
0x84: {  	s6 =	simm.s32 $0x1;
	s4 =	smov.u32 s5;
	s7 =	smov.u32 s0  }
0x85: {  	s10 =	smov.u32 s31;
	s6 =	simm.s32 @!p1 $0x0;
	_ =	swait.ge [sflag:s22], $0x4000  }
0x86: {  	s26 =	sadd.s32 s6, s26;
	s25 =	sadd.s32 s6, s25;
	[sflag:s22] =	ssyncset.done $0x0  }
0x87: {  	s8 =	simm.s32 @p0 $0x0;
	s0 =	sand.u32 $0x1, s26;
	[sflag:s22] =	ssyncadd.s32 $0xFFFFC000  }
0x88: {  	[spmem:s14] =	stream.indirect.scatter.add.f32 [tilespmem:s2], [sflag:$0x5], $0x80, s9, s21, $0x2000b8;
	[tilespmem:$0x1A200] =	vst v63  }
0x89: {  	s5 =	sand.u32 @!p0 $0x1, s28;
	s6 =	sadd.s32 @!p3 $0x1, s11;
	_ =	swait.ge [sflag:s22], $0x4000  }
0x8a: {  	s13 =	simm.s32 @!p0 $0x0;
	s9 =	sadd.s32 @!p0 s3, s31;
	[sflag:s22] =	ssyncset.done $0x0  }
0x8b: {  	s6 =	smov.u32 @p3 s11;
	s9 =	sshll.u32 @!p0 s9, $0x4;
	[sflag:s22] =	ssyncadd.s32 $0xFFFFC000  }
0x8c: {  	s11 =	sand.u32 @!p0 $0x1, s6;
	s9 =	sand.u32 @!p0 $0x1FFFFFF0, s9;
	_ =	strace $0x9000005D  }
0x8d: {  	s19 =	sshll.u32 @!p0 s11, $0x7;
	s24 =	sadd.s32 @!p0 s17, s9;
	_ =	strace @!p0 $0x80000059  }
0x8e: {  	s15 =	sshll.u32 @!p0 s5, $0x7;
	s11 =	sadd.s32 @!p0 $0x1, s11;
	s19 =	sor.u32 @!p0 $0x1A000, s19  }
0x8f: {  	[tilespmem:s19], [sflag:s11] =	stream.linear.gather @!p0 [hbm4b:s24+s13], $0x80, $0x200038;
	[tilespmem:$0x1A200] =	vst v63  }
0x90: {  	s5 =	sadd.s32 @!p0 $0x3, s5;
	s11 =	sor.u32 @!p0 $0x1A100, s15;
	_ =	strace @!p0 $0x90000059  }
0x91: {  	s9 =	sadd.s32 @!p0 s18, s9;
	s15 =	sand.u32 $0x1, s25;
	_ =	strace @!p0 $0x8000005A  }
0x92: {  	[tilespmem:s11], [sflag:s5] =	stream.linear.gather @!p0 [hbm4b:s9+s13], $0x80, $0x200038;
	[tilespmem:$0x1A200] =	vst v63  }
0x93: {  	s29 =	sadd.s32 $0x1, s29;
	s5 =	sshll.u32 s26, $0x7;
	_ =	strace @!p0 $0x9000005A  }
0x94: {  	s9 =	sadd.s32 $0x1, s30;
	s5 =	sand.u32 $0x80, s5;
	_ =	strace $0x8000005B  }
0x95: {  	p4 =	sne.s32 s1, s29;
	s28 =	sadd.s32 s28, s8;
	_ =	swait.ge [sflag:s9], $0x80  }
0x96: {  	s8 =	sshll.u32 s25, $0x7;
	s30 =	smov.u32 s0;
	[sflag:s9] =	ssyncset.done $0x0  }
0x97: {  	p3 =	por p0, p0;
	s0 =	sand.u32 $0x80, s8;
	[sflag:s9] =	ssyncadd.s32 $0xFFFFFF80  }
0x98: {  	_ =	strace $0x9000005B  }
0x99: {  	s8 =	sadd.s32 $0x3, s12;
	s12 =	smov.u32 s15;
	_ =	strace $0x8000005C  }
0x9a: {  	_ =	swait.ge [sflag:s8], $0x80  }
.Ltmp2:
0x9b: {  	s31 =	sadd.s32 $0x1, s31;
	[sflag:s8] =	ssyncset.done $0x0;
	(pc) =	sbr.rel @p4 .LBB2_5-.Ltmp2, $4  }
0x9c: {  	p0 =	seq.s32 s31, s20;
	s9 =	sor.u32 $0x1A100, s7;
	[sflag:s8] =	ssyncadd.s32 $0xFFFFFF80  }
0x9d: {  	s4 =	sor.u32 $0x1A000, s4;
	s31 =	simm.s32 @p0 $0x0;
	_ =	strace $0x9000005C  }
0x9e: {  	p0 =	seq.s32 s10, s31;
	p1 =	sne.s32 s10, s31;
	_ =	strace $0x8000005D  }
0x9f: {  	[tilespmem:s2], [sflag:$0x5] =	stream.indirect.gather [hbm4b:s16+s21], $0x80, s4, s21, $0x2000b8;
	[tilespmem:$0x1A200] =	vst v63  }
0xa0: {  	s7 =	smov.u32 s5  }
0xa1: {  	s8 =	smov.u32 s0;
	s4 =	smov.u32 s31;
	s19 =	rddreg [dreg:$0xe]  }
0xa2: {  	s31 =	smov.u32 s30;
	s13 =	simm.s32 $0x4000;
	s15 =	sld [smem:$0x7F9]  }
.LBB2_7:
0xa3: {  	_ =	swait.ge @p2 [sflag:s22], $0x4000;
	p4 =	por p3, !p2  }
0xa4: {  	s5 =	sadd.s32 @!p0 s3, s4;
	p3 =	por !p3, !p2;
	[sflag:s22] =	ssyncset.done @p2 $0x0  }
0xa5: {  	s0 =	sadd.s32 @!p4 $0x1, s6;
	s5 =	sshll.u32 @!p0 s5, $0x4;
	[sflag:s22] =	ssyncadd.s32 @p2 $0xFFFFC000  }
0xa6: {  	[spmem:s14] =	stream.indirect.scatter.add.f32 @p2 [tilespmem:s2], [sflag:$0x5], $0x80, s9, s21, $0x2000b8;
	[tilespmem:$0x1A200] =	vst v63  }
0xa7: {  	s6 =	smov.u32 @p3 s0;
	s0 =	simm.s32 $0x1;
	_ =	swait.ge @p2 [sflag:s22], $0x4000  }
0xa8: {  	s5 =	sand.u32 @!p0 $0x1FFFFFF0, s5;
	s0 =	smov.u32 @p2 s6;
	[sflag:s22] =	ssyncset.done @p2 $0x0  }
0xa9: {  	s9 =	simm.s32 @!p0 $0x0;
	s6 =	sand.u32 @!p0 $0x1, s0;
	[sflag:s22] =	ssyncadd.s32 @p2 $0xFFFFC000  }
0xaa: {  	s11 =	sadd.s32 @!p0 s17, s5;
	s10 =	sshll.u32 @!p0 s6, $0x7;
	_ =	strace @p2 $0x9000005D  }
0xab: {  	s6 =	sadd.s32 @!p0 $0x1, s6;
	s10 =	sor.u32 @!p0 $0x1A000, s10;
	_ =	strace @!p0 $0x80000059  }
0xac: {  	[tilespmem:s10], [sflag:s6] =	stream.linear.gather @!p0 [hbm4b:s11+s9], $0x80, $0x200038;
	[tilespmem:$0x1A200] =	vst v63  }
0xad: {  	s6 =	sand.u32 @!p0 $0x1, s28  }
0xae: {  	s5 =	sadd.s32 @!p0 s18, s5;
	s10 =	sshll.u32 @!p0 s6, $0x7;
	_ =	strace @!p0 $0x90000059  }
0xaf: {  	s6 =	sadd.s32 @!p0 $0x3, s6;
	s10 =	sor.u32 @!p0 $0x1A100, s10;
	_ =	strace @!p0 $0x8000005A  }
0xb0: {  	[tilespmem:s10], [sflag:s6] =	stream.linear.gather @!p0 [hbm4b:s5+s9], $0x80, $0x200038;
	[tilespmem:$0x1A200] =	vst v63  }
0xb1: {  	_ =	strace @!p0 $0x9000005A  }
0xb2: {  	s6 =	sadd.s32 $0x1, s31;
	_ =	strace $0x8000005B  }
0xb3: {  	_ =	swait.ge [sflag:s6], $0x80  }
0xb4: {  	[sflag:s6] =	ssyncset.done $0x0  }
0xb5: {  	[sflag:s6] =	ssyncadd.s32 $0xFFFFFF80  }
0xb6: {  	_ =	strace $0x9000005B  }
0xb7: {  	s9 =	sadd.s32 $0x3, s12;
	_ =	strace $0x8000005C  }
0xb8: {  	_ =	swait.ge [sflag:s9], $0x80  }
0xb9: {  	[sflag:s9] =	ssyncset.done $0x0  }
0xba: {  	p2 =	por p0, p0;
	[sflag:s9] =	ssyncadd.s32 $0xFFFFFF80  }
0xbb: {  	s11 =	sor.u32 $0x1A100, s8;
	s5 =	sadd.s32 $0x1, s4;
	_ =	strace $0x9000005C  }
0xbc: {  	s10 =	sor.u32 $0x1A000, s7;
	p3 =	seq.s32 s5, s20;
	_ =	strace $0x8000005D  }
0xbd: {  	[tilespmem:s2], [sflag:$0x5] =	stream.indirect.gather [hbm4b:s16+s21], $0x80, s10, s21, $0x2000b8;
	[tilespmem:$0x1A200] =	vst v63  }
0xbe: {  	s5 =	simm.s32 @p3 $0x0;
	p3 =	sge.u32 s29, s1;
	_ =	swait.ge [sflag:s22], $0x4000  }
0xbf: {  	p4 =	seq.s32 @!p3 s4, s5;
	s6 =	sadd.s32 @!p2 $0x1, s0;
	[sflag:s22] =	ssyncset.done $0x0  }
0xc0: {  	s6 =	smov.u32 @p2 s0;
	p2 =	por p4, p3;
	[sflag:s22] =	ssyncadd.s32 $0xFFFFC000  }
0xc1: {  	[spmem:s14] =	stream.indirect.scatter.add.f32 [tilespmem:s2], [sflag:$0x5], $0x80, s11, s21, $0x2000b8;
	[tilespmem:$0x1A200] =	vst v63  }
0xc2: {  	s0 =	sadd.s32 @!p2 s3, s5;
	_ =	swait.ge [sflag:s22], $0x4000  }
0xc3: {  	s4 =	sand.u32 @!p2 $0x1, s6;
	s7 =	simm.s32 @!p2 $0x0;
	[sflag:s22] =	ssyncset.done $0x0  }
0xc4: {  	s5 =	sshll.u32 @!p2 s4, $0x7;
	s0 =	sshll.u32 @!p2 s0, $0x4;
	[sflag:s22] =	ssyncadd.s32 $0xFFFFC000  }
0xc5: {  	s4 =	sadd.s32 @!p2 $0x1, s4;
	s0 =	sand.u32 @!p2 $0x1FFFFFF0, s0;
	_ =	strace $0x9000005D  }
0xc6: {  	s5 =	sor.u32 @!p2 $0x1A000, s5;
	s6 =	sadd.s32 @!p2 s17, s0;
	_ =	strace @!p2 $0x80000059  }
0xc7: {  	[tilespmem:s5], [sflag:s4] =	stream.linear.gather @!p2 [hbm4b:s6+s7], $0x80, $0x200038;
	[tilespmem:$0x1A200] =	vst v63  }
0xc8: {  	s4 =	simm.s32 @!p0 $0x1  }
0xc9: {  	s4 =	simm.s32 @p0 $0x0  }
0xca: {  	s4 =	sadd.s32 s28, s4  }
0xcb: {  	s4 =	sand.u32 @!p2 $0x1, s4  }
0xcc: {  	s0 =	sadd.s32 @!p2 s18, s0;
	_ =	strace @!p2 $0x90000059;
	s5 =	sshll.u32 @!p2 s4, $0x7  }
0xcd: {  	_ =	strace @!p2 $0x8000005A;
	s4 =	sadd.s32 @!p2 $0x3, s4;
	s5 =	sor.u32 @!p2 $0x1A100, s5  }
0xce: {  	[tilespmem:s5], [sflag:s4] =	stream.linear.gather @!p2 [hbm4b:s0+s7], $0x80, $0x200038;
	[tilespmem:$0x1A200] =	vst v63  }
0xcf: {  	s0 =	simm.s32 $0x1  }
0xd0: {  	s0 =	simm.s32 @!p1 $0x0  }
0xd1: {  	s12 =	sadd.s32 s0, s26  }
0xd2: {  	_ =	strace @!p2 $0x9000005A;
	s24 =	sand.u32 $0x1, s12  }
0xd3: {  	_ =	strace $0x8000005B;
	s5 =	sadd.s32 $0x1, s24  }
0xd4: {  	_ =	swait.ge [sflag:s5], $0x80  }
0xd5: {  	[sflag:s5] =	ssyncset.done $0x0  }
0xd6: {  	s0 =	sadd.s32 s0, s25;
	[sflag:s5] =	ssyncadd.s32 $0xFFFFFF80  }
0xd7: {  	s26 =	sand.u32 $0x1, s0;
	_ =	strace $0x9000005B  }
0xd8: {  	s5 =	sadd.s32 $0x3, s26;
	_ =	strace $0x8000005C  }
0xd9: {  	_ =	swait.ge [sflag:s5], $0x80  }
0xda: {  	[sflag:s5] =	ssyncset.done $0x0  }
0xdb: {  	s4 =	sshll.u32 s12, $0x7;
	[sflag:s5] =	ssyncadd.s32 $0xFFFFFF80  }
0xdc: {  	s4 =	sand.u32 $0x80, s4;
	_ =	strace $0x9000005C  }
0xdd: {  	s4 =	sor.u32 $0x1A000, s4;
	_ =	strace $0x8000005D  }
0xde: {  	[tilespmem:s2], [sflag:$0x5] =	stream.indirect.gather [hbm4b:s16+s21], $0x80, s4, s21, $0x2000b8;
	[tilespmem:$0x1A200] =	vst v63  }
0xdf: {  	s0 =	sshll.u32 s0, $0x7;
	_ =	swait.ge [sflag:s22], $0x4000  }
0xe0: {  	s0 =	sand.u32 $0x80, s0;
	[sflag:s22] =	ssyncset.done $0x0  }
0xe1: {  	s0 =	sor.u32 $0x1A100, s0;
	[sflag:s22] =	ssyncadd.s32 $0xFFFFC000  }
0xe2: {  	[spmem:s14] =	stream.indirect.scatter.add.f32 [tilespmem:s2], [sflag:$0x5], $0x80, s0, s21, $0x2000b8;
	[tilespmem:$0x1A200] =	vst v63  }
0xe3: {  	_ =	swait.ge [sflag:s22], $0x4000  }
0xe4: {  	[sflag:s22] =	ssyncset.done $0x0  }
0xe5: {  	[sflag:s22] =	ssyncadd.s32 $0xFFFFC000  }
0xe6: {  	_ =	strace $0x9000005D  }
0xe7: {  	[bflag:$0x0] =	sbarrier.arrive $0xFFFF  }
0xe8: {  	[tilespmem:s13], [sflag:$0x1] =	stream.linear.gather [spmem:s19], $0x2000, $0x38;
	[tilespmem:$0x1A200] =	vst v63  }
0xe9: {  	_ =	swait.ge [sflag:s23], $0x2000  }
0xea: {  	[sflag:s23] =	ssyncset.done $0x0  }
0xeb: {  	s28 =	rddreg [dreg:$0x4];
	[sflag:s23] =	ssyncadd.s32 $0xFFFFE000  }
0xec: {  	[hbm4b:s28+s2] =	stream.linear.scatter [tilespmem:s13], [sflag:$0x1], $0x2000, $0x38;
	[tilespmem:$0x1A200] =	vst v63  }
0xed: {  	_ =	swait.ge [sflag:s23], $0x2000  }
0xee: {  	[sflag:s23] =	ssyncset.done $0x0  }
0xef: {  	s29 =	rddreg [dreg:$0x12];
	[sflag:s23] =	ssyncadd.s32 $0xFFFFE000  }
0xf0: {  	[tilespmem:s13], [sflag:$0x1] =	stream.linear.gather [spmem:s29], $0x2000, $0x38;
	[tilespmem:$0x1A200] =	vst v63  }
0xf1: {  	_ =	swait.ge [sflag:s23], $0x2000  }
0xf2: {  	[sflag:s23] =	ssyncset.done $0x0  }
0xf3: {  	s30 =	rddreg [dreg:$0x5];
	[sflag:s23] =	ssyncadd.s32 $0xFFFFE000  }
0xf4: {  	[hbm4b:s30+s2] =	stream.linear.scatter [tilespmem:s13], [sflag:$0x1], $0x2000, $0x38;
	[tilespmem:$0x1A200] =	vst v63  }
0xf5: {  	_ =	swait.ge [sflag:s23], $0x2000  }
0xf6: {  	[sflag:s23] =	ssyncset.done $0x0  }
0xf7: {  	s31 =	rddreg [dreg:$0x13];
	[sflag:s23] =	ssyncadd.s32 $0xFFFFE000  }
0xf8: {  	[tilespmem:s13], [sflag:$0x1] =	stream.linear.gather [spmem:s31], $0x2000, $0x38;
	[tilespmem:$0x1A200] =	vst v63  }
0xf9: {  	_ =	swait.ge [sflag:s23], $0x2000  }
0xfa: {  	[sflag:s23] =	ssyncset.done $0x0  }
0xfb: {  	s4 =	rddreg [dreg:$0x6];
	[sflag:s23] =	ssyncadd.s32 $0xFFFFE000  }
0xfc: {  	[hbm4b:s4+s2] =	stream.linear.scatter [tilespmem:s13], [sflag:$0x1], $0x2000, $0x38;
	[tilespmem:$0x1A200] =	vst v63  }
0xfd: {  	_ =	swait.ge [sflag:s23], $0x2000  }
0xfe: {  	[sflag:s23] =	ssyncset.done $0x0  }
0xff: {  	s5 =	rddreg [dreg:$0x14];
	[sflag:s23] =	ssyncadd.s32 $0xFFFFE000  }
0x100: {  	[tilespmem:s13], [sflag:$0x1] =	stream.linear.gather [spmem:s5], $0x2000, $0x38;
	[tilespmem:$0x1A200] =	vst v63  }
0x101: {  	_ =	swait.ge [sflag:s23], $0x2000  }
0x102: {  	[sflag:s23] =	ssyncset.done $0x0  }
0x103: {  	s6 =	rddreg [dreg:$0x7];
	[sflag:s23] =	ssyncadd.s32 $0xFFFFE000  }
0x104: {  	[hbm4b:s6+s2] =	stream.linear.scatter [tilespmem:s13], [sflag:$0x1], $0x2000, $0x38;
	[tilespmem:$0x1A200] =	vst v63  }
0x105: {  	_ =	swait.ge [sflag:s23], $0x2000  }
0x106: {  	[sflag:s23] =	ssyncset.done $0x0  }
0x107: {  	s7 =	rddreg [dreg:$0x15];
	[sflag:s23] =	ssyncadd.s32 $0xFFFFE000  }
0x108: {  	[tilespmem:s13], [sflag:$0x1] =	stream.linear.gather [spmem:s7], $0x2000, $0x38;
	[tilespmem:$0x1A200] =	vst v63  }
0x109: {  	_ =	swait.ge [sflag:s23], $0x2000  }
0x10a: {  	[sflag:s23] =	ssyncset.done $0x0  }
0x10b: {  	s8 =	rddreg [dreg:$0x8];
	[sflag:s23] =	ssyncadd.s32 $0xFFFFE000  }
0x10c: {  	[hbm4b:s8+s2] =	stream.linear.scatter [tilespmem:s13], [sflag:$0x1], $0x2000, $0x38;
	[tilespmem:$0x1A200] =	vst v63  }
0x10d: {  	_ =	swait.ge [sflag:s23], $0x2000  }
0x10e: {  	[sflag:s23] =	ssyncset.done $0x0  }
0x10f: {  	s9 =	rddreg [dreg:$0x16];
	[sflag:s23] =	ssyncadd.s32 $0xFFFFE000  }
0x110: {  	[tilespmem:s13], [sflag:$0x1] =	stream.linear.gather [spmem:s9], $0x2000, $0x38;
	[tilespmem:$0x1A200] =	vst v63  }
0x111: {  	_ =	swait.ge [sflag:s23], $0x2000  }
0x112: {  	[sflag:s23] =	ssyncset.done $0x0  }
0x113: {  	s10 =	rddreg [dreg:$0x9];
	[sflag:s23] =	ssyncadd.s32 $0xFFFFE000  }
0x114: {  	[hbm4b:s10+s2] =	stream.linear.scatter [tilespmem:s13], [sflag:$0x1], $0x2000, $0x38;
	[tilespmem:$0x1A200] =	vst v63  }
0x115: {  	_ =	swait.ge [sflag:s23], $0x2000  }
0x116: {  	[sflag:s23] =	ssyncset.done $0x0  }
0x117: {  	s11 =	rddreg [dreg:$0x17];
	[sflag:s23] =	ssyncadd.s32 $0xFFFFE000  }
0x118: {  	[tilespmem:s13], [sflag:$0x1] =	stream.linear.gather [spmem:s11], $0x2000, $0x38;
	[tilespmem:$0x1A200] =	vst v63  }
0x119: {  	_ =	swait.ge [sflag:s23], $0x2000  }
0x11a: {  	[sflag:s23] =	ssyncset.done $0x0  }
0x11b: {  	s12 =	rddreg [dreg:$0xa];
	[sflag:s23] =	ssyncadd.s32 $0xFFFFE000  }
0x11c: {  	[hbm4b:s12+s2] =	stream.linear.scatter [tilespmem:s13], [sflag:$0x1], $0x2000, $0x38;
	[tilespmem:$0x1A200] =	vst v63  }
0x11d: {  	_ =	swait.ge [sflag:s23], $0x2000  }
0x11e: {  	[sflag:s23] =	ssyncset.done $0x0  }
0x11f: {  	s24 =	rddreg [dreg:$0x18];
	[sflag:s23] =	ssyncadd.s32 $0xFFFFE000  }
0x120: {  	[tilespmem:s13], [sflag:$0x1] =	stream.linear.gather [spmem:s24], $0x2000, $0x38;
	[tilespmem:$0x1A200] =	vst v63  }
0x121: {  	_ =	swait.ge [sflag:s23], $0x2000  }
0x122: {  	[sflag:s23] =	ssyncset.done $0x0  }
0x123: {  	s25 =	rddreg [dreg:$0xb];
	[sflag:s23] =	ssyncadd.s32 $0xFFFFE000  }
0x124: {  	[hbm4b:s25+s2] =	stream.linear.scatter [tilespmem:s13], [sflag:$0x1], $0x2000, $0x38;
	[tilespmem:$0x1A200] =	vst v63  }
0x125: {  	_ =	swait.ge [sflag:s23], $0x2000  }
0x126: {  	[sflag:s23] =	ssyncset.done $0x0  }
0x127: {  	s26 =	rddreg [dreg:$0x19];
	[sflag:s23] =	ssyncadd.s32 $0xFFFFE000  }
0x128: {  	[tilespmem:s13], [sflag:$0x1] =	stream.linear.gather [spmem:s26], $0x2000, $0x38;
	[tilespmem:$0x1A200] =	vst v63  }
0x129: {  	_ =	swait.ge [sflag:s23], $0x2000  }
0x12a: {  	[sflag:s23] =	ssyncset.done $0x0  }
0x12b: {  	s28 =	rddreg [dreg:$0xc];
	[sflag:s23] =	ssyncadd.s32 $0xFFFFE000  }
0x12c: {  	[hbm4b:s28+s2] =	stream.linear.scatter [tilespmem:s13], [sflag:$0x1], $0x2000, $0x38;
	[tilespmem:$0x1A200] =	vst v63  }
0x12d: {  	_ =	swait.ge [sflag:s23], $0x2000  }
0x12e: {  	[sflag:s23] =	ssyncset.done $0x0  }
0x12f: {  	s29 =	rddreg [dreg:$0x1a];
	[sflag:s23] =	ssyncadd.s32 $0xFFFFE000  }
0x130: {  	[tilespmem:s13], [sflag:$0x1] =	stream.linear.gather [spmem:s29], $0x2000, $0x38;
	[tilespmem:$0x1A200] =	vst v63  }
0x131: {  	_ =	swait.ge [sflag:s23], $0x2000  }
0x132: {  	[sflag:s23] =	ssyncset.done $0x0  }
0x133: {  	s30 =	rddreg [dreg:$0xd];
	[sflag:s23] =	ssyncadd.s32 $0xFFFFE000  }
0x134: {  	[hbm4b:s30+s2] =	stream.linear.scatter [tilespmem:s13], [sflag:$0x1], $0x2000, $0x38;
	[tilespmem:$0x1A200] =	vst v63  }
0x135: {  	_ =	swait.ge [sflag:s23], $0x2000  }
0x136: {  	s15 =	sadd.s32 $0x1, s15;
	s31 =	rddreg [dreg:$0x11]  }
0x137: {  	p0 =	sne.s32 s15, s31  }
.Ltmp3:
0x138: {  	_ = 	snop;
	(pc) =	sbr.rel @p0 .LBB2_1-.Ltmp3, $4  }
.Ltmp4:
0x139: {  	_ = 	snop;
	(pc) =	sbr.rel @!p0 .LBB2_8-.Ltmp4, $4  }
0x13a: {  	_ = 	snop  }
0x13b: {  	[sflag:s23] =	ssyncset.done $0x0  }
0x13c: {  	[sflag:s23] =	ssyncadd.s32 $0xFFFFE000  }
0x13d: {  	_ = 	snop  }
.LBB2_2:
.Ltmp5:
0x13e: {  	(pc) =	sbr.rel .LBB2_7-.Ltmp5, $3  }
0x13f: {  	_ =	sdelay $0x1  }
0x140: {  	s26 =	simm.s32 $0x0;
	s25 =	simm.s32 $0x0  }
0x141: {  	s28 =	simm.s32 $0x1;
	s6 =	simm.s32 $0x1;
	s12 =	smov.u32 s31  }
.LBB2_4:
.Ltmp6:
0x142: {  	(pc) =	sbr.rel .LBB2_7-.Ltmp6, $4  }
0x143: {  	s7 =	smov.u32 s5  }
0x144: {  	s8 =	smov.u32 s0;
	s4 =	smov.u32 s31;
	s25 =	smov.u32 s26  }
0x145: {  	s6 =	simm.s32 $0x1;
	s31 =	smov.u32 s30;
	s19 =	rddreg [dreg:$0xe]  }
0x146: {  	s12 =	smov.u32 s30;
	s13 =	simm.s32 $0x4000;
	s15 =	sld [smem:$0x7F9]  }
.LBB2_8:
0x147: {  	_ =	sfence.sel $0x180000  }
0x148: {  	[bflag:$0x0] =	sbarrier.arrive $0xFFFF  }
0x149: {  	_ =	strace $0x90000057  }
0x14a: {  	s0 =	stileid.u32;
	[bflag:$0x2] =	sbarrier.arrive $0xFFFF  }
0x14b: {  	p0 =	sne.s32 s0, $0x0;
	s0 =	rddreg [dreg:$0x3]  }
0x14c: {  	s0 =	sadd.s32 @!p0 $0x100000, s0  }
0x14d: {  	[sflag:s0] =	ssyncadd.tile.s32 @!p0 $0x1;
	_ =	shalt  }
.Lfunc_end2:
_tile_overlayer_lowered:
.L_overlay_start_2:
0x14e: {  	(tag) =	ssettag $0x2  }
0x14f: {  	s0 =	rddreg [dreg:$0x0];
	s2 =	stileid.u32  }
0x150: {  	s1 =	rddreg [dreg:$0x1];
	p0 =	sne.s32 s2, $0x0  }
0x151: {  	s3 =	rddreg [dreg:$0x2];
	[bflag:$0x3] =	sbarrier.arrive $0xFFFF;
	s2 =	simm.s32 @!p0 $0x1C01  }
0x152: {  	[timem:s3], [sflag:s2] =	dma.local @!p0 [hbm:s0], s1  }
0x153: {  	s0 =	simm.s32 @!p0 $0x1  }
0x154: {  	_ =	swait.ge @!p0 [sflag:s0], s1  }
0x155: {  	s1 =	ssub.s32 @!p0 $0x0, s1;
	[sflag:s0] =	ssyncset.done @!p0 $0x0  }
0x156: {  	[sflag:s0] =	ssyncadd.s32 @!p0 s1  }
0x157: {  	[bflag:$0x3] =	sbarrier.arrive $0xFFFF  }
0x158: {  	_ =	shalt  }

// kernel: kernel.7.cloned.1.call-start
scs
__scs_entry_jumppad:
0x0: {  	(pc) =	sbr.rel $0x88, $3  }
0x1: {  	(tag) =	ssettag $0x0;
	lr =	simm.s32 $0x1  }
0x2: {  	[smem:$0x3F95] =	sst lr;
	_ =	strace $0xD0000000  }
0x3: {  	_ = 	snop  }
0x4: {  	_ = 	snop  }
0x5: {  	_ = 	snop  }
0x6: {  	_ = 	snop  }
0x7: {  	_ = 	snop  }
__scs_overlays_trampoline_lowered:
0x8: {  	[smem:$0x3FA4] =	sst s0  }
0x9: {  	[smem:$0x3FA5] =	sst s1  }
0xa: {  	[smem:$0x3FA6] =	sst s2  }
0xb: {  	[smem:$0x3FA7] =	sst s3  }
0xc: {  	[smem:$0x3FA8] =	sst s4  }
0xd: {  	[smem:$0x3FA9] =	sst s5  }
0xe: {  	[smem:$0x3FAA] =	sst s6  }
0xf: {  	[smem:$0x3FAB] =	sst s7  }
0x10: {  	[smem:$0x3FAC] =	sst s8  }
0x11: {  	[smem:$0x3FAD] =	sst s9;
	s0 =	simm.s32 @!p0 $0x0  }
0x12: {  	s1 =	sld [smem:$0x3F93];
	s0 =	simm.s32 @p0 $0x1  }
0x13: {  	[smem:$0x3FAE] =	sst s0;
	s0 =	simm.s32 @!p1 $0x0  }
0x14: {  	s2 =	sld [smem:$0x3F92];
	s0 =	simm.s32 @p1 $0x1  }
0x15: {  	[smem:$0x3FAF] =	sst s0;
	s0 =	simm.s32 @!p2 $0x0  }
0x16: {  	s3 =	sld [smem:$0x3FDB];
	s0 =	simm.s32 @p2 $0x1  }
0x17: {  	s4 =	simm.s32 $0x1BF5;
	[smem:$0x3FB1] =	sst s0  }
0x18: {  	s0 =	sld [smem:$0x3F94];
	_ =	swait.ge [sflag:s4], $0x0  }
0x19: {  	s7 =	sld [smem:$0x3F95]  }
0x1a: {  	s8 =	sadd.s32 $0xFFFFE003, lr  }
0x1b: {  	s9 =	sadd.s32 $0xFFFFFEF7, lr;
	s5 =	simm.s32 $0xFFFFFFFF;
	p2 =	slt.u32 s8, $0xFFFFF086  }
0x1c: {  	p1 =	slt.u32 s9, $0xF7A;
	s5 =	simm.s32 @!p2 $0x0  }
0x1d: {  	s5 =	simm.s32 @p1 $0x1;
	p0 =	seq.s32 s7, s2  }
0x1e: {  	s7 =	smul.u32 @!p0 $0xF7A, s2;
	p2 =	seq.s32 @!p0 s5, $0x0  }
0x1f: {  	s9 =	smul.u32 $0xF7A, s1;
	s8 =	simm.s32 @!p0 $0x1BF5;
	p2 =	por !p2, p0  }
0x20: {  	[sflag:s8] =	ssyncset.s32 @!p0 $0xFFFFF086;
	s6 =	sadd.s32 @!p0 s3, s7;
	s7 =	simm.s32 @!p0 $0x108  }
0x21: {  	s3 =	sadd.s32 s3, s9;
	s6 =	sadd.s32 @!p0 $0x88, s6;
	s7 =	simm.s32 @p2 $0x1082  }
0x22: {  	[simem:s7], [sflag:s8] =	dma.local @!p0 [hbm:s6], $0xF7A  }
0x23: {  	s9 =	sor.u32 $0xD0000000, s2;
	s6 =	simm.s32 $0x108;
	_ =	swait.ge @!p0 [sflag:s8], $0x0  }
0x24: {  	s3 =	sadd.s32 $0x88, s3;
	s6 =	simm.s32 @!p1 $0x1082;
	[sflag:s4] =	ssyncset.s32 $0xFFFFF086  }
0x25: {  	[simem:s6], [sflag:s4] =	dma.local [hbm:s3], $0xF7A  }
0x26: {  	[smem:$0x3F95] =	sst s1;
	(tag) =	ssettag s2;
	_ =	strace s9  }
0x27: {  	s1 =	sld [smem:$0x3FA5]  }
0x28: {  	s2 =	sld [smem:$0x3FA6]  }
0x29: {  	s4 =	sld [smem:$0x3FA8]  }
0x2a: {  	p0 =	seq.s32 s5, $0x0;
	s5 =	sld [smem:$0x3FA9]  }
0x2b: {  	s6 =	sld [smem:$0x3FAA]  }
0x2c: {  	s7 =	sld [smem:$0x3FAB]  }
0x2d: {  	s3 =	simm.s32 $0x108;
	s8 =	sld [smem:$0x3FAC]  }
0x2e: {  	s3 =	simm.s32 @!p0 $0x1082;
	s9 =	sld [smem:$0x3FAD]  }
0x2f: {  	lr =	sadd.s32 s0, s3;
	s0 =	sld [smem:$0x3FA4]  }
0x30: {  	s3 =	sld [smem:$0x3FA7]  }
0x31: {  	[smem:$0x3FB0] =	sst s10  }
0x32: {  	s10 =	sld [smem:$0x3FAE];
	_ =	sdelay $0x3  }
0x33: {  	p0 =	seq.s32 s10, $0x1;
	s10 =	sld [smem:$0x3FB0];
	_ =	sdelay $0x3  }
0x34: {  	[smem:$0x3FB0] =	sst s10  }
0x35: {  	s10 =	sld [smem:$0x3FAF];
	_ =	sdelay $0x3  }
0x36: {  	p1 =	seq.s32 s10, $0x1;
	s10 =	sld [smem:$0x3FB0];
	_ =	sdelay $0x3  }
0x37: {  	[smem:$0x3FB0] =	sst s10  }
0x38: {  	s10 =	sld [smem:$0x3FB1]  }
0x39: {  	_ = 	snop;
	(pc) =	sbr.ind lr, $3  }
0x3a: {  	_ = 	snop  }
0x3b: {  	_ = 	snop  }
0x3c: {  	p2 =	seq.s32 s10, $0x1;
	s10 =	sld [smem:$0x3FB0]  }
0x3d: {  	_ =	shalt  }
0x3e: {  	_ =	shalt  }
0x3f: {  	_ =	shalt  }
0x40: {  	_ =	shalt  }
0x41: {  	_ =	shalt  }
0x42: {  	_ =	shalt  }
0x43: {  	_ =	shalt  }
0x44: {  	_ =	shalt  }
0x45: {  	_ =	shalt  }
0x46: {  	_ =	shalt  }
0x47: {  	_ =	shalt  }
0x48: {  	_ =	shalt  }
0x49: {  	_ =	shalt  }
0x4a: {  	_ =	shalt  }
0x4b: {  	_ =	shalt  }
0x4c: {  	_ =	shalt  }
0x4d: {  	_ =	shalt  }
0x4e: {  	_ =	shalt  }
0x4f: {  	_ =	shalt  }
0x50: {  	_ =	shalt  }
0x51: {  	_ =	shalt  }
0x52: {  	_ =	shalt  }
0x53: {  	_ =	shalt  }
0x54: {  	_ =	shalt  }
0x55: {  	_ =	shalt  }
0x56: {  	_ =	shalt  }
0x57: {  	_ =	shalt  }
0x58: {  	_ =	shalt  }
0x59: {  	_ =	shalt  }
0x5a: {  	_ =	shalt  }
0x5b: {  	_ =	shalt  }
0x5c: {  	_ =	shalt  }
0x5d: {  	_ =	shalt  }
0x5e: {  	_ =	shalt  }
0x5f: {  	_ =	shalt  }
0x60: {  	_ =	shalt  }
0x61: {  	_ =	shalt  }
0x62: {  	_ =	shalt  }
0x63: {  	_ =	shalt  }
0x64: {  	_ =	shalt  }
0x65: {  	_ =	shalt  }
0x66: {  	_ =	shalt  }
0x67: {  	_ =	shalt  }
0x68: {  	_ =	shalt  }
0x69: {  	_ =	shalt  }
0x6a: {  	_ =	shalt  }
0x6b: {  	_ =	shalt  }
0x6c: {  	_ =	shalt  }
0x6d: {  	_ =	shalt  }
0x6e: {  	_ =	shalt  }
0x6f: {  	_ =	shalt  }
0x70: {  	_ =	shalt  }
0x71: {  	_ =	shalt  }
0x72: {  	_ =	shalt  }
0x73: {  	_ =	shalt  }
0x74: {  	_ =	shalt  }
0x75: {  	_ =	shalt  }
0x76: {  	_ =	shalt  }
0x77: {  	_ =	shalt  }
0x78: {  	_ =	shalt  }
0x79: {  	_ =	shalt  }
0x7a: {  	_ =	shalt  }
0x7b: {  	_ =	shalt  }
0x7c: {  	_ =	shalt  }
0x7d: {  	_ =	shalt  }
0x7e: {  	_ =	shalt  }
0x7f: {  	_ =	shalt  }
0x80: {  	_ =	shalt  }
0x81: {  	_ =	shalt  }
0x82: {  	_ =	shalt  }
0x83: {  	_ =	shalt  }
0x84: {  	_ =	shalt  }
0x85: {  	_ =	shalt  }
0x86: {  	_ =	shalt  }
0x87: {  	_ =	shalt  }
.Lfunc_end0:
.L_simem_size_0:
called_computation_lowered:
.L_overlay_start_0:
0x88: {  	s2 =	sld [smem:$0x3FD9]  }
0x89: {  	s3 =	sld [smem:$0x3FFE];
	_ =	sdelay $0x1  }
0x8a: {  	s1 =	srdreg.scid  }
0x8b: {  	s0 =	sand.u32 $0x1, s1  }
0x8c: {  	s15 =	sshll.u32 s0, $0xA;
	s2 =	sadd.s32 s3, s2  }
0x8d: {  	s2 =	sadd.s32 s2, s15  }
0x8e: {  	[smem:$0x3FBC] =	sst s2  }
0x8f: {  	_ = 	snop  }
0x90: {  	s2 =	sld [smem:$0x3FD0];
	_ =	sdelay $0x2  }
0x91: {  	s16 =	simm.s32 $0xB;
	s4 =	simm.s32 $0x10  }
0x92: {  	[smem:s4], [sflag:s16] =	dma.local [hbm:s2], $0x1  }
0x93: {  	_ =	swait.eq [sflag:s16], $0x1  }
0x94: {  	[sflag:s16] =	ssyncset.done $0x0  }
0x95: {  	[sflag:s16] =	ssyncadd.s32 $0xFFFFFFFF  }
0x96: {  	s17 =	sld [smem:$0x10];
	(tm) =	ssettm $0x1  }
0x97: {  	s18 =	sld [smem:$0x3FFB];
	_ =	sdelay $0x3  }
0x98: {  	_ =	strace s18  }
0x99: {  	s2 =	sld [smem:$0x3FFC];
	_ =	sdelay $0x3  }
0x9a: {  	_ =	strace s2  }
0x9b: {  	s2 =	sld [smem:$0x3FFD];
	_ =	sdelay $0x3  }
0x9c: {  	_ =	strace s2  }
0x9d: {  	_ =	strace $0x8FFFFFFF  }
0x9e: {  	s19 =	sld [smem:$0x3FDB];
	_ =	sdelay $0x1  }
0x9f: {  	s20 =	simm.s32 $_scs_section_size  }
0xa0: {  	s5 =	simm.s32 $_size__tile_overlayer_lowered;
	s6 =	simm.s32 $_tile_overlayer_lowered  }
0xa1: {  	s7 =	simm.s32 $0x1BFF;
	s21 =	sshll.u32 s6, $0x1;
	s4 =	sadd.s32 s20, s19  }
0xa2: {  	s22 =	simm.s32 $0x0;
	s5 =	sshll.u32 s5, $0x1;
	s6 =	sadd.s32 s21, s4  }
0xa3: {  	[timem:s22], [sflag:s7] =	dma.local [hbm:s6], s5  }
0xa4: {  	_ =	swait.ge [sflag:s7], s5  }
0xa5: {  	s5 =	ssub.s32 $0x0, s5;
	[sflag:s7] =	ssyncset.done $0x0  }
0xa6: {  	[sflag:s7] =	ssyncadd.s32 s5;
	_ =	sdelay $0x1  }
0xa7: {  	s23 =	simm.s32 $0x1B8B  }
0xa8: {  	_ =	swait.ge [sflag:s23], $0x1  }
0xa9: {  	[sflag:s23] =	ssyncset.done $0x0  }
0xaa: {  	[sflag:s23] =	ssyncadd.s32 $0xFFFFFFFF  }
0xab: {  	s5 =	sld [smem:$0x0]  }
0xac: {  	s6 =	sand.u32 $0xFFFFFFFE, s1  }
0xad: {  	p0 =	sne.s32 s1, s6  }
0xae: {  	s6 =	sshll.u32 @p0 s6, $0xE  }
0xaf: {  	s6 =	sadd.s32 @p0 $0x11B8D, s6;
	s7 =	sshll.u32 @p0 s5, $0x11  }
0xb0: {  	s6 =	sor.u32 @p0 s7, s6  }
0xb1: {  	[sflag:s6] =	ssyncadd.remote.s32 @p0 $0x1;
	_ =	sdelay $0x1  }
0xb2: {  	s6 =	simm.s32 @p0 $0x1B8D  }
0xb3: {  	_ =	swait.eq @p0 [sflag:s6], $0x1  }
0xb4: {  	[sflag:s6] =	ssyncadd.s32 @p0 $0xFFFFFFFF  }
0xb5: {  	s7 =	sshll.u32 @!p0 s1, $0xE  }
0xb6: {  	s7 =	sor.u32 @!p0 $0x4000, s7;
	s6 =	simm.s32 @!p0 $0x1B8D  }
0xb7: {  	s5 =	sshll.u32 @!p0 s5, $0x11;
	s7 =	sadd.s32 @!p0 $0x11B8D, s7;
	_ =	swait.eq @!p0 [sflag:s6], $0x1  }
0xb8: {  	s5 =	sor.u32 @!p0 s5, s7;
	[sflag:s6] =	ssyncadd.s32 @!p0 $0xFFFFFFFF  }
0xb9: {  	s25 =	simm.s32 $0x1B8E;
	s24 =	sld [smem:$0x3FFE];
	[sflag:s5] =	ssyncadd.remote.s32 @!p0 $0x1  }
0xba: {  	s26 =	simm.s32 $execute0_lowered;
	[smem:$0x3FD2] =	sst s25  }
0xbb: {  	s6 =	sshll.u32 s26, $0x1;
	_ =	strace $0x8000004F;
	[dreg:$0x1] =	wrdreg $0xFFFFFFFF  }
0xbc: {  	s28 =	simm.s32 $_size_execute0_lowered;
	s4 =	sadd.s32 s4, s6;
	[dreg:$0x0] =	wrdreg $0x0  }
0xbd: {  	s6 =	sshll.u32 s28, $0x1;
	[dreg:$0x2] =	wrdreg s4  }
0xbe: {  	[dreg:$0x3] =	wrdreg s6  }
0xbf: {  	[dreg:$0x4] =	wrdreg $0xC0  }
0xc0: {  	_ =	task [dreg:s22], $0x5FFFF  }
0xc1: {  	[dreg:$0x1] =	wrdreg $0xFFFFFFFF  }
0xc2: {  	[dreg:$0x0] =	wrdreg $0x60  }
0xc3: {  	[dreg:$0x2] =	wrdreg s24  }
0xc4: {  	[dreg:$0x3] =	wrdreg s17  }
0xc5: {  	[dreg:$0x4] =	wrdreg $0x60000  }
0xc6: {  	[dreg:$0x5] =	wrdreg $0x9  }
0xc7: {  	_ =	task.clear_ibuf [dreg:s22], $0x6FFFF;
	_ =	strace $0x9000004F  }
0xc8: {  	s29 =	simm.s32 $0x9;
	_ =	strace $0x80000055  }
0xc9: {  	_ =	swait.ge [sflag:s29], $0x1  }
0xca: {  	[sflag:s29] =	ssyncadd.s32 $0xFFFFFFFF  }
0xcb: {  	_ =	strace $0x90000055  }
0xcc: {  	_ =	sfence  }
0xcd: {  	s30 =	sld [smem:$0x0];
	_ =	sdelay $0x2  }
0xce: {  	s31 =	sshll.u32 s1, $0xD;
	s1 =	sshrl.u32 s1, $0x2  }
0xcf: {  	s4 =	sand.u32 $0x4000, s31;
	s1 =	sadd.s32 s1, s30  }
0xd0: {  	s0 =	sor.u32 s4, s0;
	s1 =	sshll.u32 s1, $0x11  }
0xd1: {  	s0 =	sor.u32 s1, s0  }
0xd2: {  	s0 =	sadd.s32 $0x8F2B, s0  }
0xd3: {  	[sflag:s0] =	ssyncadd.remote.s32 $0x1  }
0xd4: {  	_ =	sfence.sel $0xFFFF  }
0xd5: {  	[dreg:$0x0] =	wrdreg $0xFFFFFFFF;
	(pc) =	sbr.abs _section_cstart, $3  }
0xd6: {  	[dreg:$0x1] =	wrdreg $0xFFFFFFFF  }
0xd7: {  	_ =	task.clear_ibuf [dreg:s22], $0x2FFFF;
	_ =	strace $0x9FFFFFFF  }
0xd8: {  	(tm) =	ssettm $0x7FFFFFFF  }
0xd9: {  	_ =	shalt  }
tec
execute0_lowered:
.L_overlay_start_1:
0x0: {  	(tag) =	ssettag $0x1  }
0x1: {  	s0 =	srdreg.scid  }
0x2: {  	s16 =	stileid.u32;
	s4 =	rddreg [dreg:$0x0];
	s2 =	simm.s32 $0x0  }
0x3: {  	s0 =	sand.u32 $0x1, s0;
	[smem:$0x7FF] =	sst s2;
	s7 =	smul.u32 $0x14000, s16  }
0x4: {  	s8 =	sadd.s32 $0x67000, s4;
	s29 =	smul.u32 $0x50000, s16;
	s30 =	sadd.s32 $0x66800, s4  }
0x5: {  	s1 =	sshll.u32 s0, $0x4;
	s5 =	ssub.s32 $0x2, s0;
	s0 =	smul.u32 $0x140000, s0  }
0x6: {  	s1 =	sor.u32 s16, s1;
	s6 =	sshrl.u32 s5, $0x1;
	s9 =	sadd.s32 $0x4000, s7  }
0x7: {  	s11 =	sadd.s32 $0x6000, s7;
	s12 =	sadd.s32 $0xA000, s7;
	s25 =	sadd.s32 $0xE000, s7  }
0x8: {  	s16 =	sadd.s32 $0x2C00, s4;
	s3 =	smul.u32 $0x4E, s1;
	s5 =	ssub.s32 s5, s6  }
0x9: {  	s6 =	smul.u32 $0x4F, s1;
	p0 =	slt.u32 s1, $0x4;
	s15 =	sadd.s32 s0, s7  }
0xa: {  	s10 =	sadd.s32 s0, s9;
	s19 =	sadd.s32 s0, s11;
	s13 =	sadd.s32 s0, s12  }
0xb: {  	s26 =	sadd.s32 s0, s25;
	s1 =	sshrl.u32 s15, $0x3;
	s18 =	sshrl.u32 s10, $0x3  }
0xc: {  	s20 =	sshrl.u32 s19, $0x3;
	s10 =	sadd.s32 $0x8000, s7;
	s3 =	sadd.s32 $0x4, s3  }
0xd: {  	s15 =	sadd.s32 $0xC000, s7;
	s3 =	smov.u32 @p0 s6;
	s6 =	sor.u32 $0x2000, s7  }
0xe: {  	s22 =	sshrl.u32 s13, $0x3;
	s1 =	sadd.s32 s8, s1;
	s17 =	sadd.s32 s0, s6  }
0xf: {  	s23 =	sadd.s32 s0, s15;
	[dreg:$0x4] =	wrdreg s1;
	s1 =	sshrl.u32 s17, $0x3  }
0x10: {  	s21 =	sadd.s32 s0, s10;
	s24 =	sshrl.u32 s23, $0x3;
	s1 =	sadd.s32 s8, s1  }
0x11: {  	s17 =	sadd.s32 $0x10000, s7;
	[dreg:$0x5] =	wrdreg s1;
	s1 =	sadd.s32 s8, s18  }
0x12: {  	s7 =	sadd.s32 $0x12000, s7;
	[dreg:$0x6] =	wrdreg s1;
	s1 =	sadd.s32 s8, s20  }
0x13: {  	s14 =	sadd.s32 s0, s17;
	[dreg:$0x7] =	wrdreg s1;
	s1 =	sshrl.u32 s21, $0x3  }
0x14: {  	s28 =	sshrl.u32 s14, $0x3;
	s14 =	rddreg [dreg:$0x2];
	s1 =	sadd.s32 s8, s1  }
0x15: {  	s0 =	sadd.s32 s0, s7;
	[dreg:$0x8] =	wrdreg s1;
	s1 =	sadd.s32 s8, s22  }
0x16: {  	s0 =	sshrl.u32 s0, $0x3;
	[dreg:$0x9] =	wrdreg s1;
	s1 =	sadd.s32 s8, s24  }
0x17: {  	s0 =	sadd.s32 s8, s0;
	[dreg:$0xa] =	wrdreg s1;
	s1 =	sshrl.u32 s26, $0x3  }
0x18: {  	s31 =	sshll.u32 s3, $0x4;
	[dreg:$0xd] =	wrdreg s0;
	s1 =	sadd.s32 s8, s1  }
0x19: {  	s0 =	sshrl.u32 s29, $0x2;
	[dreg:$0xb] =	wrdreg s1;
	s1 =	sadd.s32 s8, s28  }
0x1a: {  	s4 =	sand.u32 $0x1FFFFFF0, s31;
	s19 =	sadd.s32 s0, s14;
	[dreg:$0xc] =	wrdreg s1  }
0x1b: {  	s0 =	sadd.s32 s16, s4;
	_ =	strace $0x80000050;
	[dreg:$0xe] =	wrdreg s30  }
0x1c: {  	s5 =	smax.u32 s5, $0x1;
	[dreg:$0xf] =	wrdreg s0  }
0x1d: {  	s13 =	simm.s32 $0x1;
	s8 =	sadd.s32 s6, s14;
	[dreg:$0x10] =	wrdreg s5  }
0x1e: {  	s18 =	simm.s32 $0x4F;
	s20 =	sadd.s32 s9, s14;
	[dreg:$0x11] =	wrdreg s8  }
0x1f: {  	s18 =	simm.s32 @!p0 $0x4E;
	s21 =	sadd.s32 s11, s14;
	[dreg:$0x12] =	wrdreg s20  }
0x20: {  	s23 =	sadd.s32 s12, s14;
	s22 =	sadd.s32 s10, s14;
	[dreg:$0x13] =	wrdreg s21  }
0x21: {  	s25 =	sadd.s32 s25, s14;
	s12 =	sadd.s32 $0xFFFFFFFF, s18;
	[dreg:$0x14] =	wrdreg s22  }
0x22: {  	s11 =	simm.s32 $0x2000;
	s24 =	sadd.s32 s15, s14;
	[dreg:$0x15] =	wrdreg s23  }
0x23: {  	s29 =	sadd.s32 $0x2000, s19;
	s31 =	sadd.s32 $0x6000, s19;
	[dreg:$0x16] =	wrdreg s24  }
0x24: {  	s9 =	sadd.s32 $0x10000, s19;
	s26 =	sadd.s32 s17, s14;
	[dreg:$0x17] =	wrdreg s25  }
0x25: {  	s10 =	sadd.s32 $0x12000, s19;
	s28 =	sadd.s32 s7, s14;
	[dreg:$0x18] =	wrdreg s26  }
0x26: {  	s15 =	simm.s32 $0x80;
	s17 =	simm.s32 $0x3;
	[dreg:$0x19] =	wrdreg s28  }
0x27: {  	s6 =	sadd.s32 $0xA000, s19;
	s7 =	sadd.s32 $0xC000, s19;
	[dreg:$0x1a] =	wrdreg s29  }
0x28: {  	s30 =	sadd.s32 $0x4000, s19;
	[dreg:$0x1c] =	wrdreg s31;
	s5 =	sadd.s32 $0x8000, s19  }
0x29: {  	s8 =	sadd.s32 $0xE000, s19;
	s20 =	simm.s32 $0x0;
	[dreg:$0x1b] =	wrdreg s30  }
.LBB2_1:
0x2a: {  	s0 =	rddreg [dreg:$0x1]  }
0x2b: {  	[tilespmem:s2], [sflag:$0x1] =	stream.linear.gather [hbm4b:s0+s2], $0x2000, $0x38;
	[tilespmem:$0x1A100] =	vst v63  }
0x2c: {  	_ =	swait.ge [sflag:s13], $0x2000  }
0x2d: {  	[sflag:s13] =	ssyncset.done $0x0  }
0x2e: {  	s22 =	rddreg [dreg:$0xe];
	[sflag:s13] =	ssyncadd.s32 $0xFFFFE000  }
0x2f: {  	[tilespmem:s11], [sflag:$0x1] =	stream.linear.gather [hbm4b:s22+s2], $0x4000, $0x38;
	[tilespmem:$0x1A100] =	vst v63  }
0x30: {  	_ =	swait.ge [sflag:s13], $0x4000  }
0x31: {  	[sflag:s13] =	ssyncset.done $0x0  }
0x32: {  	[sflag:s13] =	ssyncadd.s32 $0xFFFFC000  }
0x33: {  	[spmem:s19] =	stream.linear.scatter [tilespmem:s2], [sflag:$0x1], $0x2000, $0x38;
	[tilespmem:$0x1A100] =	vst v63  }
0x34: {  	_ =	swait.ge [sflag:s13], $0x2000  }
0x35: {  	[sflag:s13] =	ssyncset.done $0x0  }
0x36: {  	s23 =	rddreg [dreg:$0x1a];
	[sflag:s13] =	ssyncadd.s32 $0xFFFFE000  }
0x37: {  	[spmem:s23] =	stream.linear.scatter [tilespmem:s2], [sflag:$0x1], $0x2000, $0x38;
	[tilespmem:$0x1A100] =	vst v63  }
0x38: {  	_ =	swait.ge [sflag:s13], $0x2000  }
0x39: {  	[sflag:s13] =	ssyncset.done $0x0  }
0x3a: {  	s24 =	rddreg [dreg:$0x1b];
	[sflag:s13] =	ssyncadd.s32 $0xFFFFE000  }
0x3b: {  	[spmem:s24] =	stream.linear.scatter [tilespmem:s2], [sflag:$0x1], $0x2000, $0x38;
	[tilespmem:$0x1A100] =	vst v63  }
0x3c: {  	_ =	swait.ge [sflag:s13], $0x2000  }
0x3d: {  	[sflag:s13] =	ssyncset.done $0x0  }
0x3e: {  	s25 =	rddreg [dreg:$0x1c];
	[sflag:s13] =	ssyncadd.s32 $0xFFFFE000  }
0x3f: {  	[spmem:s25] =	stream.linear.scatter [tilespmem:s2], [sflag:$0x1], $0x2000, $0x38;
	[tilespmem:$0x1A100] =	vst v63  }
0x40: {  	_ =	swait.ge [sflag:s13], $0x2000  }
0x41: {  	[sflag:s13] =	ssyncset.done $0x0  }
0x42: {  	[sflag:s13] =	ssyncadd.s32 $0xFFFFE000  }
0x43: {  	[spmem:s5] =	stream.linear.scatter [tilespmem:s2], [sflag:$0x1], $0x2000, $0x38;
	[tilespmem:$0x1A100] =	vst v63  }
0x44: {  	_ =	swait.ge [sflag:s13], $0x2000  }
0x45: {  	[sflag:s13] =	ssyncset.done $0x0  }
0x46: {  	[sflag:s13] =	ssyncadd.s32 $0xFFFFE000  }
0x47: {  	[spmem:s6] =	stream.linear.scatter [tilespmem:s2], [sflag:$0x1], $0x2000, $0x38;
	[tilespmem:$0x1A100] =	vst v63  }
0x48: {  	_ =	swait.ge [sflag:s13], $0x2000  }
0x49: {  	[sflag:s13] =	ssyncset.done $0x0  }
0x4a: {  	[sflag:s13] =	ssyncadd.s32 $0xFFFFE000  }
0x4b: {  	[spmem:s7] =	stream.linear.scatter [tilespmem:s2], [sflag:$0x1], $0x2000, $0x38;
	[tilespmem:$0x1A100] =	vst v63  }
0x4c: {  	_ =	swait.ge [sflag:s13], $0x2000  }
0x4d: {  	[sflag:s13] =	ssyncset.done $0x0  }
0x4e: {  	[sflag:s13] =	ssyncadd.s32 $0xFFFFE000  }
0x4f: {  	[spmem:s8] =	stream.linear.scatter [tilespmem:s2], [sflag:$0x1], $0x2000, $0x38;
	[tilespmem:$0x1A100] =	vst v63  }
0x50: {  	_ =	swait.ge [sflag:s13], $0x2000  }
0x51: {  	[sflag:s13] =	ssyncset.done $0x0  }
0x52: {  	[sflag:s13] =	ssyncadd.s32 $0xFFFFE000  }
0x53: {  	[spmem:s9] =	stream.linear.scatter [tilespmem:s2], [sflag:$0x1], $0x2000, $0x38;
	[tilespmem:$0x1A100] =	vst v63  }
0x54: {  	_ =	swait.ge [sflag:s13], $0x2000  }
0x55: {  	[sflag:s13] =	ssyncset.done $0x0  }
0x56: {  	s1 =	simm.s32 $0x1A000;
	s31 =	sand.u32 $0x1, s2;
	[sflag:s13] =	ssyncadd.s32 $0xFFFFE000  }
0x57: {  	[spmem:s10] =	stream.linear.scatter [tilespmem:s2], [sflag:$0x1], $0x2000, $0x38;
	[tilespmem:$0x1A100] =	vst v63  }
0x58: {  	s28 =	simm.s32 $0x0;
	p0 =	seq.s32 s18, $0x1;
	_ =	swait.ge [sflag:s13], $0x2000  }
0x59: {  	s30 =	simm.s32 $0x1;
	p3 =	sne.s32 s12, $0x1;
	[sflag:s13] =	ssyncset.done $0x0  }
0x5a: {  	p1 =	por $0x0, $0x0;
	s0 =	sand.u32 $0x80, s28;
	[sflag:s13] =	ssyncadd.s32 $0xFFFFE000  }
.Ltmp0:
0x5b: {  	s30 =	simm.s32 @p0 $0x0;
	[bflag:$0x0] =	sbarrier.arrive $0xFFFF;
	(pc) =	sbr.rel @!p3 .LBB2_2-.Ltmp0, $4  }
0x5c: {  	s29 =	sor.u32 $0x1A000, s0;
	p0 =	seq.s32 s30, $0x0;
	_ =	strace $0x80000051  }
0x5d: {  	p2 =	sne.s32 s30, $0x0;
	s0 =	sadd.s32 @!p0 s3, s30;
	s26 =	rddreg [dreg:$0xf]  }
0x5e: {  	[tilespmem:s1], [sflag:$0x1] =	stream.linear.gather [hbm4b:s26+s2], $0x80, $0x200038;
	[tilespmem:$0x1A100] =	vst v63  }
0x5f: {  	s22 =	simm.s32 $0x1;
	s25 =	sand.u32 @!p0 $0x1, s13;
	_ =	strace $0x90000051  }
0x60: {  	s0 =	sshll.u32 @!p0 s0, $0x4;
	s22 =	simm.s32 $0x1;
	s21 =	sshll.u32 @!p0 s25, $0x7  }
0x61: {  	_ =	strace @!p0 $0x80000052;
	s25 =	sadd.s32 @!p0 $0x1, s25;
	s28 =	simm.s32 @!p0 $0x0  }
0x62: {  	s31 =	sadd.s32 $0x1, s31;
	p3 =	sne.s32 s12, $0x2;
	p1 =	por $0x1, $0x1  }
0x63: {  	s0 =	sand.u32 @!p0 $0x1FFFFFF0, s0;
	s22 =	simm.s32 @!p2 $0x0;
	s26 =	sor.u32 @!p0 $0x1A000, s21  }
0x64: {  	s0 =	sadd.s32 @!p0 s16, s0;
	s21 =	sadd.s32 $0x0, s22;
	s23 =	sadd.s32 $0x1, s22  }
0x65: {  	s22 =	simm.s32 $0x2;
	s24 =	sand.u32 $0x1, s21;
	s4 =	sshll.u32 s21, $0x7  }
0x66: {  	[tilespmem:s26], [sflag:s25] =	stream.linear.gather @!p0 [hbm4b:s0+s28], $0x80, $0x200038;
	[tilespmem:$0x1A100] =	vst v63  }
.Ltmp1:
0x67: {  	s26 =	sadd.s32 $0x1, s30;
	_ =	strace @!p0 $0x90000052;
	(pc) =	sbr.rel @!p3 .LBB2_4-.Ltmp1, $4  }
0x68: {  	s25 =	sand.u32 $0x80, s4;
	p0 =	seq.s32 s26, s18;
	_ =	strace $0x80000053  }
0x69: {  	s28 =	sor.u32 $0x1A000, s25;
	s26 =	simm.s32 @p0 $0x0;
	_ =	swait.ge [sflag:s31], $0x80  }
0x6a: {  	p0 =	seq.s32 s30, s26;
	p2 =	sne.s32 s30, s26;
	[sflag:s31] =	ssyncset.done $0x0  }
0x6b: {  	s25 =	sand.u32 @!p0 $0x1, s23;
	s0 =	sadd.s32 @!p0 s3, s26;
	[sflag:s31] =	ssyncadd.s32 $0xFFFFFF80  }
.LBB2_5:
0x6c: {  	s30 =	sshll.u32 @!p0 s25, $0x7;
	s0 =	sshll.u32 @!p0 s0, $0x4;
	_ =	strace $0x90000053  }
0x6d: {  	s31 =	smov.u32 s28;
	s1 =	smov.u32 s26;
	s28 =	simm.s32 $0x1  }
0x6e: {  	s0 =	sand.u32 @!p0 $0x1FFFFFF0, s0;
	s28 =	simm.s32 @!p2 $0x0;
	_ =	strace $0x80000054  }
0x6f: {  	[spmem:s14] =	stream.indirect.scatter.add.f32 [tilespmem:s11], [sflag:$0x3], $0x80, s29, s15, $0x2000b8;
	[tilespmem:$0x1A100] =	vst v63  }
0x70: {  	s29 =	sor.u32 @!p0 $0x1A000, s30;
	s0 =	sadd.s32 @!p0 s16, s0;
	_ =	swait.ge [sflag:s17], $0x4000  }
0x71: {  	s23 =	sadd.s32 s28, s23;
	s21 =	sadd.s32 s28, s21;
	[sflag:s17] =	ssyncset.done $0x0  }
0x72: {  	s30 =	sand.u32 $0x1, s21;
	s28 =	sshll.u32 s21, $0x7;
	[sflag:s17] =	ssyncadd.s32 $0xFFFFC000  }
0x73: {  	s22 =	sadd.s32 $0x1, s22;
	s28 =	sand.u32 $0x80, s28;
	_ =	strace $0x90000054  }
0x74: {  	s25 =	sadd.s32 @!p0 $0x1, s25;
	s4 =	simm.s32 @!p0 $0x0;
	_ =	strace @!p0 $0x80000052  }
0x75: {  	[tilespmem:s29], [sflag:s25] =	stream.linear.gather @!p0 [hbm4b:s0+s4], $0x80, $0x200038;
	[tilespmem:$0x1A100] =	vst v63  }
0x76: {  	p3 =	sne.s32 s12, s22;
	s28 =	sor.u32 $0x1A000, s28;
	_ =	strace @!p0 $0x90000052  }
.Ltmp2:
0x77: {  	s26 =	sadd.s32 $0x1, s26;
	_ =	strace $0x80000053;
	(pc) =	sbr.rel @p3 .LBB2_5-.Ltmp2, $4  }
0x78: {  	s4 =	sadd.s32 $0x1, s24;
	s24 =	smov.u32 s30;
	p0 =	seq.s32 s26, s18  }
0x79: {  	s29 =	smov.u32 s31;
	s26 =	simm.s32 @p0 $0x0;
	_ =	swait.ge [sflag:s4], $0x80  }
0x7a: {  	p0 =	seq.s32 s1, s26;
	p2 =	sne.s32 s1, s26;
	[sflag:s4] =	ssyncset.done $0x0  }
0x7b: {  	s25 =	sand.u32 @!p0 $0x1, s23;
	s0 =	sadd.s32 @!p0 s3, s26;
	[sflag:s4] =	ssyncadd.s32 $0xFFFFFF80  }
0x7c: {  	s30 =	smov.u32 s26;
	s31 =	smov.u32 s24  }
.LBB2_7:
0x7d: {  	_ =	strace @p1 $0x90000053  }
0x7e: {  	_ =	strace @p1 $0x80000054  }
0x7f: {  	[spmem:s14] =	stream.indirect.scatter.add.f32 @p1 [tilespmem:s11], [sflag:$0x3], $0x80, s29, s15, $0x2000b8;
	[tilespmem:$0x1A100] =	vst v63  }
0x80: {  	_ =	swait.ge @p1 [sflag:s17], $0x4000  }
0x81: {  	s0 =	sshll.u32 @!p0 s0, $0x4;
	[sflag:s17] =	ssyncset.done @p1 $0x0  }
0x82: {  	s1 =	sshll.u32 @!p0 s25, $0x7;
	s4 =	sadd.s32 @!p0 $0x1, s25;
	[sflag:s17] =	ssyncadd.s32 @p1 $0xFFFFC000  }
0x83: {  	s24 =	simm.s32 @!p0 $0x0;
	s0 =	sand.u32 @!p0 $0x1FFFFFF0, s0;
	_ =	strace @p1 $0x90000054  }
0x84: {  	s1 =	sor.u32 @!p0 $0x1A000, s1;
	s0 =	sadd.s32 @!p0 s16, s0;
	_ =	strace @!p0 $0x80000052  }
0x85: {  	[tilespmem:s1], [sflag:s4] =	stream.linear.gather @!p0 [hbm4b:s0+s24], $0x80, $0x200038;
	[tilespmem:$0x1A100] =	vst v63  }
0x86: {  	_ =	strace @!p0 $0x90000052  }
0x87: {  	s4 =	sadd.s32 $0x1, s31;
	_ =	strace $0x80000053  }
0x88: {  	s0 =	sadd.s32 $0x1, s30;
	_ =	swait.ge [sflag:s4], $0x80  }
0x89: {  	p0 =	seq.s32 s0, s18;
	[sflag:s4] =	ssyncset.done $0x0  }
0x8a: {  	s0 =	simm.s32 @p0 $0x0;
	p0 =	sge.u32 s22, s12;
	[sflag:s4] =	ssyncadd.s32 $0xFFFFFF80  }
0x8b: {  	s1 =	simm.s32 $0x1;
	p1 =	seq.s32 @!p0 s30, s0;
	_ =	strace $0x90000053  }
0x8c: {  	s1 =	simm.s32 @!p2 $0x0;
	p0 =	por p1, p0;
	_ =	strace $0x80000054  }
0x8d: {  	[spmem:s14] =	stream.indirect.scatter.add.f32 [tilespmem:s11], [sflag:$0x3], $0x80, s28, s15, $0x2000b8;
	[tilespmem:$0x1A100] =	vst v63  }
0x8e: {  	s4 =	sadd.s32 s1, s23;
	s0 =	sadd.s32 @!p0 s3, s0;
	_ =	swait.ge [sflag:s17], $0x4000  }
0x8f: {  	s23 =	simm.s32 @!p0 $0x0;
	s4 =	sand.u32 @!p0 $0x1, s4;
	[sflag:s17] =	ssyncset.done $0x0  }
0x90: {  	s0 =	sshll.u32 @!p0 s0, $0x4;
	s22 =	sshll.u32 @!p0 s4, $0x7;
	[sflag:s17] =	ssyncadd.s32 $0xFFFFC000  }
0x91: {  	s0 =	sand.u32 @!p0 $0x1FFFFFF0, s0;
	s4 =	sadd.s32 @!p0 $0x1, s4;
	_ =	strace $0x90000054  }
0x92: {  	s22 =	sor.u32 @!p0 $0x1A000, s22;
	s0 =	sadd.s32 @!p0 s16, s0;
	_ =	strace @!p0 $0x80000052  }
0x93: {  	[tilespmem:s22], [sflag:s4] =	stream.linear.gather @!p0 [hbm4b:s0+s23], $0x80, $0x200038;
	[tilespmem:$0x1A100] =	vst v63  }
0x94: {  	s22 =	sadd.s32 s1, s21  }
0x95: {  	_ =	strace @!p0 $0x90000052;
	s1 =	sand.u32 $0x1, s22  }
0x96: {  	_ =	strace $0x80000053;
	s1 =	sadd.s32 $0x1, s1  }
0x97: {  	_ =	swait.ge [sflag:s1], $0x80  }
0x98: {  	[sflag:s1] =	ssyncset.done $0x0  }
0x99: {  	s0 =	sshll.u32 s22, $0x7;
	[sflag:s1] =	ssyncadd.s32 $0xFFFFFF80  }
0x9a: {  	s0 =	sand.u32 $0x80, s0;
	_ =	strace $0x90000053  }
0x9b: {  	s0 =	sor.u32 $0x1A000, s0;
	_ =	strace $0x80000054  }
0x9c: {  	[spmem:s14] =	stream.indirect.scatter.add.f32 [tilespmem:s11], [sflag:$0x3], $0x80, s0, s15, $0x2000b8;
	[tilespmem:$0x1A100] =	vst v63  }
0x9d: {  	_ =	swait.ge [sflag:s17], $0x4000  }
0x9e: {  	[sflag:s17] =	ssyncset.done $0x0  }
0x9f: {  	[sflag:s17] =	ssyncadd.s32 $0xFFFFC000  }
0xa0: {  	_ =	strace $0x90000054  }
0xa1: {  	[bflag:$0x0] =	sbarrier.arrive $0xFFFF  }
0xa2: {  	[tilespmem:s2], [sflag:$0x1] =	stream.linear.gather [spmem:s19], $0x2000, $0x38;
	[tilespmem:$0x1A100] =	vst v63  }
0xa3: {  	_ =	swait.ge [sflag:s13], $0x2000  }
0xa4: {  	[sflag:s13] =	ssyncset.done $0x0  }
0xa5: {  	s23 =	rddreg [dreg:$0x4];
	[sflag:s13] =	ssyncadd.s32 $0xFFFFE000  }
0xa6: {  	[hbm4b:s23+s2] =	stream.linear.scatter [tilespmem:s2], [sflag:$0x1], $0x2000, $0x38;
	[tilespmem:$0x1A100] =	vst v63  }
0xa7: {  	_ =	swait.ge [sflag:s13], $0x2000  }
0xa8: {  	[sflag:s13] =	ssyncset.done $0x0  }
0xa9: {  	s24 =	rddreg [dreg:$0x11];
	[sflag:s13] =	ssyncadd.s32 $0xFFFFE000  }
0xaa: {  	[tilespmem:s2], [sflag:$0x1] =	stream.linear.gather [spmem:s24], $0x2000, $0x38;
	[tilespmem:$0x1A100] =	vst v63  }
0xab: {  	_ =	swait.ge [sflag:s13], $0x2000  }
0xac: {  	[sflag:s13] =	ssyncset.done $0x0  }
0xad: {  	s25 =	rddreg [dreg:$0x5];
	[sflag:s13] =	ssyncadd.s32 $0xFFFFE000  }
0xae: {  	[hbm4b:s25+s2] =	stream.linear.scatter [tilespmem:s2], [sflag:$0x1], $0x2000, $0x38;
	[tilespmem:$0x1A100] =	vst v63  }
0xaf: {  	_ =	swait.ge [sflag:s13], $0x2000  }
0xb0: {  	[sflag:s13] =	ssyncset.done $0x0  }
0xb1: {  	s26 =	rddreg [dreg:$0x12];
	[sflag:s13] =	ssyncadd.s32 $0xFFFFE000  }
0xb2: {  	[tilespmem:s2], [sflag:$0x1] =	stream.linear.gather [spmem:s26], $0x2000, $0x38;
	[tilespmem:$0x1A100] =	vst v63  }
0xb3: {  	_ =	swait.ge [sflag:s13], $0x2000  }
0xb4: {  	[sflag:s13] =	ssyncset.done $0x0  }
0xb5: {  	s28 =	rddreg [dreg:$0x6];
	[sflag:s13] =	ssyncadd.s32 $0xFFFFE000  }
0xb6: {  	[hbm4b:s28+s2] =	stream.linear.scatter [tilespmem:s2], [sflag:$0x1], $0x2000, $0x38;
	[tilespmem:$0x1A100] =	vst v63  }
0xb7: {  	_ =	swait.ge [sflag:s13], $0x2000  }
0xb8: {  	[sflag:s13] =	ssyncset.done $0x0  }
0xb9: {  	s29 =	rddreg [dreg:$0x13];
	[sflag:s13] =	ssyncadd.s32 $0xFFFFE000  }
0xba: {  	[tilespmem:s2], [sflag:$0x1] =	stream.linear.gather [spmem:s29], $0x2000, $0x38;
	[tilespmem:$0x1A100] =	vst v63  }
0xbb: {  	_ =	swait.ge [sflag:s13], $0x2000  }
0xbc: {  	[sflag:s13] =	ssyncset.done $0x0  }
0xbd: {  	s30 =	rddreg [dreg:$0x7];
	[sflag:s13] =	ssyncadd.s32 $0xFFFFE000  }
0xbe: {  	[hbm4b:s30+s2] =	stream.linear.scatter [tilespmem:s2], [sflag:$0x1], $0x2000, $0x38;
	[tilespmem:$0x1A100] =	vst v63  }
0xbf: {  	_ =	swait.ge [sflag:s13], $0x2000  }
0xc0: {  	[sflag:s13] =	ssyncset.done $0x0  }
0xc1: {  	s31 =	rddreg [dreg:$0x14];
	[sflag:s13] =	ssyncadd.s32 $0xFFFFE000  }
0xc2: {  	[tilespmem:s2], [sflag:$0x1] =	stream.linear.gather [spmem:s31], $0x2000, $0x38;
	[tilespmem:$0x1A100] =	vst v63  }
0xc3: {  	_ =	swait.ge [sflag:s13], $0x2000  }
0xc4: {  	[sflag:s13] =	ssyncset.done $0x0  }
0xc5: {  	s1 =	rddreg [dreg:$0x8];
	[sflag:s13] =	ssyncadd.s32 $0xFFFFE000  }
0xc6: {  	[hbm4b:s1+s2] =	stream.linear.scatter [tilespmem:s2], [sflag:$0x1], $0x2000, $0x38;
	[tilespmem:$0x1A100] =	vst v63  }
0xc7: {  	_ =	swait.ge [sflag:s13], $0x2000  }
0xc8: {  	[sflag:s13] =	ssyncset.done $0x0  }
0xc9: {  	s4 =	rddreg [dreg:$0x15];
	[sflag:s13] =	ssyncadd.s32 $0xFFFFE000  }
0xca: {  	[tilespmem:s2], [sflag:$0x1] =	stream.linear.gather [spmem:s4], $0x2000, $0x38;
	[tilespmem:$0x1A100] =	vst v63  }
0xcb: {  	_ =	swait.ge [sflag:s13], $0x2000  }
0xcc: {  	[sflag:s13] =	ssyncset.done $0x0  }
0xcd: {  	s21 =	rddreg [dreg:$0x9];
	[sflag:s13] =	ssyncadd.s32 $0xFFFFE000  }
0xce: {  	[hbm4b:s21+s2] =	stream.linear.scatter [tilespmem:s2], [sflag:$0x1], $0x2000, $0x38;
	[tilespmem:$0x1A100] =	vst v63  }
0xcf: {  	_ =	swait.ge [sflag:s13], $0x2000  }
0xd0: {  	[sflag:s13] =	ssyncset.done $0x0  }
0xd1: {  	s22 =	rddreg [dreg:$0x16];
	[sflag:s13] =	ssyncadd.s32 $0xFFFFE000  }
0xd2: {  	[tilespmem:s2], [sflag:$0x1] =	stream.linear.gather [spmem:s22], $0x2000, $0x38;
	[tilespmem:$0x1A100] =	vst v63  }
0xd3: {  	_ =	swait.ge [sflag:s13], $0x2000  }
0xd4: {  	[sflag:s13] =	ssyncset.done $0x0  }
0xd5: {  	s23 =	rddreg [dreg:$0xa];
	[sflag:s13] =	ssyncadd.s32 $0xFFFFE000  }
0xd6: {  	[hbm4b:s23+s2] =	stream.linear.scatter [tilespmem:s2], [sflag:$0x1], $0x2000, $0x38;
	[tilespmem:$0x1A100] =	vst v63  }
0xd7: {  	_ =	swait.ge [sflag:s13], $0x2000  }
0xd8: {  	[sflag:s13] =	ssyncset.done $0x0  }
0xd9: {  	s24 =	rddreg [dreg:$0x17];
	[sflag:s13] =	ssyncadd.s32 $0xFFFFE000  }
0xda: {  	[tilespmem:s2], [sflag:$0x1] =	stream.linear.gather [spmem:s24], $0x2000, $0x38;
	[tilespmem:$0x1A100] =	vst v63  }
0xdb: {  	_ =	swait.ge [sflag:s13], $0x2000  }
0xdc: {  	[sflag:s13] =	ssyncset.done $0x0  }
0xdd: {  	s25 =	rddreg [dreg:$0xb];
	[sflag:s13] =	ssyncadd.s32 $0xFFFFE000  }
0xde: {  	[hbm4b:s25+s2] =	stream.linear.scatter [tilespmem:s2], [sflag:$0x1], $0x2000, $0x38;
	[tilespmem:$0x1A100] =	vst v63  }
0xdf: {  	_ =	swait.ge [sflag:s13], $0x2000  }
0xe0: {  	[sflag:s13] =	ssyncset.done $0x0  }
0xe1: {  	s26 =	rddreg [dreg:$0x18];
	[sflag:s13] =	ssyncadd.s32 $0xFFFFE000  }
0xe2: {  	[tilespmem:s2], [sflag:$0x1] =	stream.linear.gather [spmem:s26], $0x2000, $0x38;
	[tilespmem:$0x1A100] =	vst v63  }
0xe3: {  	_ =	swait.ge [sflag:s13], $0x2000  }
0xe4: {  	[sflag:s13] =	ssyncset.done $0x0  }
0xe5: {  	s28 =	rddreg [dreg:$0xc];
	[sflag:s13] =	ssyncadd.s32 $0xFFFFE000  }
0xe6: {  	[hbm4b:s28+s2] =	stream.linear.scatter [tilespmem:s2], [sflag:$0x1], $0x2000, $0x38;
	[tilespmem:$0x1A100] =	vst v63  }
0xe7: {  	_ =	swait.ge [sflag:s13], $0x2000  }
0xe8: {  	[sflag:s13] =	ssyncset.done $0x0  }
0xe9: {  	s29 =	rddreg [dreg:$0x19];
	[sflag:s13] =	ssyncadd.s32 $0xFFFFE000  }
0xea: {  	[tilespmem:s2], [sflag:$0x1] =	stream.linear.gather [spmem:s29], $0x2000, $0x38;
	[tilespmem:$0x1A100] =	vst v63  }
0xeb: {  	_ =	swait.ge [sflag:s13], $0x2000  }
0xec: {  	[sflag:s13] =	ssyncset.done $0x0  }
0xed: {  	s30 =	rddreg [dreg:$0xd];
	[sflag:s13] =	ssyncadd.s32 $0xFFFFE000  }
0xee: {  	[hbm4b:s30+s2] =	stream.linear.scatter [tilespmem:s2], [sflag:$0x1], $0x2000, $0x38;
	[tilespmem:$0x1A100] =	vst v63  }
0xef: {  	_ =	swait.ge [sflag:s13], $0x2000  }
0xf0: {  	s20 =	sadd.s32 $0x1, s20;
	s31 =	rddreg [dreg:$0x10]  }
0xf1: {  	p0 =	sne.s32 s20, s31  }
.Ltmp3:
0xf2: {  	_ = 	snop;
	(pc) =	sbr.rel @p0 .LBB2_1-.Ltmp3, $4  }
.Ltmp4:
0xf3: {  	_ = 	snop;
	(pc) =	sbr.rel @!p0 .LBB2_8-.Ltmp4, $4  }
0xf4: {  	_ = 	snop  }
0xf5: {  	[sflag:s13] =	ssyncset.done $0x0  }
0xf6: {  	[sflag:s13] =	ssyncadd.s32 $0xFFFFE000  }
0xf7: {  	_ = 	snop  }
.LBB2_2:
.Ltmp5:
0xf8: {  	(pc) =	sbr.rel .LBB2_7-.Ltmp5, $2  }
0xf9: {  	_ =	sdelay $0x2  }
0xfa: {  	s28 =	smov.u32 s29;
	s23 =	simm.s32 $0x1;
	s21 =	simm.s32 $0x0  }
.LBB2_4:
.Ltmp6:
0xfb: {  	(pc) =	sbr.rel .LBB2_7-.Ltmp6, $2  }
0xfc: {  	_ =	sdelay $0x2  }
0xfd: {  	s30 =	smov.u32 s26;
	s31 =	smov.u32 s24  }
.LBB2_8:
0xfe: {  	_ =	sfence.sel $0x180000  }
0xff: {  	[bflag:$0x0] =	sbarrier.arrive $0xFFFF  }
0x100: {  	_ =	strace $0x90000050  }
0x101: {  	s0 =	stileid.u32;
	[bflag:$0x2] =	sbarrier.arrive $0xFFFF  }
0x102: {  	p0 =	sne.s32 s0, $0x0;
	s0 =	rddreg [dreg:$0x3]  }
0x103: {  	s0 =	sadd.s32 @!p0 $0x100000, s0  }
0x104: {  	[sflag:s0] =	ssyncadd.tile.s32 @!p0 $0x1;
	_ =	shalt  }
.Lfunc_end2:
_tile_overlayer_lowered:
.L_overlay_start_2:
0x105: {  	(tag) =	ssettag $0x2  }
0x106: {  	s0 =	rddreg [dreg:$0x0];
	s2 =	stileid.u32  }
0x107: {  	s1 =	rddreg [dreg:$0x1];
	p0 =	sne.s32 s2, $0x0  }
0x108: {  	s3 =	rddreg [dreg:$0x2];
	[bflag:$0x3] =	sbarrier.arrive $0xFFFF;
	s2 =	simm.s32 @!p0 $0x1C01  }
0x109: {  	[timem:s3], [sflag:s2] =	dma.local @!p0 [hbm:s0], s1  }
0x10a: {  	s0 =	simm.s32 @!p0 $0x1  }
0x10b: {  	_ =	swait.ge @!p0 [sflag:s0], s1  }
0x10c: {  	s1 =	ssub.s32 @!p0 $0x0, s1;
	[sflag:s0] =	ssyncset.done @!p0 $0x0  }
0x10d: {  	[sflag:s0] =	ssyncadd.s32 @!p0 s1  }
0x10e: {  	[bflag:$0x3] =	sbarrier.arrive $0xFFFF  }
0x10f: {  	_ =	shalt  }

</sc_bundles>
